<compile_context>
chip_gen: v7x
topology: tpu7x:2x2x1
jax: 0.10.2.dev20260603
libtpu: 0.0.44.dev20260713+nightly
codegen_flags: <defaults>
</compile_context>

<pallas_src>
import jax
import jax.numpy as jnp
from jax import lax
from jax.experimental import pallas as pl
from jax.experimental.pallas import tpu as pltpu
from jax.experimental.pallas import tpu_sc as plsc

_HID = 32
_NW = 32
_CHUNK = 256
_SUB = 128
_LANE = 128
_STAGE = 64


def _sc_body(gidx_hbm, meta_hbm, int_hbm, flt_hbm, out_hbm,
             gidx_v, meta_v, rows_v, comp_v, flt_v,
             gsems, ssems, fsem):
    n_rows_in = gidx_hbm.shape[0]
    n_per_w = n_rows_in * _LANE // _NW
    rows_per_w = n_per_w // _LANE
    n_chunks = n_per_w // _CHUNK
    wid = lax.axis_index("s") * 2 + lax.axis_index("c")
    base_w = pl.multiple_of(wid * n_per_w, n_per_w)

    flt_cp = pltpu.async_copy(flt_hbm, flt_v, fsem)

    row0 = wid * rows_per_w
    base_al = jnp.minimum((row0 >> 3) << 3, n_rows_in - _STAGE)
    base_al = pl.multiple_of(base_al, 8)
    off = row0 - base_al
    pltpu.sync_copy(gidx_hbm.at[pl.ds(base_al, _STAGE)], gidx_v)
    pltpu.sync_copy(meta_hbm.at[pl.ds(base_al, _STAGE)], meta_v)

    def fire_gather(ci, slot):
        for k in range(_CHUNK // _SUB):
            idx_row = off + ci * (_CHUNK // _LANE) + k
            rsl = pl.ds(k * _SUB, _SUB)
            pltpu.async_copy(
                int_hbm.at[gidx_v.at[idx_row]], rows_v.at[slot].at[rsl],
                gsems.at[slot])

    def drain_gather(slot):
        pltpu.make_async_copy(
            int_hbm.at[pl.ds(0, _CHUNK)], rows_v.at[slot],
            gsems.at[slot]).wait()

    def drain_store(slot):
        pltpu.make_async_copy(
            out_hbm.at[pl.ds(0, _CHUNK // 4)], comp_v.at[slot],
            ssems.at[slot]).wait()

    def compact(ci, slot):
        def grp_body(g, carry):
            mrow = off + ci * (_CHUNK // _LANE) + lax.shift_right_logical(g, 3)
            mcol = lax.shift_left(g & 7, 4)
            m16 = meta_v[mrow, pl.ds(mcol, 16)]
            cb16 = m16 & 0xFF
            fr16 = lax.shift_right_logical(m16, 16)
            for j in range(16):
                t = g * 16 + j
                cb = cb16[j]
                fr = fr16[j]
                for k in range(2):
                    acc = (rows_v[slot, t, pl.ds(cb + k * 16, 16)]
                           + flt_v[fr, pl.ds(k * 16, 16)])
                    comp_v[slot, g * 4 + j // 4,
                           pl.ds((j % 4) * 32 + k * 16, 16)] = acc
            return carry

        lax.fori_loop(0, _CHUNK // 16, grp_body, 0)

    def fire_store(ci, slot):
        rows_out = _CHUNK // 4
        base = pl.multiple_of(base_w // 4 + ci * rows_out, rows_out)
        pltpu.async_copy(
            comp_v.at[slot], out_hbm.at[pl.ds(base, rows_out)],
            ssems.at[slot])

    flt_cp.wait()
    fire_gather(0, 0)

    def loop_body(ci2, carry):
        a = ci2 * 2
        b = a + 1
        fire_gather(b, 1)
        drain_gather(0)

        @pl.when(ci2 > 0)
        def _():
            drain_store(0)

        compact(a, 0)
        fire_store(a, 0)
        fire_gather(a + 2, 0)
        drain_gather(1)

        @pl.when(ci2 > 0)
        def _():
            drain_store(1)

        compact(b, 1)
        fire_store(b, 1)
        return carry

    lax.fori_loop(0, (n_chunks - 1) // 2, loop_body, 0)

    tail = n_chunks - 1
    drain_gather(0)
    drain_store(0)
    compact(tail, 0)
    fire_store(tail, 0)
    drain_store(1)
    drain_store(0)


def kernel(input, int_table, float_table):
    b, l = input.shape
    n = b * l
    ii = input.astype(jnp.int32)
    fr = ((input - ii.astype(jnp.float32)) * 100.0).astype(jnp.int32)
    gidx = lax.shift_right_logical(ii, 2).reshape(n // _LANE, _LANE)
    meta = (lax.shift_left(ii & 3, 5)
            | lax.shift_left(fr, 16)).reshape(n // _LANE, _LANE)
    int_wide = int_table.reshape(int_table.shape[0] // 4, 4 * _HID)
    flt_pad = jnp.zeros((104, _LANE), jnp.float32).at[:100, :_HID].set(
        float_table)
    mesh = plsc.VectorSubcoreMesh(core_axis_name="c", subcore_axis_name="s")
    run = pl.kernel(
        _sc_body,
        out_type=jax.ShapeDtypeStruct((n // 4, 4 * _HID), jnp.float32),
        mesh=mesh,
        scratch_types=[
            pltpu.VMEM((_STAGE, _LANE), jnp.int32),
            pltpu.VMEM((_STAGE, _LANE), jnp.int32),
            pltpu.VMEM((2, _CHUNK, 4 * _HID), jnp.float32),
            pltpu.VMEM((2, _CHUNK // 4, 4 * _HID), jnp.float32),
            pltpu.VMEM((104, _LANE), jnp.float32),
            pltpu.SemaphoreType.DMA((2,)),
            pltpu.SemaphoreType.DMA((2,)),
            pltpu.SemaphoreType.DMA,
        ],
    )
    out = run(gidx, meta, int_wide, flt_pad)
    return out.reshape(b, l, _HID)

# --- scband reference (transcript-rebuilt; emitter-appended) ---
"""Pipeline reference for scband-float-embedding-16527034155407 (READ-ONLY COPY).

The authoritative reference and input builder live on the scoring server;
editing this copy changes nothing except your own understanding.
"""

import jax, jax.numpy as jnp
import numpy as np

VOCAB = 1000000
HID = 32
TERM = 2
B = 4096
L = 50


def setup_inputs(seed: int = 0) -> dict:
    key = jax.random.key(seed)
    k1, k2, k3 = jax.random.split(key, 3)
    # float-valued 'indices': integer part indexes int_part table, fractional part
    # (scaled by 10**TERM) indexes float_part table. Values uniform in [0, VOCAB).
    inp = jax.random.uniform(k1, (B, L), dtype=jnp.float32, minval=0.0, maxval=float(VOCAB) - 1.0)
    int_table = jax.random.normal(k2, (VOCAB, HID), dtype=jnp.float32) * 0.02
    int_table = int_table.at[0].set(0.0)  # padding_idx = 0
    float_table = jax.random.normal(k3, (10 ** TERM, HID), dtype=jnp.float32) * 0.02
    return {"input": inp, "int_table": int_table, "float_table": float_table}


def reference(input, int_table, float_table):
    # float_input = ((input - floor(input)) * 10**term_number).to(long)
    float_idx = ((input - jnp.floor(input)) * (10 ** TERM)).astype(jnp.int32)
    # int_input = input.to(long) (truncation toward zero; input is non-negative)
    int_idx = input.astype(jnp.int32)
    out = jnp.take(float_table, float_idx, axis=0) + jnp.take(int_table, int_idx, axis=0)
    return out

if __name__ == "__main__":
    import jax
    _d = setup_inputs()
    print(jax.jit(kernel)(*tuple(_d.values())))

</pallas_src>

<mosaic_0001>
#map = affine_map<(d0, d1) -> (0, 0)>
module attributes {stable_mosaic.version = 14 : i64} {
  func.func @_sc_body(%arg0: i32, %arg1: i32, %arg2: memref<1600x128xi32, #tpu.memory_space<hbm>>, %arg3: memref<1600x128xi32, #tpu.memory_space<hbm>>, %arg4: memref<250000x128xf32, #tpu.memory_space<hbm>>, %arg5: memref<104x128xf32, #tpu.memory_space<hbm>>, %arg6: memref<51200x128xf32, #tpu.memory_space<hbm>>, %arg7: memref<64x128xi32, #tpu.memory_space<vmem>>, %arg8: memref<64x128xi32, #tpu.memory_space<vmem>>, %arg9: memref<2x256x128xf32, #tpu.memory_space<vmem>>, %arg10: memref<2x64x128xf32, #tpu.memory_space<vmem>>, %arg11: memref<104x128xf32, #tpu.memory_space<vmem>>, %arg12: memref<2x!tpu.dma_semaphore, #tpu.memory_space<semaphore_mem>>, %arg13: memref<2x!tpu.dma_semaphore, #tpu.memory_space<semaphore_mem>>, %arg14: memref<!tpu.dma_semaphore, #tpu.memory_space<semaphore_mem>>) attributes {dimension_semantics = [#tpu.dimension_semantics<core_parallel>, #tpu.dimension_semantics<subcore_parallel>], iteration_bounds = array<i64: 2, 16>, scalar_prefetch = 0 : i64, scratch_operands = 8 : i64, tpu.core_type = #tpu.core_type<sc_vector_subcore>, window_params = [{transform_indices = #map}, {transform_indices = #map}, {transform_indices = #map}, {transform_indices = #map}, {transform_indices = #map}]} {
    %mul3A = arith.constant 2 : i32
    %mul3A_0 = arith.muli %arg1, %mul3A : i32
    %add3A = arith.addi %mul3A_0, %arg0 : i32
    %mul3A_1 = arith.constant 6400 : i32
    %mul3A_2 = arith.muli %add3A, %mul3A_1 : i32
    %multiple_of3A = tpu.assume_multiple %mul3A_2, 6400 : i32
    tpu.enqueue_dma source(%arg5 : memref<104x128xf32, #tpu.memory_space<hbm>>) target(%arg11 : memref<104x128xf32, #tpu.memory_space<vmem>>) target_semaphore(%arg14 : memref<!tpu.dma_semaphore, #tpu.memory_space<semaphore_mem>>)
    %mul3A_3 = arith.constant 50 : i32
    %mul3A_4 = arith.muli %add3A, %mul3A_3 : i32
    %shift_right_arithmetic3A = arith.constant 3 : i32
    %shift_right_arithmetic3A_5 = arith.shrsi %mul3A_4, %shift_right_arithmetic3A : i32
    %shift_left3A = arith.constant 3 : i32
    %shift_left3A_6 = arith.shli %shift_right_arithmetic3A_5, %shift_left3A : i32
    %min3A = arith.constant 1536 : i32
    %min3A_7 = arith.minsi %shift_left3A_6, %min3A : i32
    %multiple_of3A_8 = tpu.assume_multiple %min3A_7, 8 : i32
    %sub3A = arith.subi %mul3A_4, %multiple_of3A_8 : i32
    "tpu.region"() ({
      %run_scoped3A = tpu.sem_alloc : memref<!tpu.dma_semaphore, #tpu.memory_space<semaphore_mem>>
      %dma_start3A_168 = arith.constant 0 : i32
      %dma_start3A_169 = tpu.memref_slice %arg2[%multiple_of3A_8, %dma_start3A_168] : memref<1600x128xi32, #tpu.memory_space<hbm>> -> memref<64x128xi32, #tpu.memory_space<hbm>>
      %dma_start3A_170 = arith.constant 0 : i32
      %dma_start3A_171 = tpu.memref_slice %arg2[%multiple_of3A_8, %dma_start3A_170] : memref<1600x128xi32, #tpu.memory_space<hbm>> -> memref<64x128xi32, #tpu.memory_space<hbm>>
      tpu.enqueue_dma source(%dma_start3A_171 : memref<64x128xi32, #tpu.memory_space<hbm>>) target(%arg7 : memref<64x128xi32, #tpu.memory_space<vmem>>) target_semaphore(%run_scoped3A : memref<!tpu.dma_semaphore, #tpu.memory_space<semaphore_mem>>)
      %dma_wait3A_172 = arith.constant 0 : i32
      %dma_wait3A_173 = tpu.memref_slice %arg2[%multiple_of3A_8, %dma_wait3A_172] : memref<1600x128xi32, #tpu.memory_space<hbm>> -> memref<64x128xi32, #tpu.memory_space<hbm>>
      %dma_wait3A_174 = arith.constant 0 : i32
      %dma_wait3A_175 = tpu.memref_slice %arg2[%multiple_of3A_8, %dma_wait3A_174] : memref<1600x128xi32, #tpu.memory_space<hbm>> -> memref<64x128xi32, #tpu.memory_space<hbm>>
      tpu.wait_dma2 semaphore(%run_scoped3A : memref<!tpu.dma_semaphore, #tpu.memory_space<semaphore_mem>>) src(%dma_wait3A_175 : memref<64x128xi32, #tpu.memory_space<hbm>>) dst(%arg7 : memref<64x128xi32, #tpu.memory_space<vmem>>)
      tpu.yield
    }) : () -> ()
    "tpu.region"() ({
      %run_scoped3A = tpu.sem_alloc : memref<!tpu.dma_semaphore, #tpu.memory_space<semaphore_mem>>
      %dma_start3A_168 = arith.constant 0 : i32
      %dma_start3A_169 = tpu.memref_slice %arg3[%multiple_of3A_8, %dma_start3A_168] : memref<1600x128xi32, #tpu.memory_space<hbm>> -> memref<64x128xi32, #tpu.memory_space<hbm>>
      %dma_start3A_170 = arith.constant 0 : i32
      %dma_start3A_171 = tpu.memref_slice %arg3[%multiple_of3A_8, %dma_start3A_170] : memref<1600x128xi32, #tpu.memory_space<hbm>> -> memref<64x128xi32, #tpu.memory_space<hbm>>
      tpu.enqueue_dma source(%dma_start3A_171 : memref<64x128xi32, #tpu.memory_space<hbm>>) target(%arg8 : memref<64x128xi32, #tpu.memory_space<vmem>>) target_semaphore(%run_scoped3A : memref<!tpu.dma_semaphore, #tpu.memory_space<semaphore_mem>>)
      %dma_wait3A_172 = arith.constant 0 : i32
      %dma_wait3A_173 = tpu.memref_slice %arg3[%multiple_of3A_8, %dma_wait3A_172] : memref<1600x128xi32, #tpu.memory_space<hbm>> -> memref<64x128xi32, #tpu.memory_space<hbm>>
      %dma_wait3A_174 = arith.constant 0 : i32
      %dma_wait3A_175 = tpu.memref_slice %arg3[%multiple_of3A_8, %dma_wait3A_174] : memref<1600x128xi32, #tpu.memory_space<hbm>> -> memref<64x128xi32, #tpu.memory_space<hbm>>
      tpu.wait_dma2 semaphore(%run_scoped3A : memref<!tpu.dma_semaphore, #tpu.memory_space<semaphore_mem>>) src(%dma_wait3A_175 : memref<64x128xi32, #tpu.memory_space<hbm>>) dst(%arg8 : memref<64x128xi32, #tpu.memory_space<vmem>>)
      tpu.yield
    }) : () -> ()
    tpu.wait_dma2 semaphore(%arg14 : memref<!tpu.dma_semaphore, #tpu.memory_space<semaphore_mem>>) src(%arg5 : memref<104x128xf32, #tpu.memory_space<hbm>>) dst(%arg11 : memref<104x128xf32, #tpu.memory_space<vmem>>)
    %add3A_9 = arith.constant 0 : i32
    %add3A_10 = arith.addi %sub3A, %add3A_9 : i32
    %add3A_11 = arith.constant 0 : i32
    %add3A_12 = arith.addi %add3A_10, %add3A_11 : i32
    %dma_start3A = arith.constant 0 : i32
    %dma_start3A_13 = arith.constant 0 : i32
    %dma_start3A_14 = arith.constant 0 : i32
    %dma_start3A_15 = arith.constant 0 : i32
    %dma_start3A_16 = tpu.memref_slice %arg9[%dma_start3A, %dma_start3A_14, %dma_start3A_15] : memref<2x256x128xf32, #tpu.memory_space<vmem>> -> memref<1x256x128xf32, #tpu.memory_space<vmem>>
    %dma_start3A_17 = tpu.memref_squeeze %dma_start3A_16 : memref<1x256x128xf32, #tpu.memory_space<vmem>> -> memref<256x128xf32, #tpu.memory_space<vmem>>
    %dma_start3A_18 = arith.constant 0 : i32
    %dma_start3A_19 = arith.constant 0 : i32
    %dma_start3A_20 = tpu.memref_slice %dma_start3A_17[%dma_start3A_18, %dma_start3A_19] : memref<256x128xf32, #tpu.memory_space<vmem>> -> memref<128x128xf32, #tpu.memory_space<vmem>>
    %dma_start3A_21 = arith.constant 0 : i32
    %dma_start3A_22 = tpu.memref_slice %arg7[%add3A_12, %dma_start3A_21] : memref<64x128xi32, #tpu.memory_space<vmem>> -> memref<1x128xi32, #tpu.memory_space<vmem>>
    %dma_start3A_23 = tpu.memref_squeeze %dma_start3A_22 : memref<1x128xi32, #tpu.memory_space<vmem>> -> memref<128xi32, #tpu.memory_space<vmem>>
    %dma_start3A_24 = arith.constant 0 : i32
    %dma_start3A_25 = arith.constant 0 : i32
    %dma_start3A_26 = tpu.memref_slice %arg4[%dma_start3A_24, %dma_start3A_25] : memref<250000x128xf32, #tpu.memory_space<hbm>> -> memref<250000x128xf32, #tpu.memory_space<hbm>>
    %dma_start3A_27 = tpu.memref_slice %arg12[%dma_start3A_13] : memref<2x!tpu.dma_semaphore, #tpu.memory_space<semaphore_mem>> -> memref<1x!tpu.dma_semaphore, #tpu.memory_space<semaphore_mem>>
    %dma_start3A_28 = tpu.memref_squeeze %dma_start3A_27 : memref<1x!tpu.dma_semaphore, #tpu.memory_space<semaphore_mem>> -> memref<!tpu.dma_semaphore, #tpu.memory_space<semaphore_mem>>
    tpu.enqueue_indirect_dma source(%dma_start3A_26 : memref<250000x128xf32, #tpu.memory_space<hbm>>) target(%dma_start3A_20 : memref<128x128xf32, #tpu.memory_space<vmem>>) offsets(%dma_start3A_23 : memref<128xi32, #tpu.memory_space<vmem>>) semaphore(%dma_start3A_28 : memref<!tpu.dma_semaphore, #tpu.memory_space<semaphore_mem>>)
    %add3A_29 = arith.constant 0 : i32
    %add3A_30 = arith.addi %sub3A, %add3A_29 : i32
    %add3A_31 = arith.constant 1 : i32
    %add3A_32 = arith.addi %add3A_30, %add3A_31 : i32
    %dma_start3A_33 = arith.constant 0 : i32
    %dma_start3A_34 = arith.constant 0 : i32
    %dma_start3A_35 = arith.constant 0 : i32
    %dma_start3A_36 = arith.constant 0 : i32
    %dma_start3A_37 = tpu.memref_slice %arg9[%dma_start3A_33, %dma_start3A_35, %dma_start3A_36] : memref<2x256x128xf32, #tpu.memory_space<vmem>> -> memref<1x256x128xf32, #tpu.memory_space<vmem>>
    %dma_start3A_38 = tpu.memref_squeeze %dma_start3A_37 : memref<1x256x128xf32, #tpu.memory_space<vmem>> -> memref<256x128xf32, #tpu.memory_space<vmem>>
    %dma_start3A_39 = arith.constant 128 : i32
    %dma_start3A_40 = arith.constant 0 : i32
    %dma_start3A_41 = tpu.memref_slice %dma_start3A_38[%dma_start3A_39, %dma_start3A_40] : memref<256x128xf32, #tpu.memory_space<vmem>> -> memref<128x128xf32, #tpu.memory_space<vmem>>
    %dma_start3A_42 = arith.constant 0 : i32
    %dma_start3A_43 = tpu.memref_slice %arg7[%add3A_32, %dma_start3A_42] : memref<64x128xi32, #tpu.memory_space<vmem>> -> memref<1x128xi32, #tpu.memory_space<vmem>>
    %dma_start3A_44 = tpu.memref_squeeze %dma_start3A_43 : memref<1x128xi32, #tpu.memory_space<vmem>> -> memref<128xi32, #tpu.memory_space<vmem>>
    %dma_start3A_45 = arith.constant 0 : i32
    %dma_start3A_46 = arith.constant 0 : i32
    %dma_start3A_47 = tpu.memref_slice %arg4[%dma_start3A_45, %dma_start3A_46] : memref<250000x128xf32, #tpu.memory_space<hbm>> -> memref<250000x128xf32, #tpu.memory_space<hbm>>
    %dma_start3A_48 = tpu.memref_slice %arg12[%dma_start3A_34] : memref<2x!tpu.dma_semaphore, #tpu.memory_space<semaphore_mem>> -> memref<1x!tpu.dma_semaphore, #tpu.memory_space<semaphore_mem>>
    %dma_start3A_49 = tpu.memref_squeeze %dma_start3A_48 : memref<1x!tpu.dma_semaphore, #tpu.memory_space<semaphore_mem>> -> memref<!tpu.dma_semaphore, #tpu.memory_space<semaphore_mem>>
    tpu.enqueue_indirect_dma source(%dma_start3A_47 : memref<250000x128xf32, #tpu.memory_space<hbm>>) target(%dma_start3A_41 : memref<128x128xf32, #tpu.memory_space<vmem>>) offsets(%dma_start3A_44 : memref<128xi32, #tpu.memory_space<vmem>>) semaphore(%dma_start3A_49 : memref<!tpu.dma_semaphore, #tpu.memory_space<semaphore_mem>>)
    %scan3A = arith.constant 0 : i32
    %scan3A_50 = arith.constant 0 : i32
    %scan3A_51 = arith.constant 12 : i32
    %scan3A_52 = arith.addi %scan3A_50, %scan3A_51 : i32
    %scan3A_53 = arith.constant 1 : i32
    scf.for %scan3A_168 = %scan3A_50 to %scan3A_52 step %scan3A_53  : i32 {
      %mul3A_169 = arith.constant 2 : i32
      %mul3A_170 = arith.muli %scan3A_168, %mul3A_169 : i32
      %add3A_171 = arith.constant 1 : i32
      %add3A_172 = arith.addi %mul3A_170, %add3A_171 : i32
      %mul3A_173 = arith.constant 2 : i32
      %mul3A_174 = arith.muli %add3A_172, %mul3A_173 : i32
      %add3A_175 = arith.addi %sub3A, %mul3A_174 : i32
      %add3A_176 = arith.constant 0 : i32
      %add3A_177 = arith.addi %add3A_175, %add3A_176 : i32
      %dma_start3A_178 = arith.constant 1 : i32
      %dma_start3A_179 = arith.constant 1 : i32
      %dma_start3A_180 = arith.constant 0 : i32
      %dma_start3A_181 = arith.constant 0 : i32
      %dma_start3A_182 = tpu.memref_slice %arg9[%dma_start3A_178, %dma_start3A_180, %dma_start3A_181] : memref<2x256x128xf32, #tpu.memory_space<vmem>> -> memref<1x256x128xf32, #tpu.memory_space<vmem>>
      %dma_start3A_183 = tpu.memref_squeeze %dma_start3A_182 : memref<1x256x128xf32, #tpu.memory_space<vmem>> -> memref<256x128xf32, #tpu.memory_space<vmem>>
      %dma_start3A_184 = arith.constant 0 : i32
      %dma_start3A_185 = arith.constant 0 : i32
      %dma_start3A_186 = tpu.memref_slice %dma_start3A_183[%dma_start3A_184, %dma_start3A_185] : memref<256x128xf32, #tpu.memory_space<vmem>> -> memref<128x128xf32, #tpu.memory_space<vmem>>
      %dma_start3A_187 = arith.constant 0 : i32
      %dma_start3A_188 = tpu.memref_slice %arg7[%add3A_177, %dma_start3A_187] : memref<64x128xi32, #tpu.memory_space<vmem>> -> memref<1x128xi32, #tpu.memory_space<vmem>>
      %dma_start3A_189 = tpu.memref_squeeze %dma_start3A_188 : memref<1x128xi32, #tpu.memory_space<vmem>> -> memref<128xi32, #tpu.memory_space<vmem>>
      %dma_start3A_190 = arith.constant 0 : i32
      %dma_start3A_191 = arith.constant 0 : i32
      %dma_start3A_192 = tpu.memref_slice %arg4[%dma_start3A_190, %dma_start3A_191] : memref<250000x128xf32, #tpu.memory_space<hbm>> -> memref<250000x128xf32, #tpu.memory_space<hbm>>
      %dma_start3A_193 = tpu.memref_slice %arg12[%dma_start3A_179] : memref<2x!tpu.dma_semaphore, #tpu.memory_space<semaphore_mem>> -> memref<1x!tpu.dma_semaphore, #tpu.memory_space<semaphore_mem>>
      %dma_start3A_194 = tpu.memref_squeeze %dma_start3A_193 : memref<1x!tpu.dma_semaphore, #tpu.memory_space<semaphore_mem>> -> memref<!tpu.dma_semaphore, #tpu.memory_space<semaphore_mem>>
      tpu.enqueue_indirect_dma source(%dma_start3A_192 : memref<250000x128xf32, #tpu.memory_space<hbm>>) target(%dma_start3A_186 : memref<128x128xf32, #tpu.memory_space<vmem>>) offsets(%dma_start3A_189 : memref<128xi32, #tpu.memory_space<vmem>>) semaphore(%dma_start3A_194 : memref<!tpu.dma_semaphore, #tpu.memory_space<semaphore_mem>>)
      %mul3A_195 = arith.constant 2 : i32
      %mul3A_196 = arith.muli %add3A_172, %mul3A_195 : i32
      %add3A_197 = arith.addi %sub3A, %mul3A_196 : i32
      %add3A_198 = arith.constant 1 : i32
      %add3A_199 = arith.addi %add3A_197, %add3A_198 : i32
      %dma_start3A_200 = arith.constant 1 : i32
      %dma_start3A_201 = arith.constant 1 : i32
      %dma_start3A_202 = arith.constant 0 : i32
      %dma_start3A_203 = arith.constant 0 : i32
      %dma_start3A_204 = tpu.memref_slice %arg9[%dma_start3A_200, %dma_start3A_202, %dma_start3A_203] : memref<2x256x128xf32, #tpu.memory_space<vmem>> -> memref<1x256x128xf32, #tpu.memory_space<vmem>>
      %dma_start3A_205 = tpu.memref_squeeze %dma_start3A_204 : memref<1x256x128xf32, #tpu.memory_space<vmem>> -> memref<256x128xf32, #tpu.memory_space<vmem>>
      %dma_start3A_206 = arith.constant 128 : i32
      %dma_start3A_207 = arith.constant 0 : i32
      %dma_start3A_208 = tpu.memref_slice %dma_start3A_205[%dma_start3A_206, %dma_start3A_207] : memref<256x128xf32, #tpu.memory_space<vmem>> -> memref<128x128xf32, #tpu.memory_space<vmem>>
      %dma_start3A_209 = arith.constant 0 : i32
      %dma_start3A_210 = tpu.memref_slice %arg7[%add3A_199, %dma_start3A_209] : memref<64x128xi32, #tpu.memory_space<vmem>> -> memref<1x128xi32, #tpu.memory_space<vmem>>
      %dma_start3A_211 = tpu.memref_squeeze %dma_start3A_210 : memref<1x128xi32, #tpu.memory_space<vmem>> -> memref<128xi32, #tpu.memory_space<vmem>>
      %dma_start3A_212 = arith.constant 0 : i32
      %dma_start3A_213 = arith.constant 0 : i32
      %dma_start3A_214 = tpu.memref_slice %arg4[%dma_start3A_212, %dma_start3A_213] : memref<250000x128xf32, #tpu.memory_space<hbm>> -> memref<250000x128xf32, #tpu.memory_space<hbm>>
      %dma_start3A_215 = tpu.memref_slice %arg12[%dma_start3A_201] : memref<2x!tpu.dma_semaphore, #tpu.memory_space<semaphore_mem>> -> memref<1x!tpu.dma_semaphore, #tpu.memory_space<semaphore_mem>>
      %dma_start3A_216 = tpu.memref_squeeze %dma_start3A_215 : memref<1x!tpu.dma_semaphore, #tpu.memory_space<semaphore_mem>> -> memref<!tpu.dma_semaphore, #tpu.memory_space<semaphore_mem>>
      tpu.enqueue_indirect_dma source(%dma_start3A_214 : memref<250000x128xf32, #tpu.memory_space<hbm>>) target(%dma_start3A_208 : memref<128x128xf32, #tpu.memory_space<vmem>>) offsets(%dma_start3A_211 : memref<128xi32, #tpu.memory_space<vmem>>) semaphore(%dma_start3A_216 : memref<!tpu.dma_semaphore, #tpu.memory_space<semaphore_mem>>)
      %dma_wait3A_217 = arith.constant 0 : i32
      %dma_wait3A_218 = arith.constant 0 : i32
      %dma_wait3A_219 = arith.constant 0 : i32
      %dma_wait3A_220 = arith.constant 0 : i32
      %dma_wait3A_221 = tpu.memref_slice %arg9[%dma_wait3A_217, %dma_wait3A_219, %dma_wait3A_220] : memref<2x256x128xf32, #tpu.memory_space<vmem>> -> memref<1x256x128xf32, #tpu.memory_space<vmem>>
      %dma_wait3A_222 = tpu.memref_squeeze %dma_wait3A_221 : memref<1x256x128xf32, #tpu.memory_space<vmem>> -> memref<256x128xf32, #tpu.memory_space<vmem>>
      %dma_wait3A_223 = arith.constant 0 : i32
      %dma_wait3A_224 = arith.constant 0 : i32
      %dma_wait3A_225 = tpu.memref_slice %arg4[%dma_wait3A_223, %dma_wait3A_224] : memref<250000x128xf32, #tpu.memory_space<hbm>> -> memref<256x128xf32, #tpu.memory_space<hbm>>
      %dma_wait3A_226 = tpu.memref_slice %arg12[%dma_wait3A_218] : memref<2x!tpu.dma_semaphore, #tpu.memory_space<semaphore_mem>> -> memref<1x!tpu.dma_semaphore, #tpu.memory_space<semaphore_mem>>
      %dma_wait3A_227 = tpu.memref_squeeze %dma_wait3A_226 : memref<1x!tpu.dma_semaphore, #tpu.memory_space<semaphore_mem>> -> memref<!tpu.dma_semaphore, #tpu.memory_space<semaphore_mem>>
      %dma_wait3A_228 = arith.constant 0 : i32
      %dma_wait3A_229 = arith.constant 0 : i32
      %dma_wait3A_230 = tpu.memref_slice %arg9[%dma_wait3A_217, %dma_wait3A_228, %dma_wait3A_229] : memref<2x256x128xf32, #tpu.memory_space<vmem>> -> memref<1x256x128xf32, #tpu.memory_space<vmem>>
      %dma_wait3A_231 = tpu.memref_squeeze %dma_wait3A_230 : memref<1x256x128xf32, #tpu.memory_space<vmem>> -> memref<256x128xf32, #tpu.memory_space<vmem>>
      %dma_wait3A_232 = arith.constant 0 : i32
      %dma_wait3A_233 = arith.constant 0 : i32
      %dma_wait3A_234 = tpu.memref_slice %arg4[%dma_wait3A_232, %dma_wait3A_233] : memref<250000x128xf32, #tpu.memory_space<hbm>> -> memref<256x128xf32, #tpu.memory_space<hbm>>
      tpu.wait_dma2 semaphore(%dma_wait3A_227 : memref<!tpu.dma_semaphore, #tpu.memory_space<semaphore_mem>>) src(%dma_wait3A_234 : memref<256x128xf32, #tpu.memory_space<hbm>>) dst(%dma_wait3A_231 : memref<256x128xf32, #tpu.memory_space<vmem>>)
      %gt3A = arith.constant 0 : i32
      %gt3A_235 = arith.cmpi sgt, %scan3A_168, %gt3A : i32
      %convert_element_type3A = arith.extui %gt3A_235 : i1 to i32
      %cond3A = arith.constant 0 : i32
      %cond3A_236 = arith.cmpi ne, %convert_element_type3A, %cond3A : i32
      scf.if %cond3A_236 {
        %dma_wait3A_406 = arith.constant 0 : i32
        %dma_wait3A_407 = arith.constant 0 : i32
        %dma_wait3A_408 = arith.constant 0 : i32
        %dma_wait3A_409 = arith.constant 0 : i32
        %dma_wait3A_410 = tpu.memref_slice %arg10[%dma_wait3A_406, %dma_wait3A_408, %dma_wait3A_409] : memref<2x64x128xf32, #tpu.memory_space<vmem>> -> memref<1x64x128xf32, #tpu.memory_space<vmem>>
        %dma_wait3A_411 = tpu.memref_squeeze %dma_wait3A_410 : memref<1x64x128xf32, #tpu.memory_space<vmem>> -> memref<64x128xf32, #tpu.memory_space<vmem>>
        %dma_wait3A_412 = arith.constant 0 : i32
        %dma_wait3A_413 = arith.constant 0 : i32
        %dma_wait3A_414 = tpu.memref_slice %arg6[%dma_wait3A_412, %dma_wait3A_413] : memref<51200x128xf32, #tpu.memory_space<hbm>> -> memref<64x128xf32, #tpu.memory_space<hbm>>
        %dma_wait3A_415 = tpu.memref_slice %arg13[%dma_wait3A_407] : memref<2x!tpu.dma_semaphore, #tpu.memory_space<semaphore_mem>> -> memref<1x!tpu.dma_semaphore, #tpu.memory_space<semaphore_mem>>
        %dma_wait3A_416 = tpu.memref_squeeze %dma_wait3A_415 : memref<1x!tpu.dma_semaphore, #tpu.memory_space<semaphore_mem>> -> memref<!tpu.dma_semaphore, #tpu.memory_space<semaphore_mem>>
        %dma_wait3A_417 = arith.constant 0 : i32
        %dma_wait3A_418 = arith.constant 0 : i32
        %dma_wait3A_419 = tpu.memref_slice %arg10[%dma_wait3A_406, %dma_wait3A_417, %dma_wait3A_418] : memref<2x64x128xf32, #tpu.memory_space<vmem>> -> memref<1x64x128xf32, #tpu.memory_space<vmem>>
        %dma_wait3A_420 = tpu.memref_squeeze %dma_wait3A_419 : memref<1x64x128xf32, #tpu.memory_space<vmem>> -> memref<64x128xf32, #tpu.memory_space<vmem>>
        %dma_wait3A_421 = arith.constant 0 : i32
        %dma_wait3A_422 = arith.constant 0 : i32
        %dma_wait3A_423 = tpu.memref_slice %arg6[%dma_wait3A_421, %dma_wait3A_422] : memref<51200x128xf32, #tpu.memory_space<hbm>> -> memref<64x128xf32, #tpu.memory_space<hbm>>
        tpu.wait_dma2 semaphore(%dma_wait3A_416 : memref<!tpu.dma_semaphore, #tpu.memory_space<semaphore_mem>>) src(%dma_wait3A_423 : memref<64x128xf32, #tpu.memory_space<hbm>>) dst(%dma_wait3A_420 : memref<64x128xf32, #tpu.memory_space<vmem>>)
      } else {
      }
      %scan3A_237 = arith.constant 0 : i32
      %scan3A_238 = arith.constant 0 : i32
      %scan3A_239 = arith.constant 16 : i32
      %scan3A_240 = arith.addi %scan3A_238, %scan3A_239 : i32
      %scan3A_241 = arith.constant 1 : i32
      scf.for %scan3A_406 = %scan3A_238 to %scan3A_240 step %scan3A_241  : i32 {
        %mul3A_407 = arith.constant 2 : i32
        %mul3A_408 = arith.muli %mul3A_170, %mul3A_407 : i32
        %add3A_409 = arith.addi %sub3A, %mul3A_408 : i32
        %shift_right_logical3A = arith.constant 3 : i32
        %shift_right_logical3A_410 = arith.shrui %scan3A_406, %shift_right_logical3A : i32
        %add3A_411 = arith.addi %add3A_409, %shift_right_logical3A_410 : i32
        %and3A_412 = arith.constant 7 : i32
        %and3A_413 = arith.andi %scan3A_406, %and3A_412 : i32
        %shift_left3A_414 = arith.constant 4 : i32
        %shift_left3A_415 = arith.shli %and3A_413, %shift_left3A_414 : i32
        %get3A = arith.index_cast %add3A_411 : i32 to index
        %get3A_416 = arith.index_cast %shift_left3A_415 : i32 to index
        %get3A_417 = tpu.vector_load %arg8[%get3A, %get3A_416] {strides = array<i32>} : memref<64x128xi32, #tpu.memory_space<vmem>>, vector<1x16xi32>,
        %get3A_418 = vector.shape_cast %get3A_417 : vector<1x16xi32> to vector<16xi32>
        %and3A_419 = arith.constant 255 : i32
        %and3A_420 = vector.broadcast %and3A_419 : i32 to vector<16xi32>
        %and3A_421 = arith.andi %get3A_418, %and3A_420 : vector<16xi32>
        %shift_right_logical3A_422 = arith.constant 16 : i32
        %shift_right_logical3A_423 = vector.broadcast %shift_right_logical3A_422 : i32 to vector<16xi32>
        %shift_right_logical3A_424 = arith.shrui %get3A_418, %shift_right_logical3A_423 : vector<16xi32>
        %mul3A_425 = arith.constant 16 : i32
        %mul3A_426 = arith.muli %scan3A_406, %mul3A_425 : i32
        %add3A_427 = arith.constant 0 : i32
        %add3A_428 = arith.addi %mul3A_426, %add3A_427 : i32
        %slice3A = vector.extract_strided_slice %and3A_421 {offsets = [0], sizes = [1], strides = [1]} : vector<16xi32> to vector<1xi32>
        %squeeze3A = vector.extract %slice3A[0] : i32 from vector<1xi32>
        %slice3A_429 = vector.extract_strided_slice %shift_right_logical3A_424 {offsets = [0], sizes = [1], strides = [1]} : vector<16xi32> to vector<1xi32>
        %squeeze3A_430 = vector.extract %slice3A_429[0] : i32 from vector<1xi32>
        %add3A_431 = arith.constant 0 : i32
        %add3A_432 = arith.addi %squeeze3A, %add3A_431 : i32
        %get3A_433 = arith.constant 0 : i32
        %get3A_434 = arith.index_cast %get3A_433 : i32 to index
        %get3A_435 = arith.index_cast %add3A_428 : i32 to index
        %get3A_436 = arith.index_cast %add3A_432 : i32 to index
        %get3A_437 = tpu.vector_load %arg9[%get3A_434, %get3A_435, %get3A_436] {strides = array<i32>} : memref<2x256x128xf32, #tpu.memory_space<vmem>>, vector<1x1x16xf32>,
        %get3A_438 = vector.shape_cast %get3A_437 : vector<1x1x16xf32> to vector<16xf32>
        %get3A_439 = arith.index_cast %squeeze3A_430 : i32 to index
        %get3A_440 = arith.constant 0 : index
        %get3A_441 = tpu.vector_load %arg11[%get3A_439, %get3A_440] {strides = array<i32>} : memref<104x128xf32, #tpu.memory_space<vmem>>, vector<1x16xf32>,
        %get3A_442 = vector.shape_cast %get3A_441 : vector<1x16xf32> to vector<16xf32>
        %add3A_443 = arith.addf %get3A_438, %get3A_442 : vector<16xf32>
        %mul3A_444 = arith.constant 4 : i32
        %mul3A_445 = arith.muli %scan3A_406, %mul3A_444 : i32
        %add3A_446 = arith.constant 0 : i32
        %add3A_447 = arith.addi %mul3A_445, %add3A_446 : i32
        %swap3A = arith.constant 0 : i32
        %swap3A_448 = arith.index_cast %swap3A : i32 to index
        %swap3A_449 = arith.index_cast %add3A_447 : i32 to index
        %swap3A_450 = arith.constant 0 : index
        %swap3A_451 = tpu.vector_load %arg10[%swap3A_448, %swap3A_449, %swap3A_450] {strides = array<i32>} : memref<2x64x128xf32, #tpu.memory_space<vmem>>, vector<1x1x16xf32>,
        %swap3A_452 = vector.shape_cast %swap3A_451 : vector<1x1x16xf32> to vector<16xf32>
        %swap3A_453 = vector.shape_cast %add3A_443 : vector<16xf32> to vector<1x1x16xf32>
        tpu.vector_store %arg10[%swap3A_448, %swap3A_449, %swap3A_450], %swap3A_453 {strides = array<i32>} : memref<2x64x128xf32, #tpu.memory_space<vmem>>, vector<1x1x16xf32>,
        %add3A_454 = arith.constant 16 : i32
        %add3A_455 = arith.addi %squeeze3A, %add3A_454 : i32
        %get3A_456 = arith.constant 0 : i32
        %get3A_457 = arith.index_cast %get3A_456 : i32 to index
        %get3A_458 = arith.index_cast %add3A_428 : i32 to index
        %get3A_459 = arith.index_cast %add3A_455 : i32 to index
        %get3A_460 = tpu.vector_load %arg9[%get3A_457, %get3A_458, %get3A_459] {strides = array<i32>} : memref<2x256x128xf32, #tpu.memory_space<vmem>>, vector<1x1x16xf32>,
        %get3A_461 = vector.shape_cast %get3A_460 : vector<1x1x16xf32> to vector<16xf32>
        %get3A_462 = arith.index_cast %squeeze3A_430 : i32 to index
        %get3A_463 = arith.constant 16 : index
        %get3A_464 = tpu.vector_load %arg11[%get3A_462, %get3A_463] {strides = array<i32>} : memref<104x128xf32, #tpu.memory_space<vmem>>, vector<1x16xf32>,
        %get3A_465 = vector.shape_cast %get3A_464 : vector<1x16xf32> to vector<16xf32>
        %add3A_466 = arith.addf %get3A_461, %get3A_465 : vector<16xf32>
        %mul3A_467 = arith.constant 4 : i32
        %mul3A_468 = arith.muli %scan3A_406, %mul3A_467 : i32
        %add3A_469 = arith.constant 0 : i32
        %add3A_470 = arith.addi %mul3A_468, %add3A_469 : i32
        %swap3A_471 = arith.constant 0 : i32
        %swap3A_472 = arith.index_cast %swap3A_471 : i32 to index
        %swap3A_473 = arith.index_cast %add3A_470 : i32 to index
        %swap3A_474 = arith.constant 16 : index
        %swap3A_475 = tpu.vector_load %arg10[%swap3A_472, %swap3A_473, %swap3A_474] {strides = array<i32>} : memref<2x64x128xf32, #tpu.memory_space<vmem>>, vector<1x1x16xf32>,
        %swap3A_476 = vector.shape_cast %swap3A_475 : vector<1x1x16xf32> to vector<16xf32>
        %swap3A_477 = vector.shape_cast %add3A_466 : vector<16xf32> to vector<1x1x16xf32>
        tpu.vector_store %arg10[%swap3A_472, %swap3A_473, %swap3A_474], %swap3A_477 {strides = array<i32>} : memref<2x64x128xf32, #tpu.memory_space<vmem>>, vector<1x1x16xf32>,
        %mul3A_478 = arith.constant 16 : i32
        %mul3A_479 = arith.muli %scan3A_406, %mul3A_478 : i32
        %add3A_480 = arith.constant 1 : i32
        %add3A_481 = arith.addi %mul3A_479, %add3A_480 : i32
        %slice3A_482 = vector.extract_strided_slice %and3A_421 {offsets = [1], sizes = [1], strides = [1]} : vector<16xi32> to vector<1xi32>
        %squeeze3A_483 = vector.extract %slice3A_482[0] : i32 from vector<1xi32>
        %slice3A_484 = vector.extract_strided_slice %shift_right_logical3A_424 {offsets = [1], sizes = [1], strides = [1]} : vector<16xi32> to vector<1xi32>
        %squeeze3A_485 = vector.extract %slice3A_484[0] : i32 from vector<1xi32>
        %add3A_486 = arith.constant 0 : i32
        %add3A_487 = arith.addi %squeeze3A_483, %add3A_486 : i32
        %get3A_488 = arith.constant 0 : i32
        %get3A_489 = arith.index_cast %get3A_488 : i32 to index
        %get3A_490 = arith.index_cast %add3A_481 : i32 to index
        %get3A_491 = arith.index_cast %add3A_487 : i32 to index
        %get3A_492 = tpu.vector_load %arg9[%get3A_489, %get3A_490, %get3A_491] {strides = array<i32>} : memref<2x256x128xf32, #tpu.memory_space<vmem>>, vector<1x1x16xf32>,
        %get3A_493 = vector.shape_cast %get3A_492 : vector<1x1x16xf32> to vector<16xf32>
        %get3A_494 = arith.index_cast %squeeze3A_485 : i32 to index
        %get3A_495 = arith.constant 0 : index
        %get3A_496 = tpu.vector_load %arg11[%get3A_494, %get3A_495] {strides = array<i32>} : memref<104x128xf32, #tpu.memory_space<vmem>>, vector<1x16xf32>,
        %get3A_497 = vector.shape_cast %get3A_496 : vector<1x16xf32> to vector<16xf32>
        %add3A_498 = arith.addf %get3A_493, %get3A_497 : vector<16xf32>
        %mul3A_499 = arith.constant 4 : i32
        %mul3A_500 = arith.muli %scan3A_406, %mul3A_499 : i32
        %add3A_501 = arith.constant 0 : i32
        %add3A_502 = arith.addi %mul3A_500, %add3A_501 : i32
        %swap3A_503 = arith.constant 0 : i32
        %swap3A_504 = arith.index_cast %swap3A_503 : i32 to index
        %swap3A_505 = arith.index_cast %add3A_502 : i32 to index
        %swap3A_506 = arith.constant 32 : index
        %swap3A_507 = tpu.vector_load %arg10[%swap3A_504, %swap3A_505, %swap3A_506] {strides = array<i32>} : memref<2x64x128xf32, #tpu.memory_space<vmem>>, vector<1x1x16xf32>,
        %swap3A_508 = vector.shape_cast %swap3A_507 : vector<1x1x16xf32> to vector<16xf32>
        %swap3A_509 = vector.shape_cast %add3A_498 : vector<16xf32> to vector<1x1x16xf32>
        tpu.vector_store %arg10[%swap3A_504, %swap3A_505, %swap3A_506], %swap3A_509 {strides = array<i32>} : memref<2x64x128xf32, #tpu.memory_space<vmem>>, vector<1x1x16xf32>,
        %add3A_510 = arith.constant 16 : i32
        %add3A_511 = arith.addi %squeeze3A_483, %add3A_510 : i32
        %get3A_512 = arith.constant 0 : i32
        %get3A_513 = arith.index_cast %get3A_512 : i32 to index
        %get3A_514 = arith.index_cast %add3A_481 : i32 to index
        %get3A_515 = arith.index_cast %add3A_511 : i32 to index
        %get3A_516 = tpu.vector_load %arg9[%get3A_513, %get3A_514, %get3A_515] {strides = array<i32>} : memref<2x256x128xf32, #tpu.memory_space<vmem>>, vector<1x1x16xf32>,
        %get3A_517 = vector.shape_cast %get3A_516 : vector<1x1x16xf32> to vector<16xf32>
        %get3A_518 = arith.index_cast %squeeze3A_485 : i32 to index
        %get3A_519 = arith.constant 16 : index
        %get3A_520 = tpu.vector_load %arg11[%get3A_518, %get3A_519] {strides = array<i32>} : memref<104x128xf32, #tpu.memory_space<vmem>>, vector<1x16xf32>,
        %get3A_521 = vector.shape_cast %get3A_520 : vector<1x16xf32> to vector<16xf32>
        %add3A_522 = arith.addf %get3A_517, %get3A_521 : vector<16xf32>
        %mul3A_523 = arith.constant 4 : i32
        %mul3A_524 = arith.muli %scan3A_406, %mul3A_523 : i32
        %add3A_525 = arith.constant 0 : i32
        %add3A_526 = arith.addi %mul3A_524, %add3A_525 : i32
        %swap3A_527 = arith.constant 0 : i32
        %swap3A_528 = arith.index_cast %swap3A_527 : i32 to index
        %swap3A_529 = arith.index_cast %add3A_526 : i32 to index
        %swap3A_530 = arith.constant 48 : index
        %swap3A_531 = tpu.vector_load %arg10[%swap3A_528, %swap3A_529, %swap3A_530] {strides = array<i32>} : memref<2x64x128xf32, #tpu.memory_space<vmem>>, vector<1x1x16xf32>,
        %swap3A_532 = vector.shape_cast %swap3A_531 : vector<1x1x16xf32> to vector<16xf32>
        %swap3A_533 = vector.shape_cast %add3A_522 : vector<16xf32> to vector<1x1x16xf32>
        tpu.vector_store %arg10[%swap3A_528, %swap3A_529, %swap3A_530], %swap3A_533 {strides = array<i32>} : memref<2x64x128xf32, #tpu.memory_space<vmem>>, vector<1x1x16xf32>,
        %mul3A_534 = arith.constant 16 : i32
        %mul3A_535 = arith.muli %scan3A_406, %mul3A_534 : i32
        %add3A_536 = arith.constant 2 : i32
        %add3A_537 = arith.addi %mul3A_535, %add3A_536 : i32
        %slice3A_538 = vector.extract_strided_slice %and3A_421 {offsets = [2], sizes = [1], strides = [1]} : vector<16xi32> to vector<1xi32>
        %squeeze3A_539 = vector.extract %slice3A_538[0] : i32 from vector<1xi32>
        %slice3A_540 = vector.extract_strided_slice %shift_right_logical3A_424 {offsets = [2], sizes = [1], strides = [1]} : vector<16xi32> to vector<1xi32>
        %squeeze3A_541 = vector.extract %slice3A_540[0] : i32 from vector<1xi32>
        %add3A_542 = arith.constant 0 : i32
        %add3A_543 = arith.addi %squeeze3A_539, %add3A_542 : i32
        %get3A_544 = arith.constant 0 : i32
        %get3A_545 = arith.index_cast %get3A_544 : i32 to index
        %get3A_546 = arith.index_cast %add3A_537 : i32 to index
        %get3A_547 = arith.index_cast %add3A_543 : i32 to index
        %get3A_548 = tpu.vector_load %arg9[%get3A_545, %get3A_546, %get3A_547] {strides = array<i32>} : memref<2x256x128xf32, #tpu.memory_space<vmem>>, vector<1x1x16xf32>,
        %get3A_549 = vector.shape_cast %get3A_548 : vector<1x1x16xf32> to vector<16xf32>
        %get3A_550 = arith.index_cast %squeeze3A_541 : i32 to index
        %get3A_551 = arith.constant 0 : index
        %get3A_552 = tpu.vector_load %arg11[%get3A_550, %get3A_551] {strides = array<i32>} : memref<104x128xf32, #tpu.memory_space<vmem>>, vector<1x16xf32>,
        %get3A_553 = vector.shape_cast %get3A_552 : vector<1x16xf32> to vector<16xf32>
        %add3A_554 = arith.addf %get3A_549, %get3A_553 : vector<16xf32>
        %mul3A_555 = arith.constant 4 : i32
        %mul3A_556 = arith.muli %scan3A_406, %mul3A_555 : i32
        %add3A_557 = arith.constant 0 : i32
        %add3A_558 = arith.addi %mul3A_556, %add3A_557 : i32
        %swap3A_559 = arith.constant 0 : i32
        %swap3A_560 = arith.index_cast %swap3A_559 : i32 to index
        %swap3A_561 = arith.index_cast %add3A_558 : i32 to index
        %swap3A_562 = arith.constant 64 : index
        %swap3A_563 = tpu.vector_load %arg10[%swap3A_560, %swap3A_561, %swap3A_562] {strides = array<i32>} : memref<2x64x128xf32, #tpu.memory_space<vmem>>, vector<1x1x16xf32>,
        %swap3A_564 = vector.shape_cast %swap3A_563 : vector<1x1x16xf32> to vector<16xf32>
        %swap3A_565 = vector.shape_cast %add3A_554 : vector<16xf32> to vector<1x1x16xf32>
        tpu.vector_store %arg10[%swap3A_560, %swap3A_561, %swap3A_562], %swap3A_565 {strides = array<i32>} : memref<2x64x128xf32, #tpu.memory_space<vmem>>, vector<1x1x16xf32>,
        %add3A_566 = arith.constant 16 : i32
        %add3A_567 = arith.addi %squeeze3A_539, %add3A_566 : i32
        %get3A_568 = arith.constant 0 : i32
        %get3A_569 = arith.index_cast %get3A_568 : i32 to index
        %get3A_570 = arith.index_cast %add3A_537 : i32 to index
        %get3A_571 = arith.index_cast %add3A_567 : i32 to index
        %get3A_572 = tpu.vector_load %arg9[%get3A_569, %get3A_570, %get3A_571] {strides = array<i32>} : memref<2x256x128xf32, #tpu.memory_space<vmem>>, vector<1x1x16xf32>,
        %get3A_573 = vector.shape_cast %get3A_572 : vector<1x1x16xf32> to vector<16xf32>
        %get3A_574 = arith.index_cast %squeeze3A_541 : i32 to index
        %get3A_575 = arith.constant 16 : index
        %get3A_576 = tpu.vector_load %arg11[%get3A_574, %get3A_575] {strides = array<i32>} : memref<104x128xf32, #tpu.memory_space<vmem>>, vector<1x16xf32>,
        %get3A_577 = vector.shape_cast %get3A_576 : vector<1x16xf32> to vector<16xf32>
        %add3A_578 = arith.addf %get3A_573, %get3A_577 : vector<16xf32>
        %mul3A_579 = arith.constant 4 : i32
        %mul3A_580 = arith.muli %scan3A_406, %mul3A_579 : i32
        %add3A_581 = arith.constant 0 : i32
        %add3A_582 = arith.addi %mul3A_580, %add3A_581 : i32
        %swap3A_583 = arith.constant 0 : i32
        %swap3A_584 = arith.index_cast %swap3A_583 : i32 to index
        %swap3A_585 = arith.index_cast %add3A_582 : i32 to index
        %swap3A_586 = arith.constant 80 : index
        %swap3A_587 = tpu.vector_load %arg10[%swap3A_584, %swap3A_585, %swap3A_586] {strides = array<i32>} : memref<2x64x128xf32, #tpu.memory_space<vmem>>, vector<1x1x16xf32>,
        %swap3A_588 = vector.shape_cast %swap3A_587 : vector<1x1x16xf32> to vector<16xf32>
        %swap3A_589 = vector.shape_cast %add3A_578 : vector<16xf32> to vector<1x1x16xf32>
        tpu.vector_store %arg10[%swap3A_584, %swap3A_585, %swap3A_586], %swap3A_589 {strides = array<i32>} : memref<2x64x128xf32, #tpu.memory_space<vmem>>, vector<1x1x16xf32>,
        %mul3A_590 = arith.constant 16 : i32
        %mul3A_591 = arith.muli %scan3A_406, %mul3A_590 : i32
        %add3A_592 = arith.constant 3 : i32
        %add3A_593 = arith.addi %mul3A_591, %add3A_592 : i32
        %slice3A_594 = vector.extract_strided_slice %and3A_421 {offsets = [3], sizes = [1], strides = [1]} : vector<16xi32> to vector<1xi32>
        %squeeze3A_595 = vector.extract %slice3A_594[0] : i32 from vector<1xi32>
        %slice3A_596 = vector.extract_strided_slice %shift_right_logical3A_424 {offsets = [3], sizes = [1], strides = [1]} : vector<16xi32> to vector<1xi32>
        %squeeze3A_597 = vector.extract %slice3A_596[0] : i32 from vector<1xi32>
        %add3A_598 = arith.constant 0 : i32
        %add3A_599 = arith.addi %squeeze3A_595, %add3A_598 : i32
        %get3A_600 = arith.constant 0 : i32
        %get3A_601 = arith.index_cast %get3A_600 : i32 to index
        %get3A_602 = arith.index_cast %add3A_593 : i32 to index
        %get3A_603 = arith.index_cast %add3A_599 : i32 to index
        %get3A_604 = tpu.vector_load %arg9[%get3A_601, %get3A_602, %get3A_603] {strides = array<i32>} : memref<2x256x128xf32, #tpu.memory_space<vmem>>, vector<1x1x16xf32>,
        %get3A_605 = vector.shape_cast %get3A_604 : vector<1x1x16xf32> to vector<16xf32>
        %get3A_606 = arith.index_cast %squeeze3A_597 : i32 to index
        %get3A_607 = arith.constant 0 : index
        %get3A_608 = tpu.vector_load %arg11[%get3A_606, %get3A_607] {strides = array<i32>} : memref<104x128xf32, #tpu.memory_space<vmem>>, vector<1x16xf32>,
        %get3A_609 = vector.shape_cast %get3A_608 : vector<1x16xf32> to vector<16xf32>
        %add3A_610 = arith.addf %get3A_605, %get3A_609 : vector<16xf32>
        %mul3A_611 = arith.constant 4 : i32
        %mul3A_612 = arith.muli %scan3A_406, %mul3A_611 : i32
        %add3A_613 = arith.constant 0 : i32
        %add3A_614 = arith.addi %mul3A_612, %add3A_613 : i32
        %swap3A_615 = arith.constant 0 : i32
        %swap3A_616 = arith.index_cast %swap3A_615 : i32 to index
        %swap3A_617 = arith.index_cast %add3A_614 : i32 to index
        %swap3A_618 = arith.constant 96 : index
        %swap3A_619 = tpu.vector_load %arg10[%swap3A_616, %swap3A_617, %swap3A_618] {strides = array<i32>} : memref<2x64x128xf32, #tpu.memory_space<vmem>>, vector<1x1x16xf32>,
        %swap3A_620 = vector.shape_cast %swap3A_619 : vector<1x1x16xf32> to vector<16xf32>
        %swap3A_621 = vector.shape_cast %add3A_610 : vector<16xf32> to vector<1x1x16xf32>
        tpu.vector_store %arg10[%swap3A_616, %swap3A_617, %swap3A_618], %swap3A_621 {strides = array<i32>} : memref<2x64x128xf32, #tpu.memory_space<vmem>>, vector<1x1x16xf32>,
        %add3A_622 = arith.constant 16 : i32
        %add3A_623 = arith.addi %squeeze3A_595, %add3A_622 : i32
        %get3A_624 = arith.constant 0 : i32
        %get3A_625 = arith.index_cast %get3A_624 : i32 to index
        %get3A_626 = arith.index_cast %add3A_593 : i32 to index
        %get3A_627 = arith.index_cast %add3A_623 : i32 to index
        %get3A_628 = tpu.vector_load %arg9[%get3A_625, %get3A_626, %get3A_627] {strides = array<i32>} : memref<2x256x128xf32, #tpu.memory_space<vmem>>, vector<1x1x16xf32>,
        %get3A_629 = vector.shape_cast %get3A_628 : vector<1x1x16xf32> to vector<16xf32>
        %get3A_630 = arith.index_cast %squeeze3A_597 : i32 to index
        %get3A_631 = arith.constant 16 : index
        %get3A_632 = tpu.vector_load %arg11[%get3A_630, %get3A_631] {strides = array<i32>} : memref<104x128xf32, #tpu.memory_space<vmem>>, vector<1x16xf32>,
        %get3A_633 = vector.shape_cast %get3A_632 : vector<1x16xf32> to vector<16xf32>
        %add3A_634 = arith.addf %get3A_629, %get3A_633 : vector<16xf32>
        %mul3A_635 = arith.constant 4 : i32
        %mul3A_636 = arith.muli %scan3A_406, %mul3A_635 : i32
        %add3A_637 = arith.constant 0 : i32
        %add3A_638 = arith.addi %mul3A_636, %add3A_637 : i32
        %swap3A_639 = arith.constant 0 : i32
        %swap3A_640 = arith.index_cast %swap3A_639 : i32 to index
        %swap3A_641 = arith.index_cast %add3A_638 : i32 to index
        %swap3A_642 = arith.constant 112 : index
        %swap3A_643 = tpu.vector_load %arg10[%swap3A_640, %swap3A_641, %swap3A_642] {strides = array<i32>} : memref<2x64x128xf32, #tpu.memory_space<vmem>>, vector<1x1x16xf32>,
        %swap3A_644 = vector.shape_cast %swap3A_643 : vector<1x1x16xf32> to vector<16xf32>
        %swap3A_645 = vector.shape_cast %add3A_634 : vector<16xf32> to vector<1x1x16xf32>
        tpu.vector_store %arg10[%swap3A_640, %swap3A_641, %swap3A_642], %swap3A_645 {strides = array<i32>} : memref<2x64x128xf32, #tpu.memory_space<vmem>>, vector<1x1x16xf32>,
        %mul3A_646 = arith.constant 16 : i32
        %mul3A_647 = arith.muli %scan3A_406, %mul3A_646 : i32
        %add3A_648 = arith.constant 4 : i32
        %add3A_649 = arith.addi %mul3A_647, %add3A_648 : i32
        %slice3A_650 = vector.extract_strided_slice %and3A_421 {offsets = [4], sizes = [1], strides = [1]} : vector<16xi32> to vector<1xi32>
        %squeeze3A_651 = vector.extract %slice3A_650[0] : i32 from vector<1xi32>
        %slice3A_652 = vector.extract_strided_slice %shift_right_logical3A_424 {offsets = [4], sizes = [1], strides = [1]} : vector<16xi32> to vector<1xi32>
        %squeeze3A_653 = vector.extract %slice3A_652[0] : i32 from vector<1xi32>
        %add3A_654 = arith.constant 0 : i32
        %add3A_655 = arith.addi %squeeze3A_651, %add3A_654 : i32
        %get3A_656 = arith.constant 0 : i32
        %get3A_657 = arith.index_cast %get3A_656 : i32 to index
        %get3A_658 = arith.index_cast %add3A_649 : i32 to index
        %get3A_659 = arith.index_cast %add3A_655 : i32 to index
        %get3A_660 = tpu.vector_load %arg9[%get3A_657, %get3A_658, %get3A_659] {strides = array<i32>} : memref<2x256x128xf32, #tpu.memory_space<vmem>>, vector<1x1x16xf32>,
        %get3A_661 = vector.shape_cast %get3A_660 : vector<1x1x16xf32> to vector<16xf32>
        %get3A_662 = arith.index_cast %squeeze3A_653 : i32 to index
        %get3A_663 = arith.constant 0 : index
        %get3A_664 = tpu.vector_load %arg11[%get3A_662, %get3A_663] {strides = array<i32>} : memref<104x128xf32, #tpu.memory_space<vmem>>, vector<1x16xf32>,
        %get3A_665 = vector.shape_cast %get3A_664 : vector<1x16xf32> to vector<16xf32>
        %add3A_666 = arith.addf %get3A_661, %get3A_665 : vector<16xf32>
        %mul3A_667 = arith.constant 4 : i32
        %mul3A_668 = arith.muli %scan3A_406, %mul3A_667 : i32
        %add3A_669 = arith.constant 1 : i32
        %add3A_670 = arith.addi %mul3A_668, %add3A_669 : i32
        %swap3A_671 = arith.constant 0 : i32
        %swap3A_672 = arith.index_cast %swap3A_671 : i32 to index
        %swap3A_673 = arith.index_cast %add3A_670 : i32 to index
        %swap3A_674 = arith.constant 0 : index
        %swap3A_675 = tpu.vector_load %arg10[%swap3A_672, %swap3A_673, %swap3A_674] {strides = array<i32>} : memref<2x64x128xf32, #tpu.memory_space<vmem>>, vector<1x1x16xf32>,
        %swap3A_676 = vector.shape_cast %swap3A_675 : vector<1x1x16xf32> to vector<16xf32>
        %swap3A_677 = vector.shape_cast %add3A_666 : vector<16xf32> to vector<1x1x16xf32>
        tpu.vector_store %arg10[%swap3A_672, %swap3A_673, %swap3A_674], %swap3A_677 {strides = array<i32>} : memref<2x64x128xf32, #tpu.memory_space<vmem>>, vector<1x1x16xf32>,
        %add3A_678 = arith.constant 16 : i32
        %add3A_679 = arith.addi %squeeze3A_651, %add3A_678 : i32
        %get3A_680 = arith.constant 0 : i32
        %get3A_681 = arith.index_cast %get3A_680 : i32 to index
        %get3A_682 = arith.index_cast %add3A_649 : i32 to index
        %get3A_683 = arith.index_cast %add3A_679 : i32 to index
        %get3A_684 = tpu.vector_load %arg9[%get3A_681, %get3A_682, %get3A_683] {strides = array<i32>} : memref<2x256x128xf32, #tpu.memory_space<vmem>>, vector<1x1x16xf32>,
        %get3A_685 = vector.shape_cast %get3A_684 : vector<1x1x16xf32> to vector<16xf32>
        %get3A_686 = arith.index_cast %squeeze3A_653 : i32 to index
        %get3A_687 = arith.constant 16 : index
        %get3A_688 = tpu.vector_load %arg11[%get3A_686, %get3A_687] {strides = array<i32>} : memref<104x128xf32, #tpu.memory_space<vmem>>, vector<1x16xf32>,
        %get3A_689 = vector.shape_cast %get3A_688 : vector<1x16xf32> to vector<16xf32>
        %add3A_690 = arith.addf %get3A_685, %get3A_689 : vector<16xf32>
        %mul3A_691 = arith.constant 4 : i32
        %mul3A_692 = arith.muli %scan3A_406, %mul3A_691 : i32
        %add3A_693 = arith.constant 1 : i32
        %add3A_694 = arith.addi %mul3A_692, %add3A_693 : i32
        %swap3A_695 = arith.constant 0 : i32
        %swap3A_696 = arith.index_cast %swap3A_695 : i32 to index
        %swap3A_697 = arith.index_cast %add3A_694 : i32 to index
        %swap3A_698 = arith.constant 16 : index
        %swap3A_699 = tpu.vector_load %arg10[%swap3A_696, %swap3A_697, %swap3A_698] {strides = array<i32>} : memref<2x64x128xf32, #tpu.memory_space<vmem>>, vector<1x1x16xf32>,
        %swap3A_700 = vector.shape_cast %swap3A_699 : vector<1x1x16xf32> to vector<16xf32>
        %swap3A_701 = vector.shape_cast %add3A_690 : vector<16xf32> to vector<1x1x16xf32>
        tpu.vector_store %arg10[%swap3A_696, %swap3A_697, %swap3A_698], %swap3A_701 {strides = array<i32>} : memref<2x64x128xf32, #tpu.memory_space<vmem>>, vector<1x1x16xf32>,
        %mul3A_702 = arith.constant 16 : i32
        %mul3A_703 = arith.muli %scan3A_406, %mul3A_702 : i32
        %add3A_704 = arith.constant 5 : i32
        %add3A_705 = arith.addi %mul3A_703, %add3A_704 : i32
        %slice3A_706 = vector.extract_strided_slice %and3A_421 {offsets = [5], sizes = [1], strides = [1]} : vector<16xi32> to vector<1xi32>
        %squeeze3A_707 = vector.extract %slice3A_706[0] : i32 from vector<1xi32>
        %slice3A_708 = vector.extract_strided_slice %shift_right_logical3A_424 {offsets = [5], sizes = [1], strides = [1]} : vector<16xi32> to vector<1xi32>
        %squeeze3A_709 = vector.extract %slice3A_708[0] : i32 from vector<1xi32>
        %add3A_710 = arith.constant 0 : i32
        %add3A_711 = arith.addi %squeeze3A_707, %add3A_710 : i32
        %get3A_712 = arith.constant 0 : i32
        %get3A_713 = arith.index_cast %get3A_712 : i32 to index
        %get3A_714 = arith.index_cast %add3A_705 : i32 to index
        %get3A_715 = arith.index_cast %add3A_711 : i32 to index
        %get3A_716 = tpu.vector_load %arg9[%get3A_713, %get3A_714, %get3A_715] {strides = array<i32>} : memref<2x256x128xf32, #tpu.memory_space<vmem>>, vector<1x1x16xf32>,
        %get3A_717 = vector.shape_cast %get3A_716 : vector<1x1x16xf32> to vector<16xf32>
        %get3A_718 = arith.index_cast %squeeze3A_709 : i32 to index
        %get3A_719 = arith.constant 0 : index
        %get3A_720 = tpu.vector_load %arg11[%get3A_718, %get3A_719] {strides = array<i32>} : memref<104x128xf32, #tpu.memory_space<vmem>>, vector<1x16xf32>,
        %get3A_721 = vector.shape_cast %get3A_720 : vector<1x16xf32> to vector<16xf32>
        %add3A_722 = arith.addf %get3A_717, %get3A_721 : vector<16xf32>
        %mul3A_723 = arith.constant 4 : i32
        %mul3A_724 = arith.muli %scan3A_406, %mul3A_723 : i32
        %add3A_725 = arith.constant 1 : i32
        %add3A_726 = arith.addi %mul3A_724, %add3A_725 : i32
        %swap3A_727 = arith.constant 0 : i32
        %swap3A_728 = arith.index_cast %swap3A_727 : i32 to index
        %swap3A_729 = arith.index_cast %add3A_726 : i32 to index
        %swap3A_730 = arith.constant 32 : index
        %swap3A_731 = tpu.vector_load %arg10[%swap3A_728, %swap3A_729, %swap3A_730] {strides = array<i32>} : memref<2x64x128xf32, #tpu.memory_space<vmem>>, vector<1x1x16xf32>,
        %swap3A_732 = vector.shape_cast %swap3A_731 : vector<1x1x16xf32> to vector<16xf32>
        %swap3A_733 = vector.shape_cast %add3A_722 : vector<16xf32> to vector<1x1x16xf32>
        tpu.vector_store %arg10[%swap3A_728, %swap3A_729, %swap3A_730], %swap3A_733 {strides = array<i32>} : memref<2x64x128xf32, #tpu.memory_space<vmem>>, vector<1x1x16xf32>,
        %add3A_734 = arith.constant 16 : i32
        %add3A_735 = arith.addi %squeeze3A_707, %add3A_734 : i32
        %get3A_736 = arith.constant 0 : i32
        %get3A_737 = arith.index_cast %get3A_736 : i32 to index
        %get3A_738 = arith.index_cast %add3A_705 : i32 to index
        %get3A_739 = arith.index_cast %add3A_735 : i32 to index
        %get3A_740 = tpu.vector_load %arg9[%get3A_737, %get3A_738, %get3A_739] {strides = array<i32>} : memref<2x256x128xf32, #tpu.memory_space<vmem>>, vector<1x1x16xf32>,
        %get3A_741 = vector.shape_cast %get3A_740 : vector<1x1x16xf32> to vector<16xf32>
        %get3A_742 = arith.index_cast %squeeze3A_709 : i32 to index
        %get3A_743 = arith.constant 16 : index
        %get3A_744 = tpu.vector_load %arg11[%get3A_742, %get3A_743] {strides = array<i32>} : memref<104x128xf32, #tpu.memory_space<vmem>>, vector<1x16xf32>,
        %get3A_745 = vector.shape_cast %get3A_744 : vector<1x16xf32> to vector<16xf32>
        %add3A_746 = arith.addf %get3A_741, %get3A_745 : vector<16xf32>
        %mul3A_747 = arith.constant 4 : i32
        %mul3A_748 = arith.muli %scan3A_406, %mul3A_747 : i32
        %add3A_749 = arith.constant 1 : i32
        %add3A_750 = arith.addi %mul3A_748, %add3A_749 : i32
        %swap3A_751 = arith.constant 0 : i32
        %swap3A_752 = arith.index_cast %swap3A_751 : i32 to index
        %swap3A_753 = arith.index_cast %add3A_750 : i32 to index
        %swap3A_754 = arith.constant 48 : index
        %swap3A_755 = tpu.vector_load %arg10[%swap3A_752, %swap3A_753, %swap3A_754] {strides = array<i32>} : memref<2x64x128xf32, #tpu.memory_space<vmem>>, vector<1x1x16xf32>,
        %swap3A_756 = vector.shape_cast %swap3A_755 : vector<1x1x16xf32> to vector<16xf32>
        %swap3A_757 = vector.shape_cast %add3A_746 : vector<16xf32> to vector<1x1x16xf32>
        tpu.vector_store %arg10[%swap3A_752, %swap3A_753, %swap3A_754], %swap3A_757 {strides = array<i32>} : memref<2x64x128xf32, #tpu.memory_space<vmem>>, vector<1x1x16xf32>,
        %mul3A_758 = arith.constant 16 : i32
        %mul3A_759 = arith.muli %scan3A_406, %mul3A_758 : i32
        %add3A_760 = arith.constant 6 : i32
        %add3A_761 = arith.addi %mul3A_759, %add3A_760 : i32
        %slice3A_762 = vector.extract_strided_slice %and3A_421 {offsets = [6], sizes = [1], strides = [1]} : vector<16xi32> to vector<1xi32>
        %squeeze3A_763 = vector.extract %slice3A_762[0] : i32 from vector<1xi32>
        %slice3A_764 = vector.extract_strided_slice %shift_right_logical3A_424 {offsets = [6], sizes = [1], strides = [1]} : vector<16xi32> to vector<1xi32>
        %squeeze3A_765 = vector.extract %slice3A_764[0] : i32 from vector<1xi32>
        %add3A_766 = arith.constant 0 : i32
        %add3A_767 = arith.addi %squeeze3A_763, %add3A_766 : i32
        %get3A_768 = arith.constant 0 : i32
        %get3A_769 = arith.index_cast %get3A_768 : i32 to index
        %get3A_770 = arith.index_cast %add3A_761 : i32 to index
        %get3A_771 = arith.index_cast %add3A_767 : i32 to index
        %get3A_772 = tpu.vector_load %arg9[%get3A_769, %get3A_770, %get3A_771] {strides = array<i32>} : memref<2x256x128xf32, #tpu.memory_space<vmem>>, vector<1x1x16xf32>,
        %get3A_773 = vector.shape_cast %get3A_772 : vector<1x1x16xf32> to vector<16xf32>
        %get3A_774 = arith.index_cast %squeeze3A_765 : i32 to index
        %get3A_775 = arith.constant 0 : index
        %get3A_776 = tpu.vector_load %arg11[%get3A_774, %get3A_775] {strides = array<i32>} : memref<104x128xf32, #tpu.memory_space<vmem>>, vector<1x16xf32>,
        %get3A_777 = vector.shape_cast %get3A_776 : vector<1x16xf32> to vector<16xf32>
        %add3A_778 = arith.addf %get3A_773, %get3A_777 : vector<16xf32>
        %mul3A_779 = arith.constant 4 : i32
        %mul3A_780 = arith.muli %scan3A_406, %mul3A_779 : i32
        %add3A_781 = arith.constant 1 : i32
        %add3A_782 = arith.addi %mul3A_780, %add3A_781 : i32
        %swap3A_783 = arith.constant 0 : i32
        %swap3A_784 = arith.index_cast %swap3A_783 : i32 to index
        %swap3A_785 = arith.index_cast %add3A_782 : i32 to index
        %swap3A_786 = arith.constant 64 : index
        %swap3A_787 = tpu.vector_load %arg10[%swap3A_784, %swap3A_785, %swap3A_786] {strides = array<i32>} : memref<2x64x128xf32, #tpu.memory_space<vmem>>, vector<1x1x16xf32>,
        %swap3A_788 = vector.shape_cast %swap3A_787 : vector<1x1x16xf32> to vector<16xf32>
        %swap3A_789 = vector.shape_cast %add3A_778 : vector<16xf32> to vector<1x1x16xf32>
        tpu.vector_store %arg10[%swap3A_784, %swap3A_785, %swap3A_786], %swap3A_789 {strides = array<i32>} : memref<2x64x128xf32, #tpu.memory_space<vmem>>, vector<1x1x16xf32>,
        %add3A_790 = arith.constant 16 : i32
        %add3A_791 = arith.addi %squeeze3A_763, %add3A_790 : i32
        %get3A_792 = arith.constant 0 : i32
        %get3A_793 = arith.index_cast %get3A_792 : i32 to index
        %get3A_794 = arith.index_cast %add3A_761 : i32 to index
        %get3A_795 = arith.index_cast %add3A_791 : i32 to index
        %get3A_796 = tpu.vector_load %arg9[%get3A_793, %get3A_794, %get3A_795] {strides = array<i32>} : memref<2x256x128xf32, #tpu.memory_space<vmem>>, vector<1x1x16xf32>,
        %get3A_797 = vector.shape_cast %get3A_796 : vector<1x1x16xf32> to vector<16xf32>
        %get3A_798 = arith.index_cast %squeeze3A_765 : i32 to index
        %get3A_799 = arith.constant 16 : index
        %get3A_800 = tpu.vector_load %arg11[%get3A_798, %get3A_799] {strides = array<i32>} : memref<104x128xf32, #tpu.memory_space<vmem>>, vector<1x16xf32>,
        %get3A_801 = vector.shape_cast %get3A_800 : vector<1x16xf32> to vector<16xf32>
        %add3A_802 = arith.addf %get3A_797, %get3A_801 : vector<16xf32>
        %mul3A_803 = arith.constant 4 : i32
        %mul3A_804 = arith.muli %scan3A_406, %mul3A_803 : i32
        %add3A_805 = arith.constant 1 : i32
        %add3A_806 = arith.addi %mul3A_804, %add3A_805 : i32
        %swap3A_807 = arith.constant 0 : i32
        %swap3A_808 = arith.index_cast %swap3A_807 : i32 to index
        %swap3A_809 = arith.index_cast %add3A_806 : i32 to index
        %swap3A_810 = arith.constant 80 : index
        %swap3A_811 = tpu.vector_load %arg10[%swap3A_808, %swap3A_809, %swap3A_810] {strides = array<i32>} : memref<2x64x128xf32, #tpu.memory_space<vmem>>, vector<1x1x16xf32>,
        %swap3A_812 = vector.shape_cast %swap3A_811 : vector<1x1x16xf32> to vector<16xf32>
        %swap3A_813 = vector.shape_cast %add3A_802 : vector<16xf32> to vector<1x1x16xf32>
        tpu.vector_store %arg10[%swap3A_808, %swap3A_809, %swap3A_810], %swap3A_813 {strides = array<i32>} : memref<2x64x128xf32, #tpu.memory_space<vmem>>, vector<1x1x16xf32>,
        %mul3A_814 = arith.constant 16 : i32
        %mul3A_815 = arith.muli %scan3A_406, %mul3A_814 : i32
        %add3A_816 = arith.constant 7 : i32
        %add3A_817 = arith.addi %mul3A_815, %add3A_816 : i32
        %slice3A_818 = vector.extract_strided_slice %and3A_421 {offsets = [7], sizes = [1], strides = [1]} : vector<16xi32> to vector<1xi32>
        %squeeze3A_819 = vector.extract %slice3A_818[0] : i32 from vector<1xi32>
        %slice3A_820 = vector.extract_strided_slice %shift_right_logical3A_424 {offsets = [7], sizes = [1], strides = [1]} : vector<16xi32> to vector<1xi32>
        %squeeze3A_821 = vector.extract %slice3A_820[0] : i32 from vector<1xi32>
        %add3A_822 = arith.constant 0 : i32
        %add3A_823 = arith.addi %squeeze3A_819, %add3A_822 : i32
        %get3A_824 = arith.constant 0 : i32
        %get3A_825 = arith.index_cast %get3A_824 : i32 to index
        %get3A_826 = arith.index_cast %add3A_817 : i32 to index
        %get3A_827 = arith.index_cast %add3A_823 : i32 to index
        %get3A_828 = tpu.vector_load %arg9[%get3A_825, %get3A_826, %get3A_827] {strides = array<i32>} : memref<2x256x128xf32, #tpu.memory_space<vmem>>, vector<1x1x16xf32>,
        %get3A_829 = vector.shape_cast %get3A_828 : vector<1x1x16xf32> to vector<16xf32>
        %get3A_830 = arith.index_cast %squeeze3A_821 : i32 to index
        %get3A_831 = arith.constant 0 : index
        %get3A_832 = tpu.vector_load %arg11[%get3A_830, %get3A_831] {strides = array<i32>} : memref<104x128xf32, #tpu.memory_space<vmem>>, vector<1x16xf32>,
        %get3A_833 = vector.shape_cast %get3A_832 : vector<1x16xf32> to vector<16xf32>
        %add3A_834 = arith.addf %get3A_829, %get3A_833 : vector<16xf32>
        %mul3A_835 = arith.constant 4 : i32
        %mul3A_836 = arith.muli %scan3A_406, %mul3A_835 : i32
        %add3A_837 = arith.constant 1 : i32
        %add3A_838 = arith.addi %mul3A_836, %add3A_837 : i32
        %swap3A_839 = arith.constant 0 : i32
        %swap3A_840 = arith.index_cast %swap3A_839 : i32 to index
        %swap3A_841 = arith.index_cast %add3A_838 : i32 to index
        %swap3A_842 = arith.constant 96 : index
        %swap3A_843 = tpu.vector_load %arg10[%swap3A_840, %swap3A_841, %swap3A_842] {strides = array<i32>} : memref<2x64x128xf32, #tpu.memory_space<vmem>>, vector<1x1x16xf32>,
        %swap3A_844 = vector.shape_cast %swap3A_843 : vector<1x1x16xf32> to vector<16xf32>
        %swap3A_845 = vector.shape_cast %add3A_834 : vector<16xf32> to vector<1x1x16xf32>
        tpu.vector_store %arg10[%swap3A_840, %swap3A_841, %swap3A_842], %swap3A_845 {strides = array<i32>} : memref<2x64x128xf32, #tpu.memory_space<vmem>>, vector<1x1x16xf32>,
        %add3A_846 = arith.constant 16 : i32
        %add3A_847 = arith.addi %squeeze3A_819, %add3A_846 : i32
        %get3A_848 = arith.constant 0 : i32
        %get3A_849 = arith.index_cast %get3A_848 : i32 to index
        %get3A_850 = arith.index_cast %add3A_817 : i32 to index
        %get3A_851 = arith.index_cast %add3A_847 : i32 to index
        %get3A_852 = tpu.vector_load %arg9[%get3A_849, %get3A_850, %get3A_851] {strides = array<i32>} : memref<2x256x128xf32, #tpu.memory_space<vmem>>, vector<1x1x16xf32>,
        %get3A_853 = vector.shape_cast %get3A_852 : vector<1x1x16xf32> to vector<16xf32>
        %get3A_854 = arith.index_cast %squeeze3A_821 : i32 to index
        %get3A_855 = arith.constant 16 : index
        %get3A_856 = tpu.vector_load %arg11[%get3A_854, %get3A_855] {strides = array<i32>} : memref<104x128xf32, #tpu.memory_space<vmem>>, vector<1x16xf32>,
        %get3A_857 = vector.shape_cast %get3A_856 : vector<1x16xf32> to vector<16xf32>
        %add3A_858 = arith.addf %get3A_853, %get3A_857 : vector<16xf32>
        %mul3A_859 = arith.constant 4 : i32
        %mul3A_860 = arith.muli %scan3A_406, %mul3A_859 : i32
        %add3A_861 = arith.constant 1 : i32
        %add3A_862 = arith.addi %mul3A_860, %add3A_861 : i32
        %swap3A_863 = arith.constant 0 : i32
        %swap3A_864 = arith.index_cast %swap3A_863 : i32 to index
        %swap3A_865 = arith.index_cast %add3A_862 : i32 to index
        %swap3A_866 = arith.constant 112 : index
        %swap3A_867 = tpu.vector_load %arg10[%swap3A_864, %swap3A_865, %swap3A_866] {strides = array<i32>} : memref<2x64x128xf32, #tpu.memory_space<vmem>>, vector<1x1x16xf32>,
        %swap3A_868 = vector.shape_cast %swap3A_867 : vector<1x1x16xf32> to vector<16xf32>
        %swap3A_869 = vector.shape_cast %add3A_858 : vector<16xf32> to vector<1x1x16xf32>
        tpu.vector_store %arg10[%swap3A_864, %swap3A_865, %swap3A_866], %swap3A_869 {strides = array<i32>} : memref<2x64x128xf32, #tpu.memory_space<vmem>>, vector<1x1x16xf32>,
        %mul3A_870 = arith.constant 16 : i32
        %mul3A_871 = arith.muli %scan3A_406, %mul3A_870 : i32
        %add3A_872 = arith.constant 8 : i32
        %add3A_873 = arith.addi %mul3A_871, %add3A_872 : i32
        %slice3A_874 = vector.extract_strided_slice %and3A_421 {offsets = [8], sizes = [1], strides = [1]} : vector<16xi32> to vector<1xi32>
        %squeeze3A_875 = vector.extract %slice3A_874[0] : i32 from vector<1xi32>
        %slice3A_876 = vector.extract_strided_slice %shift_right_logical3A_424 {offsets = [8], sizes = [1], strides = [1]} : vector<16xi32> to vector<1xi32>
        %squeeze3A_877 = vector.extract %slice3A_876[0] : i32 from vector<1xi32>
        %add3A_878 = arith.constant 0 : i32
        %add3A_879 = arith.addi %squeeze3A_875, %add3A_878 : i32
        %get3A_880 = arith.constant 0 : i32
        %get3A_881 = arith.index_cast %get3A_880 : i32 to index
        %get3A_882 = arith.index_cast %add3A_873 : i32 to index
        %get3A_883 = arith.index_cast %add3A_879 : i32 to index
        %get3A_884 = tpu.vector_load %arg9[%get3A_881, %get3A_882, %get3A_883] {strides = array<i32>} : memref<2x256x128xf32, #tpu.memory_space<vmem>>, vector<1x1x16xf32>,
        %get3A_885 = vector.shape_cast %get3A_884 : vector<1x1x16xf32> to vector<16xf32>
        %get3A_886 = arith.index_cast %squeeze3A_877 : i32 to index
        %get3A_887 = arith.constant 0 : index
        %get3A_888 = tpu.vector_load %arg11[%get3A_886, %get3A_887] {strides = array<i32>} : memref<104x128xf32, #tpu.memory_space<vmem>>, vector<1x16xf32>,
        %get3A_889 = vector.shape_cast %get3A_888 : vector<1x16xf32> to vector<16xf32>
        %add3A_890 = arith.addf %get3A_885, %get3A_889 : vector<16xf32>
        %mul3A_891 = arith.constant 4 : i32
        %mul3A_892 = arith.muli %scan3A_406, %mul3A_891 : i32
        %add3A_893 = arith.constant 2 : i32
        %add3A_894 = arith.addi %mul3A_892, %add3A_893 : i32
        %swap3A_895 = arith.constant 0 : i32
        %swap3A_896 = arith.index_cast %swap3A_895 : i32 to index
        %swap3A_897 = arith.index_cast %add3A_894 : i32 to index
        %swap3A_898 = arith.constant 0 : index
        %swap3A_899 = tpu.vector_load %arg10[%swap3A_896, %swap3A_897, %swap3A_898] {strides = array<i32>} : memref<2x64x128xf32, #tpu.memory_space<vmem>>, vector<1x1x16xf32>,
        %swap3A_900 = vector.shape_cast %swap3A_899 : vector<1x1x16xf32> to vector<16xf32>
        %swap3A_901 = vector.shape_cast %add3A_890 : vector<16xf32> to vector<1x1x16xf32>
        tpu.vector_store %arg10[%swap3A_896, %swap3A_897, %swap3A_898], %swap3A_901 {strides = array<i32>} : memref<2x64x128xf32, #tpu.memory_space<vmem>>, vector<1x1x16xf32>,
        %add3A_902 = arith.constant 16 : i32
        %add3A_903 = arith.addi %squeeze3A_875, %add3A_902 : i32
        %get3A_904 = arith.constant 0 : i32
        %get3A_905 = arith.index_cast %get3A_904 : i32 to index
        %get3A_906 = arith.index_cast %add3A_873 : i32 to index
        %get3A_907 = arith.index_cast %add3A_903 : i32 to index
        %get3A_908 = tpu.vector_load %arg9[%get3A_905, %get3A_906, %get3A_907] {strides = array<i32>} : memref<2x256x128xf32, #tpu.memory_space<vmem>>, vector<1x1x16xf32>,
        %get3A_909 = vector.shape_cast %get3A_908 : vector<1x1x16xf32> to vector<16xf32>
        %get3A_910 = arith.index_cast %squeeze3A_877 : i32 to index
        %get3A_911 = arith.constant 16 : index
        %get3A_912 = tpu.vector_load %arg11[%get3A_910, %get3A_911] {strides = array<i32>} : memref<104x128xf32, #tpu.memory_space<vmem>>, vector<1x16xf32>,
        %get3A_913 = vector.shape_cast %get3A_912 : vector<1x16xf32> to vector<16xf32>
        %add3A_914 = arith.addf %get3A_909, %get3A_913 : vector<16xf32>
        %mul3A_915 = arith.constant 4 : i32
        %mul3A_916 = arith.muli %scan3A_406, %mul3A_915 : i32
        %add3A_917 = arith.constant 2 : i32
        %add3A_918 = arith.addi %mul3A_916, %add3A_917 : i32
        %swap3A_919 = arith.constant 0 : i32
        %swap3A_920 = arith.index_cast %swap3A_919 : i32 to index
        %swap3A_921 = arith.index_cast %add3A_918 : i32 to index
        %swap3A_922 = arith.constant 16 : index
        %swap3A_923 = tpu.vector_load %arg10[%swap3A_920, %swap3A_921, %swap3A_922] {strides = array<i32>} : memref<2x64x128xf32, #tpu.memory_space<vmem>>, vector<1x1x16xf32>,
        %swap3A_924 = vector.shape_cast %swap3A_923 : vector<1x1x16xf32> to vector<16xf32>
        %swap3A_925 = vector.shape_cast %add3A_914 : vector<16xf32> to vector<1x1x16xf32>
        tpu.vector_store %arg10[%swap3A_920, %swap3A_921, %swap3A_922], %swap3A_925 {strides = array<i32>} : memref<2x64x128xf32, #tpu.memory_space<vmem>>, vector<1x1x16xf32>,
        %mul3A_926 = arith.constant 16 : i32
        %mul3A_927 = arith.muli %scan3A_406, %mul3A_926 : i32
        %add3A_928 = arith.constant 9 : i32
        %add3A_929 = arith.addi %mul3A_927, %add3A_928 : i32
        %slice3A_930 = vector.extract_strided_slice %and3A_421 {offsets = [9], sizes = [1], strides = [1]} : vector<16xi32> to vector<1xi32>
        %squeeze3A_931 = vector.extract %slice3A_930[0] : i32 from vector<1xi32>
        %slice3A_932 = vector.extract_strided_slice %shift_right_logical3A_424 {offsets = [9], sizes = [1], strides = [1]} : vector<16xi32> to vector<1xi32>
        %squeeze3A_933 = vector.extract %slice3A_932[0] : i32 from vector<1xi32>
        %add3A_934 = arith.constant 0 : i32
        %add3A_935 = arith.addi %squeeze3A_931, %add3A_934 : i32
        %get3A_936 = arith.constant 0 : i32
        %get3A_937 = arith.index_cast %get3A_936 : i32 to index
        %get3A_938 = arith.index_cast %add3A_929 : i32 to index
        %get3A_939 = arith.index_cast %add3A_935 : i32 to index
        %get3A_940 = tpu.vector_load %arg9[%get3A_937, %get3A_938, %get3A_939] {strides = array<i32>} : memref<2x256x128xf32, #tpu.memory_space<vmem>>, vector<1x1x16xf32>,
        %get3A_941 = vector.shape_cast %get3A_940 : vector<1x1x16xf32> to vector<16xf32>
        %get3A_942 = arith.index_cast %squeeze3A_933 : i32 to index
        %get3A_943 = arith.constant 0 : index
        %get3A_944 = tpu.vector_load %arg11[%get3A_942, %get3A_943] {strides = array<i32>} : memref<104x128xf32, #tpu.memory_space<vmem>>, vector<1x16xf32>,
        %get3A_945 = vector.shape_cast %get3A_944 : vector<1x16xf32> to vector<16xf32>
        %add3A_946 = arith.addf %get3A_941, %get3A_945 : vector<16xf32>
        %mul3A_947 = arith.constant 4 : i32
        %mul3A_948 = arith.muli %scan3A_406, %mul3A_947 : i32
        %add3A_949 = arith.constant 2 : i32
        %add3A_950 = arith.addi %mul3A_948, %add3A_949 : i32
        %swap3A_951 = arith.constant 0 : i32
        %swap3A_952 = arith.index_cast %swap3A_951 : i32 to index
        %swap3A_953 = arith.index_cast %add3A_950 : i32 to index
        %swap3A_954 = arith.constant 32 : index
        %swap3A_955 = tpu.vector_load %arg10[%swap3A_952, %swap3A_953, %swap3A_954] {strides = array<i32>} : memref<2x64x128xf32, #tpu.memory_space<vmem>>, vector<1x1x16xf32>,
        %swap3A_956 = vector.shape_cast %swap3A_955 : vector<1x1x16xf32> to vector<16xf32>
        %swap3A_957 = vector.shape_cast %add3A_946 : vector<16xf32> to vector<1x1x16xf32>
        tpu.vector_store %arg10[%swap3A_952, %swap3A_953, %swap3A_954], %swap3A_957 {strides = array<i32>} : memref<2x64x128xf32, #tpu.memory_space<vmem>>, vector<1x1x16xf32>,
        %add3A_958 = arith.constant 16 : i32
        %add3A_959 = arith.addi %squeeze3A_931, %add3A_958 : i32
        %get3A_960 = arith.constant 0 : i32
        %get3A_961 = arith.index_cast %get3A_960 : i32 to index
        %get3A_962 = arith.index_cast %add3A_929 : i32 to index
        %get3A_963 = arith.index_cast %add3A_959 : i32 to index
        %get3A_964 = tpu.vector_load %arg9[%get3A_961, %get3A_962, %get3A_963] {strides = array<i32>} : memref<2x256x128xf32, #tpu.memory_space<vmem>>, vector<1x1x16xf32>,
        %get3A_965 = vector.shape_cast %get3A_964 : vector<1x1x16xf32> to vector<16xf32>
        %get3A_966 = arith.index_cast %squeeze3A_933 : i32 to index
        %get3A_967 = arith.constant 16 : index
        %get3A_968 = tpu.vector_load %arg11[%get3A_966, %get3A_967] {strides = array<i32>} : memref<104x128xf32, #tpu.memory_space<vmem>>, vector<1x16xf32>,
        %get3A_969 = vector.shape_cast %get3A_968 : vector<1x16xf32> to vector<16xf32>
        %add3A_970 = arith.addf %get3A_965, %get3A_969 : vector<16xf32>
        %mul3A_971 = arith.constant 4 : i32
        %mul3A_972 = arith.muli %scan3A_406, %mul3A_971 : i32
        %add3A_973 = arith.constant 2 : i32
        %add3A_974 = arith.addi %mul3A_972, %add3A_973 : i32
        %swap3A_975 = arith.constant 0 : i32
        %swap3A_976 = arith.index_cast %swap3A_975 : i32 to index
        %swap3A_977 = arith.index_cast %add3A_974 : i32 to index
        %swap3A_978 = arith.constant 48 : index
        %swap3A_979 = tpu.vector_load %arg10[%swap3A_976, %swap3A_977, %swap3A_978] {strides = array<i32>} : memref<2x64x128xf32, #tpu.memory_space<vmem>>, vector<1x1x16xf32>,
        %swap3A_980 = vector.shape_cast %swap3A_979 : vector<1x1x16xf32> to vector<16xf32>
        %swap3A_981 = vector.shape_cast %add3A_970 : vector<16xf32> to vector<1x1x16xf32>
        tpu.vector_store %arg10[%swap3A_976, %swap3A_977, %swap3A_978], %swap3A_981 {strides = array<i32>} : memref<2x64x128xf32, #tpu.memory_space<vmem>>, vector<1x1x16xf32>,
        %mul3A_982 = arith.constant 16 : i32
        %mul3A_983 = arith.muli %scan3A_406, %mul3A_982 : i32
        %add3A_984 = arith.constant 10 : i32
        %add3A_985 = arith.addi %mul3A_983, %add3A_984 : i32
        %slice3A_986 = vector.extract_strided_slice %and3A_421 {offsets = [10], sizes = [1], strides = [1]} : vector<16xi32> to vector<1xi32>
        %squeeze3A_987 = vector.extract %slice3A_986[0] : i32 from vector<1xi32>
        %slice3A_988 = vector.extract_strided_slice %shift_right_logical3A_424 {offsets = [10], sizes = [1], strides = [1]} : vector<16xi32> to vector<1xi32>
        %squeeze3A_989 = vector.extract %slice3A_988[0] : i32 from vector<1xi32>
        %add3A_990 = arith.constant 0 : i32
        %add3A_991 = arith.addi %squeeze3A_987, %add3A_990 : i32
        %get3A_992 = arith.constant 0 : i32
        %get3A_993 = arith.index_cast %get3A_992 : i32 to index
        %get3A_994 = arith.index_cast %add3A_985 : i32 to index
        %get3A_995 = arith.index_cast %add3A_991 : i32 to index
        %get3A_996 = tpu.vector_load %arg9[%get3A_993, %get3A_994, %get3A_995] {strides = array<i32>} : memref<2x256x128xf32, #tpu.memory_space<vmem>>, vector<1x1x16xf32>,
        %get3A_997 = vector.shape_cast %get3A_996 : vector<1x1x16xf32> to vector<16xf32>
        %get3A_998 = arith.index_cast %squeeze3A_989 : i32 to index
        %get3A_999 = arith.constant 0 : index
        %get3A_1000 = tpu.vector_load %arg11[%get3A_998, %get3A_999] {strides = array<i32>} : memref<104x128xf32, #tpu.memory_space<vmem>>, vector<1x16xf32>,
        %get3A_1001 = vector.shape_cast %get3A_1000 : vector<1x16xf32> to vector<16xf32>
        %add3A_1002 = arith.addf %get3A_997, %get3A_1001 : vector<16xf32>
        %mul3A_1003 = arith.constant 4 : i32
        %mul3A_1004 = arith.muli %scan3A_406, %mul3A_1003 : i32
        %add3A_1005 = arith.constant 2 : i32
        %add3A_1006 = arith.addi %mul3A_1004, %add3A_1005 : i32
        %swap3A_1007 = arith.constant 0 : i32
        %swap3A_1008 = arith.index_cast %swap3A_1007 : i32 to index
        %swap3A_1009 = arith.index_cast %add3A_1006 : i32 to index
        %swap3A_1010 = arith.constant 64 : index
        %swap3A_1011 = tpu.vector_load %arg10[%swap3A_1008, %swap3A_1009, %swap3A_1010] {strides = array<i32>} : memref<2x64x128xf32, #tpu.memory_space<vmem>>, vector<1x1x16xf32>,
        %swap3A_1012 = vector.shape_cast %swap3A_1011 : vector<1x1x16xf32> to vector<16xf32>
        %swap3A_1013 = vector.shape_cast %add3A_1002 : vector<16xf32> to vector<1x1x16xf32>
        tpu.vector_store %arg10[%swap3A_1008, %swap3A_1009, %swap3A_1010], %swap3A_1013 {strides = array<i32>} : memref<2x64x128xf32, #tpu.memory_space<vmem>>, vector<1x1x16xf32>,
        %add3A_1014 = arith.constant 16 : i32
        %add3A_1015 = arith.addi %squeeze3A_987, %add3A_1014 : i32
        %get3A_1016 = arith.constant 0 : i32
        %get3A_1017 = arith.index_cast %get3A_1016 : i32 to index
        %get3A_1018 = arith.index_cast %add3A_985 : i32 to index
        %get3A_1019 = arith.index_cast %add3A_1015 : i32 to index
        %get3A_1020 = tpu.vector_load %arg9[%get3A_1017, %get3A_1018, %get3A_1019] {strides = array<i32>} : memref<2x256x128xf32, #tpu.memory_space<vmem>>, vector<1x1x16xf32>,
        %get3A_1021 = vector.shape_cast %get3A_1020 : vector<1x1x16xf32> to vector<16xf32>
        %get3A_1022 = arith.index_cast %squeeze3A_989 : i32 to index
        %get3A_1023 = arith.constant 16 : index
        %get3A_1024 = tpu.vector_load %arg11[%get3A_1022, %get3A_1023] {strides = array<i32>} : memref<104x128xf32, #tpu.memory_space<vmem>>, vector<1x16xf32>,
        %get3A_1025 = vector.shape_cast %get3A_1024 : vector<1x16xf32> to vector<16xf32>
        %add3A_1026 = arith.addf %get3A_1021, %get3A_1025 : vector<16xf32>
        %mul3A_1027 = arith.constant 4 : i32
        %mul3A_1028 = arith.muli %scan3A_406, %mul3A_1027 : i32
        %add3A_1029 = arith.constant 2 : i32
        %add3A_1030 = arith.addi %mul3A_1028, %add3A_1029 : i32
        %swap3A_1031 = arith.constant 0 : i32
        %swap3A_1032 = arith.index_cast %swap3A_1031 : i32 to index
        %swap3A_1033 = arith.index_cast %add3A_1030 : i32 to index
        %swap3A_1034 = arith.constant 80 : index
        %swap3A_1035 = tpu.vector_load %arg10[%swap3A_1032, %swap3A_1033, %swap3A_1034] {strides = array<i32>} : memref<2x64x128xf32, #tpu.memory_space<vmem>>, vector<1x1x16xf32>,
        %swap3A_1036 = vector.shape_cast %swap3A_1035 : vector<1x1x16xf32> to vector<16xf32>
        %swap3A_1037 = vector.shape_cast %add3A_1026 : vector<16xf32> to vector<1x1x16xf32>
        tpu.vector_store %arg10[%swap3A_1032, %swap3A_1033, %swap3A_1034], %swap3A_1037 {strides = array<i32>} : memref<2x64x128xf32, #tpu.memory_space<vmem>>, vector<1x1x16xf32>,
        %mul3A_1038 = arith.constant 16 : i32
        %mul3A_1039 = arith.muli %scan3A_406, %mul3A_1038 : i32
        %add3A_1040 = arith.constant 11 : i32
        %add3A_1041 = arith.addi %mul3A_1039, %add3A_1040 : i32
        %slice3A_1042 = vector.extract_strided_slice %and3A_421 {offsets = [11], sizes = [1], strides = [1]} : vector<16xi32> to vector<1xi32>
        %squeeze3A_1043 = vector.extract %slice3A_1042[0] : i32 from vector<1xi32>
        %slice3A_1044 = vector.extract_strided_slice %shift_right_logical3A_424 {offsets = [11], sizes = [1], strides = [1]} : vector<16xi32> to vector<1xi32>
        %squeeze3A_1045 = vector.extract %slice3A_1044[0] : i32 from vector<1xi32>
        %add3A_1046 = arith.constant 0 : i32
        %add3A_1047 = arith.addi %squeeze3A_1043, %add3A_1046 : i32
        %get3A_1048 = arith.constant 0 : i32
        %get3A_1049 = arith.index_cast %get3A_1048 : i32 to index
        %get3A_1050 = arith.index_cast %add3A_1041 : i32 to index
        %get3A_1051 = arith.index_cast %add3A_1047 : i32 to index
        %get3A_1052 = tpu.vector_load %arg9[%get3A_1049, %get3A_1050, %get3A_1051] {strides = array<i32>} : memref<2x256x128xf32, #tpu.memory_space<vmem>>, vector<1x1x16xf32>,
        %get3A_1053 = vector.shape_cast %get3A_1052 : vector<1x1x16xf32> to vector<16xf32>
        %get3A_1054 = arith.index_cast %squeeze3A_1045 : i32 to index
        %get3A_1055 = arith.constant 0 : index
        %get3A_1056 = tpu.vector_load %arg11[%get3A_1054, %get3A_1055] {strides = array<i32>} : memref<104x128xf32, #tpu.memory_space<vmem>>, vector<1x16xf32>,
        %get3A_1057 = vector.shape_cast %get3A_1056 : vector<1x16xf32> to vector<16xf32>
        %add3A_1058 = arith.addf %get3A_1053, %get3A_1057 : vector<16xf32>
        %mul3A_1059 = arith.constant 4 : i32
        %mul3A_1060 = arith.muli %scan3A_406, %mul3A_1059 : i32
        %add3A_1061 = arith.constant 2 : i32
        %add3A_1062 = arith.addi %mul3A_1060, %add3A_1061 : i32
        %swap3A_1063 = arith.constant 0 : i32
        %swap3A_1064 = arith.index_cast %swap3A_1063 : i32 to index
        %swap3A_1065 = arith.index_cast %add3A_1062 : i32 to index
        %swap3A_1066 = arith.constant 96 : index
        %swap3A_1067 = tpu.vector_load %arg10[%swap3A_1064, %swap3A_1065, %swap3A_1066] {strides = array<i32>} : memref<2x64x128xf32, #tpu.memory_space<vmem>>, vector<1x1x16xf32>,
        %swap3A_1068 = vector.shape_cast %swap3A_1067 : vector<1x1x16xf32> to vector<16xf32>
        %swap3A_1069 = vector.shape_cast %add3A_1058 : vector<16xf32> to vector<1x1x16xf32>
        tpu.vector_store %arg10[%swap3A_1064, %swap3A_1065, %swap3A_1066], %swap3A_1069 {strides = array<i32>} : memref<2x64x128xf32, #tpu.memory_space<vmem>>, vector<1x1x16xf32>,
        %add3A_1070 = arith.constant 16 : i32
        %add3A_1071 = arith.addi %squeeze3A_1043, %add3A_1070 : i32
        %get3A_1072 = arith.constant 0 : i32
        %get3A_1073 = arith.index_cast %get3A_1072 : i32 to index
        %get3A_1074 = arith.index_cast %add3A_1041 : i32 to index
        %get3A_1075 = arith.index_cast %add3A_1071 : i32 to index
        %get3A_1076 = tpu.vector_load %arg9[%get3A_1073, %get3A_1074, %get3A_1075] {strides = array<i32>} : memref<2x256x128xf32, #tpu.memory_space<vmem>>, vector<1x1x16xf32>,
        %get3A_1077 = vector.shape_cast %get3A_1076 : vector<1x1x16xf32> to vector<16xf32>
        %get3A_1078 = arith.index_cast %squeeze3A_1045 : i32 to index
        %get3A_1079 = arith.constant 16 : index
        %get3A_1080 = tpu.vector_load %arg11[%get3A_1078, %get3A_1079] {strides = array<i32>} : memref<104x128xf32, #tpu.memory_space<vmem>>, vector<1x16xf32>,
        %get3A_1081 = vector.shape_cast %get3A_1080 : vector<1x16xf32> to vector<16xf32>
        %add3A_1082 = arith.addf %get3A_1077, %get3A_1081 : vector<16xf32>
        %mul3A_1083 = arith.constant 4 : i32
        %mul3A_1084 = arith.muli %scan3A_406, %mul3A_1083 : i32
        %add3A_1085 = arith.constant 2 : i32
        %add3A_1086 = arith.addi %mul3A_1084, %add3A_1085 : i32
        %swap3A_1087 = arith.constant 0 : i32
        %swap3A_1088 = arith.index_cast %swap3A_1087 : i32 to index
        %swap3A_1089 = arith.index_cast %add3A_1086 : i32 to index
        %swap3A_1090 = arith.constant 112 : index
        %swap3A_1091 = tpu.vector_load %arg10[%swap3A_1088, %swap3A_1089, %swap3A_1090] {strides = array<i32>} : memref<2x64x128xf32, #tpu.memory_space<vmem>>, vector<1x1x16xf32>,
        %swap3A_1092 = vector.shape_cast %swap3A_1091 : vector<1x1x16xf32> to vector<16xf32>
        %swap3A_1093 = vector.shape_cast %add3A_1082 : vector<16xf32> to vector<1x1x16xf32>
        tpu.vector_store %arg10[%swap3A_1088, %swap3A_1089, %swap3A_1090], %swap3A_1093 {strides = array<i32>} : memref<2x64x128xf32, #tpu.memory_space<vmem>>, vector<1x1x16xf32>,
        %mul3A_1094 = arith.constant 16 : i32
        %mul3A_1095 = arith.muli %scan3A_406, %mul3A_1094 : i32
        %add3A_1096 = arith.constant 12 : i32
        %add3A_1097 = arith.addi %mul3A_1095, %add3A_1096 : i32
        %slice3A_1098 = vector.extract_strided_slice %and3A_421 {offsets = [12], sizes = [1], strides = [1]} : vector<16xi32> to vector<1xi32>
        %squeeze3A_1099 = vector.extract %slice3A_1098[0] : i32 from vector<1xi32>
        %slice3A_1100 = vector.extract_strided_slice %shift_right_logical3A_424 {offsets = [12], sizes = [1], strides = [1]} : vector<16xi32> to vector<1xi32>
        %squeeze3A_1101 = vector.extract %slice3A_1100[0] : i32 from vector<1xi32>
        %add3A_1102 = arith.constant 0 : i32
        %add3A_1103 = arith.addi %squeeze3A_1099, %add3A_1102 : i32
        %get3A_1104 = arith.constant 0 : i32
        %get3A_1105 = arith.index_cast %get3A_1104 : i32 to index
        %get3A_1106 = arith.index_cast %add3A_1097 : i32 to index
        %get3A_1107 = arith.index_cast %add3A_1103 : i32 to index
        %get3A_1108 = tpu.vector_load %arg9[%get3A_1105, %get3A_1106, %get3A_1107] {strides = array<i32>} : memref<2x256x128xf32, #tpu.memory_space<vmem>>, vector<1x1x16xf32>,
        %get3A_1109 = vector.shape_cast %get3A_1108 : vector<1x1x16xf32> to vector<16xf32>
        %get3A_1110 = arith.index_cast %squeeze3A_1101 : i32 to index
        %get3A_1111 = arith.constant 0 : index
        %get3A_1112 = tpu.vector_load %arg11[%get3A_1110, %get3A_1111] {strides = array<i32>} : memref<104x128xf32, #tpu.memory_space<vmem>>, vector<1x16xf32>,
        %get3A_1113 = vector.shape_cast %get3A_1112 : vector<1x16xf32> to vector<16xf32>
        %add3A_1114 = arith.addf %get3A_1109, %get3A_1113 : vector<16xf32>
        %mul3A_1115 = arith.constant 4 : i32
        %mul3A_1116 = arith.muli %scan3A_406, %mul3A_1115 : i32
        %add3A_1117 = arith.constant 3 : i32
        %add3A_1118 = arith.addi %mul3A_1116, %add3A_1117 : i32
        %swap3A_1119 = arith.constant 0 : i32
        %swap3A_1120 = arith.index_cast %swap3A_1119 : i32 to index
        %swap3A_1121 = arith.index_cast %add3A_1118 : i32 to index
        %swap3A_1122 = arith.constant 0 : index
        %swap3A_1123 = tpu.vector_load %arg10[%swap3A_1120, %swap3A_1121, %swap3A_1122] {strides = array<i32>} : memref<2x64x128xf32, #tpu.memory_space<vmem>>, vector<1x1x16xf32>,
        %swap3A_1124 = vector.shape_cast %swap3A_1123 : vector<1x1x16xf32> to vector<16xf32>
        %swap3A_1125 = vector.shape_cast %add3A_1114 : vector<16xf32> to vector<1x1x16xf32>
        tpu.vector_store %arg10[%swap3A_1120, %swap3A_1121, %swap3A_1122], %swap3A_1125 {strides = array<i32>} : memref<2x64x128xf32, #tpu.memory_space<vmem>>, vector<1x1x16xf32>,
        %add3A_1126 = arith.constant 16 : i32
        %add3A_1127 = arith.addi %squeeze3A_1099, %add3A_1126 : i32
        %get3A_1128 = arith.constant 0 : i32
        %get3A_1129 = arith.index_cast %get3A_1128 : i32 to index
        %get3A_1130 = arith.index_cast %add3A_1097 : i32 to index
        %get3A_1131 = arith.index_cast %add3A_1127 : i32 to index
        %get3A_1132 = tpu.vector_load %arg9[%get3A_1129, %get3A_1130, %get3A_1131] {strides = array<i32>} : memref<2x256x128xf32, #tpu.memory_space<vmem>>, vector<1x1x16xf32>,
        %get3A_1133 = vector.shape_cast %get3A_1132 : vector<1x1x16xf32> to vector<16xf32>
        %get3A_1134 = arith.index_cast %squeeze3A_1101 : i32 to index
        %get3A_1135 = arith.constant 16 : index
        %get3A_1136 = tpu.vector_load %arg11[%get3A_1134, %get3A_1135] {strides = array<i32>} : memref<104x128xf32, #tpu.memory_space<vmem>>, vector<1x16xf32>,
        %get3A_1137 = vector.shape_cast %get3A_1136 : vector<1x16xf32> to vector<16xf32>
        %add3A_1138 = arith.addf %get3A_1133, %get3A_1137 : vector<16xf32>
        %mul3A_1139 = arith.constant 4 : i32
        %mul3A_1140 = arith.muli %scan3A_406, %mul3A_1139 : i32
        %add3A_1141 = arith.constant 3 : i32
        %add3A_1142 = arith.addi %mul3A_1140, %add3A_1141 : i32
        %swap3A_1143 = arith.constant 0 : i32
        %swap3A_1144 = arith.index_cast %swap3A_1143 : i32 to index
        %swap3A_1145 = arith.index_cast %add3A_1142 : i32 to index
        %swap3A_1146 = arith.constant 16 : index
        %swap3A_1147 = tpu.vector_load %arg10[%swap3A_1144, %swap3A_1145, %swap3A_1146] {strides = array<i32>} : memref<2x64x128xf32, #tpu.memory_space<vmem>>, vector<1x1x16xf32>,
        %swap3A_1148 = vector.shape_cast %swap3A_1147 : vector<1x1x16xf32> to vector<16xf32>
        %swap3A_1149 = vector.shape_cast %add3A_1138 : vector<16xf32> to vector<1x1x16xf32>
        tpu.vector_store %arg10[%swap3A_1144, %swap3A_1145, %swap3A_1146], %swap3A_1149 {strides = array<i32>} : memref<2x64x128xf32, #tpu.memory_space<vmem>>, vector<1x1x16xf32>,
        %mul3A_1150 = arith.constant 16 : i32
        %mul3A_1151 = arith.muli %scan3A_406, %mul3A_1150 : i32
        %add3A_1152 = arith.constant 13 : i32
        %add3A_1153 = arith.addi %mul3A_1151, %add3A_1152 : i32
        %slice3A_1154 = vector.extract_strided_slice %and3A_421 {offsets = [13], sizes = [1], strides = [1]} : vector<16xi32> to vector<1xi32>
        %squeeze3A_1155 = vector.extract %slice3A_1154[0] : i32 from vector<1xi32>
        %slice3A_1156 = vector.extract_strided_slice %shift_right_logical3A_424 {offsets = [13], sizes = [1], strides = [1]} : vector<16xi32> to vector<1xi32>
        %squeeze3A_1157 = vector.extract %slice3A_1156[0] : i32 from vector<1xi32>
        %add3A_1158 = arith.constant 0 : i32
        %add3A_1159 = arith.addi %squeeze3A_1155, %add3A_1158 : i32
        %get3A_1160 = arith.constant 0 : i32
        %get3A_1161 = arith.index_cast %get3A_1160 : i32 to index
        %get3A_1162 = arith.index_cast %add3A_1153 : i32 to index
        %get3A_1163 = arith.index_cast %add3A_1159 : i32 to index
        %get3A_1164 = tpu.vector_load %arg9[%get3A_1161, %get3A_1162, %get3A_1163] {strides = array<i32>} : memref<2x256x128xf32, #tpu.memory_space<vmem>>, vector<1x1x16xf32>,
        %get3A_1165 = vector.shape_cast %get3A_1164 : vector<1x1x16xf32> to vector<16xf32>
        %get3A_1166 = arith.index_cast %squeeze3A_1157 : i32 to index
        %get3A_1167 = arith.constant 0 : index
        %get3A_1168 = tpu.vector_load %arg11[%get3A_1166, %get3A_1167] {strides = array<i32>} : memref<104x128xf32, #tpu.memory_space<vmem>>, vector<1x16xf32>,
        %get3A_1169 = vector.shape_cast %get3A_1168 : vector<1x16xf32> to vector<16xf32>
        %add3A_1170 = arith.addf %get3A_1165, %get3A_1169 : vector<16xf32>
        %mul3A_1171 = arith.constant 4 : i32
        %mul3A_1172 = arith.muli %scan3A_406, %mul3A_1171 : i32
        %add3A_1173 = arith.constant 3 : i32
        %add3A_1174 = arith.addi %mul3A_1172, %add3A_1173 : i32
        %swap3A_1175 = arith.constant 0 : i32
        %swap3A_1176 = arith.index_cast %swap3A_1175 : i32 to index
        %swap3A_1177 = arith.index_cast %add3A_1174 : i32 to index
        %swap3A_1178 = arith.constant 32 : index
        %swap3A_1179 = tpu.vector_load %arg10[%swap3A_1176, %swap3A_1177, %swap3A_1178] {strides = array<i32>} : memref<2x64x128xf32, #tpu.memory_space<vmem>>, vector<1x1x16xf32>,
        %swap3A_1180 = vector.shape_cast %swap3A_1179 : vector<1x1x16xf32> to vector<16xf32>
        %swap3A_1181 = vector.shape_cast %add3A_1170 : vector<16xf32> to vector<1x1x16xf32>
        tpu.vector_store %arg10[%swap3A_1176, %swap3A_1177, %swap3A_1178], %swap3A_1181 {strides = array<i32>} : memref<2x64x128xf32, #tpu.memory_space<vmem>>, vector<1x1x16xf32>,
        %add3A_1182 = arith.constant 16 : i32
        %add3A_1183 = arith.addi %squeeze3A_1155, %add3A_1182 : i32
        %get3A_1184 = arith.constant 0 : i32
        %get3A_1185 = arith.index_cast %get3A_1184 : i32 to index
        %get3A_1186 = arith.index_cast %add3A_1153 : i32 to index
        %get3A_1187 = arith.index_cast %add3A_1183 : i32 to index
        %get3A_1188 = tpu.vector_load %arg9[%get3A_1185, %get3A_1186, %get3A_1187] {strides = array<i32>} : memref<2x256x128xf32, #tpu.memory_space<vmem>>, vector<1x1x16xf32>,
        %get3A_1189 = vector.shape_cast %get3A_1188 : vector<1x1x16xf32> to vector<16xf32>
        %get3A_1190 = arith.index_cast %squeeze3A_1157 : i32 to index
        %get3A_1191 = arith.constant 16 : index
        %get3A_1192 = tpu.vector_load %arg11[%get3A_1190, %get3A_1191] {strides = array<i32>} : memref<104x128xf32, #tpu.memory_space<vmem>>, vector<1x16xf32>,
        %get3A_1193 = vector.shape_cast %get3A_1192 : vector<1x16xf32> to vector<16xf32>
        %add3A_1194 = arith.addf %get3A_1189, %get3A_1193 : vector<16xf32>
        %mul3A_1195 = arith.constant 4 : i32
        %mul3A_1196 = arith.muli %scan3A_406, %mul3A_1195 : i32
        %add3A_1197 = arith.constant 3 : i32
        %add3A_1198 = arith.addi %mul3A_1196, %add3A_1197 : i32
        %swap3A_1199 = arith.constant 0 : i32
        %swap3A_1200 = arith.index_cast %swap3A_1199 : i32 to index
        %swap3A_1201 = arith.index_cast %add3A_1198 : i32 to index
        %swap3A_1202 = arith.constant 48 : index
        %swap3A_1203 = tpu.vector_load %arg10[%swap3A_1200, %swap3A_1201, %swap3A_1202] {strides = array<i32>} : memref<2x64x128xf32, #tpu.memory_space<vmem>>, vector<1x1x16xf32>,
        %swap3A_1204 = vector.shape_cast %swap3A_1203 : vector<1x1x16xf32> to vector<16xf32>
        %swap3A_1205 = vector.shape_cast %add3A_1194 : vector<16xf32> to vector<1x1x16xf32>
        tpu.vector_store %arg10[%swap3A_1200, %swap3A_1201, %swap3A_1202], %swap3A_1205 {strides = array<i32>} : memref<2x64x128xf32, #tpu.memory_space<vmem>>, vector<1x1x16xf32>,
        %mul3A_1206 = arith.constant 16 : i32
        %mul3A_1207 = arith.muli %scan3A_406, %mul3A_1206 : i32
        %add3A_1208 = arith.constant 14 : i32
        %add3A_1209 = arith.addi %mul3A_1207, %add3A_1208 : i32
        %slice3A_1210 = vector.extract_strided_slice %and3A_421 {offsets = [14], sizes = [1], strides = [1]} : vector<16xi32> to vector<1xi32>
        %squeeze3A_1211 = vector.extract %slice3A_1210[0] : i32 from vector<1xi32>
        %slice3A_1212 = vector.extract_strided_slice %shift_right_logical3A_424 {offsets = [14], sizes = [1], strides = [1]} : vector<16xi32> to vector<1xi32>
        %squeeze3A_1213 = vector.extract %slice3A_1212[0] : i32 from vector<1xi32>
        %add3A_1214 = arith.constant 0 : i32
        %add3A_1215 = arith.addi %squeeze3A_1211, %add3A_1214 : i32
        %get3A_1216 = arith.constant 0 : i32
        %get3A_1217 = arith.index_cast %get3A_1216 : i32 to index
        %get3A_1218 = arith.index_cast %add3A_1209 : i32 to index
        %get3A_1219 = arith.index_cast %add3A_1215 : i32 to index
        %get3A_1220 = tpu.vector_load %arg9[%get3A_1217, %get3A_1218, %get3A_1219] {strides = array<i32>} : memref<2x256x128xf32, #tpu.memory_space<vmem>>, vector<1x1x16xf32>,
        %get3A_1221 = vector.shape_cast %get3A_1220 : vector<1x1x16xf32> to vector<16xf32>
        %get3A_1222 = arith.index_cast %squeeze3A_1213 : i32 to index
        %get3A_1223 = arith.constant 0 : index
        %get3A_1224 = tpu.vector_load %arg11[%get3A_1222, %get3A_1223] {strides = array<i32>} : memref<104x128xf32, #tpu.memory_space<vmem>>, vector<1x16xf32>,
        %get3A_1225 = vector.shape_cast %get3A_1224 : vector<1x16xf32> to vector<16xf32>
        %add3A_1226 = arith.addf %get3A_1221, %get3A_1225 : vector<16xf32>
        %mul3A_1227 = arith.constant 4 : i32
        %mul3A_1228 = arith.muli %scan3A_406, %mul3A_1227 : i32
        %add3A_1229 = arith.constant 3 : i32
        %add3A_1230 = arith.addi %mul3A_1228, %add3A_1229 : i32
        %swap3A_1231 = arith.constant 0 : i32
        %swap3A_1232 = arith.index_cast %swap3A_1231 : i32 to index
        %swap3A_1233 = arith.index_cast %add3A_1230 : i32 to index
        %swap3A_1234 = arith.constant 64 : index
        %swap3A_1235 = tpu.vector_load %arg10[%swap3A_1232, %swap3A_1233, %swap3A_1234] {strides = array<i32>} : memref<2x64x128xf32, #tpu.memory_space<vmem>>, vector<1x1x16xf32>,
        %swap3A_1236 = vector.shape_cast %swap3A_1235 : vector<1x1x16xf32> to vector<16xf32>
        %swap3A_1237 = vector.shape_cast %add3A_1226 : vector<16xf32> to vector<1x1x16xf32>
        tpu.vector_store %arg10[%swap3A_1232, %swap3A_1233, %swap3A_1234], %swap3A_1237 {strides = array<i32>} : memref<2x64x128xf32, #tpu.memory_space<vmem>>, vector<1x1x16xf32>,
        %add3A_1238 = arith.constant 16 : i32
        %add3A_1239 = arith.addi %squeeze3A_1211, %add3A_1238 : i32
        %get3A_1240 = arith.constant 0 : i32
        %get3A_1241 = arith.index_cast %get3A_1240 : i32 to index
        %get3A_1242 = arith.index_cast %add3A_1209 : i32 to index
        %get3A_1243 = arith.index_cast %add3A_1239 : i32 to index
        %get3A_1244 = tpu.vector_load %arg9[%get3A_1241, %get3A_1242, %get3A_1243] {strides = array<i32>} : memref<2x256x128xf32, #tpu.memory_space<vmem>>, vector<1x1x16xf32>,
        %get3A_1245 = vector.shape_cast %get3A_1244 : vector<1x1x16xf32> to vector<16xf32>
        %get3A_1246 = arith.index_cast %squeeze3A_1213 : i32 to index
        %get3A_1247 = arith.constant 16 : index
        %get3A_1248 = tpu.vector_load %arg11[%get3A_1246, %get3A_1247] {strides = array<i32>} : memref<104x128xf32, #tpu.memory_space<vmem>>, vector<1x16xf32>,
        %get3A_1249 = vector.shape_cast %get3A_1248 : vector<1x16xf32> to vector<16xf32>
        %add3A_1250 = arith.addf %get3A_1245, %get3A_1249 : vector<16xf32>
        %mul3A_1251 = arith.constant 4 : i32
        %mul3A_1252 = arith.muli %scan3A_406, %mul3A_1251 : i32
        %add3A_1253 = arith.constant 3 : i32
        %add3A_1254 = arith.addi %mul3A_1252, %add3A_1253 : i32
        %swap3A_1255 = arith.constant 0 : i32
        %swap3A_1256 = arith.index_cast %swap3A_1255 : i32 to index
        %swap3A_1257 = arith.index_cast %add3A_1254 : i32 to index
        %swap3A_1258 = arith.constant 80 : index
        %swap3A_1259 = tpu.vector_load %arg10[%swap3A_1256, %swap3A_1257, %swap3A_1258] {strides = array<i32>} : memref<2x64x128xf32, #tpu.memory_space<vmem>>, vector<1x1x16xf32>,
        %swap3A_1260 = vector.shape_cast %swap3A_1259 : vector<1x1x16xf32> to vector<16xf32>
        %swap3A_1261 = vector.shape_cast %add3A_1250 : vector<16xf32> to vector<1x1x16xf32>
        tpu.vector_store %arg10[%swap3A_1256, %swap3A_1257, %swap3A_1258], %swap3A_1261 {strides = array<i32>} : memref<2x64x128xf32, #tpu.memory_space<vmem>>, vector<1x1x16xf32>,
        %mul3A_1262 = arith.constant 16 : i32
        %mul3A_1263 = arith.muli %scan3A_406, %mul3A_1262 : i32
        %add3A_1264 = arith.constant 15 : i32
        %add3A_1265 = arith.addi %mul3A_1263, %add3A_1264 : i32
        %slice3A_1266 = vector.extract_strided_slice %and3A_421 {offsets = [15], sizes = [1], strides = [1]} : vector<16xi32> to vector<1xi32>
        %squeeze3A_1267 = vector.extract %slice3A_1266[0] : i32 from vector<1xi32>
        %slice3A_1268 = vector.extract_strided_slice %shift_right_logical3A_424 {offsets = [15], sizes = [1], strides = [1]} : vector<16xi32> to vector<1xi32>
        %squeeze3A_1269 = vector.extract %slice3A_1268[0] : i32 from vector<1xi32>
        %add3A_1270 = arith.constant 0 : i32
        %add3A_1271 = arith.addi %squeeze3A_1267, %add3A_1270 : i32
        %get3A_1272 = arith.constant 0 : i32
        %get3A_1273 = arith.index_cast %get3A_1272 : i32 to index
        %get3A_1274 = arith.index_cast %add3A_1265 : i32 to index
        %get3A_1275 = arith.index_cast %add3A_1271 : i32 to index
        %get3A_1276 = tpu.vector_load %arg9[%get3A_1273, %get3A_1274, %get3A_1275] {strides = array<i32>} : memref<2x256x128xf32, #tpu.memory_space<vmem>>, vector<1x1x16xf32>,
        %get3A_1277 = vector.shape_cast %get3A_1276 : vector<1x1x16xf32> to vector<16xf32>
        %get3A_1278 = arith.index_cast %squeeze3A_1269 : i32 to index
        %get3A_1279 = arith.constant 0 : index
        %get3A_1280 = tpu.vector_load %arg11[%get3A_1278, %get3A_1279] {strides = array<i32>} : memref<104x128xf32, #tpu.memory_space<vmem>>, vector<1x16xf32>,
        %get3A_1281 = vector.shape_cast %get3A_1280 : vector<1x16xf32> to vector<16xf32>
        %add3A_1282 = arith.addf %get3A_1277, %get3A_1281 : vector<16xf32>
        %mul3A_1283 = arith.constant 4 : i32
        %mul3A_1284 = arith.muli %scan3A_406, %mul3A_1283 : i32
        %add3A_1285 = arith.constant 3 : i32
        %add3A_1286 = arith.addi %mul3A_1284, %add3A_1285 : i32
        %swap3A_1287 = arith.constant 0 : i32
        %swap3A_1288 = arith.index_cast %swap3A_1287 : i32 to index
        %swap3A_1289 = arith.index_cast %add3A_1286 : i32 to index
        %swap3A_1290 = arith.constant 96 : index
        %swap3A_1291 = tpu.vector_load %arg10[%swap3A_1288, %swap3A_1289, %swap3A_1290] {strides = array<i32>} : memref<2x64x128xf32, #tpu.memory_space<vmem>>, vector<1x1x16xf32>,
        %swap3A_1292 = vector.shape_cast %swap3A_1291 : vector<1x1x16xf32> to vector<16xf32>
        %swap3A_1293 = vector.shape_cast %add3A_1282 : vector<16xf32> to vector<1x1x16xf32>
        tpu.vector_store %arg10[%swap3A_1288, %swap3A_1289, %swap3A_1290], %swap3A_1293 {strides = array<i32>} : memref<2x64x128xf32, #tpu.memory_space<vmem>>, vector<1x1x16xf32>,
        %add3A_1294 = arith.constant 16 : i32
        %add3A_1295 = arith.addi %squeeze3A_1267, %add3A_1294 : i32
        %get3A_1296 = arith.constant 0 : i32
        %get3A_1297 = arith.index_cast %get3A_1296 : i32 to index
        %get3A_1298 = arith.index_cast %add3A_1265 : i32 to index
        %get3A_1299 = arith.index_cast %add3A_1295 : i32 to index
        %get3A_1300 = tpu.vector_load %arg9[%get3A_1297, %get3A_1298, %get3A_1299] {strides = array<i32>} : memref<2x256x128xf32, #tpu.memory_space<vmem>>, vector<1x1x16xf32>,
        %get3A_1301 = vector.shape_cast %get3A_1300 : vector<1x1x16xf32> to vector<16xf32>
        %get3A_1302 = arith.index_cast %squeeze3A_1269 : i32 to index
        %get3A_1303 = arith.constant 16 : index
        %get3A_1304 = tpu.vector_load %arg11[%get3A_1302, %get3A_1303] {strides = array<i32>} : memref<104x128xf32, #tpu.memory_space<vmem>>, vector<1x16xf32>,
        %get3A_1305 = vector.shape_cast %get3A_1304 : vector<1x16xf32> to vector<16xf32>
        %add3A_1306 = arith.addf %get3A_1301, %get3A_1305 : vector<16xf32>
        %mul3A_1307 = arith.constant 4 : i32
        %mul3A_1308 = arith.muli %scan3A_406, %mul3A_1307 : i32
        %add3A_1309 = arith.constant 3 : i32
        %add3A_1310 = arith.addi %mul3A_1308, %add3A_1309 : i32
        %swap3A_1311 = arith.constant 0 : i32
        %swap3A_1312 = arith.index_cast %swap3A_1311 : i32 to index
        %swap3A_1313 = arith.index_cast %add3A_1310 : i32 to index
        %swap3A_1314 = arith.constant 112 : index
        %swap3A_1315 = tpu.vector_load %arg10[%swap3A_1312, %swap3A_1313, %swap3A_1314] {strides = array<i32>} : memref<2x64x128xf32, #tpu.memory_space<vmem>>, vector<1x1x16xf32>,
        %swap3A_1316 = vector.shape_cast %swap3A_1315 : vector<1x1x16xf32> to vector<16xf32>
        %swap3A_1317 = vector.shape_cast %add3A_1306 : vector<16xf32> to vector<1x1x16xf32>
        tpu.vector_store %arg10[%swap3A_1312, %swap3A_1313, %swap3A_1314], %swap3A_1317 {strides = array<i32>} : memref<2x64x128xf32, #tpu.memory_space<vmem>>, vector<1x1x16xf32>,
      }
      %scan3A_242 = arith.constant 16 : i32
      %jit3A_243 = arith.constant 4 : i32
      %div3A_244 = arith.divsi %multiple_of3A, %jit3A_243 : i32
      %sign3A_245 = arith.constant 0 : i32
      %sign3A_246 = arith.cmpi sgt, %multiple_of3A, %sign3A_245 : i32
      %sign3A_247 = arith.extui %sign3A_246 : i1 to i32
      %sign3A_248 = arith.constant 0 : i32
      %sign3A_249 = arith.cmpi slt, %multiple_of3A, %sign3A_248 : i32
      %sign3A_250 = arith.extui %sign3A_249 : i1 to i32
      %sign3A_251 = arith.subi %sign3A_247, %sign3A_250 : i32
      %sign3A_252 = arith.constant 0 : i32
      %sign3A_253 = arith.cmpi sgt, %jit3A_243, %sign3A_252 : i32
      %sign3A_254 = arith.extui %sign3A_253 : i1 to i32
      %sign3A_255 = arith.constant 0 : i32
      %sign3A_256 = arith.cmpi slt, %jit3A_243, %sign3A_255 : i32
      %sign3A_257 = arith.extui %sign3A_256 : i1 to i32
      %sign3A_258 = arith.subi %sign3A_254, %sign3A_257 : i32
      %ne3A_259 = arith.cmpi ne, %sign3A_251, %sign3A_258 : i32
      %rem3A_260 = arith.remsi %multiple_of3A, %jit3A_243 : i32
      %ne3A_261 = arith.constant 0 : i32
      %ne3A_262 = arith.cmpi ne, %rem3A_260, %ne3A_261 : i32
      %and3A_263 = arith.andi %ne3A_259, %ne3A_262 : i1
      %sub3A_264 = arith.constant 1 : i32
      %sub3A_265 = arith.subi %div3A_244, %sub3A_264 : i32
      %select_n3A_266 = arith.select %and3A_263, %sub3A_265, %div3A_244 : i32
      %mul3A_267 = arith.constant 64 : i32
      %mul3A_268 = arith.muli %mul3A_170, %mul3A_267 : i32
      %add3A_269 = arith.addi %select_n3A_266, %mul3A_268 : i32
      %multiple_of3A_270 = tpu.assume_multiple %add3A_269, 64 : i32
      %dma_start3A_271 = arith.constant 0 : i32
      %dma_start3A_272 = arith.constant 0 : i32
      %dma_start3A_273 = arith.constant 0 : i32
      %dma_start3A_274 = arith.constant 0 : i32
      %dma_start3A_275 = tpu.memref_slice %arg10[%dma_start3A_271, %dma_start3A_273, %dma_start3A_274] : memref<2x64x128xf32, #tpu.memory_space<vmem>> -> memref<1x64x128xf32, #tpu.memory_space<vmem>>
      %dma_start3A_276 = tpu.memref_squeeze %dma_start3A_275 : memref<1x64x128xf32, #tpu.memory_space<vmem>> -> memref<64x128xf32, #tpu.memory_space<vmem>>
      %dma_start3A_277 = arith.constant 0 : i32
      %dma_start3A_278 = tpu.memref_slice %arg6[%multiple_of3A_270, %dma_start3A_277] : memref<51200x128xf32, #tpu.memory_space<hbm>> -> memref<64x128xf32, #tpu.memory_space<hbm>>
      %dma_start3A_279 = tpu.memref_slice %arg13[%dma_start3A_272] : memref<2x!tpu.dma_semaphore, #tpu.memory_space<semaphore_mem>> -> memref<1x!tpu.dma_semaphore, #tpu.memory_space<semaphore_mem>>
      %dma_start3A_280 = tpu.memref_squeeze %dma_start3A_279 : memref<1x!tpu.dma_semaphore, #tpu.memory_space<semaphore_mem>> -> memref<!tpu.dma_semaphore, #tpu.memory_space<semaphore_mem>>
      %dma_start3A_281 = arith.constant 0 : i32
      %dma_start3A_282 = tpu.memref_slice %arg6[%multiple_of3A_270, %dma_start3A_281] : memref<51200x128xf32, #tpu.memory_space<hbm>> -> memref<64x128xf32, #tpu.memory_space<hbm>>
      %dma_start3A_283 = arith.constant 0 : i32
      %dma_start3A_284 = arith.constant 0 : i32
      %dma_start3A_285 = tpu.memref_slice %arg10[%dma_start3A_271, %dma_start3A_283, %dma_start3A_284] : memref<2x64x128xf32, #tpu.memory_space<vmem>> -> memref<1x64x128xf32, #tpu.memory_space<vmem>>
      %dma_start3A_286 = tpu.memref_squeeze %dma_start3A_285 : memref<1x64x128xf32, #tpu.memory_space<vmem>> -> memref<64x128xf32, #tpu.memory_space<vmem>>
      tpu.enqueue_dma source(%dma_start3A_286 : memref<64x128xf32, #tpu.memory_space<vmem>>) target(%dma_start3A_282 : memref<64x128xf32, #tpu.memory_space<hbm>>) target_semaphore(%dma_start3A_280 : memref<!tpu.dma_semaphore, #tpu.memory_space<semaphore_mem>>)
      %add3A_287 = arith.constant 2 : i32
      %add3A_288 = arith.addi %mul3A_170, %add3A_287 : i32
      %mul3A_289 = arith.constant 2 : i32
      %mul3A_290 = arith.muli %add3A_288, %mul3A_289 : i32
      %add3A_291 = arith.addi %sub3A, %mul3A_290 : i32
      %add3A_292 = arith.constant 0 : i32
      %add3A_293 = arith.addi %add3A_291, %add3A_292 : i32
      %dma_start3A_294 = arith.constant 0 : i32
      %dma_start3A_295 = arith.constant 0 : i32
      %dma_start3A_296 = arith.constant 0 : i32
      %dma_start3A_297 = arith.constant 0 : i32
      %dma_start3A_298 = tpu.memref_slice %arg9[%dma_start3A_294, %dma_start3A_296, %dma_start3A_297] : memref<2x256x128xf32, #tpu.memory_space<vmem>> -> memref<1x256x128xf32, #tpu.memory_space<vmem>>
      %dma_start3A_299 = tpu.memref_squeeze %dma_start3A_298 : memref<1x256x128xf32, #tpu.memory_space<vmem>> -> memref<256x128xf32, #tpu.memory_space<vmem>>
      %dma_start3A_300 = arith.constant 0 : i32
      %dma_start3A_301 = arith.constant 0 : i32
      %dma_start3A_302 = tpu.memref_slice %dma_start3A_299[%dma_start3A_300, %dma_start3A_301] : memref<256x128xf32, #tpu.memory_space<vmem>> -> memref<128x128xf32, #tpu.memory_space<vmem>>
      %dma_start3A_303 = arith.constant 0 : i32
      %dma_start3A_304 = tpu.memref_slice %arg7[%add3A_293, %dma_start3A_303] : memref<64x128xi32, #tpu.memory_space<vmem>> -> memref<1x128xi32, #tpu.memory_space<vmem>>
      %dma_start3A_305 = tpu.memref_squeeze %dma_start3A_304 : memref<1x128xi32, #tpu.memory_space<vmem>> -> memref<128xi32, #tpu.memory_space<vmem>>
      %dma_start3A_306 = arith.constant 0 : i32
      %dma_start3A_307 = arith.constant 0 : i32
      %dma_start3A_308 = tpu.memref_slice %arg4[%dma_start3A_306, %dma_start3A_307] : memref<250000x128xf32, #tpu.memory_space<hbm>> -> memref<250000x128xf32, #tpu.memory_space<hbm>>
      %dma_start3A_309 = tpu.memref_slice %arg12[%dma_start3A_295] : memref<2x!tpu.dma_semaphore, #tpu.memory_space<semaphore_mem>> -> memref<1x!tpu.dma_semaphore, #tpu.memory_space<semaphore_mem>>
      %dma_start3A_310 = tpu.memref_squeeze %dma_start3A_309 : memref<1x!tpu.dma_semaphore, #tpu.memory_space<semaphore_mem>> -> memref<!tpu.dma_semaphore, #tpu.memory_space<semaphore_mem>>
      tpu.enqueue_indirect_dma source(%dma_start3A_308 : memref<250000x128xf32, #tpu.memory_space<hbm>>) target(%dma_start3A_302 : memref<128x128xf32, #tpu.memory_space<vmem>>) offsets(%dma_start3A_305 : memref<128xi32, #tpu.memory_space<vmem>>) semaphore(%dma_start3A_310 : memref<!tpu.dma_semaphore, #tpu.memory_space<semaphore_mem>>)
      %mul3A_311 = arith.constant 2 : i32
      %mul3A_312 = arith.muli %add3A_288, %mul3A_311 : i32
      %add3A_313 = arith.addi %sub3A, %mul3A_312 : i32
      %add3A_314 = arith.constant 1 : i32
      %add3A_315 = arith.addi %add3A_313, %add3A_314 : i32
      %dma_start3A_316 = arith.constant 0 : i32
      %dma_start3A_317 = arith.constant 0 : i32
      %dma_start3A_318 = arith.constant 0 : i32
      %dma_start3A_319 = arith.constant 0 : i32
      %dma_start3A_320 = tpu.memref_slice %arg9[%dma_start3A_316, %dma_start3A_318, %dma_start3A_319] : memref<2x256x128xf32, #tpu.memory_space<vmem>> -> memref<1x256x128xf32, #tpu.memory_space<vmem>>
      %dma_start3A_321 = tpu.memref_squeeze %dma_start3A_320 : memref<1x256x128xf32, #tpu.memory_space<vmem>> -> memref<256x128xf32, #tpu.memory_space<vmem>>
      %dma_start3A_322 = arith.constant 128 : i32
      %dma_start3A_323 = arith.constant 0 : i32
      %dma_start3A_324 = tpu.memref_slice %dma_start3A_321[%dma_start3A_322, %dma_start3A_323] : memref<256x128xf32, #tpu.memory_space<vmem>> -> memref<128x128xf32, #tpu.memory_space<vmem>>
      %dma_start3A_325 = arith.constant 0 : i32
      %dma_start3A_326 = tpu.memref_slice %arg7[%add3A_315, %dma_start3A_325] : memref<64x128xi32, #tpu.memory_space<vmem>> -> memref<1x128xi32, #tpu.memory_space<vmem>>
      %dma_start3A_327 = tpu.memref_squeeze %dma_start3A_326 : memref<1x128xi32, #tpu.memory_space<vmem>> -> memref<128xi32, #tpu.memory_space<vmem>>
      %dma_start3A_328 = arith.constant 0 : i32
      %dma_start3A_329 = arith.constant 0 : i32
      %dma_start3A_330 = tpu.memref_slice %arg4[%dma_start3A_328, %dma_start3A_329] : memref<250000x128xf32, #tpu.memory_space<hbm>> -> memref<250000x128xf32, #tpu.memory_space<hbm>>
      %dma_start3A_331 = tpu.memref_slice %arg12[%dma_start3A_317] : memref<2x!tpu.dma_semaphore, #tpu.memory_space<semaphore_mem>> -> memref<1x!tpu.dma_semaphore, #tpu.memory_space<semaphore_mem>>
      %dma_start3A_332 = tpu.memref_squeeze %dma_start3A_331 : memref<1x!tpu.dma_semaphore, #tpu.memory_space<semaphore_mem>> -> memref<!tpu.dma_semaphore, #tpu.memory_space<semaphore_mem>>
      tpu.enqueue_indirect_dma source(%dma_start3A_330 : memref<250000x128xf32, #tpu.memory_space<hbm>>) target(%dma_start3A_324 : memref<128x128xf32, #tpu.memory_space<vmem>>) offsets(%dma_start3A_327 : memref<128xi32, #tpu.memory_space<vmem>>) semaphore(%dma_start3A_332 : memref<!tpu.dma_semaphore, #tpu.memory_space<semaphore_mem>>)
      %dma_wait3A_333 = arith.constant 1 : i32
      %dma_wait3A_334 = arith.constant 1 : i32
      %dma_wait3A_335 = arith.constant 0 : i32
      %dma_wait3A_336 = arith.constant 0 : i32
      %dma_wait3A_337 = tpu.memref_slice %arg9[%dma_wait3A_333, %dma_wait3A_335, %dma_wait3A_336] : memref<2x256x128xf32, #tpu.memory_space<vmem>> -> memref<1x256x128xf32, #tpu.memory_space<vmem>>
      %dma_wait3A_338 = tpu.memref_squeeze %dma_wait3A_337 : memref<1x256x128xf32, #tpu.memory_space<vmem>> -> memref<256x128xf32, #tpu.memory_space<vmem>>
      %dma_wait3A_339 = arith.constant 0 : i32
      %dma_wait3A_340 = arith.constant 0 : i32
      %dma_wait3A_341 = tpu.memref_slice %arg4[%dma_wait3A_339, %dma_wait3A_340] : memref<250000x128xf32, #tpu.memory_space<hbm>> -> memref<256x128xf32, #tpu.memory_space<hbm>>
      %dma_wait3A_342 = tpu.memref_slice %arg12[%dma_wait3A_334] : memref<2x!tpu.dma_semaphore, #tpu.memory_space<semaphore_mem>> -> memref<1x!tpu.dma_semaphore, #tpu.memory_space<semaphore_mem>>
      %dma_wait3A_343 = tpu.memref_squeeze %dma_wait3A_342 : memref<1x!tpu.dma_semaphore, #tpu.memory_space<semaphore_mem>> -> memref<!tpu.dma_semaphore, #tpu.memory_space<semaphore_mem>>
      %dma_wait3A_344 = arith.constant 0 : i32
      %dma_wait3A_345 = arith.constant 0 : i32
      %dma_wait3A_346 = tpu.memref_slice %arg9[%dma_wait3A_333, %dma_wait3A_344, %dma_wait3A_345] : memref<2x256x128xf32, #tpu.memory_space<vmem>> -> memref<1x256x128xf32, #tpu.memory_space<vmem>>
      %dma_wait3A_347 = tpu.memref_squeeze %dma_wait3A_346 : memref<1x256x128xf32, #tpu.memory_space<vmem>> -> memref<256x128xf32, #tpu.memory_space<vmem>>
      %dma_wait3A_348 = arith.constant 0 : i32
      %dma_wait3A_349 = arith.constant 0 : i32
      %dma_wait3A_350 = tpu.memref_slice %arg4[%dma_wait3A_348, %dma_wait3A_349] : memref<250000x128xf32, #tpu.memory_space<hbm>> -> memref<256x128xf32, #tpu.memory_space<hbm>>
      tpu.wait_dma2 semaphore(%dma_wait3A_343 : memref<!tpu.dma_semaphore, #tpu.memory_space<semaphore_mem>>) src(%dma_wait3A_350 : memref<256x128xf32, #tpu.memory_space<hbm>>) dst(%dma_wait3A_347 : memref<256x128xf32, #tpu.memory_space<vmem>>)
      %gt3A_351 = arith.constant 0 : i32
      %gt3A_352 = arith.cmpi sgt, %scan3A_168, %gt3A_351 : i32
      %convert_element_type3A_353 = arith.extui %gt3A_352 : i1 to i32
      %cond3A_354 = arith.constant 0 : i32
      %cond3A_355 = arith.cmpi ne, %convert_element_type3A_353, %cond3A_354 : i32
      scf.if %cond3A_355 {
        %dma_wait3A_406 = arith.constant 1 : i32
        %dma_wait3A_407 = arith.constant 1 : i32
        %dma_wait3A_408 = arith.constant 0 : i32
        %dma_wait3A_409 = arith.constant 0 : i32
        %dma_wait3A_410 = tpu.memref_slice %arg10[%dma_wait3A_406, %dma_wait3A_408, %dma_wait3A_409] : memref<2x64x128xf32, #tpu.memory_space<vmem>> -> memref<1x64x128xf32, #tpu.memory_space<vmem>>
        %dma_wait3A_411 = tpu.memref_squeeze %dma_wait3A_410 : memref<1x64x128xf32, #tpu.memory_space<vmem>> -> memref<64x128xf32, #tpu.memory_space<vmem>>
        %dma_wait3A_412 = arith.constant 0 : i32
        %dma_wait3A_413 = arith.constant 0 : i32
        %dma_wait3A_414 = tpu.memref_slice %arg6[%dma_wait3A_412, %dma_wait3A_413] : memref<51200x128xf32, #tpu.memory_space<hbm>> -> memref<64x128xf32, #tpu.memory_space<hbm>>
        %dma_wait3A_415 = tpu.memref_slice %arg13[%dma_wait3A_407] : memref<2x!tpu.dma_semaphore, #tpu.memory_space<semaphore_mem>> -> memref<1x!tpu.dma_semaphore, #tpu.memory_space<semaphore_mem>>
        %dma_wait3A_416 = tpu.memref_squeeze %dma_wait3A_415 : memref<1x!tpu.dma_semaphore, #tpu.memory_space<semaphore_mem>> -> memref<!tpu.dma_semaphore, #tpu.memory_space<semaphore_mem>>
        %dma_wait3A_417 = arith.constant 0 : i32
        %dma_wait3A_418 = arith.constant 0 : i32
        %dma_wait3A_419 = tpu.memref_slice %arg10[%dma_wait3A_406, %dma_wait3A_417, %dma_wait3A_418] : memref<2x64x128xf32, #tpu.memory_space<vmem>> -> memref<1x64x128xf32, #tpu.memory_space<vmem>>
        %dma_wait3A_420 = tpu.memref_squeeze %dma_wait3A_419 : memref<1x64x128xf32, #tpu.memory_space<vmem>> -> memref<64x128xf32, #tpu.memory_space<vmem>>
        %dma_wait3A_421 = arith.constant 0 : i32
        %dma_wait3A_422 = arith.constant 0 : i32
        %dma_wait3A_423 = tpu.memref_slice %arg6[%dma_wait3A_421, %dma_wait3A_422] : memref<51200x128xf32, #tpu.memory_space<hbm>> -> memref<64x128xf32, #tpu.memory_space<hbm>>
        tpu.wait_dma2 semaphore(%dma_wait3A_416 : memref<!tpu.dma_semaphore, #tpu.memory_space<semaphore_mem>>) src(%dma_wait3A_423 : memref<64x128xf32, #tpu.memory_space<hbm>>) dst(%dma_wait3A_420 : memref<64x128xf32, #tpu.memory_space<vmem>>)
      } else {
      }
      %scan3A_356 = arith.constant 0 : i32
      %scan3A_357 = arith.constant 0 : i32
      %scan3A_358 = arith.constant 16 : i32
      %scan3A_359 = arith.addi %scan3A_357, %scan3A_358 : i32
      %scan3A_360 = arith.constant 1 : i32
      scf.for %scan3A_406 = %scan3A_357 to %scan3A_359 step %scan3A_360  : i32 {
        %mul3A_407 = arith.constant 2 : i32
        %mul3A_408 = arith.muli %add3A_172, %mul3A_407 : i32
        %add3A_409 = arith.addi %sub3A, %mul3A_408 : i32
        %shift_right_logical3A = arith.constant 3 : i32
        %shift_right_logical3A_410 = arith.shrui %scan3A_406, %shift_right_logical3A : i32
        %add3A_411 = arith.addi %add3A_409, %shift_right_logical3A_410 : i32
        %and3A_412 = arith.constant 7 : i32
        %and3A_413 = arith.andi %scan3A_406, %and3A_412 : i32
        %shift_left3A_414 = arith.constant 4 : i32
        %shift_left3A_415 = arith.shli %and3A_413, %shift_left3A_414 : i32
        %get3A = arith.index_cast %add3A_411 : i32 to index
        %get3A_416 = arith.index_cast %shift_left3A_415 : i32 to index
        %get3A_417 = tpu.vector_load %arg8[%get3A, %get3A_416] {strides = array<i32>} : memref<64x128xi32, #tpu.memory_space<vmem>>, vector<1x16xi32>,
        %get3A_418 = vector.shape_cast %get3A_417 : vector<1x16xi32> to vector<16xi32>
        %and3A_419 = arith.constant 255 : i32
        %and3A_420 = vector.broadcast %and3A_419 : i32 to vector<16xi32>
        %and3A_421 = arith.andi %get3A_418, %and3A_420 : vector<16xi32>
        %shift_right_logical3A_422 = arith.constant 16 : i32
        %shift_right_logical3A_423 = vector.broadcast %shift_right_logical3A_422 : i32 to vector<16xi32>
        %shift_right_logical3A_424 = arith.shrui %get3A_418, %shift_right_logical3A_423 : vector<16xi32>
        %mul3A_425 = arith.constant 16 : i32
        %mul3A_426 = arith.muli %scan3A_406, %mul3A_425 : i32
        %add3A_427 = arith.constant 0 : i32
        %add3A_428 = arith.addi %mul3A_426, %add3A_427 : i32
        %slice3A = vector.extract_strided_slice %and3A_421 {offsets = [0], sizes = [1], strides = [1]} : vector<16xi32> to vector<1xi32>
        %squeeze3A = vector.extract %slice3A[0] : i32 from vector<1xi32>
        %slice3A_429 = vector.extract_strided_slice %shift_right_logical3A_424 {offsets = [0], sizes = [1], strides = [1]} : vector<16xi32> to vector<1xi32>
        %squeeze3A_430 = vector.extract %slice3A_429[0] : i32 from vector<1xi32>
        %add3A_431 = arith.constant 0 : i32
        %add3A_432 = arith.addi %squeeze3A, %add3A_431 : i32
        %get3A_433 = arith.constant 1 : i32
        %get3A_434 = arith.index_cast %get3A_433 : i32 to index
        %get3A_435 = arith.index_cast %add3A_428 : i32 to index
        %get3A_436 = arith.index_cast %add3A_432 : i32 to index
        %get3A_437 = tpu.vector_load %arg9[%get3A_434, %get3A_435, %get3A_436] {strides = array<i32>} : memref<2x256x128xf32, #tpu.memory_space<vmem>>, vector<1x1x16xf32>,
        %get3A_438 = vector.shape_cast %get3A_437 : vector<1x1x16xf32> to vector<16xf32>
        %get3A_439 = arith.index_cast %squeeze3A_430 : i32 to index
        %get3A_440 = arith.constant 0 : index
        %get3A_441 = tpu.vector_load %arg11[%get3A_439, %get3A_440] {strides = array<i32>} : memref<104x128xf32, #tpu.memory_space<vmem>>, vector<1x16xf32>,
        %get3A_442 = vector.shape_cast %get3A_441 : vector<1x16xf32> to vector<16xf32>
        %add3A_443 = arith.addf %get3A_438, %get3A_442 : vector<16xf32>
        %mul3A_444 = arith.constant 4 : i32
        %mul3A_445 = arith.muli %scan3A_406, %mul3A_444 : i32
        %add3A_446 = arith.constant 0 : i32
        %add3A_447 = arith.addi %mul3A_445, %add3A_446 : i32
        %swap3A = arith.constant 1 : i32
        %swap3A_448 = arith.index_cast %swap3A : i32 to index
        %swap3A_449 = arith.index_cast %add3A_447 : i32 to index
        %swap3A_450 = arith.constant 0 : index
        %swap3A_451 = tpu.vector_load %arg10[%swap3A_448, %swap3A_449, %swap3A_450] {strides = array<i32>} : memref<2x64x128xf32, #tpu.memory_space<vmem>>, vector<1x1x16xf32>,
        %swap3A_452 = vector.shape_cast %swap3A_451 : vector<1x1x16xf32> to vector<16xf32>
        %swap3A_453 = vector.shape_cast %add3A_443 : vector<16xf32> to vector<1x1x16xf32>
        tpu.vector_store %arg10[%swap3A_448, %swap3A_449, %swap3A_450], %swap3A_453 {strides = array<i32>} : memref<2x64x128xf32, #tpu.memory_space<vmem>>, vector<1x1x16xf32>,
        %add3A_454 = arith.constant 16 : i32
        %add3A_455 = arith.addi %squeeze3A, %add3A_454 : i32
        %get3A_456 = arith.constant 1 : i32
        %get3A_457 = arith.index_cast %get3A_456 : i32 to index
        %get3A_458 = arith.index_cast %add3A_428 : i32 to index
        %get3A_459 = arith.index_cast %add3A_455 : i32 to index
        %get3A_460 = tpu.vector_load %arg9[%get3A_457, %get3A_458, %get3A_459] {strides = array<i32>} : memref<2x256x128xf32, #tpu.memory_space<vmem>>, vector<1x1x16xf32>,
        %get3A_461 = vector.shape_cast %get3A_460 : vector<1x1x16xf32> to vector<16xf32>
        %get3A_462 = arith.index_cast %squeeze3A_430 : i32 to index
        %get3A_463 = arith.constant 16 : index
        %get3A_464 = tpu.vector_load %arg11[%get3A_462, %get3A_463] {strides = array<i32>} : memref<104x128xf32, #tpu.memory_space<vmem>>, vector<1x16xf32>,
        %get3A_465 = vector.shape_cast %get3A_464 : vector<1x16xf32> to vector<16xf32>
        %add3A_466 = arith.addf %get3A_461, %get3A_465 : vector<16xf32>
        %mul3A_467 = arith.constant 4 : i32
        %mul3A_468 = arith.muli %scan3A_406, %mul3A_467 : i32
        %add3A_469 = arith.constant 0 : i32
        %add3A_470 = arith.addi %mul3A_468, %add3A_469 : i32
        %swap3A_471 = arith.constant 1 : i32
        %swap3A_472 = arith.index_cast %swap3A_471 : i32 to index
        %swap3A_473 = arith.index_cast %add3A_470 : i32 to index
        %swap3A_474 = arith.constant 16 : index
        %swap3A_475 = tpu.vector_load %arg10[%swap3A_472, %swap3A_473, %swap3A_474] {strides = array<i32>} : memref<2x64x128xf32, #tpu.memory_space<vmem>>, vector<1x1x16xf32>,
        %swap3A_476 = vector.shape_cast %swap3A_475 : vector<1x1x16xf32> to vector<16xf32>
        %swap3A_477 = vector.shape_cast %add3A_466 : vector<16xf32> to vector<1x1x16xf32>
        tpu.vector_store %arg10[%swap3A_472, %swap3A_473, %swap3A_474], %swap3A_477 {strides = array<i32>} : memref<2x64x128xf32, #tpu.memory_space<vmem>>, vector<1x1x16xf32>,
        %mul3A_478 = arith.constant 16 : i32
        %mul3A_479 = arith.muli %scan3A_406, %mul3A_478 : i32
        %add3A_480 = arith.constant 1 : i32
        %add3A_481 = arith.addi %mul3A_479, %add3A_480 : i32
        %slice3A_482 = vector.extract_strided_slice %and3A_421 {offsets = [1], sizes = [1], strides = [1]} : vector<16xi32> to vector<1xi32>
        %squeeze3A_483 = vector.extract %slice3A_482[0] : i32 from vector<1xi32>
        %slice3A_484 = vector.extract_strided_slice %shift_right_logical3A_424 {offsets = [1], sizes = [1], strides = [1]} : vector<16xi32> to vector<1xi32>
        %squeeze3A_485 = vector.extract %slice3A_484[0] : i32 from vector<1xi32>
        %add3A_486 = arith.constant 0 : i32
        %add3A_487 = arith.addi %squeeze3A_483, %add3A_486 : i32
        %get3A_488 = arith.constant 1 : i32
        %get3A_489 = arith.index_cast %get3A_488 : i32 to index
        %get3A_490 = arith.index_cast %add3A_481 : i32 to index
        %get3A_491 = arith.index_cast %add3A_487 : i32 to index
        %get3A_492 = tpu.vector_load %arg9[%get3A_489, %get3A_490, %get3A_491] {strides = array<i32>} : memref<2x256x128xf32, #tpu.memory_space<vmem>>, vector<1x1x16xf32>,
        %get3A_493 = vector.shape_cast %get3A_492 : vector<1x1x16xf32> to vector<16xf32>
        %get3A_494 = arith.index_cast %squeeze3A_485 : i32 to index
        %get3A_495 = arith.constant 0 : index
        %get3A_496 = tpu.vector_load %arg11[%get3A_494, %get3A_495] {strides = array<i32>} : memref<104x128xf32, #tpu.memory_space<vmem>>, vector<1x16xf32>,
        %get3A_497 = vector.shape_cast %get3A_496 : vector<1x16xf32> to vector<16xf32>
        %add3A_498 = arith.addf %get3A_493, %get3A_497 : vector<16xf32>
        %mul3A_499 = arith.constant 4 : i32
        %mul3A_500 = arith.muli %scan3A_406, %mul3A_499 : i32
        %add3A_501 = arith.constant 0 : i32
        %add3A_502 = arith.addi %mul3A_500, %add3A_501 : i32
        %swap3A_503 = arith.constant 1 : i32
        %swap3A_504 = arith.index_cast %swap3A_503 : i32 to index
        %swap3A_505 = arith.index_cast %add3A_502 : i32 to index
        %swap3A_506 = arith.constant 32 : index
        %swap3A_507 = tpu.vector_load %arg10[%swap3A_504, %swap3A_505, %swap3A_506] {strides = array<i32>} : memref<2x64x128xf32, #tpu.memory_space<vmem>>, vector<1x1x16xf32>,
        %swap3A_508 = vector.shape_cast %swap3A_507 : vector<1x1x16xf32> to vector<16xf32>
        %swap3A_509 = vector.shape_cast %add3A_498 : vector<16xf32> to vector<1x1x16xf32>
        tpu.vector_store %arg10[%swap3A_504, %swap3A_505, %swap3A_506], %swap3A_509 {strides = array<i32>} : memref<2x64x128xf32, #tpu.memory_space<vmem>>, vector<1x1x16xf32>,
        %add3A_510 = arith.constant 16 : i32
        %add3A_511 = arith.addi %squeeze3A_483, %add3A_510 : i32
        %get3A_512 = arith.constant 1 : i32
        %get3A_513 = arith.index_cast %get3A_512 : i32 to index
        %get3A_514 = arith.index_cast %add3A_481 : i32 to index
        %get3A_515 = arith.index_cast %add3A_511 : i32 to index
        %get3A_516 = tpu.vector_load %arg9[%get3A_513, %get3A_514, %get3A_515] {strides = array<i32>} : memref<2x256x128xf32, #tpu.memory_space<vmem>>, vector<1x1x16xf32>,
        %get3A_517 = vector.shape_cast %get3A_516 : vector<1x1x16xf32> to vector<16xf32>
        %get3A_518 = arith.index_cast %squeeze3A_485 : i32 to index
        %get3A_519 = arith.constant 16 : index
        %get3A_520 = tpu.vector_load %arg11[%get3A_518, %get3A_519] {strides = array<i32>} : memref<104x128xf32, #tpu.memory_space<vmem>>, vector<1x16xf32>,
        %get3A_521 = vector.shape_cast %get3A_520 : vector<1x16xf32> to vector<16xf32>
        %add3A_522 = arith.addf %get3A_517, %get3A_521 : vector<16xf32>
        %mul3A_523 = arith.constant 4 : i32
        %mul3A_524 = arith.muli %scan3A_406, %mul3A_523 : i32
        %add3A_525 = arith.constant 0 : i32
        %add3A_526 = arith.addi %mul3A_524, %add3A_525 : i32
        %swap3A_527 = arith.constant 1 : i32
        %swap3A_528 = arith.index_cast %swap3A_527 : i32 to index
        %swap3A_529 = arith.index_cast %add3A_526 : i32 to index
        %swap3A_530 = arith.constant 48 : index
        %swap3A_531 = tpu.vector_load %arg10[%swap3A_528, %swap3A_529, %swap3A_530] {strides = array<i32>} : memref<2x64x128xf32, #tpu.memory_space<vmem>>, vector<1x1x16xf32>,
        %swap3A_532 = vector.shape_cast %swap3A_531 : vector<1x1x16xf32> to vector<16xf32>
        %swap3A_533 = vector.shape_cast %add3A_522 : vector<16xf32> to vector<1x1x16xf32>
        tpu.vector_store %arg10[%swap3A_528, %swap3A_529, %swap3A_530], %swap3A_533 {strides = array<i32>} : memref<2x64x128xf32, #tpu.memory_space<vmem>>, vector<1x1x16xf32>,
        %mul3A_534 = arith.constant 16 : i32
        %mul3A_535 = arith.muli %scan3A_406, %mul3A_534 : i32
        %add3A_536 = arith.constant 2 : i32
        %add3A_537 = arith.addi %mul3A_535, %add3A_536 : i32
        %slice3A_538 = vector.extract_strided_slice %and3A_421 {offsets = [2], sizes = [1], strides = [1]} : vector<16xi32> to vector<1xi32>
        %squeeze3A_539 = vector.extract %slice3A_538[0] : i32 from vector<1xi32>
        %slice3A_540 = vector.extract_strided_slice %shift_right_logical3A_424 {offsets = [2], sizes = [1], strides = [1]} : vector<16xi32> to vector<1xi32>
        %squeeze3A_541 = vector.extract %slice3A_540[0] : i32 from vector<1xi32>
        %add3A_542 = arith.constant 0 : i32
        %add3A_543 = arith.addi %squeeze3A_539, %add3A_542 : i32
        %get3A_544 = arith.constant 1 : i32
        %get3A_545 = arith.index_cast %get3A_544 : i32 to index
        %get3A_546 = arith.index_cast %add3A_537 : i32 to index
        %get3A_547 = arith.index_cast %add3A_543 : i32 to index
        %get3A_548 = tpu.vector_load %arg9[%get3A_545, %get3A_546, %get3A_547] {strides = array<i32>} : memref<2x256x128xf32, #tpu.memory_space<vmem>>, vector<1x1x16xf32>,
        %get3A_549 = vector.shape_cast %get3A_548 : vector<1x1x16xf32> to vector<16xf32>
        %get3A_550 = arith.index_cast %squeeze3A_541 : i32 to index
        %get3A_551 = arith.constant 0 : index
        %get3A_552 = tpu.vector_load %arg11[%get3A_550, %get3A_551] {strides = array<i32>} : memref<104x128xf32, #tpu.memory_space<vmem>>, vector<1x16xf32>,
        %get3A_553 = vector.shape_cast %get3A_552 : vector<1x16xf32> to vector<16xf32>
        %add3A_554 = arith.addf %get3A_549, %get3A_553 : vector<16xf32>
        %mul3A_555 = arith.constant 4 : i32
        %mul3A_556 = arith.muli %scan3A_406, %mul3A_555 : i32
        %add3A_557 = arith.constant 0 : i32
        %add3A_558 = arith.addi %mul3A_556, %add3A_557 : i32
        %swap3A_559 = arith.constant 1 : i32
        %swap3A_560 = arith.index_cast %swap3A_559 : i32 to index
        %swap3A_561 = arith.index_cast %add3A_558 : i32 to index
        %swap3A_562 = arith.constant 64 : index
        %swap3A_563 = tpu.vector_load %arg10[%swap3A_560, %swap3A_561, %swap3A_562] {strides = array<i32>} : memref<2x64x128xf32, #tpu.memory_space<vmem>>, vector<1x1x16xf32>,
        %swap3A_564 = vector.shape_cast %swap3A_563 : vector<1x1x16xf32> to vector<16xf32>
        %swap3A_565 = vector.shape_cast %add3A_554 : vector<16xf32> to vector<1x1x16xf32>
        tpu.vector_store %arg10[%swap3A_560, %swap3A_561, %swap3A_562], %swap3A_565 {strides = array<i32>} : memref<2x64x128xf32, #tpu.memory_space<vmem>>, vector<1x1x16xf32>,
        %add3A_566 = arith.constant 16 : i32
        %add3A_567 = arith.addi %squeeze3A_539, %add3A_566 : i32
        %get3A_568 = arith.constant 1 : i32
        %get3A_569 = arith.index_cast %get3A_568 : i32 to index
        %get3A_570 = arith.index_cast %add3A_537 : i32 to index
        %get3A_571 = arith.index_cast %add3A_567 : i32 to index
        %get3A_572 = tpu.vector_load %arg9[%get3A_569, %get3A_570, %get3A_571] {strides = array<i32>} : memref<2x256x128xf32, #tpu.memory_space<vmem>>, vector<1x1x16xf32>,
        %get3A_573 = vector.shape_cast %get3A_572 : vector<1x1x16xf32> to vector<16xf32>
        %get3A_574 = arith.index_cast %squeeze3A_541 : i32 to index
        %get3A_575 = arith.constant 16 : index
        %get3A_576 = tpu.vector_load %arg11[%get3A_574, %get3A_575] {strides = array<i32>} : memref<104x128xf32, #tpu.memory_space<vmem>>, vector<1x16xf32>,
        %get3A_577 = vector.shape_cast %get3A_576 : vector<1x16xf32> to vector<16xf32>
        %add3A_578 = arith.addf %get3A_573, %get3A_577 : vector<16xf32>
        %mul3A_579 = arith.constant 4 : i32
        %mul3A_580 = arith.muli %scan3A_406, %mul3A_579 : i32
        %add3A_581 = arith.constant 0 : i32
        %add3A_582 = arith.addi %mul3A_580, %add3A_581 : i32
        %swap3A_583 = arith.constant 1 : i32
        %swap3A_584 = arith.index_cast %swap3A_583 : i32 to index
        %swap3A_585 = arith.index_cast %add3A_582 : i32 to index
        %swap3A_586 = arith.constant 80 : index
        %swap3A_587 = tpu.vector_load %arg10[%swap3A_584, %swap3A_585, %swap3A_586] {strides = array<i32>} : memref<2x64x128xf32, #tpu.memory_space<vmem>>, vector<1x1x16xf32>,
        %swap3A_588 = vector.shape_cast %swap3A_587 : vector<1x1x16xf32> to vector<16xf32>
        %swap3A_589 = vector.shape_cast %add3A_578 : vector<16xf32> to vector<1x1x16xf32>
        tpu.vector_store %arg10[%swap3A_584, %swap3A_585, %swap3A_586], %swap3A_589 {strides = array<i32>} : memref<2x64x128xf32, #tpu.memory_space<vmem>>, vector<1x1x16xf32>,
        %mul3A_590 = arith.constant 16 : i32
        %mul3A_591 = arith.muli %scan3A_406, %mul3A_590 : i32
        %add3A_592 = arith.constant 3 : i32
        %add3A_593 = arith.addi %mul3A_591, %add3A_592 : i32
        %slice3A_594 = vector.extract_strided_slice %and3A_421 {offsets = [3], sizes = [1], strides = [1]} : vector<16xi32> to vector<1xi32>
        %squeeze3A_595 = vector.extract %slice3A_594[0] : i32 from vector<1xi32>
        %slice3A_596 = vector.extract_strided_slice %shift_right_logical3A_424 {offsets = [3], sizes = [1], strides = [1]} : vector<16xi32> to vector<1xi32>
        %squeeze3A_597 = vector.extract %slice3A_596[0] : i32 from vector<1xi32>
        %add3A_598 = arith.constant 0 : i32
        %add3A_599 = arith.addi %squeeze3A_595, %add3A_598 : i32
        %get3A_600 = arith.constant 1 : i32
        %get3A_601 = arith.index_cast %get3A_600 : i32 to index
        %get3A_602 = arith.index_cast %add3A_593 : i32 to index
        %get3A_603 = arith.index_cast %add3A_599 : i32 to index
        %get3A_604 = tpu.vector_load %arg9[%get3A_601, %get3A_602, %get3A_603] {strides = array<i32>} : memref<2x256x128xf32, #tpu.memory_space<vmem>>, vector<1x1x16xf32>,
        %get3A_605 = vector.shape_cast %get3A_604 : vector<1x1x16xf32> to vector<16xf32>
        %get3A_606 = arith.index_cast %squeeze3A_597 : i32 to index
        %get3A_607 = arith.constant 0 : index
        %get3A_608 = tpu.vector_load %arg11[%get3A_606, %get3A_607] {strides = array<i32>} : memref<104x128xf32, #tpu.memory_space<vmem>>, vector<1x16xf32>,
        %get3A_609 = vector.shape_cast %get3A_608 : vector<1x16xf32> to vector<16xf32>
        %add3A_610 = arith.addf %get3A_605, %get3A_609 : vector<16xf32>
        %mul3A_611 = arith.constant 4 : i32
        %mul3A_612 = arith.muli %scan3A_406, %mul3A_611 : i32
        %add3A_613 = arith.constant 0 : i32
        %add3A_614 = arith.addi %mul3A_612, %add3A_613 : i32
        %swap3A_615 = arith.constant 1 : i32
        %swap3A_616 = arith.index_cast %swap3A_615 : i32 to index
        %swap3A_617 = arith.index_cast %add3A_614 : i32 to index
        %swap3A_618 = arith.constant 96 : index
        %swap3A_619 = tpu.vector_load %arg10[%swap3A_616, %swap3A_617, %swap3A_618] {strides = array<i32>} : memref<2x64x128xf32, #tpu.memory_space<vmem>>, vector<1x1x16xf32>,
        %swap3A_620 = vector.shape_cast %swap3A_619 : vector<1x1x16xf32> to vector<16xf32>
        %swap3A_621 = vector.shape_cast %add3A_610 : vector<16xf32> to vector<1x1x16xf32>
        tpu.vector_store %arg10[%swap3A_616, %swap3A_617, %swap3A_618], %swap3A_621 {strides = array<i32>} : memref<2x64x128xf32, #tpu.memory_space<vmem>>, vector<1x1x16xf32>,
        %add3A_622 = arith.constant 16 : i32
        %add3A_623 = arith.addi %squeeze3A_595, %add3A_622 : i32
        %get3A_624 = arith.constant 1 : i32
        %get3A_625 = arith.index_cast %get3A_624 : i32 to index
        %get3A_626 = arith.index_cast %add3A_593 : i32 to index
        %get3A_627 = arith.index_cast %add3A_623 : i32 to index
        %get3A_628 = tpu.vector_load %arg9[%get3A_625, %get3A_626, %get3A_627] {strides = array<i32>} : memref<2x256x128xf32, #tpu.memory_space<vmem>>, vector<1x1x16xf32>,
        %get3A_629 = vector.shape_cast %get3A_628 : vector<1x1x16xf32> to vector<16xf32>
        %get3A_630 = arith.index_cast %squeeze3A_597 : i32 to index
        %get3A_631 = arith.constant 16 : index
        %get3A_632 = tpu.vector_load %arg11[%get3A_630, %get3A_631] {strides = array<i32>} : memref<104x128xf32, #tpu.memory_space<vmem>>, vector<1x16xf32>,
        %get3A_633 = vector.shape_cast %get3A_632 : vector<1x16xf32> to vector<16xf32>
        %add3A_634 = arith.addf %get3A_629, %get3A_633 : vector<16xf32>
        %mul3A_635 = arith.constant 4 : i32
        %mul3A_636 = arith.muli %scan3A_406, %mul3A_635 : i32
        %add3A_637 = arith.constant 0 : i32
        %add3A_638 = arith.addi %mul3A_636, %add3A_637 : i32
        %swap3A_639 = arith.constant 1 : i32
        %swap3A_640 = arith.index_cast %swap3A_639 : i32 to index
        %swap3A_641 = arith.index_cast %add3A_638 : i32 to index
        %swap3A_642 = arith.constant 112 : index
        %swap3A_643 = tpu.vector_load %arg10[%swap3A_640, %swap3A_641, %swap3A_642] {strides = array<i32>} : memref<2x64x128xf32, #tpu.memory_space<vmem>>, vector<1x1x16xf32>,
        %swap3A_644 = vector.shape_cast %swap3A_643 : vector<1x1x16xf32> to vector<16xf32>
        %swap3A_645 = vector.shape_cast %add3A_634 : vector<16xf32> to vector<1x1x16xf32>
        tpu.vector_store %arg10[%swap3A_640, %swap3A_641, %swap3A_642], %swap3A_645 {strides = array<i32>} : memref<2x64x128xf32, #tpu.memory_space<vmem>>, vector<1x1x16xf32>,
        %mul3A_646 = arith.constant 16 : i32
        %mul3A_647 = arith.muli %scan3A_406, %mul3A_646 : i32
        %add3A_648 = arith.constant 4 : i32
        %add3A_649 = arith.addi %mul3A_647, %add3A_648 : i32
        %slice3A_650 = vector.extract_strided_slice %and3A_421 {offsets = [4], sizes = [1], strides = [1]} : vector<16xi32> to vector<1xi32>
        %squeeze3A_651 = vector.extract %slice3A_650[0] : i32 from vector<1xi32>
        %slice3A_652 = vector.extract_strided_slice %shift_right_logical3A_424 {offsets = [4], sizes = [1], strides = [1]} : vector<16xi32> to vector<1xi32>
        %squeeze3A_653 = vector.extract %slice3A_652[0] : i32 from vector<1xi32>
        %add3A_654 = arith.constant 0 : i32
        %add3A_655 = arith.addi %squeeze3A_651, %add3A_654 : i32
        %get3A_656 = arith.constant 1 : i32
        %get3A_657 = arith.index_cast %get3A_656 : i32 to index
        %get3A_658 = arith.index_cast %add3A_649 : i32 to index
        %get3A_659 = arith.index_cast %add3A_655 : i32 to index
        %get3A_660 = tpu.vector_load %arg9[%get3A_657, %get3A_658, %get3A_659] {strides = array<i32>} : memref<2x256x128xf32, #tpu.memory_space<vmem>>, vector<1x1x16xf32>,
        %get3A_661 = vector.shape_cast %get3A_660 : vector<1x1x16xf32> to vector<16xf32>
        %get3A_662 = arith.index_cast %squeeze3A_653 : i32 to index
        %get3A_663 = arith.constant 0 : index
        %get3A_664 = tpu.vector_load %arg11[%get3A_662, %get3A_663] {strides = array<i32>} : memref<104x128xf32, #tpu.memory_space<vmem>>, vector<1x16xf32>,
        %get3A_665 = vector.shape_cast %get3A_664 : vector<1x16xf32> to vector<16xf32>
        %add3A_666 = arith.addf %get3A_661, %get3A_665 : vector<16xf32>
        %mul3A_667 = arith.constant 4 : i32
        %mul3A_668 = arith.muli %scan3A_406, %mul3A_667 : i32
        %add3A_669 = arith.constant 1 : i32
        %add3A_670 = arith.addi %mul3A_668, %add3A_669 : i32
        %swap3A_671 = arith.constant 1 : i32
        %swap3A_672 = arith.index_cast %swap3A_671 : i32 to index
        %swap3A_673 = arith.index_cast %add3A_670 : i32 to index
        %swap3A_674 = arith.constant 0 : index
        %swap3A_675 = tpu.vector_load %arg10[%swap3A_672, %swap3A_673, %swap3A_674] {strides = array<i32>} : memref<2x64x128xf32, #tpu.memory_space<vmem>>, vector<1x1x16xf32>,
        %swap3A_676 = vector.shape_cast %swap3A_675 : vector<1x1x16xf32> to vector<16xf32>
        %swap3A_677 = vector.shape_cast %add3A_666 : vector<16xf32> to vector<1x1x16xf32>
        tpu.vector_store %arg10[%swap3A_672, %swap3A_673, %swap3A_674], %swap3A_677 {strides = array<i32>} : memref<2x64x128xf32, #tpu.memory_space<vmem>>, vector<1x1x16xf32>,
        %add3A_678 = arith.constant 16 : i32
        %add3A_679 = arith.addi %squeeze3A_651, %add3A_678 : i32
        %get3A_680 = arith.constant 1 : i32
        %get3A_681 = arith.index_cast %get3A_680 : i32 to index
        %get3A_682 = arith.index_cast %add3A_649 : i32 to index
        %get3A_683 = arith.index_cast %add3A_679 : i32 to index
        %get3A_684 = tpu.vector_load %arg9[%get3A_681, %get3A_682, %get3A_683] {strides = array<i32>} : memref<2x256x128xf32, #tpu.memory_space<vmem>>, vector<1x1x16xf32>,
        %get3A_685 = vector.shape_cast %get3A_684 : vector<1x1x16xf32> to vector<16xf32>
        %get3A_686 = arith.index_cast %squeeze3A_653 : i32 to index
        %get3A_687 = arith.constant 16 : index
        %get3A_688 = tpu.vector_load %arg11[%get3A_686, %get3A_687] {strides = array<i32>} : memref<104x128xf32, #tpu.memory_space<vmem>>, vector<1x16xf32>,
        %get3A_689 = vector.shape_cast %get3A_688 : vector<1x16xf32> to vector<16xf32>
        %add3A_690 = arith.addf %get3A_685, %get3A_689 : vector<16xf32>
        %mul3A_691 = arith.constant 4 : i32
        %mul3A_692 = arith.muli %scan3A_406, %mul3A_691 : i32
        %add3A_693 = arith.constant 1 : i32
        %add3A_694 = arith.addi %mul3A_692, %add3A_693 : i32
        %swap3A_695 = arith.constant 1 : i32
        %swap3A_696 = arith.index_cast %swap3A_695 : i32 to index
        %swap3A_697 = arith.index_cast %add3A_694 : i32 to index
        %swap3A_698 = arith.constant 16 : index
        %swap3A_699 = tpu.vector_load %arg10[%swap3A_696, %swap3A_697, %swap3A_698] {strides = array<i32>} : memref<2x64x128xf32, #tpu.memory_space<vmem>>, vector<1x1x16xf32>,
        %swap3A_700 = vector.shape_cast %swap3A_699 : vector<1x1x16xf32> to vector<16xf32>
        %swap3A_701 = vector.shape_cast %add3A_690 : vector<16xf32> to vector<1x1x16xf32>
        tpu.vector_store %arg10[%swap3A_696, %swap3A_697, %swap3A_698], %swap3A_701 {strides = array<i32>} : memref<2x64x128xf32, #tpu.memory_space<vmem>>, vector<1x1x16xf32>,
        %mul3A_702 = arith.constant 16 : i32
        %mul3A_703 = arith.muli %scan3A_406, %mul3A_702 : i32
        %add3A_704 = arith.constant 5 : i32
        %add3A_705 = arith.addi %mul3A_703, %add3A_704 : i32
        %slice3A_706 = vector.extract_strided_slice %and3A_421 {offsets = [5], sizes = [1], strides = [1]} : vector<16xi32> to vector<1xi32>
        %squeeze3A_707 = vector.extract %slice3A_706[0] : i32 from vector<1xi32>
        %slice3A_708 = vector.extract_strided_slice %shift_right_logical3A_424 {offsets = [5], sizes = [1], strides = [1]} : vector<16xi32> to vector<1xi32>
        %squeeze3A_709 = vector.extract %slice3A_708[0] : i32 from vector<1xi32>
        %add3A_710 = arith.constant 0 : i32
        %add3A_711 = arith.addi %squeeze3A_707, %add3A_710 : i32
        %get3A_712 = arith.constant 1 : i32
        %get3A_713 = arith.index_cast %get3A_712 : i32 to index
        %get3A_714 = arith.index_cast %add3A_705 : i32 to index
        %get3A_715 = arith.index_cast %add3A_711 : i32 to index
        %get3A_716 = tpu.vector_load %arg9[%get3A_713, %get3A_714, %get3A_715] {strides = array<i32>} : memref<2x256x128xf32, #tpu.memory_space<vmem>>, vector<1x1x16xf32>,
        %get3A_717 = vector.shape_cast %get3A_716 : vector<1x1x16xf32> to vector<16xf32>
        %get3A_718 = arith.index_cast %squeeze3A_709 : i32 to index
        %get3A_719 = arith.constant 0 : index
        %get3A_720 = tpu.vector_load %arg11[%get3A_718, %get3A_719] {strides = array<i32>} : memref<104x128xf32, #tpu.memory_space<vmem>>, vector<1x16xf32>,
        %get3A_721 = vector.shape_cast %get3A_720 : vector<1x16xf32> to vector<16xf32>
        %add3A_722 = arith.addf %get3A_717, %get3A_721 : vector<16xf32>
        %mul3A_723 = arith.constant 4 : i32
        %mul3A_724 = arith.muli %scan3A_406, %mul3A_723 : i32
        %add3A_725 = arith.constant 1 : i32
        %add3A_726 = arith.addi %mul3A_724, %add3A_725 : i32
        %swap3A_727 = arith.constant 1 : i32
        %swap3A_728 = arith.index_cast %swap3A_727 : i32 to index
        %swap3A_729 = arith.index_cast %add3A_726 : i32 to index
        %swap3A_730 = arith.constant 32 : index
        %swap3A_731 = tpu.vector_load %arg10[%swap3A_728, %swap3A_729, %swap3A_730] {strides = array<i32>} : memref<2x64x128xf32, #tpu.memory_space<vmem>>, vector<1x1x16xf32>,
        %swap3A_732 = vector.shape_cast %swap3A_731 : vector<1x1x16xf32> to vector<16xf32>
        %swap3A_733 = vector.shape_cast %add3A_722 : vector<16xf32> to vector<1x1x16xf32>
        tpu.vector_store %arg10[%swap3A_728, %swap3A_729, %swap3A_730], %swap3A_733 {strides = array<i32>} : memref<2x64x128xf32, #tpu.memory_space<vmem>>, vector<1x1x16xf32>,
        %add3A_734 = arith.constant 16 : i32
        %add3A_735 = arith.addi %squeeze3A_707, %add3A_734 : i32
        %get3A_736 = arith.constant 1 : i32
        %get3A_737 = arith.index_cast %get3A_736 : i32 to index
        %get3A_738 = arith.index_cast %add3A_705 : i32 to index
        %get3A_739 = arith.index_cast %add3A_735 : i32 to index
        %get3A_740 = tpu.vector_load %arg9[%get3A_737, %get3A_738, %get3A_739] {strides = array<i32>} : memref<2x256x128xf32, #tpu.memory_space<vmem>>, vector<1x1x16xf32>,
        %get3A_741 = vector.shape_cast %get3A_740 : vector<1x1x16xf32> to vector<16xf32>
        %get3A_742 = arith.index_cast %squeeze3A_709 : i32 to index
        %get3A_743 = arith.constant 16 : index
        %get3A_744 = tpu.vector_load %arg11[%get3A_742, %get3A_743] {strides = array<i32>} : memref<104x128xf32, #tpu.memory_space<vmem>>, vector<1x16xf32>,
        %get3A_745 = vector.shape_cast %get3A_744 : vector<1x16xf32> to vector<16xf32>
        %add3A_746 = arith.addf %get3A_741, %get3A_745 : vector<16xf32>
        %mul3A_747 = arith.constant 4 : i32
        %mul3A_748 = arith.muli %scan3A_406, %mul3A_747 : i32
        %add3A_749 = arith.constant 1 : i32
        %add3A_750 = arith.addi %mul3A_748, %add3A_749 : i32
        %swap3A_751 = arith.constant 1 : i32
        %swap3A_752 = arith.index_cast %swap3A_751 : i32 to index
        %swap3A_753 = arith.index_cast %add3A_750 : i32 to index
        %swap3A_754 = arith.constant 48 : index
        %swap3A_755 = tpu.vector_load %arg10[%swap3A_752, %swap3A_753, %swap3A_754] {strides = array<i32>} : memref<2x64x128xf32, #tpu.memory_space<vmem>>, vector<1x1x16xf32>,
        %swap3A_756 = vector.shape_cast %swap3A_755 : vector<1x1x16xf32> to vector<16xf32>
        %swap3A_757 = vector.shape_cast %add3A_746 : vector<16xf32> to vector<1x1x16xf32>
        tpu.vector_store %arg10[%swap3A_752, %swap3A_753, %swap3A_754], %swap3A_757 {strides = array<i32>} : memref<2x64x128xf32, #tpu.memory_space<vmem>>, vector<1x1x16xf32>,
        %mul3A_758 = arith.constant 16 : i32
        %mul3A_759 = arith.muli %scan3A_406, %mul3A_758 : i32
        %add3A_760 = arith.constant 6 : i32
        %add3A_761 = arith.addi %mul3A_759, %add3A_760 : i32
        %slice3A_762 = vector.extract_strided_slice %and3A_421 {offsets = [6], sizes = [1], strides = [1]} : vector<16xi32> to vector<1xi32>
        %squeeze3A_763 = vector.extract %slice3A_762[0] : i32 from vector<1xi32>
        %slice3A_764 = vector.extract_strided_slice %shift_right_logical3A_424 {offsets = [6], sizes = [1], strides = [1]} : vector<16xi32> to vector<1xi32>
        %squeeze3A_765 = vector.extract %slice3A_764[0] : i32 from vector<1xi32>
        %add3A_766 = arith.constant 0 : i32
        %add3A_767 = arith.addi %squeeze3A_763, %add3A_766 : i32
        %get3A_768 = arith.constant 1 : i32
        %get3A_769 = arith.index_cast %get3A_768 : i32 to index
        %get3A_770 = arith.index_cast %add3A_761 : i32 to index
        %get3A_771 = arith.index_cast %add3A_767 : i32 to index
        %get3A_772 = tpu.vector_load %arg9[%get3A_769, %get3A_770, %get3A_771] {strides = array<i32>} : memref<2x256x128xf32, #tpu.memory_space<vmem>>, vector<1x1x16xf32>,
        %get3A_773 = vector.shape_cast %get3A_772 : vector<1x1x16xf32> to vector<16xf32>
        %get3A_774 = arith.index_cast %squeeze3A_765 : i32 to index
        %get3A_775 = arith.constant 0 : index
        %get3A_776 = tpu.vector_load %arg11[%get3A_774, %get3A_775] {strides = array<i32>} : memref<104x128xf32, #tpu.memory_space<vmem>>, vector<1x16xf32>,
        %get3A_777 = vector.shape_cast %get3A_776 : vector<1x16xf32> to vector<16xf32>
        %add3A_778 = arith.addf %get3A_773, %get3A_777 : vector<16xf32>
        %mul3A_779 = arith.constant 4 : i32
        %mul3A_780 = arith.muli %scan3A_406, %mul3A_779 : i32
        %add3A_781 = arith.constant 1 : i32
        %add3A_782 = arith.addi %mul3A_780, %add3A_781 : i32
        %swap3A_783 = arith.constant 1 : i32
        %swap3A_784 = arith.index_cast %swap3A_783 : i32 to index
        %swap3A_785 = arith.index_cast %add3A_782 : i32 to index
        %swap3A_786 = arith.constant 64 : index
        %swap3A_787 = tpu.vector_load %arg10[%swap3A_784, %swap3A_785, %swap3A_786] {strides = array<i32>} : memref<2x64x128xf32, #tpu.memory_space<vmem>>, vector<1x1x16xf32>,
        %swap3A_788 = vector.shape_cast %swap3A_787 : vector<1x1x16xf32> to vector<16xf32>
        %swap3A_789 = vector.shape_cast %add3A_778 : vector<16xf32> to vector<1x1x16xf32>
        tpu.vector_store %arg10[%swap3A_784, %swap3A_785, %swap3A_786], %swap3A_789 {strides = array<i32>} : memref<2x64x128xf32, #tpu.memory_space<vmem>>, vector<1x1x16xf32>,
        %add3A_790 = arith.constant 16 : i32
        %add3A_791 = arith.addi %squeeze3A_763, %add3A_790 : i32
        %get3A_792 = arith.constant 1 : i32
        %get3A_793 = arith.index_cast %get3A_792 : i32 to index
        %get3A_794 = arith.index_cast %add3A_761 : i32 to index
        %get3A_795 = arith.index_cast %add3A_791 : i32 to index
        %get3A_796 = tpu.vector_load %arg9[%get3A_793, %get3A_794, %get3A_795] {strides = array<i32>} : memref<2x256x128xf32, #tpu.memory_space<vmem>>, vector<1x1x16xf32>,
        %get3A_797 = vector.shape_cast %get3A_796 : vector<1x1x16xf32> to vector<16xf32>
        %get3A_798 = arith.index_cast %squeeze3A_765 : i32 to index
        %get3A_799 = arith.constant 16 : index
        %get3A_800 = tpu.vector_load %arg11[%get3A_798, %get3A_799] {strides = array<i32>} : memref<104x128xf32, #tpu.memory_space<vmem>>, vector<1x16xf32>,
        %get3A_801 = vector.shape_cast %get3A_800 : vector<1x16xf32> to vector<16xf32>
        %add3A_802 = arith.addf %get3A_797, %get3A_801 : vector<16xf32>
        %mul3A_803 = arith.constant 4 : i32
        %mul3A_804 = arith.muli %scan3A_406, %mul3A_803 : i32
        %add3A_805 = arith.constant 1 : i32
        %add3A_806 = arith.addi %mul3A_804, %add3A_805 : i32
        %swap3A_807 = arith.constant 1 : i32
        %swap3A_808 = arith.index_cast %swap3A_807 : i32 to index
        %swap3A_809 = arith.index_cast %add3A_806 : i32 to index
        %swap3A_810 = arith.constant 80 : index
        %swap3A_811 = tpu.vector_load %arg10[%swap3A_808, %swap3A_809, %swap3A_810] {strides = array<i32>} : memref<2x64x128xf32, #tpu.memory_space<vmem>>, vector<1x1x16xf32>,
        %swap3A_812 = vector.shape_cast %swap3A_811 : vector<1x1x16xf32> to vector<16xf32>
        %swap3A_813 = vector.shape_cast %add3A_802 : vector<16xf32> to vector<1x1x16xf32>
        tpu.vector_store %arg10[%swap3A_808, %swap3A_809, %swap3A_810], %swap3A_813 {strides = array<i32>} : memref<2x64x128xf32, #tpu.memory_space<vmem>>, vector<1x1x16xf32>,
        %mul3A_814 = arith.constant 16 : i32
        %mul3A_815 = arith.muli %scan3A_406, %mul3A_814 : i32
        %add3A_816 = arith.constant 7 : i32
        %add3A_817 = arith.addi %mul3A_815, %add3A_816 : i32
        %slice3A_818 = vector.extract_strided_slice %and3A_421 {offsets = [7], sizes = [1], strides = [1]} : vector<16xi32> to vector<1xi32>
        %squeeze3A_819 = vector.extract %slice3A_818[0] : i32 from vector<1xi32>
        %slice3A_820 = vector.extract_strided_slice %shift_right_logical3A_424 {offsets = [7], sizes = [1], strides = [1]} : vector<16xi32> to vector<1xi32>
        %squeeze3A_821 = vector.extract %slice3A_820[0] : i32 from vector<1xi32>
        %add3A_822 = arith.constant 0 : i32
        %add3A_823 = arith.addi %squeeze3A_819, %add3A_822 : i32
        %get3A_824 = arith.constant 1 : i32
        %get3A_825 = arith.index_cast %get3A_824 : i32 to index
        %get3A_826 = arith.index_cast %add3A_817 : i32 to index
        %get3A_827 = arith.index_cast %add3A_823 : i32 to index
        %get3A_828 = tpu.vector_load %arg9[%get3A_825, %get3A_826, %get3A_827] {strides = array<i32>} : memref<2x256x128xf32, #tpu.memory_space<vmem>>, vector<1x1x16xf32>,
        %get3A_829 = vector.shape_cast %get3A_828 : vector<1x1x16xf32> to vector<16xf32>
        %get3A_830 = arith.index_cast %squeeze3A_821 : i32 to index
        %get3A_831 = arith.constant 0 : index
        %get3A_832 = tpu.vector_load %arg11[%get3A_830, %get3A_831] {strides = array<i32>} : memref<104x128xf32, #tpu.memory_space<vmem>>, vector<1x16xf32>,
        %get3A_833 = vector.shape_cast %get3A_832 : vector<1x16xf32> to vector<16xf32>
        %add3A_834 = arith.addf %get3A_829, %get3A_833 : vector<16xf32>
        %mul3A_835 = arith.constant 4 : i32
        %mul3A_836 = arith.muli %scan3A_406, %mul3A_835 : i32
        %add3A_837 = arith.constant 1 : i32
        %add3A_838 = arith.addi %mul3A_836, %add3A_837 : i32
        %swap3A_839 = arith.constant 1 : i32
        %swap3A_840 = arith.index_cast %swap3A_839 : i32 to index
        %swap3A_841 = arith.index_cast %add3A_838 : i32 to index
        %swap3A_842 = arith.constant 96 : index
        %swap3A_843 = tpu.vector_load %arg10[%swap3A_840, %swap3A_841, %swap3A_842] {strides = array<i32>} : memref<2x64x128xf32, #tpu.memory_space<vmem>>, vector<1x1x16xf32>,
        %swap3A_844 = vector.shape_cast %swap3A_843 : vector<1x1x16xf32> to vector<16xf32>
        %swap3A_845 = vector.shape_cast %add3A_834 : vector<16xf32> to vector<1x1x16xf32>
        tpu.vector_store %arg10[%swap3A_840, %swap3A_841, %swap3A_842], %swap3A_845 {strides = array<i32>} : memref<2x64x128xf32, #tpu.memory_space<vmem>>, vector<1x1x16xf32>,
        %add3A_846 = arith.constant 16 : i32
        %add3A_847 = arith.addi %squeeze3A_819, %add3A_846 : i32
        %get3A_848 = arith.constant 1 : i32
        %get3A_849 = arith.index_cast %get3A_848 : i32 to index
        %get3A_850 = arith.index_cast %add3A_817 : i32 to index
        %get3A_851 = arith.index_cast %add3A_847 : i32 to index
        %get3A_852 = tpu.vector_load %arg9[%get3A_849, %get3A_850, %get3A_851] {strides = array<i32>} : memref<2x256x128xf32, #tpu.memory_space<vmem>>, vector<1x1x16xf32>,
        %get3A_853 = vector.shape_cast %get3A_852 : vector<1x1x16xf32> to vector<16xf32>
        %get3A_854 = arith.index_cast %squeeze3A_821 : i32 to index
        %get3A_855 = arith.constant 16 : index
        %get3A_856 = tpu.vector_load %arg11[%get3A_854, %get3A_855] {strides = array<i32>} : memref<104x128xf32, #tpu.memory_space<vmem>>, vector<1x16xf32>,
        %get3A_857 = vector.shape_cast %get3A_856 : vector<1x16xf32> to vector<16xf32>
        %add3A_858 = arith.addf %get3A_853, %get3A_857 : vector<16xf32>
        %mul3A_859 = arith.constant 4 : i32
        %mul3A_860 = arith.muli %scan3A_406, %mul3A_859 : i32
        %add3A_861 = arith.constant 1 : i32
        %add3A_862 = arith.addi %mul3A_860, %add3A_861 : i32
        %swap3A_863 = arith.constant 1 : i32
        %swap3A_864 = arith.index_cast %swap3A_863 : i32 to index
        %swap3A_865 = arith.index_cast %add3A_862 : i32 to index
        %swap3A_866 = arith.constant 112 : index
        %swap3A_867 = tpu.vector_load %arg10[%swap3A_864, %swap3A_865, %swap3A_866] {strides = array<i32>} : memref<2x64x128xf32, #tpu.memory_space<vmem>>, vector<1x1x16xf32>,
        %swap3A_868 = vector.shape_cast %swap3A_867 : vector<1x1x16xf32> to vector<16xf32>
        %swap3A_869 = vector.shape_cast %add3A_858 : vector<16xf32> to vector<1x1x16xf32>
        tpu.vector_store %arg10[%swap3A_864, %swap3A_865, %swap3A_866], %swap3A_869 {strides = array<i32>} : memref<2x64x128xf32, #tpu.memory_space<vmem>>, vector<1x1x16xf32>,
        %mul3A_870 = arith.constant 16 : i32
        %mul3A_871 = arith.muli %scan3A_406, %mul3A_870 : i32
        %add3A_872 = arith.constant 8 : i32
        %add3A_873 = arith.addi %mul3A_871, %add3A_872 : i32
        %slice3A_874 = vector.extract_strided_slice %and3A_421 {offsets = [8], sizes = [1], strides = [1]} : vector<16xi32> to vector<1xi32>
        %squeeze3A_875 = vector.extract %slice3A_874[0] : i32 from vector<1xi32>
        %slice3A_876 = vector.extract_strided_slice %shift_right_logical3A_424 {offsets = [8], sizes = [1], strides = [1]} : vector<16xi32> to vector<1xi32>
        %squeeze3A_877 = vector.extract %slice3A_876[0] : i32 from vector<1xi32>
        %add3A_878 = arith.constant 0 : i32
        %add3A_879 = arith.addi %squeeze3A_875, %add3A_878 : i32
        %get3A_880 = arith.constant 1 : i32
        %get3A_881 = arith.index_cast %get3A_880 : i32 to index
        %get3A_882 = arith.index_cast %add3A_873 : i32 to index
        %get3A_883 = arith.index_cast %add3A_879 : i32 to index
        %get3A_884 = tpu.vector_load %arg9[%get3A_881, %get3A_882, %get3A_883] {strides = array<i32>} : memref<2x256x128xf32, #tpu.memory_space<vmem>>, vector<1x1x16xf32>,
        %get3A_885 = vector.shape_cast %get3A_884 : vector<1x1x16xf32> to vector<16xf32>
        %get3A_886 = arith.index_cast %squeeze3A_877 : i32 to index
        %get3A_887 = arith.constant 0 : index
        %get3A_888 = tpu.vector_load %arg11[%get3A_886, %get3A_887] {strides = array<i32>} : memref<104x128xf32, #tpu.memory_space<vmem>>, vector<1x16xf32>,
        %get3A_889 = vector.shape_cast %get3A_888 : vector<1x16xf32> to vector<16xf32>
        %add3A_890 = arith.addf %get3A_885, %get3A_889 : vector<16xf32>
        %mul3A_891 = arith.constant 4 : i32
        %mul3A_892 = arith.muli %scan3A_406, %mul3A_891 : i32
        %add3A_893 = arith.constant 2 : i32
        %add3A_894 = arith.addi %mul3A_892, %add3A_893 : i32
        %swap3A_895 = arith.constant 1 : i32
        %swap3A_896 = arith.index_cast %swap3A_895 : i32 to index
        %swap3A_897 = arith.index_cast %add3A_894 : i32 to index
        %swap3A_898 = arith.constant 0 : index
        %swap3A_899 = tpu.vector_load %arg10[%swap3A_896, %swap3A_897, %swap3A_898] {strides = array<i32>} : memref<2x64x128xf32, #tpu.memory_space<vmem>>, vector<1x1x16xf32>,
        %swap3A_900 = vector.shape_cast %swap3A_899 : vector<1x1x16xf32> to vector<16xf32>
        %swap3A_901 = vector.shape_cast %add3A_890 : vector<16xf32> to vector<1x1x16xf32>
        tpu.vector_store %arg10[%swap3A_896, %swap3A_897, %swap3A_898], %swap3A_901 {strides = array<i32>} : memref<2x64x128xf32, #tpu.memory_space<vmem>>, vector<1x1x16xf32>,
        %add3A_902 = arith.constant 16 : i32
        %add3A_903 = arith.addi %squeeze3A_875, %add3A_902 : i32
        %get3A_904 = arith.constant 1 : i32
        %get3A_905 = arith.index_cast %get3A_904 : i32 to index
        %get3A_906 = arith.index_cast %add3A_873 : i32 to index
        %get3A_907 = arith.index_cast %add3A_903 : i32 to index
        %get3A_908 = tpu.vector_load %arg9[%get3A_905, %get3A_906, %get3A_907] {strides = array<i32>} : memref<2x256x128xf32, #tpu.memory_space<vmem>>, vector<1x1x16xf32>,
        %get3A_909 = vector.shape_cast %get3A_908 : vector<1x1x16xf32> to vector<16xf32>
        %get3A_910 = arith.index_cast %squeeze3A_877 : i32 to index
        %get3A_911 = arith.constant 16 : index
        %get3A_912 = tpu.vector_load %arg11[%get3A_910, %get3A_911] {strides = array<i32>} : memref<104x128xf32, #tpu.memory_space<vmem>>, vector<1x16xf32>,
        %get3A_913 = vector.shape_cast %get3A_912 : vector<1x16xf32> to vector<16xf32>
        %add3A_914 = arith.addf %get3A_909, %get3A_913 : vector<16xf32>
        %mul3A_915 = arith.constant 4 : i32
        %mul3A_916 = arith.muli %scan3A_406, %mul3A_915 : i32
        %add3A_917 = arith.constant 2 : i32
        %add3A_918 = arith.addi %mul3A_916, %add3A_917 : i32
        %swap3A_919 = arith.constant 1 : i32
        %swap3A_920 = arith.index_cast %swap3A_919 : i32 to index
        %swap3A_921 = arith.index_cast %add3A_918 : i32 to index
        %swap3A_922 = arith.constant 16 : index
        %swap3A_923 = tpu.vector_load %arg10[%swap3A_920, %swap3A_921, %swap3A_922] {strides = array<i32>} : memref<2x64x128xf32, #tpu.memory_space<vmem>>, vector<1x1x16xf32>,
        %swap3A_924 = vector.shape_cast %swap3A_923 : vector<1x1x16xf32> to vector<16xf32>
        %swap3A_925 = vector.shape_cast %add3A_914 : vector<16xf32> to vector<1x1x16xf32>
        tpu.vector_store %arg10[%swap3A_920, %swap3A_921, %swap3A_922], %swap3A_925 {strides = array<i32>} : memref<2x64x128xf32, #tpu.memory_space<vmem>>, vector<1x1x16xf32>,
        %mul3A_926 = arith.constant 16 : i32
        %mul3A_927 = arith.muli %scan3A_406, %mul3A_926 : i32
        %add3A_928 = arith.constant 9 : i32
        %add3A_929 = arith.addi %mul3A_927, %add3A_928 : i32
        %slice3A_930 = vector.extract_strided_slice %and3A_421 {offsets = [9], sizes = [1], strides = [1]} : vector<16xi32> to vector<1xi32>
        %squeeze3A_931 = vector.extract %slice3A_930[0] : i32 from vector<1xi32>
        %slice3A_932 = vector.extract_strided_slice %shift_right_logical3A_424 {offsets = [9], sizes = [1], strides = [1]} : vector<16xi32> to vector<1xi32>
        %squeeze3A_933 = vector.extract %slice3A_932[0] : i32 from vector<1xi32>
        %add3A_934 = arith.constant 0 : i32
        %add3A_935 = arith.addi %squeeze3A_931, %add3A_934 : i32
        %get3A_936 = arith.constant 1 : i32
        %get3A_937 = arith.index_cast %get3A_936 : i32 to index
        %get3A_938 = arith.index_cast %add3A_929 : i32 to index
        %get3A_939 = arith.index_cast %add3A_935 : i32 to index
        %get3A_940 = tpu.vector_load %arg9[%get3A_937, %get3A_938, %get3A_939] {strides = array<i32>} : memref<2x256x128xf32, #tpu.memory_space<vmem>>, vector<1x1x16xf32>,
        %get3A_941 = vector.shape_cast %get3A_940 : vector<1x1x16xf32> to vector<16xf32>
        %get3A_942 = arith.index_cast %squeeze3A_933 : i32 to index
        %get3A_943 = arith.constant 0 : index
        %get3A_944 = tpu.vector_load %arg11[%get3A_942, %get3A_943] {strides = array<i32>} : memref<104x128xf32, #tpu.memory_space<vmem>>, vector<1x16xf32>,
        %get3A_945 = vector.shape_cast %get3A_944 : vector<1x16xf32> to vector<16xf32>
        %add3A_946 = arith.addf %get3A_941, %get3A_945 : vector<16xf32>
        %mul3A_947 = arith.constant 4 : i32
        %mul3A_948 = arith.muli %scan3A_406, %mul3A_947 : i32
        %add3A_949 = arith.constant 2 : i32
        %add3A_950 = arith.addi %mul3A_948, %add3A_949 : i32
        %swap3A_951 = arith.constant 1 : i32
        %swap3A_952 = arith.index_cast %swap3A_951 : i32 to index
        %swap3A_953 = arith.index_cast %add3A_950 : i32 to index
        %swap3A_954 = arith.constant 32 : index
        %swap3A_955 = tpu.vector_load %arg10[%swap3A_952, %swap3A_953, %swap3A_954] {strides = array<i32>} : memref<2x64x128xf32, #tpu.memory_space<vmem>>, vector<1x1x16xf32>,
        %swap3A_956 = vector.shape_cast %swap3A_955 : vector<1x1x16xf32> to vector<16xf32>
        %swap3A_957 = vector.shape_cast %add3A_946 : vector<16xf32> to vector<1x1x16xf32>
        tpu.vector_store %arg10[%swap3A_952, %swap3A_953, %swap3A_954], %swap3A_957 {strides = array<i32>} : memref<2x64x128xf32, #tpu.memory_space<vmem>>, vector<1x1x16xf32>,
        %add3A_958 = arith.constant 16 : i32
        %add3A_959 = arith.addi %squeeze3A_931, %add3A_958 : i32
        %get3A_960 = arith.constant 1 : i32
        %get3A_961 = arith.index_cast %get3A_960 : i32 to index
        %get3A_962 = arith.index_cast %add3A_929 : i32 to index
        %get3A_963 = arith.index_cast %add3A_959 : i32 to index
        %get3A_964 = tpu.vector_load %arg9[%get3A_961, %get3A_962, %get3A_963] {strides = array<i32>} : memref<2x256x128xf32, #tpu.memory_space<vmem>>, vector<1x1x16xf32>,
        %get3A_965 = vector.shape_cast %get3A_964 : vector<1x1x16xf32> to vector<16xf32>
        %get3A_966 = arith.index_cast %squeeze3A_933 : i32 to index
        %get3A_967 = arith.constant 16 : index
        %get3A_968 = tpu.vector_load %arg11[%get3A_966, %get3A_967] {strides = array<i32>} : memref<104x128xf32, #tpu.memory_space<vmem>>, vector<1x16xf32>,
        %get3A_969 = vector.shape_cast %get3A_968 : vector<1x16xf32> to vector<16xf32>
        %add3A_970 = arith.addf %get3A_965, %get3A_969 : vector<16xf32>
        %mul3A_971 = arith.constant 4 : i32
        %mul3A_972 = arith.muli %scan3A_406, %mul3A_971 : i32
        %add3A_973 = arith.constant 2 : i32
        %add3A_974 = arith.addi %mul3A_972, %add3A_973 : i32
        %swap3A_975 = arith.constant 1 : i32
        %swap3A_976 = arith.index_cast %swap3A_975 : i32 to index
        %swap3A_977 = arith.index_cast %add3A_974 : i32 to index
        %swap3A_978 = arith.constant 48 : index
        %swap3A_979 = tpu.vector_load %arg10[%swap3A_976, %swap3A_977, %swap3A_978] {strides = array<i32>} : memref<2x64x128xf32, #tpu.memory_space<vmem>>, vector<1x1x16xf32>,
        %swap3A_980 = vector.shape_cast %swap3A_979 : vector<1x1x16xf32> to vector<16xf32>
        %swap3A_981 = vector.shape_cast %add3A_970 : vector<16xf32> to vector<1x1x16xf32>
        tpu.vector_store %arg10[%swap3A_976, %swap3A_977, %swap3A_978], %swap3A_981 {strides = array<i32>} : memref<2x64x128xf32, #tpu.memory_space<vmem>>, vector<1x1x16xf32>,
        %mul3A_982 = arith.constant 16 : i32
        %mul3A_983 = arith.muli %scan3A_406, %mul3A_982 : i32
        %add3A_984 = arith.constant 10 : i32
        %add3A_985 = arith.addi %mul3A_983, %add3A_984 : i32
        %slice3A_986 = vector.extract_strided_slice %and3A_421 {offsets = [10], sizes = [1], strides = [1]} : vector<16xi32> to vector<1xi32>
        %squeeze3A_987 = vector.extract %slice3A_986[0] : i32 from vector<1xi32>
        %slice3A_988 = vector.extract_strided_slice %shift_right_logical3A_424 {offsets = [10], sizes = [1], strides = [1]} : vector<16xi32> to vector<1xi32>
        %squeeze3A_989 = vector.extract %slice3A_988[0] : i32 from vector<1xi32>
        %add3A_990 = arith.constant 0 : i32
        %add3A_991 = arith.addi %squeeze3A_987, %add3A_990 : i32
        %get3A_992 = arith.constant 1 : i32
        %get3A_993 = arith.index_cast %get3A_992 : i32 to index
        %get3A_994 = arith.index_cast %add3A_985 : i32 to index
        %get3A_995 = arith.index_cast %add3A_991 : i32 to index
        %get3A_996 = tpu.vector_load %arg9[%get3A_993, %get3A_994, %get3A_995] {strides = array<i32>} : memref<2x256x128xf32, #tpu.memory_space<vmem>>, vector<1x1x16xf32>,
        %get3A_997 = vector.shape_cast %get3A_996 : vector<1x1x16xf32> to vector<16xf32>
        %get3A_998 = arith.index_cast %squeeze3A_989 : i32 to index
        %get3A_999 = arith.constant 0 : index
        %get3A_1000 = tpu.vector_load %arg11[%get3A_998, %get3A_999] {strides = array<i32>} : memref<104x128xf32, #tpu.memory_space<vmem>>, vector<1x16xf32>,
        %get3A_1001 = vector.shape_cast %get3A_1000 : vector<1x16xf32> to vector<16xf32>
        %add3A_1002 = arith.addf %get3A_997, %get3A_1001 : vector<16xf32>
        %mul3A_1003 = arith.constant 4 : i32
        %mul3A_1004 = arith.muli %scan3A_406, %mul3A_1003 : i32
        %add3A_1005 = arith.constant 2 : i32
        %add3A_1006 = arith.addi %mul3A_1004, %add3A_1005 : i32
        %swap3A_1007 = arith.constant 1 : i32
        %swap3A_1008 = arith.index_cast %swap3A_1007 : i32 to index
        %swap3A_1009 = arith.index_cast %add3A_1006 : i32 to index
        %swap3A_1010 = arith.constant 64 : index
        %swap3A_1011 = tpu.vector_load %arg10[%swap3A_1008, %swap3A_1009, %swap3A_1010] {strides = array<i32>} : memref<2x64x128xf32, #tpu.memory_space<vmem>>, vector<1x1x16xf32>,
        %swap3A_1012 = vector.shape_cast %swap3A_1011 : vector<1x1x16xf32> to vector<16xf32>
        %swap3A_1013 = vector.shape_cast %add3A_1002 : vector<16xf32> to vector<1x1x16xf32>
        tpu.vector_store %arg10[%swap3A_1008, %swap3A_1009, %swap3A_1010], %swap3A_1013 {strides = array<i32>} : memref<2x64x128xf32, #tpu.memory_space<vmem>>, vector<1x1x16xf32>,
        %add3A_1014 = arith.constant 16 : i32
        %add3A_1015 = arith.addi %squeeze3A_987, %add3A_1014 : i32
        %get3A_1016 = arith.constant 1 : i32
        %get3A_1017 = arith.index_cast %get3A_1016 : i32 to index
        %get3A_1018 = arith.index_cast %add3A_985 : i32 to index
        %get3A_1019 = arith.index_cast %add3A_1015 : i32 to index
        %get3A_1020 = tpu.vector_load %arg9[%get3A_1017, %get3A_1018, %get3A_1019] {strides = array<i32>} : memref<2x256x128xf32, #tpu.memory_space<vmem>>, vector<1x1x16xf32>,
        %get3A_1021 = vector.shape_cast %get3A_1020 : vector<1x1x16xf32> to vector<16xf32>
        %get3A_1022 = arith.index_cast %squeeze3A_989 : i32 to index
        %get3A_1023 = arith.constant 16 : index
        %get3A_1024 = tpu.vector_load %arg11[%get3A_1022, %get3A_1023] {strides = array<i32>} : memref<104x128xf32, #tpu.memory_space<vmem>>, vector<1x16xf32>,
        %get3A_1025 = vector.shape_cast %get3A_1024 : vector<1x16xf32> to vector<16xf32>
        %add3A_1026 = arith.addf %get3A_1021, %get3A_1025 : vector<16xf32>
        %mul3A_1027 = arith.constant 4 : i32
        %mul3A_1028 = arith.muli %scan3A_406, %mul3A_1027 : i32
        %add3A_1029 = arith.constant 2 : i32
        %add3A_1030 = arith.addi %mul3A_1028, %add3A_1029 : i32
        %swap3A_1031 = arith.constant 1 : i32
        %swap3A_1032 = arith.index_cast %swap3A_1031 : i32 to index
        %swap3A_1033 = arith.index_cast %add3A_1030 : i32 to index
        %swap3A_1034 = arith.constant 80 : index
        %swap3A_1035 = tpu.vector_load %arg10[%swap3A_1032, %swap3A_1033, %swap3A_1034] {strides = array<i32>} : memref<2x64x128xf32, #tpu.memory_space<vmem>>, vector<1x1x16xf32>,
        %swap3A_1036 = vector.shape_cast %swap3A_1035 : vector<1x1x16xf32> to vector<16xf32>
        %swap3A_1037 = vector.shape_cast %add3A_1026 : vector<16xf32> to vector<1x1x16xf32>
        tpu.vector_store %arg10[%swap3A_1032, %swap3A_1033, %swap3A_1034], %swap3A_1037 {strides = array<i32>} : memref<2x64x128xf32, #tpu.memory_space<vmem>>, vector<1x1x16xf32>,
        %mul3A_1038 = arith.constant 16 : i32
        %mul3A_1039 = arith.muli %scan3A_406, %mul3A_1038 : i32
        %add3A_1040 = arith.constant 11 : i32
        %add3A_1041 = arith.addi %mul3A_1039, %add3A_1040 : i32
        %slice3A_1042 = vector.extract_strided_slice %and3A_421 {offsets = [11], sizes = [1], strides = [1]} : vector<16xi32> to vector<1xi32>
        %squeeze3A_1043 = vector.extract %slice3A_1042[0] : i32 from vector<1xi32>
        %slice3A_1044 = vector.extract_strided_slice %shift_right_logical3A_424 {offsets = [11], sizes = [1], strides = [1]} : vector<16xi32> to vector<1xi32>
        %squeeze3A_1045 = vector.extract %slice3A_1044[0] : i32 from vector<1xi32>
        %add3A_1046 = arith.constant 0 : i32
        %add3A_1047 = arith.addi %squeeze3A_1043, %add3A_1046 : i32
        %get3A_1048 = arith.constant 1 : i32
        %get3A_1049 = arith.index_cast %get3A_1048 : i32 to index
        %get3A_1050 = arith.index_cast %add3A_1041 : i32 to index
        %get3A_1051 = arith.index_cast %add3A_1047 : i32 to index
        %get3A_1052 = tpu.vector_load %arg9[%get3A_1049, %get3A_1050, %get3A_1051] {strides = array<i32>} : memref<2x256x128xf32, #tpu.memory_space<vmem>>, vector<1x1x16xf32>,
        %get3A_1053 = vector.shape_cast %get3A_1052 : vector<1x1x16xf32> to vector<16xf32>
        %get3A_1054 = arith.index_cast %squeeze3A_1045 : i32 to index
        %get3A_1055 = arith.constant 0 : index
        %get3A_1056 = tpu.vector_load %arg11[%get3A_1054, %get3A_1055] {strides = array<i32>} : memref<104x128xf32, #tpu.memory_space<vmem>>, vector<1x16xf32>,
        %get3A_1057 = vector.shape_cast %get3A_1056 : vector<1x16xf32> to vector<16xf32>
        %add3A_1058 = arith.addf %get3A_1053, %get3A_1057 : vector<16xf32>
        %mul3A_1059 = arith.constant 4 : i32
        %mul3A_1060 = arith.muli %scan3A_406, %mul3A_1059 : i32
        %add3A_1061 = arith.constant 2 : i32
        %add3A_1062 = arith.addi %mul3A_1060, %add3A_1061 : i32
        %swap3A_1063 = arith.constant 1 : i32
        %swap3A_1064 = arith.index_cast %swap3A_1063 : i32 to index
        %swap3A_1065 = arith.index_cast %add3A_1062 : i32 to index
        %swap3A_1066 = arith.constant 96 : index
        %swap3A_1067 = tpu.vector_load %arg10[%swap3A_1064, %swap3A_1065, %swap3A_1066] {strides = array<i32>} : memref<2x64x128xf32, #tpu.memory_space<vmem>>, vector<1x1x16xf32>,
        %swap3A_1068 = vector.shape_cast %swap3A_1067 : vector<1x1x16xf32> to vector<16xf32>
        %swap3A_1069 = vector.shape_cast %add3A_1058 : vector<16xf32> to vector<1x1x16xf32>
        tpu.vector_store %arg10[%swap3A_1064, %swap3A_1065, %swap3A_1066], %swap3A_1069 {strides = array<i32>} : memref<2x64x128xf32, #tpu.memory_space<vmem>>, vector<1x1x16xf32>,
        %add3A_1070 = arith.constant 16 : i32
        %add3A_1071 = arith.addi %squeeze3A_1043, %add3A_1070 : i32
        %get3A_1072 = arith.constant 1 : i32
        %get3A_1073 = arith.index_cast %get3A_1072 : i32 to index
        %get3A_1074 = arith.index_cast %add3A_1041 : i32 to index
        %get3A_1075 = arith.index_cast %add3A_1071 : i32 to index
        %get3A_1076 = tpu.vector_load %arg9[%get3A_1073, %get3A_1074, %get3A_1075] {strides = array<i32>} : memref<2x256x128xf32, #tpu.memory_space<vmem>>, vector<1x1x16xf32>,
        %get3A_1077 = vector.shape_cast %get3A_1076 : vector<1x1x16xf32> to vector<16xf32>
        %get3A_1078 = arith.index_cast %squeeze3A_1045 : i32 to index
        %get3A_1079 = arith.constant 16 : index
        %get3A_1080 = tpu.vector_load %arg11[%get3A_1078, %get3A_1079] {strides = array<i32>} : memref<104x128xf32, #tpu.memory_space<vmem>>, vector<1x16xf32>,
        %get3A_1081 = vector.shape_cast %get3A_1080 : vector<1x16xf32> to vector<16xf32>
        %add3A_1082 = arith.addf %get3A_1077, %get3A_1081 : vector<16xf32>
        %mul3A_1083 = arith.constant 4 : i32
        %mul3A_1084 = arith.muli %scan3A_406, %mul3A_1083 : i32
        %add3A_1085 = arith.constant 2 : i32
        %add3A_1086 = arith.addi %mul3A_1084, %add3A_1085 : i32
        %swap3A_1087 = arith.constant 1 : i32
        %swap3A_1088 = arith.index_cast %swap3A_1087 : i32 to index
        %swap3A_1089 = arith.index_cast %add3A_1086 : i32 to index
        %swap3A_1090 = arith.constant 112 : index
        %swap3A_1091 = tpu.vector_load %arg10[%swap3A_1088, %swap3A_1089, %swap3A_1090] {strides = array<i32>} : memref<2x64x128xf32, #tpu.memory_space<vmem>>, vector<1x1x16xf32>,
        %swap3A_1092 = vector.shape_cast %swap3A_1091 : vector<1x1x16xf32> to vector<16xf32>
        %swap3A_1093 = vector.shape_cast %add3A_1082 : vector<16xf32> to vector<1x1x16xf32>
        tpu.vector_store %arg10[%swap3A_1088, %swap3A_1089, %swap3A_1090], %swap3A_1093 {strides = array<i32>} : memref<2x64x128xf32, #tpu.memory_space<vmem>>, vector<1x1x16xf32>,
        %mul3A_1094 = arith.constant 16 : i32
        %mul3A_1095 = arith.muli %scan3A_406, %mul3A_1094 : i32
        %add3A_1096 = arith.constant 12 : i32
        %add3A_1097 = arith.addi %mul3A_1095, %add3A_1096 : i32
        %slice3A_1098 = vector.extract_strided_slice %and3A_421 {offsets = [12], sizes = [1], strides = [1]} : vector<16xi32> to vector<1xi32>
        %squeeze3A_1099 = vector.extract %slice3A_1098[0] : i32 from vector<1xi32>
        %slice3A_1100 = vector.extract_strided_slice %shift_right_logical3A_424 {offsets = [12], sizes = [1], strides = [1]} : vector<16xi32> to vector<1xi32>
        %squeeze3A_1101 = vector.extract %slice3A_1100[0] : i32 from vector<1xi32>
        %add3A_1102 = arith.constant 0 : i32
        %add3A_1103 = arith.addi %squeeze3A_1099, %add3A_1102 : i32
        %get3A_1104 = arith.constant 1 : i32
        %get3A_1105 = arith.index_cast %get3A_1104 : i32 to index
        %get3A_1106 = arith.index_cast %add3A_1097 : i32 to index
        %get3A_1107 = arith.index_cast %add3A_1103 : i32 to index
        %get3A_1108 = tpu.vector_load %arg9[%get3A_1105, %get3A_1106, %get3A_1107] {strides = array<i32>} : memref<2x256x128xf32, #tpu.memory_space<vmem>>, vector<1x1x16xf32>,
        %get3A_1109 = vector.shape_cast %get3A_1108 : vector<1x1x16xf32> to vector<16xf32>
        %get3A_1110 = arith.index_cast %squeeze3A_1101 : i32 to index
        %get3A_1111 = arith.constant 0 : index
        %get3A_1112 = tpu.vector_load %arg11[%get3A_1110, %get3A_1111] {strides = array<i32>} : memref<104x128xf32, #tpu.memory_space<vmem>>, vector<1x16xf32>,
        %get3A_1113 = vector.shape_cast %get3A_1112 : vector<1x16xf32> to vector<16xf32>
        %add3A_1114 = arith.addf %get3A_1109, %get3A_1113 : vector<16xf32>
        %mul3A_1115 = arith.constant 4 : i32
        %mul3A_1116 = arith.muli %scan3A_406, %mul3A_1115 : i32
        %add3A_1117 = arith.constant 3 : i32
        %add3A_1118 = arith.addi %mul3A_1116, %add3A_1117 : i32
        %swap3A_1119 = arith.constant 1 : i32
        %swap3A_1120 = arith.index_cast %swap3A_1119 : i32 to index
        %swap3A_1121 = arith.index_cast %add3A_1118 : i32 to index
        %swap3A_1122 = arith.constant 0 : index
        %swap3A_1123 = tpu.vector_load %arg10[%swap3A_1120, %swap3A_1121, %swap3A_1122] {strides = array<i32>} : memref<2x64x128xf32, #tpu.memory_space<vmem>>, vector<1x1x16xf32>,
        %swap3A_1124 = vector.shape_cast %swap3A_1123 : vector<1x1x16xf32> to vector<16xf32>
        %swap3A_1125 = vector.shape_cast %add3A_1114 : vector<16xf32> to vector<1x1x16xf32>
        tpu.vector_store %arg10[%swap3A_1120, %swap3A_1121, %swap3A_1122], %swap3A_1125 {strides = array<i32>} : memref<2x64x128xf32, #tpu.memory_space<vmem>>, vector<1x1x16xf32>,
        %add3A_1126 = arith.constant 16 : i32
        %add3A_1127 = arith.addi %squeeze3A_1099, %add3A_1126 : i32
        %get3A_1128 = arith.constant 1 : i32
        %get3A_1129 = arith.index_cast %get3A_1128 : i32 to index
        %get3A_1130 = arith.index_cast %add3A_1097 : i32 to index
        %get3A_1131 = arith.index_cast %add3A_1127 : i32 to index
        %get3A_1132 = tpu.vector_load %arg9[%get3A_1129, %get3A_1130, %get3A_1131] {strides = array<i32>} : memref<2x256x128xf32, #tpu.memory_space<vmem>>, vector<1x1x16xf32>,
        %get3A_1133 = vector.shape_cast %get3A_1132 : vector<1x1x16xf32> to vector<16xf32>
        %get3A_1134 = arith.index_cast %squeeze3A_1101 : i32 to index
        %get3A_1135 = arith.constant 16 : index
        %get3A_1136 = tpu.vector_load %arg11[%get3A_1134, %get3A_1135] {strides = array<i32>} : memref<104x128xf32, #tpu.memory_space<vmem>>, vector<1x16xf32>,
        %get3A_1137 = vector.shape_cast %get3A_1136 : vector<1x16xf32> to vector<16xf32>
        %add3A_1138 = arith.addf %get3A_1133, %get3A_1137 : vector<16xf32>
        %mul3A_1139 = arith.constant 4 : i32
        %mul3A_1140 = arith.muli %scan3A_406, %mul3A_1139 : i32
        %add3A_1141 = arith.constant 3 : i32
        %add3A_1142 = arith.addi %mul3A_1140, %add3A_1141 : i32
        %swap3A_1143 = arith.constant 1 : i32
        %swap3A_1144 = arith.index_cast %swap3A_1143 : i32 to index
        %swap3A_1145 = arith.index_cast %add3A_1142 : i32 to index
        %swap3A_1146 = arith.constant 16 : index
        %swap3A_1147 = tpu.vector_load %arg10[%swap3A_1144, %swap3A_1145, %swap3A_1146] {strides = array<i32>} : memref<2x64x128xf32, #tpu.memory_space<vmem>>, vector<1x1x16xf32>,
        %swap3A_1148 = vector.shape_cast %swap3A_1147 : vector<1x1x16xf32> to vector<16xf32>
        %swap3A_1149 = vector.shape_cast %add3A_1138 : vector<16xf32> to vector<1x1x16xf32>
        tpu.vector_store %arg10[%swap3A_1144, %swap3A_1145, %swap3A_1146], %swap3A_1149 {strides = array<i32>} : memref<2x64x128xf32, #tpu.memory_space<vmem>>, vector<1x1x16xf32>,
        %mul3A_1150 = arith.constant 16 : i32
        %mul3A_1151 = arith.muli %scan3A_406, %mul3A_1150 : i32
        %add3A_1152 = arith.constant 13 : i32
        %add3A_1153 = arith.addi %mul3A_1151, %add3A_1152 : i32
        %slice3A_1154 = vector.extract_strided_slice %and3A_421 {offsets = [13], sizes = [1], strides = [1]} : vector<16xi32> to vector<1xi32>
        %squeeze3A_1155 = vector.extract %slice3A_1154[0] : i32 from vector<1xi32>
        %slice3A_1156 = vector.extract_strided_slice %shift_right_logical3A_424 {offsets = [13], sizes = [1], strides = [1]} : vector<16xi32> to vector<1xi32>
        %squeeze3A_1157 = vector.extract %slice3A_1156[0] : i32 from vector<1xi32>
        %add3A_1158 = arith.constant 0 : i32
        %add3A_1159 = arith.addi %squeeze3A_1155, %add3A_1158 : i32
        %get3A_1160 = arith.constant 1 : i32
        %get3A_1161 = arith.index_cast %get3A_1160 : i32 to index
        %get3A_1162 = arith.index_cast %add3A_1153 : i32 to index
        %get3A_1163 = arith.index_cast %add3A_1159 : i32 to index
        %get3A_1164 = tpu.vector_load %arg9[%get3A_1161, %get3A_1162, %get3A_1163] {strides = array<i32>} : memref<2x256x128xf32, #tpu.memory_space<vmem>>, vector<1x1x16xf32>,
        %get3A_1165 = vector.shape_cast %get3A_1164 : vector<1x1x16xf32> to vector<16xf32>
        %get3A_1166 = arith.index_cast %squeeze3A_1157 : i32 to index
        %get3A_1167 = arith.constant 0 : index
        %get3A_1168 = tpu.vector_load %arg11[%get3A_1166, %get3A_1167] {strides = array<i32>} : memref<104x128xf32, #tpu.memory_space<vmem>>, vector<1x16xf32>,
        %get3A_1169 = vector.shape_cast %get3A_1168 : vector<1x16xf32> to vector<16xf32>
        %add3A_1170 = arith.addf %get3A_1165, %get3A_1169 : vector<16xf32>
        %mul3A_1171 = arith.constant 4 : i32
        %mul3A_1172 = arith.muli %scan3A_406, %mul3A_1171 : i32
        %add3A_1173 = arith.constant 3 : i32
        %add3A_1174 = arith.addi %mul3A_1172, %add3A_1173 : i32
        %swap3A_1175 = arith.constant 1 : i32
        %swap3A_1176 = arith.index_cast %swap3A_1175 : i32 to index
        %swap3A_1177 = arith.index_cast %add3A_1174 : i32 to index
        %swap3A_1178 = arith.constant 32 : index
        %swap3A_1179 = tpu.vector_load %arg10[%swap3A_1176, %swap3A_1177, %swap3A_1178] {strides = array<i32>} : memref<2x64x128xf32, #tpu.memory_space<vmem>>, vector<1x1x16xf32>,
        %swap3A_1180 = vector.shape_cast %swap3A_1179 : vector<1x1x16xf32> to vector<16xf32>
        %swap3A_1181 = vector.shape_cast %add3A_1170 : vector<16xf32> to vector<1x1x16xf32>
        tpu.vector_store %arg10[%swap3A_1176, %swap3A_1177, %swap3A_1178], %swap3A_1181 {strides = array<i32>} : memref<2x64x128xf32, #tpu.memory_space<vmem>>, vector<1x1x16xf32>,
        %add3A_1182 = arith.constant 16 : i32
        %add3A_1183 = arith.addi %squeeze3A_1155, %add3A_1182 : i32
        %get3A_1184 = arith.constant 1 : i32
        %get3A_1185 = arith.index_cast %get3A_1184 : i32 to index
        %get3A_1186 = arith.index_cast %add3A_1153 : i32 to index
        %get3A_1187 = arith.index_cast %add3A_1183 : i32 to index
        %get3A_1188 = tpu.vector_load %arg9[%get3A_1185, %get3A_1186, %get3A_1187] {strides = array<i32>} : memref<2x256x128xf32, #tpu.memory_space<vmem>>, vector<1x1x16xf32>,
        %get3A_1189 = vector.shape_cast %get3A_1188 : vector<1x1x16xf32> to vector<16xf32>
        %get3A_1190 = arith.index_cast %squeeze3A_1157 : i32 to index
        %get3A_1191 = arith.constant 16 : index
        %get3A_1192 = tpu.vector_load %arg11[%get3A_1190, %get3A_1191] {strides = array<i32>} : memref<104x128xf32, #tpu.memory_space<vmem>>, vector<1x16xf32>,
        %get3A_1193 = vector.shape_cast %get3A_1192 : vector<1x16xf32> to vector<16xf32>
        %add3A_1194 = arith.addf %get3A_1189, %get3A_1193 : vector<16xf32>
        %mul3A_1195 = arith.constant 4 : i32
        %mul3A_1196 = arith.muli %scan3A_406, %mul3A_1195 : i32
        %add3A_1197 = arith.constant 3 : i32
        %add3A_1198 = arith.addi %mul3A_1196, %add3A_1197 : i32
        %swap3A_1199 = arith.constant 1 : i32
        %swap3A_1200 = arith.index_cast %swap3A_1199 : i32 to index
        %swap3A_1201 = arith.index_cast %add3A_1198 : i32 to index
        %swap3A_1202 = arith.constant 48 : index
        %swap3A_1203 = tpu.vector_load %arg10[%swap3A_1200, %swap3A_1201, %swap3A_1202] {strides = array<i32>} : memref<2x64x128xf32, #tpu.memory_space<vmem>>, vector<1x1x16xf32>,
        %swap3A_1204 = vector.shape_cast %swap3A_1203 : vector<1x1x16xf32> to vector<16xf32>
        %swap3A_1205 = vector.shape_cast %add3A_1194 : vector<16xf32> to vector<1x1x16xf32>
        tpu.vector_store %arg10[%swap3A_1200, %swap3A_1201, %swap3A_1202], %swap3A_1205 {strides = array<i32>} : memref<2x64x128xf32, #tpu.memory_space<vmem>>, vector<1x1x16xf32>,
        %mul3A_1206 = arith.constant 16 : i32
        %mul3A_1207 = arith.muli %scan3A_406, %mul3A_1206 : i32
        %add3A_1208 = arith.constant 14 : i32
        %add3A_1209 = arith.addi %mul3A_1207, %add3A_1208 : i32
        %slice3A_1210 = vector.extract_strided_slice %and3A_421 {offsets = [14], sizes = [1], strides = [1]} : vector<16xi32> to vector<1xi32>
        %squeeze3A_1211 = vector.extract %slice3A_1210[0] : i32 from vector<1xi32>
        %slice3A_1212 = vector.extract_strided_slice %shift_right_logical3A_424 {offsets = [14], sizes = [1], strides = [1]} : vector<16xi32> to vector<1xi32>
        %squeeze3A_1213 = vector.extract %slice3A_1212[0] : i32 from vector<1xi32>
        %add3A_1214 = arith.constant 0 : i32
        %add3A_1215 = arith.addi %squeeze3A_1211, %add3A_1214 : i32
        %get3A_1216 = arith.constant 1 : i32
        %get3A_1217 = arith.index_cast %get3A_1216 : i32 to index
        %get3A_1218 = arith.index_cast %add3A_1209 : i32 to index
        %get3A_1219 = arith.index_cast %add3A_1215 : i32 to index
        %get3A_1220 = tpu.vector_load %arg9[%get3A_1217, %get3A_1218, %get3A_1219] {strides = array<i32>} : memref<2x256x128xf32, #tpu.memory_space<vmem>>, vector<1x1x16xf32>,
        %get3A_1221 = vector.shape_cast %get3A_1220 : vector<1x1x16xf32> to vector<16xf32>
        %get3A_1222 = arith.index_cast %squeeze3A_1213 : i32 to index
        %get3A_1223 = arith.constant 0 : index
        %get3A_1224 = tpu.vector_load %arg11[%get3A_1222, %get3A_1223] {strides = array<i32>} : memref<104x128xf32, #tpu.memory_space<vmem>>, vector<1x16xf32>,
        %get3A_1225 = vector.shape_cast %get3A_1224 : vector<1x16xf32> to vector<16xf32>
        %add3A_1226 = arith.addf %get3A_1221, %get3A_1225 : vector<16xf32>
        %mul3A_1227 = arith.constant 4 : i32
        %mul3A_1228 = arith.muli %scan3A_406, %mul3A_1227 : i32
        %add3A_1229 = arith.constant 3 : i32
        %add3A_1230 = arith.addi %mul3A_1228, %add3A_1229 : i32
        %swap3A_1231 = arith.constant 1 : i32
        %swap3A_1232 = arith.index_cast %swap3A_1231 : i32 to index
        %swap3A_1233 = arith.index_cast %add3A_1230 : i32 to index
        %swap3A_1234 = arith.constant 64 : index
        %swap3A_1235 = tpu.vector_load %arg10[%swap3A_1232, %swap3A_1233, %swap3A_1234] {strides = array<i32>} : memref<2x64x128xf32, #tpu.memory_space<vmem>>, vector<1x1x16xf32>,
        %swap3A_1236 = vector.shape_cast %swap3A_1235 : vector<1x1x16xf32> to vector<16xf32>
        %swap3A_1237 = vector.shape_cast %add3A_1226 : vector<16xf32> to vector<1x1x16xf32>
        tpu.vector_store %arg10[%swap3A_1232, %swap3A_1233, %swap3A_1234], %swap3A_1237 {strides = array<i32>} : memref<2x64x128xf32, #tpu.memory_space<vmem>>, vector<1x1x16xf32>,
        %add3A_1238 = arith.constant 16 : i32
        %add3A_1239 = arith.addi %squeeze3A_1211, %add3A_1238 : i32
        %get3A_1240 = arith.constant 1 : i32
        %get3A_1241 = arith.index_cast %get3A_1240 : i32 to index
        %get3A_1242 = arith.index_cast %add3A_1209 : i32 to index
        %get3A_1243 = arith.index_cast %add3A_1239 : i32 to index
        %get3A_1244 = tpu.vector_load %arg9[%get3A_1241, %get3A_1242, %get3A_1243] {strides = array<i32>} : memref<2x256x128xf32, #tpu.memory_space<vmem>>, vector<1x1x16xf32>,
        %get3A_1245 = vector.shape_cast %get3A_1244 : vector<1x1x16xf32> to vector<16xf32>
        %get3A_1246 = arith.index_cast %squeeze3A_1213 : i32 to index
        %get3A_1247 = arith.constant 16 : index
        %get3A_1248 = tpu.vector_load %arg11[%get3A_1246, %get3A_1247] {strides = array<i32>} : memref<104x128xf32, #tpu.memory_space<vmem>>, vector<1x16xf32>,
        %get3A_1249 = vector.shape_cast %get3A_1248 : vector<1x16xf32> to vector<16xf32>
        %add3A_1250 = arith.addf %get3A_1245, %get3A_1249 : vector<16xf32>
        %mul3A_1251 = arith.constant 4 : i32
        %mul3A_1252 = arith.muli %scan3A_406, %mul3A_1251 : i32
        %add3A_1253 = arith.constant 3 : i32
        %add3A_1254 = arith.addi %mul3A_1252, %add3A_1253 : i32
        %swap3A_1255 = arith.constant 1 : i32
        %swap3A_1256 = arith.index_cast %swap3A_1255 : i32 to index
        %swap3A_1257 = arith.index_cast %add3A_1254 : i32 to index
        %swap3A_1258 = arith.constant 80 : index
        %swap3A_1259 = tpu.vector_load %arg10[%swap3A_1256, %swap3A_1257, %swap3A_1258] {strides = array<i32>} : memref<2x64x128xf32, #tpu.memory_space<vmem>>, vector<1x1x16xf32>,
        %swap3A_1260 = vector.shape_cast %swap3A_1259 : vector<1x1x16xf32> to vector<16xf32>
        %swap3A_1261 = vector.shape_cast %add3A_1250 : vector<16xf32> to vector<1x1x16xf32>
        tpu.vector_store %arg10[%swap3A_1256, %swap3A_1257, %swap3A_1258], %swap3A_1261 {strides = array<i32>} : memref<2x64x128xf32, #tpu.memory_space<vmem>>, vector<1x1x16xf32>,
        %mul3A_1262 = arith.constant 16 : i32
        %mul3A_1263 = arith.muli %scan3A_406, %mul3A_1262 : i32
        %add3A_1264 = arith.constant 15 : i32
        %add3A_1265 = arith.addi %mul3A_1263, %add3A_1264 : i32
        %slice3A_1266 = vector.extract_strided_slice %and3A_421 {offsets = [15], sizes = [1], strides = [1]} : vector<16xi32> to vector<1xi32>
        %squeeze3A_1267 = vector.extract %slice3A_1266[0] : i32 from vector<1xi32>
        %slice3A_1268 = vector.extract_strided_slice %shift_right_logical3A_424 {offsets = [15], sizes = [1], strides = [1]} : vector<16xi32> to vector<1xi32>
        %squeeze3A_1269 = vector.extract %slice3A_1268[0] : i32 from vector<1xi32>
        %add3A_1270 = arith.constant 0 : i32
        %add3A_1271 = arith.addi %squeeze3A_1267, %add3A_1270 : i32
        %get3A_1272 = arith.constant 1 : i32
        %get3A_1273 = arith.index_cast %get3A_1272 : i32 to index
        %get3A_1274 = arith.index_cast %add3A_1265 : i32 to index
        %get3A_1275 = arith.index_cast %add3A_1271 : i32 to index
        %get3A_1276 = tpu.vector_load %arg9[%get3A_1273, %get3A_1274, %get3A_1275] {strides = array<i32>} : memref<2x256x128xf32, #tpu.memory_space<vmem>>, vector<1x1x16xf32>,
        %get3A_1277 = vector.shape_cast %get3A_1276 : vector<1x1x16xf32> to vector<16xf32>
        %get3A_1278 = arith.index_cast %squeeze3A_1269 : i32 to index
        %get3A_1279 = arith.constant 0 : index
        %get3A_1280 = tpu.vector_load %arg11[%get3A_1278, %get3A_1279] {strides = array<i32>} : memref<104x128xf32, #tpu.memory_space<vmem>>, vector<1x16xf32>,
        %get3A_1281 = vector.shape_cast %get3A_1280 : vector<1x16xf32> to vector<16xf32>
        %add3A_1282 = arith.addf %get3A_1277, %get3A_1281 : vector<16xf32>
        %mul3A_1283 = arith.constant 4 : i32
        %mul3A_1284 = arith.muli %scan3A_406, %mul3A_1283 : i32
        %add3A_1285 = arith.constant 3 : i32
        %add3A_1286 = arith.addi %mul3A_1284, %add3A_1285 : i32
        %swap3A_1287 = arith.constant 1 : i32
        %swap3A_1288 = arith.index_cast %swap3A_1287 : i32 to index
        %swap3A_1289 = arith.index_cast %add3A_1286 : i32 to index
        %swap3A_1290 = arith.constant 96 : index
        %swap3A_1291 = tpu.vector_load %arg10[%swap3A_1288, %swap3A_1289, %swap3A_1290] {strides = array<i32>} : memref<2x64x128xf32, #tpu.memory_space<vmem>>, vector<1x1x16xf32>,
        %swap3A_1292 = vector.shape_cast %swap3A_1291 : vector<1x1x16xf32> to vector<16xf32>
        %swap3A_1293 = vector.shape_cast %add3A_1282 : vector<16xf32> to vector<1x1x16xf32>
        tpu.vector_store %arg10[%swap3A_1288, %swap3A_1289, %swap3A_1290], %swap3A_1293 {strides = array<i32>} : memref<2x64x128xf32, #tpu.memory_space<vmem>>, vector<1x1x16xf32>,
        %add3A_1294 = arith.constant 16 : i32
        %add3A_1295 = arith.addi %squeeze3A_1267, %add3A_1294 : i32
        %get3A_1296 = arith.constant 1 : i32
        %get3A_1297 = arith.index_cast %get3A_1296 : i32 to index
        %get3A_1298 = arith.index_cast %add3A_1265 : i32 to index
        %get3A_1299 = arith.index_cast %add3A_1295 : i32 to index
        %get3A_1300 = tpu.vector_load %arg9[%get3A_1297, %get3A_1298, %get3A_1299] {strides = array<i32>} : memref<2x256x128xf32, #tpu.memory_space<vmem>>, vector<1x1x16xf32>,
        %get3A_1301 = vector.shape_cast %get3A_1300 : vector<1x1x16xf32> to vector<16xf32>
        %get3A_1302 = arith.index_cast %squeeze3A_1269 : i32 to index
        %get3A_1303 = arith.constant 16 : index
        %get3A_1304 = tpu.vector_load %arg11[%get3A_1302, %get3A_1303] {strides = array<i32>} : memref<104x128xf32, #tpu.memory_space<vmem>>, vector<1x16xf32>,
        %get3A_1305 = vector.shape_cast %get3A_1304 : vector<1x16xf32> to vector<16xf32>
        %add3A_1306 = arith.addf %get3A_1301, %get3A_1305 : vector<16xf32>
        %mul3A_1307 = arith.constant 4 : i32
        %mul3A_1308 = arith.muli %scan3A_406, %mul3A_1307 : i32
        %add3A_1309 = arith.constant 3 : i32
        %add3A_1310 = arith.addi %mul3A_1308, %add3A_1309 : i32
        %swap3A_1311 = arith.constant 1 : i32
        %swap3A_1312 = arith.index_cast %swap3A_1311 : i32 to index
        %swap3A_1313 = arith.index_cast %add3A_1310 : i32 to index
        %swap3A_1314 = arith.constant 112 : index
        %swap3A_1315 = tpu.vector_load %arg10[%swap3A_1312, %swap3A_1313, %swap3A_1314] {strides = array<i32>} : memref<2x64x128xf32, #tpu.memory_space<vmem>>, vector<1x1x16xf32>,
        %swap3A_1316 = vector.shape_cast %swap3A_1315 : vector<1x1x16xf32> to vector<16xf32>
        %swap3A_1317 = vector.shape_cast %add3A_1306 : vector<16xf32> to vector<1x1x16xf32>
        tpu.vector_store %arg10[%swap3A_1312, %swap3A_1313, %swap3A_1314], %swap3A_1317 {strides = array<i32>} : memref<2x64x128xf32, #tpu.memory_space<vmem>>, vector<1x1x16xf32>,
      }
      %scan3A_361 = arith.constant 16 : i32
      %jit3A_362 = arith.constant 4 : i32
      %div3A_363 = arith.divsi %multiple_of3A, %jit3A_362 : i32
      %sign3A_364 = arith.constant 0 : i32
      %sign3A_365 = arith.cmpi sgt, %multiple_of3A, %sign3A_364 : i32
      %sign3A_366 = arith.extui %sign3A_365 : i1 to i32
      %sign3A_367 = arith.constant 0 : i32
      %sign3A_368 = arith.cmpi slt, %multiple_of3A, %sign3A_367 : i32
      %sign3A_369 = arith.extui %sign3A_368 : i1 to i32
      %sign3A_370 = arith.subi %sign3A_366, %sign3A_369 : i32
      %sign3A_371 = arith.constant 0 : i32
      %sign3A_372 = arith.cmpi sgt, %jit3A_362, %sign3A_371 : i32
      %sign3A_373 = arith.extui %sign3A_372 : i1 to i32
      %sign3A_374 = arith.constant 0 : i32
      %sign3A_375 = arith.cmpi slt, %jit3A_362, %sign3A_374 : i32
      %sign3A_376 = arith.extui %sign3A_375 : i1 to i32
      %sign3A_377 = arith.subi %sign3A_373, %sign3A_376 : i32
      %ne3A_378 = arith.cmpi ne, %sign3A_370, %sign3A_377 : i32
      %rem3A_379 = arith.remsi %multiple_of3A, %jit3A_362 : i32
      %ne3A_380 = arith.constant 0 : i32
      %ne3A_381 = arith.cmpi ne, %rem3A_379, %ne3A_380 : i32
      %and3A_382 = arith.andi %ne3A_378, %ne3A_381 : i1
      %sub3A_383 = arith.constant 1 : i32
      %sub3A_384 = arith.subi %div3A_363, %sub3A_383 : i32
      %select_n3A_385 = arith.select %and3A_382, %sub3A_384, %div3A_363 : i32
      %mul3A_386 = arith.constant 64 : i32
      %mul3A_387 = arith.muli %add3A_172, %mul3A_386 : i32
      %add3A_388 = arith.addi %select_n3A_385, %mul3A_387 : i32
      %multiple_of3A_389 = tpu.assume_multiple %add3A_388, 64 : i32
      %dma_start3A_390 = arith.constant 1 : i32
      %dma_start3A_391 = arith.constant 1 : i32
      %dma_start3A_392 = arith.constant 0 : i32
      %dma_start3A_393 = arith.constant 0 : i32
      %dma_start3A_394 = tpu.memref_slice %arg10[%dma_start3A_390, %dma_start3A_392, %dma_start3A_393] : memref<2x64x128xf32, #tpu.memory_space<vmem>> -> memref<1x64x128xf32, #tpu.memory_space<vmem>>
      %dma_start3A_395 = tpu.memref_squeeze %dma_start3A_394 : memref<1x64x128xf32, #tpu.memory_space<vmem>> -> memref<64x128xf32, #tpu.memory_space<vmem>>
      %dma_start3A_396 = arith.constant 0 : i32
      %dma_start3A_397 = tpu.memref_slice %arg6[%multiple_of3A_389, %dma_start3A_396] : memref<51200x128xf32, #tpu.memory_space<hbm>> -> memref<64x128xf32, #tpu.memory_space<hbm>>
      %dma_start3A_398 = tpu.memref_slice %arg13[%dma_start3A_391] : memref<2x!tpu.dma_semaphore, #tpu.memory_space<semaphore_mem>> -> memref<1x!tpu.dma_semaphore, #tpu.memory_space<semaphore_mem>>
      %dma_start3A_399 = tpu.memref_squeeze %dma_start3A_398 : memref<1x!tpu.dma_semaphore, #tpu.memory_space<semaphore_mem>> -> memref<!tpu.dma_semaphore, #tpu.memory_space<semaphore_mem>>
      %dma_start3A_400 = arith.constant 0 : i32
      %dma_start3A_401 = tpu.memref_slice %arg6[%multiple_of3A_389, %dma_start3A_400] : memref<51200x128xf32, #tpu.memory_space<hbm>> -> memref<64x128xf32, #tpu.memory_space<hbm>>
      %dma_start3A_402 = arith.constant 0 : i32
      %dma_start3A_403 = arith.constant 0 : i32
      %dma_start3A_404 = tpu.memref_slice %arg10[%dma_start3A_390, %dma_start3A_402, %dma_start3A_403] : memref<2x64x128xf32, #tpu.memory_space<vmem>> -> memref<1x64x128xf32, #tpu.memory_space<vmem>>
      %dma_start3A_405 = tpu.memref_squeeze %dma_start3A_404 : memref<1x64x128xf32, #tpu.memory_space<vmem>> -> memref<64x128xf32, #tpu.memory_space<vmem>>
      tpu.enqueue_dma source(%dma_start3A_405 : memref<64x128xf32, #tpu.memory_space<vmem>>) target(%dma_start3A_401 : memref<64x128xf32, #tpu.memory_space<hbm>>) target_semaphore(%dma_start3A_399 : memref<!tpu.dma_semaphore, #tpu.memory_space<semaphore_mem>>)
    }
    %scan3A_54 = arith.constant 12 : i32
    %dma_wait3A = arith.constant 0 : i32
    %dma_wait3A_55 = arith.constant 0 : i32
    %dma_wait3A_56 = arith.constant 0 : i32
    %dma_wait3A_57 = arith.constant 0 : i32
    %dma_wait3A_58 = tpu.memref_slice %arg9[%dma_wait3A, %dma_wait3A_56, %dma_wait3A_57] : memref<2x256x128xf32, #tpu.memory_space<vmem>> -> memref<1x256x128xf32, #tpu.memory_space<vmem>>
    %dma_wait3A_59 = tpu.memref_squeeze %dma_wait3A_58 : memref<1x256x128xf32, #tpu.memory_space<vmem>> -> memref<256x128xf32, #tpu.memory_space<vmem>>
    %dma_wait3A_60 = arith.constant 0 : i32
    %dma_wait3A_61 = arith.constant 0 : i32
    %dma_wait3A_62 = tpu.memref_slice %arg4[%dma_wait3A_60, %dma_wait3A_61] : memref<250000x128xf32, #tpu.memory_space<hbm>> -> memref<256x128xf32, #tpu.memory_space<hbm>>
    %dma_wait3A_63 = tpu.memref_slice %arg12[%dma_wait3A_55] : memref<2x!tpu.dma_semaphore, #tpu.memory_space<semaphore_mem>> -> memref<1x!tpu.dma_semaphore, #tpu.memory_space<semaphore_mem>>
    %dma_wait3A_64 = tpu.memref_squeeze %dma_wait3A_63 : memref<1x!tpu.dma_semaphore, #tpu.memory_space<semaphore_mem>> -> memref<!tpu.dma_semaphore, #tpu.memory_space<semaphore_mem>>
    %dma_wait3A_65 = arith.constant 0 : i32
    %dma_wait3A_66 = arith.constant 0 : i32
    %dma_wait3A_67 = tpu.memref_slice %arg9[%dma_wait3A, %dma_wait3A_65, %dma_wait3A_66] : memref<2x256x128xf32, #tpu.memory_space<vmem>> -> memref<1x256x128xf32, #tpu.memory_space<vmem>>
    %dma_wait3A_68 = tpu.memref_squeeze %dma_wait3A_67 : memref<1x256x128xf32, #tpu.memory_space<vmem>> -> memref<256x128xf32, #tpu.memory_space<vmem>>
    %dma_wait3A_69 = arith.constant 0 : i32
    %dma_wait3A_70 = arith.constant 0 : i32
    %dma_wait3A_71 = tpu.memref_slice %arg4[%dma_wait3A_69, %dma_wait3A_70] : memref<250000x128xf32, #tpu.memory_space<hbm>> -> memref<256x128xf32, #tpu.memory_space<hbm>>
    tpu.wait_dma2 semaphore(%dma_wait3A_64 : memref<!tpu.dma_semaphore, #tpu.memory_space<semaphore_mem>>) src(%dma_wait3A_71 : memref<256x128xf32, #tpu.memory_space<hbm>>) dst(%dma_wait3A_68 : memref<256x128xf32, #tpu.memory_space<vmem>>)
    %dma_wait3A_72 = arith.constant 0 : i32
    %dma_wait3A_73 = arith.constant 0 : i32
    %dma_wait3A_74 = arith.constant 0 : i32
    %dma_wait3A_75 = arith.constant 0 : i32
    %dma_wait3A_76 = tpu.memref_slice %arg10[%dma_wait3A_72, %dma_wait3A_74, %dma_wait3A_75] : memref<2x64x128xf32, #tpu.memory_space<vmem>> -> memref<1x64x128xf32, #tpu.memory_space<vmem>>
    %dma_wait3A_77 = tpu.memref_squeeze %dma_wait3A_76 : memref<1x64x128xf32, #tpu.memory_space<vmem>> -> memref<64x128xf32, #tpu.memory_space<vmem>>
    %dma_wait3A_78 = arith.constant 0 : i32
    %dma_wait3A_79 = arith.constant 0 : i32
    %dma_wait3A_80 = tpu.memref_slice %arg6[%dma_wait3A_78, %dma_wait3A_79] : memref<51200x128xf32, #tpu.memory_space<hbm>> -> memref<64x128xf32, #tpu.memory_space<hbm>>
    %dma_wait3A_81 = tpu.memref_slice %arg13[%dma_wait3A_73] : memref<2x!tpu.dma_semaphore, #tpu.memory_space<semaphore_mem>> -> memref<1x!tpu.dma_semaphore, #tpu.memory_space<semaphore_mem>>
    %dma_wait3A_82 = tpu.memref_squeeze %dma_wait3A_81 : memref<1x!tpu.dma_semaphore, #tpu.memory_space<semaphore_mem>> -> memref<!tpu.dma_semaphore, #tpu.memory_space<semaphore_mem>>
    %dma_wait3A_83 = arith.constant 0 : i32
    %dma_wait3A_84 = arith.constant 0 : i32
    %dma_wait3A_85 = tpu.memref_slice %arg10[%dma_wait3A_72, %dma_wait3A_83, %dma_wait3A_84] : memref<2x64x128xf32, #tpu.memory_space<vmem>> -> memref<1x64x128xf32, #tpu.memory_space<vmem>>
    %dma_wait3A_86 = tpu.memref_squeeze %dma_wait3A_85 : memref<1x64x128xf32, #tpu.memory_space<vmem>> -> memref<64x128xf32, #tpu.memory_space<vmem>>
    %dma_wait3A_87 = arith.constant 0 : i32
    %dma_wait3A_88 = arith.constant 0 : i32
    %dma_wait3A_89 = tpu.memref_slice %arg6[%dma_wait3A_87, %dma_wait3A_88] : memref<51200x128xf32, #tpu.memory_space<hbm>> -> memref<64x128xf32, #tpu.memory_space<hbm>>
    tpu.wait_dma2 semaphore(%dma_wait3A_82 : memref<!tpu.dma_semaphore, #tpu.memory_space<semaphore_mem>>) src(%dma_wait3A_89 : memref<64x128xf32, #tpu.memory_space<hbm>>) dst(%dma_wait3A_86 : memref<64x128xf32, #tpu.memory_space<vmem>>)
    %scan3A_90 = arith.constant 0 : i32
    %scan3A_91 = arith.constant 0 : i32
    %scan3A_92 = arith.constant 16 : i32
    %scan3A_93 = arith.addi %scan3A_91, %scan3A_92 : i32
    %scan3A_94 = arith.constant 1 : i32
    scf.for %scan3A_168 = %scan3A_91 to %scan3A_93 step %scan3A_94  : i32 {
      %add3A_169 = arith.constant 48 : i32
      %add3A_170 = arith.addi %sub3A, %add3A_169 : i32
      %shift_right_logical3A = arith.constant 3 : i32
      %shift_right_logical3A_171 = arith.shrui %scan3A_168, %shift_right_logical3A : i32
      %add3A_172 = arith.addi %add3A_170, %shift_right_logical3A_171 : i32
      %and3A_173 = arith.constant 7 : i32
      %and3A_174 = arith.andi %scan3A_168, %and3A_173 : i32
      %shift_left3A_175 = arith.constant 4 : i32
      %shift_left3A_176 = arith.shli %and3A_174, %shift_left3A_175 : i32
      %get3A = arith.index_cast %add3A_172 : i32 to index
      %get3A_177 = arith.index_cast %shift_left3A_176 : i32 to index
      %get3A_178 = tpu.vector_load %arg8[%get3A, %get3A_177] {strides = array<i32>} : memref<64x128xi32, #tpu.memory_space<vmem>>, vector<1x16xi32>,
      %get3A_179 = vector.shape_cast %get3A_178 : vector<1x16xi32> to vector<16xi32>
      %and3A_180 = arith.constant 255 : i32
      %and3A_181 = vector.broadcast %and3A_180 : i32 to vector<16xi32>
      %and3A_182 = arith.andi %get3A_179, %and3A_181 : vector<16xi32>
      %shift_right_logical3A_183 = arith.constant 16 : i32
      %shift_right_logical3A_184 = vector.broadcast %shift_right_logical3A_183 : i32 to vector<16xi32>
      %shift_right_logical3A_185 = arith.shrui %get3A_179, %shift_right_logical3A_184 : vector<16xi32>
      %mul3A_186 = arith.constant 16 : i32
      %mul3A_187 = arith.muli %scan3A_168, %mul3A_186 : i32
      %add3A_188 = arith.constant 0 : i32
      %add3A_189 = arith.addi %mul3A_187, %add3A_188 : i32
      %slice3A = vector.extract_strided_slice %and3A_182 {offsets = [0], sizes = [1], strides = [1]} : vector<16xi32> to vector<1xi32>
      %squeeze3A = vector.extract %slice3A[0] : i32 from vector<1xi32>
      %slice3A_190 = vector.extract_strided_slice %shift_right_logical3A_185 {offsets = [0], sizes = [1], strides = [1]} : vector<16xi32> to vector<1xi32>
      %squeeze3A_191 = vector.extract %slice3A_190[0] : i32 from vector<1xi32>
      %add3A_192 = arith.constant 0 : i32
      %add3A_193 = arith.addi %squeeze3A, %add3A_192 : i32
      %get3A_194 = arith.constant 0 : i32
      %get3A_195 = arith.index_cast %get3A_194 : i32 to index
      %get3A_196 = arith.index_cast %add3A_189 : i32 to index
      %get3A_197 = arith.index_cast %add3A_193 : i32 to index
      %get3A_198 = tpu.vector_load %arg9[%get3A_195, %get3A_196, %get3A_197] {strides = array<i32>} : memref<2x256x128xf32, #tpu.memory_space<vmem>>, vector<1x1x16xf32>,
      %get3A_199 = vector.shape_cast %get3A_198 : vector<1x1x16xf32> to vector<16xf32>
      %get3A_200 = arith.index_cast %squeeze3A_191 : i32 to index
      %get3A_201 = arith.constant 0 : index
      %get3A_202 = tpu.vector_load %arg11[%get3A_200, %get3A_201] {strides = array<i32>} : memref<104x128xf32, #tpu.memory_space<vmem>>, vector<1x16xf32>,
      %get3A_203 = vector.shape_cast %get3A_202 : vector<1x16xf32> to vector<16xf32>
      %add3A_204 = arith.addf %get3A_199, %get3A_203 : vector<16xf32>
      %mul3A_205 = arith.constant 4 : i32
      %mul3A_206 = arith.muli %scan3A_168, %mul3A_205 : i32
      %add3A_207 = arith.constant 0 : i32
      %add3A_208 = arith.addi %mul3A_206, %add3A_207 : i32
      %swap3A = arith.constant 0 : i32
      %swap3A_209 = arith.index_cast %swap3A : i32 to index
      %swap3A_210 = arith.index_cast %add3A_208 : i32 to index
      %swap3A_211 = arith.constant 0 : index
      %swap3A_212 = tpu.vector_load %arg10[%swap3A_209, %swap3A_210, %swap3A_211] {strides = array<i32>} : memref<2x64x128xf32, #tpu.memory_space<vmem>>, vector<1x1x16xf32>,
      %swap3A_213 = vector.shape_cast %swap3A_212 : vector<1x1x16xf32> to vector<16xf32>
      %swap3A_214 = vector.shape_cast %add3A_204 : vector<16xf32> to vector<1x1x16xf32>
      tpu.vector_store %arg10[%swap3A_209, %swap3A_210, %swap3A_211], %swap3A_214 {strides = array<i32>} : memref<2x64x128xf32, #tpu.memory_space<vmem>>, vector<1x1x16xf32>,
      %add3A_215 = arith.constant 16 : i32
      %add3A_216 = arith.addi %squeeze3A, %add3A_215 : i32
      %get3A_217 = arith.constant 0 : i32
      %get3A_218 = arith.index_cast %get3A_217 : i32 to index
      %get3A_219 = arith.index_cast %add3A_189 : i32 to index
      %get3A_220 = arith.index_cast %add3A_216 : i32 to index
      %get3A_221 = tpu.vector_load %arg9[%get3A_218, %get3A_219, %get3A_220] {strides = array<i32>} : memref<2x256x128xf32, #tpu.memory_space<vmem>>, vector<1x1x16xf32>,
      %get3A_222 = vector.shape_cast %get3A_221 : vector<1x1x16xf32> to vector<16xf32>
      %get3A_223 = arith.index_cast %squeeze3A_191 : i32 to index
      %get3A_224 = arith.constant 16 : index
      %get3A_225 = tpu.vector_load %arg11[%get3A_223, %get3A_224] {strides = array<i32>} : memref<104x128xf32, #tpu.memory_space<vmem>>, vector<1x16xf32>,
      %get3A_226 = vector.shape_cast %get3A_225 : vector<1x16xf32> to vector<16xf32>
      %add3A_227 = arith.addf %get3A_222, %get3A_226 : vector<16xf32>
      %mul3A_228 = arith.constant 4 : i32
      %mul3A_229 = arith.muli %scan3A_168, %mul3A_228 : i32
      %add3A_230 = arith.constant 0 : i32
      %add3A_231 = arith.addi %mul3A_229, %add3A_230 : i32
      %swap3A_232 = arith.constant 0 : i32
      %swap3A_233 = arith.index_cast %swap3A_232 : i32 to index
      %swap3A_234 = arith.index_cast %add3A_231 : i32 to index
      %swap3A_235 = arith.constant 16 : index
      %swap3A_236 = tpu.vector_load %arg10[%swap3A_233, %swap3A_234, %swap3A_235] {strides = array<i32>} : memref<2x64x128xf32, #tpu.memory_space<vmem>>, vector<1x1x16xf32>,
      %swap3A_237 = vector.shape_cast %swap3A_236 : vector<1x1x16xf32> to vector<16xf32>
      %swap3A_238 = vector.shape_cast %add3A_227 : vector<16xf32> to vector<1x1x16xf32>
      tpu.vector_store %arg10[%swap3A_233, %swap3A_234, %swap3A_235], %swap3A_238 {strides = array<i32>} : memref<2x64x128xf32, #tpu.memory_space<vmem>>, vector<1x1x16xf32>,
      %mul3A_239 = arith.constant 16 : i32
      %mul3A_240 = arith.muli %scan3A_168, %mul3A_239 : i32
      %add3A_241 = arith.constant 1 : i32
      %add3A_242 = arith.addi %mul3A_240, %add3A_241 : i32
      %slice3A_243 = vector.extract_strided_slice %and3A_182 {offsets = [1], sizes = [1], strides = [1]} : vector<16xi32> to vector<1xi32>
      %squeeze3A_244 = vector.extract %slice3A_243[0] : i32 from vector<1xi32>
      %slice3A_245 = vector.extract_strided_slice %shift_right_logical3A_185 {offsets = [1], sizes = [1], strides = [1]} : vector<16xi32> to vector<1xi32>
      %squeeze3A_246 = vector.extract %slice3A_245[0] : i32 from vector<1xi32>
      %add3A_247 = arith.constant 0 : i32
      %add3A_248 = arith.addi %squeeze3A_244, %add3A_247 : i32
      %get3A_249 = arith.constant 0 : i32
      %get3A_250 = arith.index_cast %get3A_249 : i32 to index
      %get3A_251 = arith.index_cast %add3A_242 : i32 to index
      %get3A_252 = arith.index_cast %add3A_248 : i32 to index
      %get3A_253 = tpu.vector_load %arg9[%get3A_250, %get3A_251, %get3A_252] {strides = array<i32>} : memref<2x256x128xf32, #tpu.memory_space<vmem>>, vector<1x1x16xf32>,
      %get3A_254 = vector.shape_cast %get3A_253 : vector<1x1x16xf32> to vector<16xf32>
      %get3A_255 = arith.index_cast %squeeze3A_246 : i32 to index
      %get3A_256 = arith.constant 0 : index
      %get3A_257 = tpu.vector_load %arg11[%get3A_255, %get3A_256] {strides = array<i32>} : memref<104x128xf32, #tpu.memory_space<vmem>>, vector<1x16xf32>,
      %get3A_258 = vector.shape_cast %get3A_257 : vector<1x16xf32> to vector<16xf32>
      %add3A_259 = arith.addf %get3A_254, %get3A_258 : vector<16xf32>
      %mul3A_260 = arith.constant 4 : i32
      %mul3A_261 = arith.muli %scan3A_168, %mul3A_260 : i32
      %add3A_262 = arith.constant 0 : i32
      %add3A_263 = arith.addi %mul3A_261, %add3A_262 : i32
      %swap3A_264 = arith.constant 0 : i32
      %swap3A_265 = arith.index_cast %swap3A_264 : i32 to index
      %swap3A_266 = arith.index_cast %add3A_263 : i32 to index
      %swap3A_267 = arith.constant 32 : index
      %swap3A_268 = tpu.vector_load %arg10[%swap3A_265, %swap3A_266, %swap3A_267] {strides = array<i32>} : memref<2x64x128xf32, #tpu.memory_space<vmem>>, vector<1x1x16xf32>,
      %swap3A_269 = vector.shape_cast %swap3A_268 : vector<1x1x16xf32> to vector<16xf32>
      %swap3A_270 = vector.shape_cast %add3A_259 : vector<16xf32> to vector<1x1x16xf32>
      tpu.vector_store %arg10[%swap3A_265, %swap3A_266, %swap3A_267], %swap3A_270 {strides = array<i32>} : memref<2x64x128xf32, #tpu.memory_space<vmem>>, vector<1x1x16xf32>,
      %add3A_271 = arith.constant 16 : i32
      %add3A_272 = arith.addi %squeeze3A_244, %add3A_271 : i32
      %get3A_273 = arith.constant 0 : i32
      %get3A_274 = arith.index_cast %get3A_273 : i32 to index
      %get3A_275 = arith.index_cast %add3A_242 : i32 to index
      %get3A_276 = arith.index_cast %add3A_272 : i32 to index
      %get3A_277 = tpu.vector_load %arg9[%get3A_274, %get3A_275, %get3A_276] {strides = array<i32>} : memref<2x256x128xf32, #tpu.memory_space<vmem>>, vector<1x1x16xf32>,
      %get3A_278 = vector.shape_cast %get3A_277 : vector<1x1x16xf32> to vector<16xf32>
      %get3A_279 = arith.index_cast %squeeze3A_246 : i32 to index
      %get3A_280 = arith.constant 16 : index
      %get3A_281 = tpu.vector_load %arg11[%get3A_279, %get3A_280] {strides = array<i32>} : memref<104x128xf32, #tpu.memory_space<vmem>>, vector<1x16xf32>,
      %get3A_282 = vector.shape_cast %get3A_281 : vector<1x16xf32> to vector<16xf32>
      %add3A_283 = arith.addf %get3A_278, %get3A_282 : vector<16xf32>
      %mul3A_284 = arith.constant 4 : i32
      %mul3A_285 = arith.muli %scan3A_168, %mul3A_284 : i32
      %add3A_286 = arith.constant 0 : i32
      %add3A_287 = arith.addi %mul3A_285, %add3A_286 : i32
      %swap3A_288 = arith.constant 0 : i32
      %swap3A_289 = arith.index_cast %swap3A_288 : i32 to index
      %swap3A_290 = arith.index_cast %add3A_287 : i32 to index
      %swap3A_291 = arith.constant 48 : index
      %swap3A_292 = tpu.vector_load %arg10[%swap3A_289, %swap3A_290, %swap3A_291] {strides = array<i32>} : memref<2x64x128xf32, #tpu.memory_space<vmem>>, vector<1x1x16xf32>,
      %swap3A_293 = vector.shape_cast %swap3A_292 : vector<1x1x16xf32> to vector<16xf32>
      %swap3A_294 = vector.shape_cast %add3A_283 : vector<16xf32> to vector<1x1x16xf32>
      tpu.vector_store %arg10[%swap3A_289, %swap3A_290, %swap3A_291], %swap3A_294 {strides = array<i32>} : memref<2x64x128xf32, #tpu.memory_space<vmem>>, vector<1x1x16xf32>,
      %mul3A_295 = arith.constant 16 : i32
      %mul3A_296 = arith.muli %scan3A_168, %mul3A_295 : i32
      %add3A_297 = arith.constant 2 : i32
      %add3A_298 = arith.addi %mul3A_296, %add3A_297 : i32
      %slice3A_299 = vector.extract_strided_slice %and3A_182 {offsets = [2], sizes = [1], strides = [1]} : vector<16xi32> to vector<1xi32>
      %squeeze3A_300 = vector.extract %slice3A_299[0] : i32 from vector<1xi32>
      %slice3A_301 = vector.extract_strided_slice %shift_right_logical3A_185 {offsets = [2], sizes = [1], strides = [1]} : vector<16xi32> to vector<1xi32>
      %squeeze3A_302 = vector.extract %slice3A_301[0] : i32 from vector<1xi32>
      %add3A_303 = arith.constant 0 : i32
      %add3A_304 = arith.addi %squeeze3A_300, %add3A_303 : i32
      %get3A_305 = arith.constant 0 : i32
      %get3A_306 = arith.index_cast %get3A_305 : i32 to index
      %get3A_307 = arith.index_cast %add3A_298 : i32 to index
      %get3A_308 = arith.index_cast %add3A_304 : i32 to index
      %get3A_309 = tpu.vector_load %arg9[%get3A_306, %get3A_307, %get3A_308] {strides = array<i32>} : memref<2x256x128xf32, #tpu.memory_space<vmem>>, vector<1x1x16xf32>,
      %get3A_310 = vector.shape_cast %get3A_309 : vector<1x1x16xf32> to vector<16xf32>
      %get3A_311 = arith.index_cast %squeeze3A_302 : i32 to index
      %get3A_312 = arith.constant 0 : index
      %get3A_313 = tpu.vector_load %arg11[%get3A_311, %get3A_312] {strides = array<i32>} : memref<104x128xf32, #tpu.memory_space<vmem>>, vector<1x16xf32>,
      %get3A_314 = vector.shape_cast %get3A_313 : vector<1x16xf32> to vector<16xf32>
      %add3A_315 = arith.addf %get3A_310, %get3A_314 : vector<16xf32>
      %mul3A_316 = arith.constant 4 : i32
      %mul3A_317 = arith.muli %scan3A_168, %mul3A_316 : i32
      %add3A_318 = arith.constant 0 : i32
      %add3A_319 = arith.addi %mul3A_317, %add3A_318 : i32
      %swap3A_320 = arith.constant 0 : i32
      %swap3A_321 = arith.index_cast %swap3A_320 : i32 to index
      %swap3A_322 = arith.index_cast %add3A_319 : i32 to index
      %swap3A_323 = arith.constant 64 : index
      %swap3A_324 = tpu.vector_load %arg10[%swap3A_321, %swap3A_322, %swap3A_323] {strides = array<i32>} : memref<2x64x128xf32, #tpu.memory_space<vmem>>, vector<1x1x16xf32>,
      %swap3A_325 = vector.shape_cast %swap3A_324 : vector<1x1x16xf32> to vector<16xf32>
      %swap3A_326 = vector.shape_cast %add3A_315 : vector<16xf32> to vector<1x1x16xf32>
      tpu.vector_store %arg10[%swap3A_321, %swap3A_322, %swap3A_323], %swap3A_326 {strides = array<i32>} : memref<2x64x128xf32, #tpu.memory_space<vmem>>, vector<1x1x16xf32>,
      %add3A_327 = arith.constant 16 : i32
      %add3A_328 = arith.addi %squeeze3A_300, %add3A_327 : i32
      %get3A_329 = arith.constant 0 : i32
      %get3A_330 = arith.index_cast %get3A_329 : i32 to index
      %get3A_331 = arith.index_cast %add3A_298 : i32 to index
      %get3A_332 = arith.index_cast %add3A_328 : i32 to index
      %get3A_333 = tpu.vector_load %arg9[%get3A_330, %get3A_331, %get3A_332] {strides = array<i32>} : memref<2x256x128xf32, #tpu.memory_space<vmem>>, vector<1x1x16xf32>,
      %get3A_334 = vector.shape_cast %get3A_333 : vector<1x1x16xf32> to vector<16xf32>
      %get3A_335 = arith.index_cast %squeeze3A_302 : i32 to index
      %get3A_336 = arith.constant 16 : index
      %get3A_337 = tpu.vector_load %arg11[%get3A_335, %get3A_336] {strides = array<i32>} : memref<104x128xf32, #tpu.memory_space<vmem>>, vector<1x16xf32>,
      %get3A_338 = vector.shape_cast %get3A_337 : vector<1x16xf32> to vector<16xf32>
      %add3A_339 = arith.addf %get3A_334, %get3A_338 : vector<16xf32>
      %mul3A_340 = arith.constant 4 : i32
      %mul3A_341 = arith.muli %scan3A_168, %mul3A_340 : i32
      %add3A_342 = arith.constant 0 : i32
      %add3A_343 = arith.addi %mul3A_341, %add3A_342 : i32
      %swap3A_344 = arith.constant 0 : i32
      %swap3A_345 = arith.index_cast %swap3A_344 : i32 to index
      %swap3A_346 = arith.index_cast %add3A_343 : i32 to index
      %swap3A_347 = arith.constant 80 : index
      %swap3A_348 = tpu.vector_load %arg10[%swap3A_345, %swap3A_346, %swap3A_347] {strides = array<i32>} : memref<2x64x128xf32, #tpu.memory_space<vmem>>, vector<1x1x16xf32>,
      %swap3A_349 = vector.shape_cast %swap3A_348 : vector<1x1x16xf32> to vector<16xf32>
      %swap3A_350 = vector.shape_cast %add3A_339 : vector<16xf32> to vector<1x1x16xf32>
      tpu.vector_store %arg10[%swap3A_345, %swap3A_346, %swap3A_347], %swap3A_350 {strides = array<i32>} : memref<2x64x128xf32, #tpu.memory_space<vmem>>, vector<1x1x16xf32>,
      %mul3A_351 = arith.constant 16 : i32
      %mul3A_352 = arith.muli %scan3A_168, %mul3A_351 : i32
      %add3A_353 = arith.constant 3 : i32
      %add3A_354 = arith.addi %mul3A_352, %add3A_353 : i32
      %slice3A_355 = vector.extract_strided_slice %and3A_182 {offsets = [3], sizes = [1], strides = [1]} : vector<16xi32> to vector<1xi32>
      %squeeze3A_356 = vector.extract %slice3A_355[0] : i32 from vector<1xi32>
      %slice3A_357 = vector.extract_strided_slice %shift_right_logical3A_185 {offsets = [3], sizes = [1], strides = [1]} : vector<16xi32> to vector<1xi32>
      %squeeze3A_358 = vector.extract %slice3A_357[0] : i32 from vector<1xi32>
      %add3A_359 = arith.constant 0 : i32
      %add3A_360 = arith.addi %squeeze3A_356, %add3A_359 : i32
      %get3A_361 = arith.constant 0 : i32
      %get3A_362 = arith.index_cast %get3A_361 : i32 to index
      %get3A_363 = arith.index_cast %add3A_354 : i32 to index
      %get3A_364 = arith.index_cast %add3A_360 : i32 to index
      %get3A_365 = tpu.vector_load %arg9[%get3A_362, %get3A_363, %get3A_364] {strides = array<i32>} : memref<2x256x128xf32, #tpu.memory_space<vmem>>, vector<1x1x16xf32>,
      %get3A_366 = vector.shape_cast %get3A_365 : vector<1x1x16xf32> to vector<16xf32>
      %get3A_367 = arith.index_cast %squeeze3A_358 : i32 to index
      %get3A_368 = arith.constant 0 : index
      %get3A_369 = tpu.vector_load %arg11[%get3A_367, %get3A_368] {strides = array<i32>} : memref<104x128xf32, #tpu.memory_space<vmem>>, vector<1x16xf32>,
      %get3A_370 = vector.shape_cast %get3A_369 : vector<1x16xf32> to vector<16xf32>
      %add3A_371 = arith.addf %get3A_366, %get3A_370 : vector<16xf32>
      %mul3A_372 = arith.constant 4 : i32
      %mul3A_373 = arith.muli %scan3A_168, %mul3A_372 : i32
      %add3A_374 = arith.constant 0 : i32
      %add3A_375 = arith.addi %mul3A_373, %add3A_374 : i32
      %swap3A_376 = arith.constant 0 : i32
      %swap3A_377 = arith.index_cast %swap3A_376 : i32 to index
      %swap3A_378 = arith.index_cast %add3A_375 : i32 to index
      %swap3A_379 = arith.constant 96 : index
      %swap3A_380 = tpu.vector_load %arg10[%swap3A_377, %swap3A_378, %swap3A_379] {strides = array<i32>} : memref<2x64x128xf32, #tpu.memory_space<vmem>>, vector<1x1x16xf32>,
      %swap3A_381 = vector.shape_cast %swap3A_380 : vector<1x1x16xf32> to vector<16xf32>
      %swap3A_382 = vector.shape_cast %add3A_371 : vector<16xf32> to vector<1x1x16xf32>
      tpu.vector_store %arg10[%swap3A_377, %swap3A_378, %swap3A_379], %swap3A_382 {strides = array<i32>} : memref<2x64x128xf32, #tpu.memory_space<vmem>>, vector<1x1x16xf32>,
      %add3A_383 = arith.constant 16 : i32
      %add3A_384 = arith.addi %squeeze3A_356, %add3A_383 : i32
      %get3A_385 = arith.constant 0 : i32
      %get3A_386 = arith.index_cast %get3A_385 : i32 to index
      %get3A_387 = arith.index_cast %add3A_354 : i32 to index
      %get3A_388 = arith.index_cast %add3A_384 : i32 to index
      %get3A_389 = tpu.vector_load %arg9[%get3A_386, %get3A_387, %get3A_388] {strides = array<i32>} : memref<2x256x128xf32, #tpu.memory_space<vmem>>, vector<1x1x16xf32>,
      %get3A_390 = vector.shape_cast %get3A_389 : vector<1x1x16xf32> to vector<16xf32>
      %get3A_391 = arith.index_cast %squeeze3A_358 : i32 to index
      %get3A_392 = arith.constant 16 : index
      %get3A_393 = tpu.vector_load %arg11[%get3A_391, %get3A_392] {strides = array<i32>} : memref<104x128xf32, #tpu.memory_space<vmem>>, vector<1x16xf32>,
      %get3A_394 = vector.shape_cast %get3A_393 : vector<1x16xf32> to vector<16xf32>
      %add3A_395 = arith.addf %get3A_390, %get3A_394 : vector<16xf32>
      %mul3A_396 = arith.constant 4 : i32
      %mul3A_397 = arith.muli %scan3A_168, %mul3A_396 : i32
      %add3A_398 = arith.constant 0 : i32
      %add3A_399 = arith.addi %mul3A_397, %add3A_398 : i32
      %swap3A_400 = arith.constant 0 : i32
      %swap3A_401 = arith.index_cast %swap3A_400 : i32 to index
      %swap3A_402 = arith.index_cast %add3A_399 : i32 to index
      %swap3A_403 = arith.constant 112 : index
      %swap3A_404 = tpu.vector_load %arg10[%swap3A_401, %swap3A_402, %swap3A_403] {strides = array<i32>} : memref<2x64x128xf32, #tpu.memory_space<vmem>>, vector<1x1x16xf32>,
      %swap3A_405 = vector.shape_cast %swap3A_404 : vector<1x1x16xf32> to vector<16xf32>
      %swap3A_406 = vector.shape_cast %add3A_395 : vector<16xf32> to vector<1x1x16xf32>
      tpu.vector_store %arg10[%swap3A_401, %swap3A_402, %swap3A_403], %swap3A_406 {strides = array<i32>} : memref<2x64x128xf32, #tpu.memory_space<vmem>>, vector<1x1x16xf32>,
      %mul3A_407 = arith.constant 16 : i32
      %mul3A_408 = arith.muli %scan3A_168, %mul3A_407 : i32
      %add3A_409 = arith.constant 4 : i32
      %add3A_410 = arith.addi %mul3A_408, %add3A_409 : i32
      %slice3A_411 = vector.extract_strided_slice %and3A_182 {offsets = [4], sizes = [1], strides = [1]} : vector<16xi32> to vector<1xi32>
      %squeeze3A_412 = vector.extract %slice3A_411[0] : i32 from vector<1xi32>
      %slice3A_413 = vector.extract_strided_slice %shift_right_logical3A_185 {offsets = [4], sizes = [1], strides = [1]} : vector<16xi32> to vector<1xi32>
      %squeeze3A_414 = vector.extract %slice3A_413[0] : i32 from vector<1xi32>
      %add3A_415 = arith.constant 0 : i32
      %add3A_416 = arith.addi %squeeze3A_412, %add3A_415 : i32
      %get3A_417 = arith.constant 0 : i32
      %get3A_418 = arith.index_cast %get3A_417 : i32 to index
      %get3A_419 = arith.index_cast %add3A_410 : i32 to index
      %get3A_420 = arith.index_cast %add3A_416 : i32 to index
      %get3A_421 = tpu.vector_load %arg9[%get3A_418, %get3A_419, %get3A_420] {strides = array<i32>} : memref<2x256x128xf32, #tpu.memory_space<vmem>>, vector<1x1x16xf32>,
      %get3A_422 = vector.shape_cast %get3A_421 : vector<1x1x16xf32> to vector<16xf32>
      %get3A_423 = arith.index_cast %squeeze3A_414 : i32 to index
      %get3A_424 = arith.constant 0 : index
      %get3A_425 = tpu.vector_load %arg11[%get3A_423, %get3A_424] {strides = array<i32>} : memref<104x128xf32, #tpu.memory_space<vmem>>, vector<1x16xf32>,
      %get3A_426 = vector.shape_cast %get3A_425 : vector<1x16xf32> to vector<16xf32>
      %add3A_427 = arith.addf %get3A_422, %get3A_426 : vector<16xf32>
      %mul3A_428 = arith.constant 4 : i32
      %mul3A_429 = arith.muli %scan3A_168, %mul3A_428 : i32
      %add3A_430 = arith.constant 1 : i32
      %add3A_431 = arith.addi %mul3A_429, %add3A_430 : i32
      %swap3A_432 = arith.constant 0 : i32
      %swap3A_433 = arith.index_cast %swap3A_432 : i32 to index
      %swap3A_434 = arith.index_cast %add3A_431 : i32 to index
      %swap3A_435 = arith.constant 0 : index
      %swap3A_436 = tpu.vector_load %arg10[%swap3A_433, %swap3A_434, %swap3A_435] {strides = array<i32>} : memref<2x64x128xf32, #tpu.memory_space<vmem>>, vector<1x1x16xf32>,
      %swap3A_437 = vector.shape_cast %swap3A_436 : vector<1x1x16xf32> to vector<16xf32>
      %swap3A_438 = vector.shape_cast %add3A_427 : vector<16xf32> to vector<1x1x16xf32>
      tpu.vector_store %arg10[%swap3A_433, %swap3A_434, %swap3A_435], %swap3A_438 {strides = array<i32>} : memref<2x64x128xf32, #tpu.memory_space<vmem>>, vector<1x1x16xf32>,
      %add3A_439 = arith.constant 16 : i32
      %add3A_440 = arith.addi %squeeze3A_412, %add3A_439 : i32
      %get3A_441 = arith.constant 0 : i32
      %get3A_442 = arith.index_cast %get3A_441 : i32 to index
      %get3A_443 = arith.index_cast %add3A_410 : i32 to index
      %get3A_444 = arith.index_cast %add3A_440 : i32 to index
      %get3A_445 = tpu.vector_load %arg9[%get3A_442, %get3A_443, %get3A_444] {strides = array<i32>} : memref<2x256x128xf32, #tpu.memory_space<vmem>>, vector<1x1x16xf32>,
      %get3A_446 = vector.shape_cast %get3A_445 : vector<1x1x16xf32> to vector<16xf32>
      %get3A_447 = arith.index_cast %squeeze3A_414 : i32 to index
      %get3A_448 = arith.constant 16 : index
      %get3A_449 = tpu.vector_load %arg11[%get3A_447, %get3A_448] {strides = array<i32>} : memref<104x128xf32, #tpu.memory_space<vmem>>, vector<1x16xf32>,
      %get3A_450 = vector.shape_cast %get3A_449 : vector<1x16xf32> to vector<16xf32>
      %add3A_451 = arith.addf %get3A_446, %get3A_450 : vector<16xf32>
      %mul3A_452 = arith.constant 4 : i32
      %mul3A_453 = arith.muli %scan3A_168, %mul3A_452 : i32
      %add3A_454 = arith.constant 1 : i32
      %add3A_455 = arith.addi %mul3A_453, %add3A_454 : i32
      %swap3A_456 = arith.constant 0 : i32
      %swap3A_457 = arith.index_cast %swap3A_456 : i32 to index
      %swap3A_458 = arith.index_cast %add3A_455 : i32 to index
      %swap3A_459 = arith.constant 16 : index
      %swap3A_460 = tpu.vector_load %arg10[%swap3A_457, %swap3A_458, %swap3A_459] {strides = array<i32>} : memref<2x64x128xf32, #tpu.memory_space<vmem>>, vector<1x1x16xf32>,
      %swap3A_461 = vector.shape_cast %swap3A_460 : vector<1x1x16xf32> to vector<16xf32>
      %swap3A_462 = vector.shape_cast %add3A_451 : vector<16xf32> to vector<1x1x16xf32>
      tpu.vector_store %arg10[%swap3A_457, %swap3A_458, %swap3A_459], %swap3A_462 {strides = array<i32>} : memref<2x64x128xf32, #tpu.memory_space<vmem>>, vector<1x1x16xf32>,
      %mul3A_463 = arith.constant 16 : i32
      %mul3A_464 = arith.muli %scan3A_168, %mul3A_463 : i32
      %add3A_465 = arith.constant 5 : i32
      %add3A_466 = arith.addi %mul3A_464, %add3A_465 : i32
      %slice3A_467 = vector.extract_strided_slice %and3A_182 {offsets = [5], sizes = [1], strides = [1]} : vector<16xi32> to vector<1xi32>
      %squeeze3A_468 = vector.extract %slice3A_467[0] : i32 from vector<1xi32>
      %slice3A_469 = vector.extract_strided_slice %shift_right_logical3A_185 {offsets = [5], sizes = [1], strides = [1]} : vector<16xi32> to vector<1xi32>
      %squeeze3A_470 = vector.extract %slice3A_469[0] : i32 from vector<1xi32>
      %add3A_471 = arith.constant 0 : i32
      %add3A_472 = arith.addi %squeeze3A_468, %add3A_471 : i32
      %get3A_473 = arith.constant 0 : i32
      %get3A_474 = arith.index_cast %get3A_473 : i32 to index
      %get3A_475 = arith.index_cast %add3A_466 : i32 to index
      %get3A_476 = arith.index_cast %add3A_472 : i32 to index
      %get3A_477 = tpu.vector_load %arg9[%get3A_474, %get3A_475, %get3A_476] {strides = array<i32>} : memref<2x256x128xf32, #tpu.memory_space<vmem>>, vector<1x1x16xf32>,
      %get3A_478 = vector.shape_cast %get3A_477 : vector<1x1x16xf32> to vector<16xf32>
      %get3A_479 = arith.index_cast %squeeze3A_470 : i32 to index
      %get3A_480 = arith.constant 0 : index
      %get3A_481 = tpu.vector_load %arg11[%get3A_479, %get3A_480] {strides = array<i32>} : memref<104x128xf32, #tpu.memory_space<vmem>>, vector<1x16xf32>,
      %get3A_482 = vector.shape_cast %get3A_481 : vector<1x16xf32> to vector<16xf32>
      %add3A_483 = arith.addf %get3A_478, %get3A_482 : vector<16xf32>
      %mul3A_484 = arith.constant 4 : i32
      %mul3A_485 = arith.muli %scan3A_168, %mul3A_484 : i32
      %add3A_486 = arith.constant 1 : i32
      %add3A_487 = arith.addi %mul3A_485, %add3A_486 : i32
      %swap3A_488 = arith.constant 0 : i32
      %swap3A_489 = arith.index_cast %swap3A_488 : i32 to index
      %swap3A_490 = arith.index_cast %add3A_487 : i32 to index
      %swap3A_491 = arith.constant 32 : index
      %swap3A_492 = tpu.vector_load %arg10[%swap3A_489, %swap3A_490, %swap3A_491] {strides = array<i32>} : memref<2x64x128xf32, #tpu.memory_space<vmem>>, vector<1x1x16xf32>,
      %swap3A_493 = vector.shape_cast %swap3A_492 : vector<1x1x16xf32> to vector<16xf32>
      %swap3A_494 = vector.shape_cast %add3A_483 : vector<16xf32> to vector<1x1x16xf32>
      tpu.vector_store %arg10[%swap3A_489, %swap3A_490, %swap3A_491], %swap3A_494 {strides = array<i32>} : memref<2x64x128xf32, #tpu.memory_space<vmem>>, vector<1x1x16xf32>,
      %add3A_495 = arith.constant 16 : i32
      %add3A_496 = arith.addi %squeeze3A_468, %add3A_495 : i32
      %get3A_497 = arith.constant 0 : i32
      %get3A_498 = arith.index_cast %get3A_497 : i32 to index
      %get3A_499 = arith.index_cast %add3A_466 : i32 to index
      %get3A_500 = arith.index_cast %add3A_496 : i32 to index
      %get3A_501 = tpu.vector_load %arg9[%get3A_498, %get3A_499, %get3A_500] {strides = array<i32>} : memref<2x256x128xf32, #tpu.memory_space<vmem>>, vector<1x1x16xf32>,
      %get3A_502 = vector.shape_cast %get3A_501 : vector<1x1x16xf32> to vector<16xf32>
      %get3A_503 = arith.index_cast %squeeze3A_470 : i32 to index
      %get3A_504 = arith.constant 16 : index
      %get3A_505 = tpu.vector_load %arg11[%get3A_503, %get3A_504] {strides = array<i32>} : memref<104x128xf32, #tpu.memory_space<vmem>>, vector<1x16xf32>,
      %get3A_506 = vector.shape_cast %get3A_505 : vector<1x16xf32> to vector<16xf32>
      %add3A_507 = arith.addf %get3A_502, %get3A_506 : vector<16xf32>
      %mul3A_508 = arith.constant 4 : i32
      %mul3A_509 = arith.muli %scan3A_168, %mul3A_508 : i32
      %add3A_510 = arith.constant 1 : i32
      %add3A_511 = arith.addi %mul3A_509, %add3A_510 : i32
      %swap3A_512 = arith.constant 0 : i32
      %swap3A_513 = arith.index_cast %swap3A_512 : i32 to index
      %swap3A_514 = arith.index_cast %add3A_511 : i32 to index
      %swap3A_515 = arith.constant 48 : index
      %swap3A_516 = tpu.vector_load %arg10[%swap3A_513, %swap3A_514, %swap3A_515] {strides = array<i32>} : memref<2x64x128xf32, #tpu.memory_space<vmem>>, vector<1x1x16xf32>,
      %swap3A_517 = vector.shape_cast %swap3A_516 : vector<1x1x16xf32> to vector<16xf32>
      %swap3A_518 = vector.shape_cast %add3A_507 : vector<16xf32> to vector<1x1x16xf32>
      tpu.vector_store %arg10[%swap3A_513, %swap3A_514, %swap3A_515], %swap3A_518 {strides = array<i32>} : memref<2x64x128xf32, #tpu.memory_space<vmem>>, vector<1x1x16xf32>,
      %mul3A_519 = arith.constant 16 : i32
      %mul3A_520 = arith.muli %scan3A_168, %mul3A_519 : i32
      %add3A_521 = arith.constant 6 : i32
      %add3A_522 = arith.addi %mul3A_520, %add3A_521 : i32
      %slice3A_523 = vector.extract_strided_slice %and3A_182 {offsets = [6], sizes = [1], strides = [1]} : vector<16xi32> to vector<1xi32>
      %squeeze3A_524 = vector.extract %slice3A_523[0] : i32 from vector<1xi32>
      %slice3A_525 = vector.extract_strided_slice %shift_right_logical3A_185 {offsets = [6], sizes = [1], strides = [1]} : vector<16xi32> to vector<1xi32>
      %squeeze3A_526 = vector.extract %slice3A_525[0] : i32 from vector<1xi32>
      %add3A_527 = arith.constant 0 : i32
      %add3A_528 = arith.addi %squeeze3A_524, %add3A_527 : i32
      %get3A_529 = arith.constant 0 : i32
      %get3A_530 = arith.index_cast %get3A_529 : i32 to index
      %get3A_531 = arith.index_cast %add3A_522 : i32 to index
      %get3A_532 = arith.index_cast %add3A_528 : i32 to index
      %get3A_533 = tpu.vector_load %arg9[%get3A_530, %get3A_531, %get3A_532] {strides = array<i32>} : memref<2x256x128xf32, #tpu.memory_space<vmem>>, vector<1x1x16xf32>,
      %get3A_534 = vector.shape_cast %get3A_533 : vector<1x1x16xf32> to vector<16xf32>
      %get3A_535 = arith.index_cast %squeeze3A_526 : i32 to index
      %get3A_536 = arith.constant 0 : index
      %get3A_537 = tpu.vector_load %arg11[%get3A_535, %get3A_536] {strides = array<i32>} : memref<104x128xf32, #tpu.memory_space<vmem>>, vector<1x16xf32>,
      %get3A_538 = vector.shape_cast %get3A_537 : vector<1x16xf32> to vector<16xf32>
      %add3A_539 = arith.addf %get3A_534, %get3A_538 : vector<16xf32>
      %mul3A_540 = arith.constant 4 : i32
      %mul3A_541 = arith.muli %scan3A_168, %mul3A_540 : i32
      %add3A_542 = arith.constant 1 : i32
      %add3A_543 = arith.addi %mul3A_541, %add3A_542 : i32
      %swap3A_544 = arith.constant 0 : i32
      %swap3A_545 = arith.index_cast %swap3A_544 : i32 to index
      %swap3A_546 = arith.index_cast %add3A_543 : i32 to index
      %swap3A_547 = arith.constant 64 : index
      %swap3A_548 = tpu.vector_load %arg10[%swap3A_545, %swap3A_546, %swap3A_547] {strides = array<i32>} : memref<2x64x128xf32, #tpu.memory_space<vmem>>, vector<1x1x16xf32>,
      %swap3A_549 = vector.shape_cast %swap3A_548 : vector<1x1x16xf32> to vector<16xf32>
      %swap3A_550 = vector.shape_cast %add3A_539 : vector<16xf32> to vector<1x1x16xf32>
      tpu.vector_store %arg10[%swap3A_545, %swap3A_546, %swap3A_547], %swap3A_550 {strides = array<i32>} : memref<2x64x128xf32, #tpu.memory_space<vmem>>, vector<1x1x16xf32>,
      %add3A_551 = arith.constant 16 : i32
      %add3A_552 = arith.addi %squeeze3A_524, %add3A_551 : i32
      %get3A_553 = arith.constant 0 : i32
      %get3A_554 = arith.index_cast %get3A_553 : i32 to index
      %get3A_555 = arith.index_cast %add3A_522 : i32 to index
      %get3A_556 = arith.index_cast %add3A_552 : i32 to index
      %get3A_557 = tpu.vector_load %arg9[%get3A_554, %get3A_555, %get3A_556] {strides = array<i32>} : memref<2x256x128xf32, #tpu.memory_space<vmem>>, vector<1x1x16xf32>,
      %get3A_558 = vector.shape_cast %get3A_557 : vector<1x1x16xf32> to vector<16xf32>
      %get3A_559 = arith.index_cast %squeeze3A_526 : i32 to index
      %get3A_560 = arith.constant 16 : index
      %get3A_561 = tpu.vector_load %arg11[%get3A_559, %get3A_560] {strides = array<i32>} : memref<104x128xf32, #tpu.memory_space<vmem>>, vector<1x16xf32>,
      %get3A_562 = vector.shape_cast %get3A_561 : vector<1x16xf32> to vector<16xf32>
      %add3A_563 = arith.addf %get3A_558, %get3A_562 : vector<16xf32>
      %mul3A_564 = arith.constant 4 : i32
      %mul3A_565 = arith.muli %scan3A_168, %mul3A_564 : i32
      %add3A_566 = arith.constant 1 : i32
      %add3A_567 = arith.addi %mul3A_565, %add3A_566 : i32
      %swap3A_568 = arith.constant 0 : i32
      %swap3A_569 = arith.index_cast %swap3A_568 : i32 to index
      %swap3A_570 = arith.index_cast %add3A_567 : i32 to index
      %swap3A_571 = arith.constant 80 : index
      %swap3A_572 = tpu.vector_load %arg10[%swap3A_569, %swap3A_570, %swap3A_571] {strides = array<i32>} : memref<2x64x128xf32, #tpu.memory_space<vmem>>, vector<1x1x16xf32>,
      %swap3A_573 = vector.shape_cast %swap3A_572 : vector<1x1x16xf32> to vector<16xf32>
      %swap3A_574 = vector.shape_cast %add3A_563 : vector<16xf32> to vector<1x1x16xf32>
      tpu.vector_store %arg10[%swap3A_569, %swap3A_570, %swap3A_571], %swap3A_574 {strides = array<i32>} : memref<2x64x128xf32, #tpu.memory_space<vmem>>, vector<1x1x16xf32>,
      %mul3A_575 = arith.constant 16 : i32
      %mul3A_576 = arith.muli %scan3A_168, %mul3A_575 : i32
      %add3A_577 = arith.constant 7 : i32
      %add3A_578 = arith.addi %mul3A_576, %add3A_577 : i32
      %slice3A_579 = vector.extract_strided_slice %and3A_182 {offsets = [7], sizes = [1], strides = [1]} : vector<16xi32> to vector<1xi32>
      %squeeze3A_580 = vector.extract %slice3A_579[0] : i32 from vector<1xi32>
      %slice3A_581 = vector.extract_strided_slice %shift_right_logical3A_185 {offsets = [7], sizes = [1], strides = [1]} : vector<16xi32> to vector<1xi32>
      %squeeze3A_582 = vector.extract %slice3A_581[0] : i32 from vector<1xi32>
      %add3A_583 = arith.constant 0 : i32
      %add3A_584 = arith.addi %squeeze3A_580, %add3A_583 : i32
      %get3A_585 = arith.constant 0 : i32
      %get3A_586 = arith.index_cast %get3A_585 : i32 to index
      %get3A_587 = arith.index_cast %add3A_578 : i32 to index
      %get3A_588 = arith.index_cast %add3A_584 : i32 to index
      %get3A_589 = tpu.vector_load %arg9[%get3A_586, %get3A_587, %get3A_588] {strides = array<i32>} : memref<2x256x128xf32, #tpu.memory_space<vmem>>, vector<1x1x16xf32>,
      %get3A_590 = vector.shape_cast %get3A_589 : vector<1x1x16xf32> to vector<16xf32>
      %get3A_591 = arith.index_cast %squeeze3A_582 : i32 to index
      %get3A_592 = arith.constant 0 : index
      %get3A_593 = tpu.vector_load %arg11[%get3A_591, %get3A_592] {strides = array<i32>} : memref<104x128xf32, #tpu.memory_space<vmem>>, vector<1x16xf32>,
      %get3A_594 = vector.shape_cast %get3A_593 : vector<1x16xf32> to vector<16xf32>
      %add3A_595 = arith.addf %get3A_590, %get3A_594 : vector<16xf32>
      %mul3A_596 = arith.constant 4 : i32
      %mul3A_597 = arith.muli %scan3A_168, %mul3A_596 : i32
      %add3A_598 = arith.constant 1 : i32
      %add3A_599 = arith.addi %mul3A_597, %add3A_598 : i32
      %swap3A_600 = arith.constant 0 : i32
      %swap3A_601 = arith.index_cast %swap3A_600 : i32 to index
      %swap3A_602 = arith.index_cast %add3A_599 : i32 to index
      %swap3A_603 = arith.constant 96 : index
      %swap3A_604 = tpu.vector_load %arg10[%swap3A_601, %swap3A_602, %swap3A_603] {strides = array<i32>} : memref<2x64x128xf32, #tpu.memory_space<vmem>>, vector<1x1x16xf32>,
      %swap3A_605 = vector.shape_cast %swap3A_604 : vector<1x1x16xf32> to vector<16xf32>
      %swap3A_606 = vector.shape_cast %add3A_595 : vector<16xf32> to vector<1x1x16xf32>
      tpu.vector_store %arg10[%swap3A_601, %swap3A_602, %swap3A_603], %swap3A_606 {strides = array<i32>} : memref<2x64x128xf32, #tpu.memory_space<vmem>>, vector<1x1x16xf32>,
      %add3A_607 = arith.constant 16 : i32
      %add3A_608 = arith.addi %squeeze3A_580, %add3A_607 : i32
      %get3A_609 = arith.constant 0 : i32
      %get3A_610 = arith.index_cast %get3A_609 : i32 to index
      %get3A_611 = arith.index_cast %add3A_578 : i32 to index
      %get3A_612 = arith.index_cast %add3A_608 : i32 to index
      %get3A_613 = tpu.vector_load %arg9[%get3A_610, %get3A_611, %get3A_612] {strides = array<i32>} : memref<2x256x128xf32, #tpu.memory_space<vmem>>, vector<1x1x16xf32>,
      %get3A_614 = vector.shape_cast %get3A_613 : vector<1x1x16xf32> to vector<16xf32>
      %get3A_615 = arith.index_cast %squeeze3A_582 : i32 to index
      %get3A_616 = arith.constant 16 : index
      %get3A_617 = tpu.vector_load %arg11[%get3A_615, %get3A_616] {strides = array<i32>} : memref<104x128xf32, #tpu.memory_space<vmem>>, vector<1x16xf32>,
      %get3A_618 = vector.shape_cast %get3A_617 : vector<1x16xf32> to vector<16xf32>
      %add3A_619 = arith.addf %get3A_614, %get3A_618 : vector<16xf32>
      %mul3A_620 = arith.constant 4 : i32
      %mul3A_621 = arith.muli %scan3A_168, %mul3A_620 : i32
      %add3A_622 = arith.constant 1 : i32
      %add3A_623 = arith.addi %mul3A_621, %add3A_622 : i32
      %swap3A_624 = arith.constant 0 : i32
      %swap3A_625 = arith.index_cast %swap3A_624 : i32 to index
      %swap3A_626 = arith.index_cast %add3A_623 : i32 to index
      %swap3A_627 = arith.constant 112 : index
      %swap3A_628 = tpu.vector_load %arg10[%swap3A_625, %swap3A_626, %swap3A_627] {strides = array<i32>} : memref<2x64x128xf32, #tpu.memory_space<vmem>>, vector<1x1x16xf32>,
      %swap3A_629 = vector.shape_cast %swap3A_628 : vector<1x1x16xf32> to vector<16xf32>
      %swap3A_630 = vector.shape_cast %add3A_619 : vector<16xf32> to vector<1x1x16xf32>
      tpu.vector_store %arg10[%swap3A_625, %swap3A_626, %swap3A_627], %swap3A_630 {strides = array<i32>} : memref<2x64x128xf32, #tpu.memory_space<vmem>>, vector<1x1x16xf32>,
      %mul3A_631 = arith.constant 16 : i32
      %mul3A_632 = arith.muli %scan3A_168, %mul3A_631 : i32
      %add3A_633 = arith.constant 8 : i32
      %add3A_634 = arith.addi %mul3A_632, %add3A_633 : i32
      %slice3A_635 = vector.extract_strided_slice %and3A_182 {offsets = [8], sizes = [1], strides = [1]} : vector<16xi32> to vector<1xi32>
      %squeeze3A_636 = vector.extract %slice3A_635[0] : i32 from vector<1xi32>
      %slice3A_637 = vector.extract_strided_slice %shift_right_logical3A_185 {offsets = [8], sizes = [1], strides = [1]} : vector<16xi32> to vector<1xi32>
      %squeeze3A_638 = vector.extract %slice3A_637[0] : i32 from vector<1xi32>
      %add3A_639 = arith.constant 0 : i32
      %add3A_640 = arith.addi %squeeze3A_636, %add3A_639 : i32
      %get3A_641 = arith.constant 0 : i32
      %get3A_642 = arith.index_cast %get3A_641 : i32 to index
      %get3A_643 = arith.index_cast %add3A_634 : i32 to index
      %get3A_644 = arith.index_cast %add3A_640 : i32 to index
      %get3A_645 = tpu.vector_load %arg9[%get3A_642, %get3A_643, %get3A_644] {strides = array<i32>} : memref<2x256x128xf32, #tpu.memory_space<vmem>>, vector<1x1x16xf32>,
      %get3A_646 = vector.shape_cast %get3A_645 : vector<1x1x16xf32> to vector<16xf32>
      %get3A_647 = arith.index_cast %squeeze3A_638 : i32 to index
      %get3A_648 = arith.constant 0 : index
      %get3A_649 = tpu.vector_load %arg11[%get3A_647, %get3A_648] {strides = array<i32>} : memref<104x128xf32, #tpu.memory_space<vmem>>, vector<1x16xf32>,
      %get3A_650 = vector.shape_cast %get3A_649 : vector<1x16xf32> to vector<16xf32>
      %add3A_651 = arith.addf %get3A_646, %get3A_650 : vector<16xf32>
      %mul3A_652 = arith.constant 4 : i32
      %mul3A_653 = arith.muli %scan3A_168, %mul3A_652 : i32
      %add3A_654 = arith.constant 2 : i32
      %add3A_655 = arith.addi %mul3A_653, %add3A_654 : i32
      %swap3A_656 = arith.constant 0 : i32
      %swap3A_657 = arith.index_cast %swap3A_656 : i32 to index
      %swap3A_658 = arith.index_cast %add3A_655 : i32 to index
      %swap3A_659 = arith.constant 0 : index
      %swap3A_660 = tpu.vector_load %arg10[%swap3A_657, %swap3A_658, %swap3A_659] {strides = array<i32>} : memref<2x64x128xf32, #tpu.memory_space<vmem>>, vector<1x1x16xf32>,
      %swap3A_661 = vector.shape_cast %swap3A_660 : vector<1x1x16xf32> to vector<16xf32>
      %swap3A_662 = vector.shape_cast %add3A_651 : vector<16xf32> to vector<1x1x16xf32>
      tpu.vector_store %arg10[%swap3A_657, %swap3A_658, %swap3A_659], %swap3A_662 {strides = array<i32>} : memref<2x64x128xf32, #tpu.memory_space<vmem>>, vector<1x1x16xf32>,
      %add3A_663 = arith.constant 16 : i32
      %add3A_664 = arith.addi %squeeze3A_636, %add3A_663 : i32
      %get3A_665 = arith.constant 0 : i32
      %get3A_666 = arith.index_cast %get3A_665 : i32 to index
      %get3A_667 = arith.index_cast %add3A_634 : i32 to index
      %get3A_668 = arith.index_cast %add3A_664 : i32 to index
      %get3A_669 = tpu.vector_load %arg9[%get3A_666, %get3A_667, %get3A_668] {strides = array<i32>} : memref<2x256x128xf32, #tpu.memory_space<vmem>>, vector<1x1x16xf32>,
      %get3A_670 = vector.shape_cast %get3A_669 : vector<1x1x16xf32> to vector<16xf32>
      %get3A_671 = arith.index_cast %squeeze3A_638 : i32 to index
      %get3A_672 = arith.constant 16 : index
      %get3A_673 = tpu.vector_load %arg11[%get3A_671, %get3A_672] {strides = array<i32>} : memref<104x128xf32, #tpu.memory_space<vmem>>, vector<1x16xf32>,
      %get3A_674 = vector.shape_cast %get3A_673 : vector<1x16xf32> to vector<16xf32>
      %add3A_675 = arith.addf %get3A_670, %get3A_674 : vector<16xf32>
      %mul3A_676 = arith.constant 4 : i32
      %mul3A_677 = arith.muli %scan3A_168, %mul3A_676 : i32
      %add3A_678 = arith.constant 2 : i32
      %add3A_679 = arith.addi %mul3A_677, %add3A_678 : i32
      %swap3A_680 = arith.constant 0 : i32
      %swap3A_681 = arith.index_cast %swap3A_680 : i32 to index
      %swap3A_682 = arith.index_cast %add3A_679 : i32 to index
      %swap3A_683 = arith.constant 16 : index
      %swap3A_684 = tpu.vector_load %arg10[%swap3A_681, %swap3A_682, %swap3A_683] {strides = array<i32>} : memref<2x64x128xf32, #tpu.memory_space<vmem>>, vector<1x1x16xf32>,
      %swap3A_685 = vector.shape_cast %swap3A_684 : vector<1x1x16xf32> to vector<16xf32>
      %swap3A_686 = vector.shape_cast %add3A_675 : vector<16xf32> to vector<1x1x16xf32>
      tpu.vector_store %arg10[%swap3A_681, %swap3A_682, %swap3A_683], %swap3A_686 {strides = array<i32>} : memref<2x64x128xf32, #tpu.memory_space<vmem>>, vector<1x1x16xf32>,
      %mul3A_687 = arith.constant 16 : i32
      %mul3A_688 = arith.muli %scan3A_168, %mul3A_687 : i32
      %add3A_689 = arith.constant 9 : i32
      %add3A_690 = arith.addi %mul3A_688, %add3A_689 : i32
      %slice3A_691 = vector.extract_strided_slice %and3A_182 {offsets = [9], sizes = [1], strides = [1]} : vector<16xi32> to vector<1xi32>
      %squeeze3A_692 = vector.extract %slice3A_691[0] : i32 from vector<1xi32>
      %slice3A_693 = vector.extract_strided_slice %shift_right_logical3A_185 {offsets = [9], sizes = [1], strides = [1]} : vector<16xi32> to vector<1xi32>
      %squeeze3A_694 = vector.extract %slice3A_693[0] : i32 from vector<1xi32>
      %add3A_695 = arith.constant 0 : i32
      %add3A_696 = arith.addi %squeeze3A_692, %add3A_695 : i32
      %get3A_697 = arith.constant 0 : i32
      %get3A_698 = arith.index_cast %get3A_697 : i32 to index
      %get3A_699 = arith.index_cast %add3A_690 : i32 to index
      %get3A_700 = arith.index_cast %add3A_696 : i32 to index
      %get3A_701 = tpu.vector_load %arg9[%get3A_698, %get3A_699, %get3A_700] {strides = array<i32>} : memref<2x256x128xf32, #tpu.memory_space<vmem>>, vector<1x1x16xf32>,
      %get3A_702 = vector.shape_cast %get3A_701 : vector<1x1x16xf32> to vector<16xf32>
      %get3A_703 = arith.index_cast %squeeze3A_694 : i32 to index
      %get3A_704 = arith.constant 0 : index
      %get3A_705 = tpu.vector_load %arg11[%get3A_703, %get3A_704] {strides = array<i32>} : memref<104x128xf32, #tpu.memory_space<vmem>>, vector<1x16xf32>,
      %get3A_706 = vector.shape_cast %get3A_705 : vector<1x16xf32> to vector<16xf32>
      %add3A_707 = arith.addf %get3A_702, %get3A_706 : vector<16xf32>
      %mul3A_708 = arith.constant 4 : i32
      %mul3A_709 = arith.muli %scan3A_168, %mul3A_708 : i32
      %add3A_710 = arith.constant 2 : i32
      %add3A_711 = arith.addi %mul3A_709, %add3A_710 : i32
      %swap3A_712 = arith.constant 0 : i32
      %swap3A_713 = arith.index_cast %swap3A_712 : i32 to index
      %swap3A_714 = arith.index_cast %add3A_711 : i32 to index
      %swap3A_715 = arith.constant 32 : index
      %swap3A_716 = tpu.vector_load %arg10[%swap3A_713, %swap3A_714, %swap3A_715] {strides = array<i32>} : memref<2x64x128xf32, #tpu.memory_space<vmem>>, vector<1x1x16xf32>,
      %swap3A_717 = vector.shape_cast %swap3A_716 : vector<1x1x16xf32> to vector<16xf32>
      %swap3A_718 = vector.shape_cast %add3A_707 : vector<16xf32> to vector<1x1x16xf32>
      tpu.vector_store %arg10[%swap3A_713, %swap3A_714, %swap3A_715], %swap3A_718 {strides = array<i32>} : memref<2x64x128xf32, #tpu.memory_space<vmem>>, vector<1x1x16xf32>,
      %add3A_719 = arith.constant 16 : i32
      %add3A_720 = arith.addi %squeeze3A_692, %add3A_719 : i32
      %get3A_721 = arith.constant 0 : i32
      %get3A_722 = arith.index_cast %get3A_721 : i32 to index
      %get3A_723 = arith.index_cast %add3A_690 : i32 to index
      %get3A_724 = arith.index_cast %add3A_720 : i32 to index
      %get3A_725 = tpu.vector_load %arg9[%get3A_722, %get3A_723, %get3A_724] {strides = array<i32>} : memref<2x256x128xf32, #tpu.memory_space<vmem>>, vector<1x1x16xf32>,
      %get3A_726 = vector.shape_cast %get3A_725 : vector<1x1x16xf32> to vector<16xf32>
      %get3A_727 = arith.index_cast %squeeze3A_694 : i32 to index
      %get3A_728 = arith.constant 16 : index
      %get3A_729 = tpu.vector_load %arg11[%get3A_727, %get3A_728] {strides = array<i32>} : memref<104x128xf32, #tpu.memory_space<vmem>>, vector<1x16xf32>,
      %get3A_730 = vector.shape_cast %get3A_729 : vector<1x16xf32> to vector<16xf32>
      %add3A_731 = arith.addf %get3A_726, %get3A_730 : vector<16xf32>
      %mul3A_732 = arith.constant 4 : i32
      %mul3A_733 = arith.muli %scan3A_168, %mul3A_732 : i32
      %add3A_734 = arith.constant 2 : i32
      %add3A_735 = arith.addi %mul3A_733, %add3A_734 : i32
      %swap3A_736 = arith.constant 0 : i32
      %swap3A_737 = arith.index_cast %swap3A_736 : i32 to index
      %swap3A_738 = arith.index_cast %add3A_735 : i32 to index
      %swap3A_739 = arith.constant 48 : index
      %swap3A_740 = tpu.vector_load %arg10[%swap3A_737, %swap3A_738, %swap3A_739] {strides = array<i32>} : memref<2x64x128xf32, #tpu.memory_space<vmem>>, vector<1x1x16xf32>,
      %swap3A_741 = vector.shape_cast %swap3A_740 : vector<1x1x16xf32> to vector<16xf32>
      %swap3A_742 = vector.shape_cast %add3A_731 : vector<16xf32> to vector<1x1x16xf32>
      tpu.vector_store %arg10[%swap3A_737, %swap3A_738, %swap3A_739], %swap3A_742 {strides = array<i32>} : memref<2x64x128xf32, #tpu.memory_space<vmem>>, vector<1x1x16xf32>,
      %mul3A_743 = arith.constant 16 : i32
      %mul3A_744 = arith.muli %scan3A_168, %mul3A_743 : i32
      %add3A_745 = arith.constant 10 : i32
      %add3A_746 = arith.addi %mul3A_744, %add3A_745 : i32
      %slice3A_747 = vector.extract_strided_slice %and3A_182 {offsets = [10], sizes = [1], strides = [1]} : vector<16xi32> to vector<1xi32>
      %squeeze3A_748 = vector.extract %slice3A_747[0] : i32 from vector<1xi32>
      %slice3A_749 = vector.extract_strided_slice %shift_right_logical3A_185 {offsets = [10], sizes = [1], strides = [1]} : vector<16xi32> to vector<1xi32>
      %squeeze3A_750 = vector.extract %slice3A_749[0] : i32 from vector<1xi32>
      %add3A_751 = arith.constant 0 : i32
      %add3A_752 = arith.addi %squeeze3A_748, %add3A_751 : i32
      %get3A_753 = arith.constant 0 : i32
      %get3A_754 = arith.index_cast %get3A_753 : i32 to index
      %get3A_755 = arith.index_cast %add3A_746 : i32 to index
      %get3A_756 = arith.index_cast %add3A_752 : i32 to index
      %get3A_757 = tpu.vector_load %arg9[%get3A_754, %get3A_755, %get3A_756] {strides = array<i32>} : memref<2x256x128xf32, #tpu.memory_space<vmem>>, vector<1x1x16xf32>,
      %get3A_758 = vector.shape_cast %get3A_757 : vector<1x1x16xf32> to vector<16xf32>
      %get3A_759 = arith.index_cast %squeeze3A_750 : i32 to index
      %get3A_760 = arith.constant 0 : index
      %get3A_761 = tpu.vector_load %arg11[%get3A_759, %get3A_760] {strides = array<i32>} : memref<104x128xf32, #tpu.memory_space<vmem>>, vector<1x16xf32>,
      %get3A_762 = vector.shape_cast %get3A_761 : vector<1x16xf32> to vector<16xf32>
      %add3A_763 = arith.addf %get3A_758, %get3A_762 : vector<16xf32>
      %mul3A_764 = arith.constant 4 : i32
      %mul3A_765 = arith.muli %scan3A_168, %mul3A_764 : i32
      %add3A_766 = arith.constant 2 : i32
      %add3A_767 = arith.addi %mul3A_765, %add3A_766 : i32
      %swap3A_768 = arith.constant 0 : i32
      %swap3A_769 = arith.index_cast %swap3A_768 : i32 to index
      %swap3A_770 = arith.index_cast %add3A_767 : i32 to index
      %swap3A_771 = arith.constant 64 : index
      %swap3A_772 = tpu.vector_load %arg10[%swap3A_769, %swap3A_770, %swap3A_771] {strides = array<i32>} : memref<2x64x128xf32, #tpu.memory_space<vmem>>, vector<1x1x16xf32>,
      %swap3A_773 = vector.shape_cast %swap3A_772 : vector<1x1x16xf32> to vector<16xf32>
      %swap3A_774 = vector.shape_cast %add3A_763 : vector<16xf32> to vector<1x1x16xf32>
      tpu.vector_store %arg10[%swap3A_769, %swap3A_770, %swap3A_771], %swap3A_774 {strides = array<i32>} : memref<2x64x128xf32, #tpu.memory_space<vmem>>, vector<1x1x16xf32>,
      %add3A_775 = arith.constant 16 : i32
      %add3A_776 = arith.addi %squeeze3A_748, %add3A_775 : i32
      %get3A_777 = arith.constant 0 : i32
      %get3A_778 = arith.index_cast %get3A_777 : i32 to index
      %get3A_779 = arith.index_cast %add3A_746 : i32 to index
      %get3A_780 = arith.index_cast %add3A_776 : i32 to index
      %get3A_781 = tpu.vector_load %arg9[%get3A_778, %get3A_779, %get3A_780] {strides = array<i32>} : memref<2x256x128xf32, #tpu.memory_space<vmem>>, vector<1x1x16xf32>,
      %get3A_782 = vector.shape_cast %get3A_781 : vector<1x1x16xf32> to vector<16xf32>
      %get3A_783 = arith.index_cast %squeeze3A_750 : i32 to index
      %get3A_784 = arith.constant 16 : index
      %get3A_785 = tpu.vector_load %arg11[%get3A_783, %get3A_784] {strides = array<i32>} : memref<104x128xf32, #tpu.memory_space<vmem>>, vector<1x16xf32>,
      %get3A_786 = vector.shape_cast %get3A_785 : vector<1x16xf32> to vector<16xf32>
      %add3A_787 = arith.addf %get3A_782, %get3A_786 : vector<16xf32>
      %mul3A_788 = arith.constant 4 : i32
      %mul3A_789 = arith.muli %scan3A_168, %mul3A_788 : i32
      %add3A_790 = arith.constant 2 : i32
      %add3A_791 = arith.addi %mul3A_789, %add3A_790 : i32
      %swap3A_792 = arith.constant 0 : i32
      %swap3A_793 = arith.index_cast %swap3A_792 : i32 to index
      %swap3A_794 = arith.index_cast %add3A_791 : i32 to index
      %swap3A_795 = arith.constant 80 : index
      %swap3A_796 = tpu.vector_load %arg10[%swap3A_793, %swap3A_794, %swap3A_795] {strides = array<i32>} : memref<2x64x128xf32, #tpu.memory_space<vmem>>, vector<1x1x16xf32>,
      %swap3A_797 = vector.shape_cast %swap3A_796 : vector<1x1x16xf32> to vector<16xf32>
      %swap3A_798 = vector.shape_cast %add3A_787 : vector<16xf32> to vector<1x1x16xf32>
      tpu.vector_store %arg10[%swap3A_793, %swap3A_794, %swap3A_795], %swap3A_798 {strides = array<i32>} : memref<2x64x128xf32, #tpu.memory_space<vmem>>, vector<1x1x16xf32>,
      %mul3A_799 = arith.constant 16 : i32
      %mul3A_800 = arith.muli %scan3A_168, %mul3A_799 : i32
      %add3A_801 = arith.constant 11 : i32
      %add3A_802 = arith.addi %mul3A_800, %add3A_801 : i32
      %slice3A_803 = vector.extract_strided_slice %and3A_182 {offsets = [11], sizes = [1], strides = [1]} : vector<16xi32> to vector<1xi32>
      %squeeze3A_804 = vector.extract %slice3A_803[0] : i32 from vector<1xi32>
      %slice3A_805 = vector.extract_strided_slice %shift_right_logical3A_185 {offsets = [11], sizes = [1], strides = [1]} : vector<16xi32> to vector<1xi32>
      %squeeze3A_806 = vector.extract %slice3A_805[0] : i32 from vector<1xi32>
      %add3A_807 = arith.constant 0 : i32
      %add3A_808 = arith.addi %squeeze3A_804, %add3A_807 : i32
      %get3A_809 = arith.constant 0 : i32
      %get3A_810 = arith.index_cast %get3A_809 : i32 to index
      %get3A_811 = arith.index_cast %add3A_802 : i32 to index
      %get3A_812 = arith.index_cast %add3A_808 : i32 to index
      %get3A_813 = tpu.vector_load %arg9[%get3A_810, %get3A_811, %get3A_812] {strides = array<i32>} : memref<2x256x128xf32, #tpu.memory_space<vmem>>, vector<1x1x16xf32>,
      %get3A_814 = vector.shape_cast %get3A_813 : vector<1x1x16xf32> to vector<16xf32>
      %get3A_815 = arith.index_cast %squeeze3A_806 : i32 to index
      %get3A_816 = arith.constant 0 : index
      %get3A_817 = tpu.vector_load %arg11[%get3A_815, %get3A_816] {strides = array<i32>} : memref<104x128xf32, #tpu.memory_space<vmem>>, vector<1x16xf32>,
      %get3A_818 = vector.shape_cast %get3A_817 : vector<1x16xf32> to vector<16xf32>
      %add3A_819 = arith.addf %get3A_814, %get3A_818 : vector<16xf32>
      %mul3A_820 = arith.constant 4 : i32
      %mul3A_821 = arith.muli %scan3A_168, %mul3A_820 : i32
      %add3A_822 = arith.constant 2 : i32
      %add3A_823 = arith.addi %mul3A_821, %add3A_822 : i32
      %swap3A_824 = arith.constant 0 : i32
      %swap3A_825 = arith.index_cast %swap3A_824 : i32 to index
      %swap3A_826 = arith.index_cast %add3A_823 : i32 to index
      %swap3A_827 = arith.constant 96 : index
      %swap3A_828 = tpu.vector_load %arg10[%swap3A_825, %swap3A_826, %swap3A_827] {strides = array<i32>} : memref<2x64x128xf32, #tpu.memory_space<vmem>>, vector<1x1x16xf32>,
      %swap3A_829 = vector.shape_cast %swap3A_828 : vector<1x1x16xf32> to vector<16xf32>
      %swap3A_830 = vector.shape_cast %add3A_819 : vector<16xf32> to vector<1x1x16xf32>
      tpu.vector_store %arg10[%swap3A_825, %swap3A_826, %swap3A_827], %swap3A_830 {strides = array<i32>} : memref<2x64x128xf32, #tpu.memory_space<vmem>>, vector<1x1x16xf32>,
      %add3A_831 = arith.constant 16 : i32
      %add3A_832 = arith.addi %squeeze3A_804, %add3A_831 : i32
      %get3A_833 = arith.constant 0 : i32
      %get3A_834 = arith.index_cast %get3A_833 : i32 to index
      %get3A_835 = arith.index_cast %add3A_802 : i32 to index
      %get3A_836 = arith.index_cast %add3A_832 : i32 to index
      %get3A_837 = tpu.vector_load %arg9[%get3A_834, %get3A_835, %get3A_836] {strides = array<i32>} : memref<2x256x128xf32, #tpu.memory_space<vmem>>, vector<1x1x16xf32>,
      %get3A_838 = vector.shape_cast %get3A_837 : vector<1x1x16xf32> to vector<16xf32>
      %get3A_839 = arith.index_cast %squeeze3A_806 : i32 to index
      %get3A_840 = arith.constant 16 : index
      %get3A_841 = tpu.vector_load %arg11[%get3A_839, %get3A_840] {strides = array<i32>} : memref<104x128xf32, #tpu.memory_space<vmem>>, vector<1x16xf32>,
      %get3A_842 = vector.shape_cast %get3A_841 : vector<1x16xf32> to vector<16xf32>
      %add3A_843 = arith.addf %get3A_838, %get3A_842 : vector<16xf32>
      %mul3A_844 = arith.constant 4 : i32
      %mul3A_845 = arith.muli %scan3A_168, %mul3A_844 : i32
      %add3A_846 = arith.constant 2 : i32
      %add3A_847 = arith.addi %mul3A_845, %add3A_846 : i32
      %swap3A_848 = arith.constant 0 : i32
      %swap3A_849 = arith.index_cast %swap3A_848 : i32 to index
      %swap3A_850 = arith.index_cast %add3A_847 : i32 to index
      %swap3A_851 = arith.constant 112 : index
      %swap3A_852 = tpu.vector_load %arg10[%swap3A_849, %swap3A_850, %swap3A_851] {strides = array<i32>} : memref<2x64x128xf32, #tpu.memory_space<vmem>>, vector<1x1x16xf32>,
      %swap3A_853 = vector.shape_cast %swap3A_852 : vector<1x1x16xf32> to vector<16xf32>
      %swap3A_854 = vector.shape_cast %add3A_843 : vector<16xf32> to vector<1x1x16xf32>
      tpu.vector_store %arg10[%swap3A_849, %swap3A_850, %swap3A_851], %swap3A_854 {strides = array<i32>} : memref<2x64x128xf32, #tpu.memory_space<vmem>>, vector<1x1x16xf32>,
      %mul3A_855 = arith.constant 16 : i32
      %mul3A_856 = arith.muli %scan3A_168, %mul3A_855 : i32
      %add3A_857 = arith.constant 12 : i32
      %add3A_858 = arith.addi %mul3A_856, %add3A_857 : i32
      %slice3A_859 = vector.extract_strided_slice %and3A_182 {offsets = [12], sizes = [1], strides = [1]} : vector<16xi32> to vector<1xi32>
      %squeeze3A_860 = vector.extract %slice3A_859[0] : i32 from vector<1xi32>
      %slice3A_861 = vector.extract_strided_slice %shift_right_logical3A_185 {offsets = [12], sizes = [1], strides = [1]} : vector<16xi32> to vector<1xi32>
      %squeeze3A_862 = vector.extract %slice3A_861[0] : i32 from vector<1xi32>
      %add3A_863 = arith.constant 0 : i32
      %add3A_864 = arith.addi %squeeze3A_860, %add3A_863 : i32
      %get3A_865 = arith.constant 0 : i32
      %get3A_866 = arith.index_cast %get3A_865 : i32 to index
      %get3A_867 = arith.index_cast %add3A_858 : i32 to index
      %get3A_868 = arith.index_cast %add3A_864 : i32 to index
      %get3A_869 = tpu.vector_load %arg9[%get3A_866, %get3A_867, %get3A_868] {strides = array<i32>} : memref<2x256x128xf32, #tpu.memory_space<vmem>>, vector<1x1x16xf32>,
      %get3A_870 = vector.shape_cast %get3A_869 : vector<1x1x16xf32> to vector<16xf32>
      %get3A_871 = arith.index_cast %squeeze3A_862 : i32 to index
      %get3A_872 = arith.constant 0 : index
      %get3A_873 = tpu.vector_load %arg11[%get3A_871, %get3A_872] {strides = array<i32>} : memref<104x128xf32, #tpu.memory_space<vmem>>, vector<1x16xf32>,
      %get3A_874 = vector.shape_cast %get3A_873 : vector<1x16xf32> to vector<16xf32>
      %add3A_875 = arith.addf %get3A_870, %get3A_874 : vector<16xf32>
      %mul3A_876 = arith.constant 4 : i32
      %mul3A_877 = arith.muli %scan3A_168, %mul3A_876 : i32
      %add3A_878 = arith.constant 3 : i32
      %add3A_879 = arith.addi %mul3A_877, %add3A_878 : i32
      %swap3A_880 = arith.constant 0 : i32
      %swap3A_881 = arith.index_cast %swap3A_880 : i32 to index
      %swap3A_882 = arith.index_cast %add3A_879 : i32 to index
      %swap3A_883 = arith.constant 0 : index
      %swap3A_884 = tpu.vector_load %arg10[%swap3A_881, %swap3A_882, %swap3A_883] {strides = array<i32>} : memref<2x64x128xf32, #tpu.memory_space<vmem>>, vector<1x1x16xf32>,
      %swap3A_885 = vector.shape_cast %swap3A_884 : vector<1x1x16xf32> to vector<16xf32>
      %swap3A_886 = vector.shape_cast %add3A_875 : vector<16xf32> to vector<1x1x16xf32>
      tpu.vector_store %arg10[%swap3A_881, %swap3A_882, %swap3A_883], %swap3A_886 {strides = array<i32>} : memref<2x64x128xf32, #tpu.memory_space<vmem>>, vector<1x1x16xf32>,
      %add3A_887 = arith.constant 16 : i32
      %add3A_888 = arith.addi %squeeze3A_860, %add3A_887 : i32
      %get3A_889 = arith.constant 0 : i32
      %get3A_890 = arith.index_cast %get3A_889 : i32 to index
      %get3A_891 = arith.index_cast %add3A_858 : i32 to index
      %get3A_892 = arith.index_cast %add3A_888 : i32 to index
      %get3A_893 = tpu.vector_load %arg9[%get3A_890, %get3A_891, %get3A_892] {strides = array<i32>} : memref<2x256x128xf32, #tpu.memory_space<vmem>>, vector<1x1x16xf32>,
      %get3A_894 = vector.shape_cast %get3A_893 : vector<1x1x16xf32> to vector<16xf32>
      %get3A_895 = arith.index_cast %squeeze3A_862 : i32 to index
      %get3A_896 = arith.constant 16 : index
      %get3A_897 = tpu.vector_load %arg11[%get3A_895, %get3A_896] {strides = array<i32>} : memref<104x128xf32, #tpu.memory_space<vmem>>, vector<1x16xf32>,
      %get3A_898 = vector.shape_cast %get3A_897 : vector<1x16xf32> to vector<16xf32>
      %add3A_899 = arith.addf %get3A_894, %get3A_898 : vector<16xf32>
      %mul3A_900 = arith.constant 4 : i32
      %mul3A_901 = arith.muli %scan3A_168, %mul3A_900 : i32
      %add3A_902 = arith.constant 3 : i32
      %add3A_903 = arith.addi %mul3A_901, %add3A_902 : i32
      %swap3A_904 = arith.constant 0 : i32
      %swap3A_905 = arith.index_cast %swap3A_904 : i32 to index
      %swap3A_906 = arith.index_cast %add3A_903 : i32 to index
      %swap3A_907 = arith.constant 16 : index
      %swap3A_908 = tpu.vector_load %arg10[%swap3A_905, %swap3A_906, %swap3A_907] {strides = array<i32>} : memref<2x64x128xf32, #tpu.memory_space<vmem>>, vector<1x1x16xf32>,
      %swap3A_909 = vector.shape_cast %swap3A_908 : vector<1x1x16xf32> to vector<16xf32>
      %swap3A_910 = vector.shape_cast %add3A_899 : vector<16xf32> to vector<1x1x16xf32>
      tpu.vector_store %arg10[%swap3A_905, %swap3A_906, %swap3A_907], %swap3A_910 {strides = array<i32>} : memref<2x64x128xf32, #tpu.memory_space<vmem>>, vector<1x1x16xf32>,
      %mul3A_911 = arith.constant 16 : i32
      %mul3A_912 = arith.muli %scan3A_168, %mul3A_911 : i32
      %add3A_913 = arith.constant 13 : i32
      %add3A_914 = arith.addi %mul3A_912, %add3A_913 : i32
      %slice3A_915 = vector.extract_strided_slice %and3A_182 {offsets = [13], sizes = [1], strides = [1]} : vector<16xi32> to vector<1xi32>
      %squeeze3A_916 = vector.extract %slice3A_915[0] : i32 from vector<1xi32>
      %slice3A_917 = vector.extract_strided_slice %shift_right_logical3A_185 {offsets = [13], sizes = [1], strides = [1]} : vector<16xi32> to vector<1xi32>
      %squeeze3A_918 = vector.extract %slice3A_917[0] : i32 from vector<1xi32>
      %add3A_919 = arith.constant 0 : i32
      %add3A_920 = arith.addi %squeeze3A_916, %add3A_919 : i32
      %get3A_921 = arith.constant 0 : i32
      %get3A_922 = arith.index_cast %get3A_921 : i32 to index
      %get3A_923 = arith.index_cast %add3A_914 : i32 to index
      %get3A_924 = arith.index_cast %add3A_920 : i32 to index
      %get3A_925 = tpu.vector_load %arg9[%get3A_922, %get3A_923, %get3A_924] {strides = array<i32>} : memref<2x256x128xf32, #tpu.memory_space<vmem>>, vector<1x1x16xf32>,
      %get3A_926 = vector.shape_cast %get3A_925 : vector<1x1x16xf32> to vector<16xf32>
      %get3A_927 = arith.index_cast %squeeze3A_918 : i32 to index
      %get3A_928 = arith.constant 0 : index
      %get3A_929 = tpu.vector_load %arg11[%get3A_927, %get3A_928] {strides = array<i32>} : memref<104x128xf32, #tpu.memory_space<vmem>>, vector<1x16xf32>,
      %get3A_930 = vector.shape_cast %get3A_929 : vector<1x16xf32> to vector<16xf32>
      %add3A_931 = arith.addf %get3A_926, %get3A_930 : vector<16xf32>
      %mul3A_932 = arith.constant 4 : i32
      %mul3A_933 = arith.muli %scan3A_168, %mul3A_932 : i32
      %add3A_934 = arith.constant 3 : i32
      %add3A_935 = arith.addi %mul3A_933, %add3A_934 : i32
      %swap3A_936 = arith.constant 0 : i32
      %swap3A_937 = arith.index_cast %swap3A_936 : i32 to index
      %swap3A_938 = arith.index_cast %add3A_935 : i32 to index
      %swap3A_939 = arith.constant 32 : index
      %swap3A_940 = tpu.vector_load %arg10[%swap3A_937, %swap3A_938, %swap3A_939] {strides = array<i32>} : memref<2x64x128xf32, #tpu.memory_space<vmem>>, vector<1x1x16xf32>,
      %swap3A_941 = vector.shape_cast %swap3A_940 : vector<1x1x16xf32> to vector<16xf32>
      %swap3A_942 = vector.shape_cast %add3A_931 : vector<16xf32> to vector<1x1x16xf32>
      tpu.vector_store %arg10[%swap3A_937, %swap3A_938, %swap3A_939], %swap3A_942 {strides = array<i32>} : memref<2x64x128xf32, #tpu.memory_space<vmem>>, vector<1x1x16xf32>,
      %add3A_943 = arith.constant 16 : i32
      %add3A_944 = arith.addi %squeeze3A_916, %add3A_943 : i32
      %get3A_945 = arith.constant 0 : i32
      %get3A_946 = arith.index_cast %get3A_945 : i32 to index
      %get3A_947 = arith.index_cast %add3A_914 : i32 to index
      %get3A_948 = arith.index_cast %add3A_944 : i32 to index
      %get3A_949 = tpu.vector_load %arg9[%get3A_946, %get3A_947, %get3A_948] {strides = array<i32>} : memref<2x256x128xf32, #tpu.memory_space<vmem>>, vector<1x1x16xf32>,
      %get3A_950 = vector.shape_cast %get3A_949 : vector<1x1x16xf32> to vector<16xf32>
      %get3A_951 = arith.index_cast %squeeze3A_918 : i32 to index
      %get3A_952 = arith.constant 16 : index
      %get3A_953 = tpu.vector_load %arg11[%get3A_951, %get3A_952] {strides = array<i32>} : memref<104x128xf32, #tpu.memory_space<vmem>>, vector<1x16xf32>,
      %get3A_954 = vector.shape_cast %get3A_953 : vector<1x16xf32> to vector<16xf32>
      %add3A_955 = arith.addf %get3A_950, %get3A_954 : vector<16xf32>
      %mul3A_956 = arith.constant 4 : i32
      %mul3A_957 = arith.muli %scan3A_168, %mul3A_956 : i32
      %add3A_958 = arith.constant 3 : i32
      %add3A_959 = arith.addi %mul3A_957, %add3A_958 : i32
      %swap3A_960 = arith.constant 0 : i32
      %swap3A_961 = arith.index_cast %swap3A_960 : i32 to index
      %swap3A_962 = arith.index_cast %add3A_959 : i32 to index
      %swap3A_963 = arith.constant 48 : index
      %swap3A_964 = tpu.vector_load %arg10[%swap3A_961, %swap3A_962, %swap3A_963] {strides = array<i32>} : memref<2x64x128xf32, #tpu.memory_space<vmem>>, vector<1x1x16xf32>,
      %swap3A_965 = vector.shape_cast %swap3A_964 : vector<1x1x16xf32> to vector<16xf32>
      %swap3A_966 = vector.shape_cast %add3A_955 : vector<16xf32> to vector<1x1x16xf32>
      tpu.vector_store %arg10[%swap3A_961, %swap3A_962, %swap3A_963], %swap3A_966 {strides = array<i32>} : memref<2x64x128xf32, #tpu.memory_space<vmem>>, vector<1x1x16xf32>,
      %mul3A_967 = arith.constant 16 : i32
      %mul3A_968 = arith.muli %scan3A_168, %mul3A_967 : i32
      %add3A_969 = arith.constant 14 : i32
      %add3A_970 = arith.addi %mul3A_968, %add3A_969 : i32
      %slice3A_971 = vector.extract_strided_slice %and3A_182 {offsets = [14], sizes = [1], strides = [1]} : vector<16xi32> to vector<1xi32>
      %squeeze3A_972 = vector.extract %slice3A_971[0] : i32 from vector<1xi32>
      %slice3A_973 = vector.extract_strided_slice %shift_right_logical3A_185 {offsets = [14], sizes = [1], strides = [1]} : vector<16xi32> to vector<1xi32>
      %squeeze3A_974 = vector.extract %slice3A_973[0] : i32 from vector<1xi32>
      %add3A_975 = arith.constant 0 : i32
      %add3A_976 = arith.addi %squeeze3A_972, %add3A_975 : i32
      %get3A_977 = arith.constant 0 : i32
      %get3A_978 = arith.index_cast %get3A_977 : i32 to index
      %get3A_979 = arith.index_cast %add3A_970 : i32 to index
      %get3A_980 = arith.index_cast %add3A_976 : i32 to index
      %get3A_981 = tpu.vector_load %arg9[%get3A_978, %get3A_979, %get3A_980] {strides = array<i32>} : memref<2x256x128xf32, #tpu.memory_space<vmem>>, vector<1x1x16xf32>,
      %get3A_982 = vector.shape_cast %get3A_981 : vector<1x1x16xf32> to vector<16xf32>
      %get3A_983 = arith.index_cast %squeeze3A_974 : i32 to index
      %get3A_984 = arith.constant 0 : index
      %get3A_985 = tpu.vector_load %arg11[%get3A_983, %get3A_984] {strides = array<i32>} : memref<104x128xf32, #tpu.memory_space<vmem>>, vector<1x16xf32>,
      %get3A_986 = vector.shape_cast %get3A_985 : vector<1x16xf32> to vector<16xf32>
      %add3A_987 = arith.addf %get3A_982, %get3A_986 : vector<16xf32>
      %mul3A_988 = arith.constant 4 : i32
      %mul3A_989 = arith.muli %scan3A_168, %mul3A_988 : i32
      %add3A_990 = arith.constant 3 : i32
      %add3A_991 = arith.addi %mul3A_989, %add3A_990 : i32
      %swap3A_992 = arith.constant 0 : i32
      %swap3A_993 = arith.index_cast %swap3A_992 : i32 to index
      %swap3A_994 = arith.index_cast %add3A_991 : i32 to index
      %swap3A_995 = arith.constant 64 : index
      %swap3A_996 = tpu.vector_load %arg10[%swap3A_993, %swap3A_994, %swap3A_995] {strides = array<i32>} : memref<2x64x128xf32, #tpu.memory_space<vmem>>, vector<1x1x16xf32>,
      %swap3A_997 = vector.shape_cast %swap3A_996 : vector<1x1x16xf32> to vector<16xf32>
      %swap3A_998 = vector.shape_cast %add3A_987 : vector<16xf32> to vector<1x1x16xf32>
      tpu.vector_store %arg10[%swap3A_993, %swap3A_994, %swap3A_995], %swap3A_998 {strides = array<i32>} : memref<2x64x128xf32, #tpu.memory_space<vmem>>, vector<1x1x16xf32>,
      %add3A_999 = arith.constant 16 : i32
      %add3A_1000 = arith.addi %squeeze3A_972, %add3A_999 : i32
      %get3A_1001 = arith.constant 0 : i32
      %get3A_1002 = arith.index_cast %get3A_1001 : i32 to index
      %get3A_1003 = arith.index_cast %add3A_970 : i32 to index
      %get3A_1004 = arith.index_cast %add3A_1000 : i32 to index
      %get3A_1005 = tpu.vector_load %arg9[%get3A_1002, %get3A_1003, %get3A_1004] {strides = array<i32>} : memref<2x256x128xf32, #tpu.memory_space<vmem>>, vector<1x1x16xf32>,
      %get3A_1006 = vector.shape_cast %get3A_1005 : vector<1x1x16xf32> to vector<16xf32>
      %get3A_1007 = arith.index_cast %squeeze3A_974 : i32 to index
      %get3A_1008 = arith.constant 16 : index
      %get3A_1009 = tpu.vector_load %arg11[%get3A_1007, %get3A_1008] {strides = array<i32>} : memref<104x128xf32, #tpu.memory_space<vmem>>, vector<1x16xf32>,
      %get3A_1010 = vector.shape_cast %get3A_1009 : vector<1x16xf32> to vector<16xf32>
      %add3A_1011 = arith.addf %get3A_1006, %get3A_1010 : vector<16xf32>
      %mul3A_1012 = arith.constant 4 : i32
      %mul3A_1013 = arith.muli %scan3A_168, %mul3A_1012 : i32
      %add3A_1014 = arith.constant 3 : i32
      %add3A_1015 = arith.addi %mul3A_1013, %add3A_1014 : i32
      %swap3A_1016 = arith.constant 0 : i32
      %swap3A_1017 = arith.index_cast %swap3A_1016 : i32 to index
      %swap3A_1018 = arith.index_cast %add3A_1015 : i32 to index
      %swap3A_1019 = arith.constant 80 : index
      %swap3A_1020 = tpu.vector_load %arg10[%swap3A_1017, %swap3A_1018, %swap3A_1019] {strides = array<i32>} : memref<2x64x128xf32, #tpu.memory_space<vmem>>, vector<1x1x16xf32>,
      %swap3A_1021 = vector.shape_cast %swap3A_1020 : vector<1x1x16xf32> to vector<16xf32>
      %swap3A_1022 = vector.shape_cast %add3A_1011 : vector<16xf32> to vector<1x1x16xf32>
      tpu.vector_store %arg10[%swap3A_1017, %swap3A_1018, %swap3A_1019], %swap3A_1022 {strides = array<i32>} : memref<2x64x128xf32, #tpu.memory_space<vmem>>, vector<1x1x16xf32>,
      %mul3A_1023 = arith.constant 16 : i32
      %mul3A_1024 = arith.muli %scan3A_168, %mul3A_1023 : i32
      %add3A_1025 = arith.constant 15 : i32
      %add3A_1026 = arith.addi %mul3A_1024, %add3A_1025 : i32
      %slice3A_1027 = vector.extract_strided_slice %and3A_182 {offsets = [15], sizes = [1], strides = [1]} : vector<16xi32> to vector<1xi32>
      %squeeze3A_1028 = vector.extract %slice3A_1027[0] : i32 from vector<1xi32>
      %slice3A_1029 = vector.extract_strided_slice %shift_right_logical3A_185 {offsets = [15], sizes = [1], strides = [1]} : vector<16xi32> to vector<1xi32>
      %squeeze3A_1030 = vector.extract %slice3A_1029[0] : i32 from vector<1xi32>
      %add3A_1031 = arith.constant 0 : i32
      %add3A_1032 = arith.addi %squeeze3A_1028, %add3A_1031 : i32
      %get3A_1033 = arith.constant 0 : i32
      %get3A_1034 = arith.index_cast %get3A_1033 : i32 to index
      %get3A_1035 = arith.index_cast %add3A_1026 : i32 to index
      %get3A_1036 = arith.index_cast %add3A_1032 : i32 to index
      %get3A_1037 = tpu.vector_load %arg9[%get3A_1034, %get3A_1035, %get3A_1036] {strides = array<i32>} : memref<2x256x128xf32, #tpu.memory_space<vmem>>, vector<1x1x16xf32>,
      %get3A_1038 = vector.shape_cast %get3A_1037 : vector<1x1x16xf32> to vector<16xf32>
      %get3A_1039 = arith.index_cast %squeeze3A_1030 : i32 to index
      %get3A_1040 = arith.constant 0 : index
      %get3A_1041 = tpu.vector_load %arg11[%get3A_1039, %get3A_1040] {strides = array<i32>} : memref<104x128xf32, #tpu.memory_space<vmem>>, vector<1x16xf32>,
      %get3A_1042 = vector.shape_cast %get3A_1041 : vector<1x16xf32> to vector<16xf32>
      %add3A_1043 = arith.addf %get3A_1038, %get3A_1042 : vector<16xf32>
      %mul3A_1044 = arith.constant 4 : i32
      %mul3A_1045 = arith.muli %scan3A_168, %mul3A_1044 : i32
      %add3A_1046 = arith.constant 3 : i32
      %add3A_1047 = arith.addi %mul3A_1045, %add3A_1046 : i32
      %swap3A_1048 = arith.constant 0 : i32
      %swap3A_1049 = arith.index_cast %swap3A_1048 : i32 to index
      %swap3A_1050 = arith.index_cast %add3A_1047 : i32 to index
      %swap3A_1051 = arith.constant 96 : index
      %swap3A_1052 = tpu.vector_load %arg10[%swap3A_1049, %swap3A_1050, %swap3A_1051] {strides = array<i32>} : memref<2x64x128xf32, #tpu.memory_space<vmem>>, vector<1x1x16xf32>,
      %swap3A_1053 = vector.shape_cast %swap3A_1052 : vector<1x1x16xf32> to vector<16xf32>
      %swap3A_1054 = vector.shape_cast %add3A_1043 : vector<16xf32> to vector<1x1x16xf32>
      tpu.vector_store %arg10[%swap3A_1049, %swap3A_1050, %swap3A_1051], %swap3A_1054 {strides = array<i32>} : memref<2x64x128xf32, #tpu.memory_space<vmem>>, vector<1x1x16xf32>,
      %add3A_1055 = arith.constant 16 : i32
      %add3A_1056 = arith.addi %squeeze3A_1028, %add3A_1055 : i32
      %get3A_1057 = arith.constant 0 : i32
      %get3A_1058 = arith.index_cast %get3A_1057 : i32 to index
      %get3A_1059 = arith.index_cast %add3A_1026 : i32 to index
      %get3A_1060 = arith.index_cast %add3A_1056 : i32 to index
      %get3A_1061 = tpu.vector_load %arg9[%get3A_1058, %get3A_1059, %get3A_1060] {strides = array<i32>} : memref<2x256x128xf32, #tpu.memory_space<vmem>>, vector<1x1x16xf32>,
      %get3A_1062 = vector.shape_cast %get3A_1061 : vector<1x1x16xf32> to vector<16xf32>
      %get3A_1063 = arith.index_cast %squeeze3A_1030 : i32 to index
      %get3A_1064 = arith.constant 16 : index
      %get3A_1065 = tpu.vector_load %arg11[%get3A_1063, %get3A_1064] {strides = array<i32>} : memref<104x128xf32, #tpu.memory_space<vmem>>, vector<1x16xf32>,
      %get3A_1066 = vector.shape_cast %get3A_1065 : vector<1x16xf32> to vector<16xf32>
      %add3A_1067 = arith.addf %get3A_1062, %get3A_1066 : vector<16xf32>
      %mul3A_1068 = arith.constant 4 : i32
      %mul3A_1069 = arith.muli %scan3A_168, %mul3A_1068 : i32
      %add3A_1070 = arith.constant 3 : i32
      %add3A_1071 = arith.addi %mul3A_1069, %add3A_1070 : i32
      %swap3A_1072 = arith.constant 0 : i32
      %swap3A_1073 = arith.index_cast %swap3A_1072 : i32 to index
      %swap3A_1074 = arith.index_cast %add3A_1071 : i32 to index
      %swap3A_1075 = arith.constant 112 : index
      %swap3A_1076 = tpu.vector_load %arg10[%swap3A_1073, %swap3A_1074, %swap3A_1075] {strides = array<i32>} : memref<2x64x128xf32, #tpu.memory_space<vmem>>, vector<1x1x16xf32>,
      %swap3A_1077 = vector.shape_cast %swap3A_1076 : vector<1x1x16xf32> to vector<16xf32>
      %swap3A_1078 = vector.shape_cast %add3A_1067 : vector<16xf32> to vector<1x1x16xf32>
      tpu.vector_store %arg10[%swap3A_1073, %swap3A_1074, %swap3A_1075], %swap3A_1078 {strides = array<i32>} : memref<2x64x128xf32, #tpu.memory_space<vmem>>, vector<1x1x16xf32>,
    }
    %scan3A_95 = arith.constant 16 : i32
    %jit3A = arith.constant 4 : i32
    %div3A = arith.divsi %multiple_of3A, %jit3A : i32
    %sign3A = arith.constant 0 : i32
    %sign3A_96 = arith.cmpi sgt, %multiple_of3A, %sign3A : i32
    %sign3A_97 = arith.extui %sign3A_96 : i1 to i32
    %sign3A_98 = arith.constant 0 : i32
    %sign3A_99 = arith.cmpi slt, %multiple_of3A, %sign3A_98 : i32
    %sign3A_100 = arith.extui %sign3A_99 : i1 to i32
    %sign3A_101 = arith.subi %sign3A_97, %sign3A_100 : i32
    %sign3A_102 = arith.constant 0 : i32
    %sign3A_103 = arith.cmpi sgt, %jit3A, %sign3A_102 : i32
    %sign3A_104 = arith.extui %sign3A_103 : i1 to i32
    %sign3A_105 = arith.constant 0 : i32
    %sign3A_106 = arith.cmpi slt, %jit3A, %sign3A_105 : i32
    %sign3A_107 = arith.extui %sign3A_106 : i1 to i32
    %sign3A_108 = arith.subi %sign3A_104, %sign3A_107 : i32
    %ne3A = arith.cmpi ne, %sign3A_101, %sign3A_108 : i32
    %rem3A = arith.remsi %multiple_of3A, %jit3A : i32
    %ne3A_109 = arith.constant 0 : i32
    %ne3A_110 = arith.cmpi ne, %rem3A, %ne3A_109 : i32
    %and3A = arith.andi %ne3A, %ne3A_110 : i1
    %sub3A_111 = arith.constant 1 : i32
    %sub3A_112 = arith.subi %div3A, %sub3A_111 : i32
    %select_n3A = arith.select %and3A, %sub3A_112, %div3A : i32
    %add3A_113 = arith.constant 1536 : i32
    %add3A_114 = arith.addi %select_n3A, %add3A_113 : i32
    %multiple_of3A_115 = tpu.assume_multiple %add3A_114, 64 : i32
    %dma_start3A_116 = arith.constant 0 : i32
    %dma_start3A_117 = arith.constant 0 : i32
    %dma_start3A_118 = arith.constant 0 : i32
    %dma_start3A_119 = arith.constant 0 : i32
    %dma_start3A_120 = tpu.memref_slice %arg10[%dma_start3A_116, %dma_start3A_118, %dma_start3A_119] : memref<2x64x128xf32, #tpu.memory_space<vmem>> -> memref<1x64x128xf32, #tpu.memory_space<vmem>>
    %dma_start3A_121 = tpu.memref_squeeze %dma_start3A_120 : memref<1x64x128xf32, #tpu.memory_space<vmem>> -> memref<64x128xf32, #tpu.memory_space<vmem>>
    %dma_start3A_122 = arith.constant 0 : i32
    %dma_start3A_123 = tpu.memref_slice %arg6[%multiple_of3A_115, %dma_start3A_122] : memref<51200x128xf32, #tpu.memory_space<hbm>> -> memref<64x128xf32, #tpu.memory_space<hbm>>
    %dma_start3A_124 = tpu.memref_slice %arg13[%dma_start3A_117] : memref<2x!tpu.dma_semaphore, #tpu.memory_space<semaphore_mem>> -> memref<1x!tpu.dma_semaphore, #tpu.memory_space<semaphore_mem>>
    %dma_start3A_125 = tpu.memref_squeeze %dma_start3A_124 : memref<1x!tpu.dma_semaphore, #tpu.memory_space<semaphore_mem>> -> memref<!tpu.dma_semaphore, #tpu.memory_space<semaphore_mem>>
    %dma_start3A_126 = arith.constant 0 : i32
    %dma_start3A_127 = tpu.memref_slice %arg6[%multiple_of3A_115, %dma_start3A_126] : memref<51200x128xf32, #tpu.memory_space<hbm>> -> memref<64x128xf32, #tpu.memory_space<hbm>>
    %dma_start3A_128 = arith.constant 0 : i32
    %dma_start3A_129 = arith.constant 0 : i32
    %dma_start3A_130 = tpu.memref_slice %arg10[%dma_start3A_116, %dma_start3A_128, %dma_start3A_129] : memref<2x64x128xf32, #tpu.memory_space<vmem>> -> memref<1x64x128xf32, #tpu.memory_space<vmem>>
    %dma_start3A_131 = tpu.memref_squeeze %dma_start3A_130 : memref<1x64x128xf32, #tpu.memory_space<vmem>> -> memref<64x128xf32, #tpu.memory_space<vmem>>
    tpu.enqueue_dma source(%dma_start3A_131 : memref<64x128xf32, #tpu.memory_space<vmem>>) target(%dma_start3A_127 : memref<64x128xf32, #tpu.memory_space<hbm>>) target_semaphore(%dma_start3A_125 : memref<!tpu.dma_semaphore, #tpu.memory_space<semaphore_mem>>)
    %dma_wait3A_132 = arith.constant 1 : i32
    %dma_wait3A_133 = arith.constant 1 : i32
    %dma_wait3A_134 = arith.constant 0 : i32
    %dma_wait3A_135 = arith.constant 0 : i32
    %dma_wait3A_136 = tpu.memref_slice %arg10[%dma_wait3A_132, %dma_wait3A_134, %dma_wait3A_135] : memref<2x64x128xf32, #tpu.memory_space<vmem>> -> memref<1x64x128xf32, #tpu.memory_space<vmem>>
    %dma_wait3A_137 = tpu.memref_squeeze %dma_wait3A_136 : memref<1x64x128xf32, #tpu.memory_space<vmem>> -> memref<64x128xf32, #tpu.memory_space<vmem>>
    %dma_wait3A_138 = arith.constant 0 : i32
    %dma_wait3A_139 = arith.constant 0 : i32
    %dma_wait3A_140 = tpu.memref_slice %arg6[%dma_wait3A_138, %dma_wait3A_139] : memref<51200x128xf32, #tpu.memory_space<hbm>> -> memref<64x128xf32, #tpu.memory_space<hbm>>
    %dma_wait3A_141 = tpu.memref_slice %arg13[%dma_wait3A_133] : memref<2x!tpu.dma_semaphore, #tpu.memory_space<semaphore_mem>> -> memref<1x!tpu.dma_semaphore, #tpu.memory_space<semaphore_mem>>
    %dma_wait3A_142 = tpu.memref_squeeze %dma_wait3A_141 : memref<1x!tpu.dma_semaphore, #tpu.memory_space<semaphore_mem>> -> memref<!tpu.dma_semaphore, #tpu.memory_space<semaphore_mem>>
    %dma_wait3A_143 = arith.constant 0 : i32
    %dma_wait3A_144 = arith.constant 0 : i32
    %dma_wait3A_145 = tpu.memref_slice %arg10[%dma_wait3A_132, %dma_wait3A_143, %dma_wait3A_144] : memref<2x64x128xf32, #tpu.memory_space<vmem>> -> memref<1x64x128xf32, #tpu.memory_space<vmem>>
    %dma_wait3A_146 = tpu.memref_squeeze %dma_wait3A_145 : memref<1x64x128xf32, #tpu.memory_space<vmem>> -> memref<64x128xf32, #tpu.memory_space<vmem>>
    %dma_wait3A_147 = arith.constant 0 : i32
    %dma_wait3A_148 = arith.constant 0 : i32
    %dma_wait3A_149 = tpu.memref_slice %arg6[%dma_wait3A_147, %dma_wait3A_148] : memref<51200x128xf32, #tpu.memory_space<hbm>> -> memref<64x128xf32, #tpu.memory_space<hbm>>
    tpu.wait_dma2 semaphore(%dma_wait3A_142 : memref<!tpu.dma_semaphore, #tpu.memory_space<semaphore_mem>>) src(%dma_wait3A_149 : memref<64x128xf32, #tpu.memory_space<hbm>>) dst(%dma_wait3A_146 : memref<64x128xf32, #tpu.memory_space<vmem>>)
    %dma_wait3A_150 = arith.constant 0 : i32
    %dma_wait3A_151 = arith.constant 0 : i32
    %dma_wait3A_152 = arith.constant 0 : i32
    %dma_wait3A_153 = arith.constant 0 : i32
    %dma_wait3A_154 = tpu.memref_slice %arg10[%dma_wait3A_150, %dma_wait3A_152, %dma_wait3A_153] : memref<2x64x128xf32, #tpu.memory_space<vmem>> -> memref<1x64x128xf32, #tpu.memory_space<vmem>>
    %dma_wait3A_155 = tpu.memref_squeeze %dma_wait3A_154 : memref<1x64x128xf32, #tpu.memory_space<vmem>> -> memref<64x128xf32, #tpu.memory_space<vmem>>
    %dma_wait3A_156 = arith.constant 0 : i32
    %dma_wait3A_157 = arith.constant 0 : i32
    %dma_wait3A_158 = tpu.memref_slice %arg6[%dma_wait3A_156, %dma_wait3A_157] : memref<51200x128xf32, #tpu.memory_space<hbm>> -> memref<64x128xf32, #tpu.memory_space<hbm>>
    %dma_wait3A_159 = tpu.memref_slice %arg13[%dma_wait3A_151] : memref<2x!tpu.dma_semaphore, #tpu.memory_space<semaphore_mem>> -> memref<1x!tpu.dma_semaphore, #tpu.memory_space<semaphore_mem>>
    %dma_wait3A_160 = tpu.memref_squeeze %dma_wait3A_159 : memref<1x!tpu.dma_semaphore, #tpu.memory_space<semaphore_mem>> -> memref<!tpu.dma_semaphore, #tpu.memory_space<semaphore_mem>>
    %dma_wait3A_161 = arith.constant 0 : i32
    %dma_wait3A_162 = arith.constant 0 : i32
    %dma_wait3A_163 = tpu.memref_slice %arg10[%dma_wait3A_150, %dma_wait3A_161, %dma_wait3A_162] : memref<2x64x128xf32, #tpu.memory_space<vmem>> -> memref<1x64x128xf32, #tpu.memory_space<vmem>>
    %dma_wait3A_164 = tpu.memref_squeeze %dma_wait3A_163 : memref<1x64x128xf32, #tpu.memory_space<vmem>> -> memref<64x128xf32, #tpu.memory_space<vmem>>
    %dma_wait3A_165 = arith.constant 0 : i32
    %dma_wait3A_166 = arith.constant 0 : i32
    %dma_wait3A_167 = tpu.memref_slice %arg6[%dma_wait3A_165, %dma_wait3A_166] : memref<51200x128xf32, #tpu.memory_space<hbm>> -> memref<64x128xf32, #tpu.memory_space<hbm>>
    tpu.wait_dma2 semaphore(%dma_wait3A_160 : memref<!tpu.dma_semaphore, #tpu.memory_space<semaphore_mem>>) src(%dma_wait3A_167 : memref<64x128xf32, #tpu.memory_space<hbm>>) dst(%dma_wait3A_164 : memref<64x128xf32, #tpu.memory_space<vmem>>)
    return
  }
}

</mosaic_0001>

<sc_bundles>
// kernel: kernel.3.cloned.1.call-start
scs
__scs_entry_jumppad:
0x0: {  	(pc) =	sbr.rel $0x88, $3  }
0x1: {  	(tag) =	ssettag $0x0;
	lr =	simm.s32 $0x1  }
0x2: {  	[smem:$0x3F9E] =	sst lr;
	_ =	strace $0xD0000000  }
0x3: {  	_ = 	snop  }
0x4: {  	_ = 	snop  }
0x5: {  	_ = 	snop  }
0x6: {  	_ = 	snop  }
0x7: {  	_ = 	snop  }
__scs_overlays_trampoline_lowered:
0x8: {  	[smem:$0x3FAD] =	sst s0  }
0x9: {  	[smem:$0x3FAE] =	sst s1  }
0xa: {  	[smem:$0x3FAF] =	sst s2  }
0xb: {  	[smem:$0x3FB0] =	sst s3  }
0xc: {  	[smem:$0x3FB1] =	sst s4  }
0xd: {  	[smem:$0x3FB2] =	sst s5  }
0xe: {  	[smem:$0x3FB3] =	sst s6  }
0xf: {  	[smem:$0x3FB4] =	sst s7  }
0x10: {  	[smem:$0x3FB5] =	sst s8  }
0x11: {  	[smem:$0x3FB6] =	sst s9;
	s0 =	simm.s32 @!p0 $0x0  }
0x12: {  	s1 =	sld [smem:$0x3F9C];
	s0 =	simm.s32 @p0 $0x1  }
0x13: {  	[smem:$0x3FB7] =	sst s0;
	s0 =	simm.s32 @!p1 $0x0  }
0x14: {  	s2 =	sld [smem:$0x3F9B];
	s0 =	simm.s32 @p1 $0x1  }
0x15: {  	[smem:$0x3FB8] =	sst s0;
	s0 =	simm.s32 @!p2 $0x0  }
0x16: {  	s3 =	sld [smem:$0x3FDB];
	s0 =	simm.s32 @p2 $0x1  }
0x17: {  	s4 =	simm.s32 $0x1BF5;
	[smem:$0x3FBA] =	sst s0  }
0x18: {  	s0 =	sld [smem:$0x3F9D];
	_ =	swait.ge [sflag:s4], $0x0  }
0x19: {  	s7 =	sld [smem:$0x3F9E]  }
0x1a: {  	s8 =	sadd.s32 $0xFFFFE003, lr  }
0x1b: {  	s9 =	sadd.s32 $0xFFFFFEF7, lr;
	s5 =	simm.s32 $0xFFFFFFFF;
	p2 =	slt.u32 s8, $0xFFFFF086  }
0x1c: {  	p1 =	slt.u32 s9, $0xF7A;
	s5 =	simm.s32 @!p2 $0x0  }
0x1d: {  	s5 =	simm.s32 @p1 $0x1;
	p0 =	seq.s32 s7, s2  }
0x1e: {  	s7 =	smul.u32 @!p0 $0xF7A, s2;
	p2 =	seq.s32 @!p0 s5, $0x0  }
0x1f: {  	s9 =	smul.u32 $0xF7A, s1;
	s8 =	simm.s32 @!p0 $0x1BF5;
	p2 =	por !p2, p0  }
0x20: {  	[sflag:s8] =	ssyncset.s32 @!p0 $0xFFFFF086;
	s6 =	sadd.s32 @!p0 s3, s7;
	s7 =	simm.s32 @!p0 $0x108  }
0x21: {  	s3 =	sadd.s32 s3, s9;
	s6 =	sadd.s32 @!p0 $0x88, s6;
	s7 =	simm.s32 @p2 $0x1082  }
0x22: {  	[simem:s7], [sflag:s8] =	dma.local @!p0 [hbm:s6], $0xF7A  }
0x23: {  	s9 =	sor.u32 $0xD0000000, s2;
	s6 =	simm.s32 $0x108;
	_ =	swait.ge @!p0 [sflag:s8], $0x0  }
0x24: {  	s3 =	sadd.s32 $0x88, s3;
	s6 =	simm.s32 @!p1 $0x1082;
	[sflag:s4] =	ssyncset.s32 $0xFFFFF086  }
0x25: {  	[simem:s6], [sflag:s4] =	dma.local [hbm:s3], $0xF7A  }
0x26: {  	[smem:$0x3F9E] =	sst s1;
	(tag) =	ssettag s2;
	_ =	strace s9  }
0x27: {  	s1 =	sld [smem:$0x3FAE]  }
0x28: {  	s2 =	sld [smem:$0x3FAF]  }
0x29: {  	s4 =	sld [smem:$0x3FB1]  }
0x2a: {  	p0 =	seq.s32 s5, $0x0;
	s5 =	sld [smem:$0x3FB2]  }
0x2b: {  	s6 =	sld [smem:$0x3FB3]  }
0x2c: {  	s7 =	sld [smem:$0x3FB4]  }
0x2d: {  	s3 =	simm.s32 $0x108;
	s8 =	sld [smem:$0x3FB5]  }
0x2e: {  	s3 =	simm.s32 @!p0 $0x1082;
	s9 =	sld [smem:$0x3FB6]  }
0x2f: {  	lr =	sadd.s32 s0, s3;
	s0 =	sld [smem:$0x3FAD]  }
0x30: {  	s3 =	sld [smem:$0x3FB0]  }
0x31: {  	[smem:$0x3FB9] =	sst s10  }
0x32: {  	s10 =	sld [smem:$0x3FB7];
	_ =	sdelay $0x3  }
0x33: {  	p0 =	seq.s32 s10, $0x1;
	s10 =	sld [smem:$0x3FB9];
	_ =	sdelay $0x3  }
0x34: {  	[smem:$0x3FB9] =	sst s10  }
0x35: {  	s10 =	sld [smem:$0x3FB8];
	_ =	sdelay $0x3  }
0x36: {  	p1 =	seq.s32 s10, $0x1;
	s10 =	sld [smem:$0x3FB9];
	_ =	sdelay $0x3  }
0x37: {  	[smem:$0x3FB9] =	sst s10  }
0x38: {  	s10 =	sld [smem:$0x3FBA]  }
0x39: {  	_ = 	snop;
	(pc) =	sbr.ind lr, $3  }
0x3a: {  	_ = 	snop  }
0x3b: {  	_ = 	snop  }
0x3c: {  	p2 =	seq.s32 s10, $0x1;
	s10 =	sld [smem:$0x3FB9]  }
0x3d: {  	_ =	shalt  }
0x3e: {  	_ =	shalt  }
0x3f: {  	_ =	shalt  }
0x40: {  	_ =	shalt  }
0x41: {  	_ =	shalt  }
0x42: {  	_ =	shalt  }
0x43: {  	_ =	shalt  }
0x44: {  	_ =	shalt  }
0x45: {  	_ =	shalt  }
0x46: {  	_ =	shalt  }
0x47: {  	_ =	shalt  }
0x48: {  	_ =	shalt  }
0x49: {  	_ =	shalt  }
0x4a: {  	_ =	shalt  }
0x4b: {  	_ =	shalt  }
0x4c: {  	_ =	shalt  }
0x4d: {  	_ =	shalt  }
0x4e: {  	_ =	shalt  }
0x4f: {  	_ =	shalt  }
0x50: {  	_ =	shalt  }
0x51: {  	_ =	shalt  }
0x52: {  	_ =	shalt  }
0x53: {  	_ =	shalt  }
0x54: {  	_ =	shalt  }
0x55: {  	_ =	shalt  }
0x56: {  	_ =	shalt  }
0x57: {  	_ =	shalt  }
0x58: {  	_ =	shalt  }
0x59: {  	_ =	shalt  }
0x5a: {  	_ =	shalt  }
0x5b: {  	_ =	shalt  }
0x5c: {  	_ =	shalt  }
0x5d: {  	_ =	shalt  }
0x5e: {  	_ =	shalt  }
0x5f: {  	_ =	shalt  }
0x60: {  	_ =	shalt  }
0x61: {  	_ =	shalt  }
0x62: {  	_ =	shalt  }
0x63: {  	_ =	shalt  }
0x64: {  	_ =	shalt  }
0x65: {  	_ =	shalt  }
0x66: {  	_ =	shalt  }
0x67: {  	_ =	shalt  }
0x68: {  	_ =	shalt  }
0x69: {  	_ =	shalt  }
0x6a: {  	_ =	shalt  }
0x6b: {  	_ =	shalt  }
0x6c: {  	_ =	shalt  }
0x6d: {  	_ =	shalt  }
0x6e: {  	_ =	shalt  }
0x6f: {  	_ =	shalt  }
0x70: {  	_ =	shalt  }
0x71: {  	_ =	shalt  }
0x72: {  	_ =	shalt  }
0x73: {  	_ =	shalt  }
0x74: {  	_ =	shalt  }
0x75: {  	_ =	shalt  }
0x76: {  	_ =	shalt  }
0x77: {  	_ =	shalt  }
0x78: {  	_ =	shalt  }
0x79: {  	_ =	shalt  }
0x7a: {  	_ =	shalt  }
0x7b: {  	_ =	shalt  }
0x7c: {  	_ =	shalt  }
0x7d: {  	_ =	shalt  }
0x7e: {  	_ =	shalt  }
0x7f: {  	_ =	shalt  }
0x80: {  	_ =	shalt  }
0x81: {  	_ =	shalt  }
0x82: {  	_ =	shalt  }
0x83: {  	_ =	shalt  }
0x84: {  	_ =	shalt  }
0x85: {  	_ =	shalt  }
0x86: {  	_ =	shalt  }
0x87: {  	_ =	shalt  }
.Lfunc_end0:
.L_simem_size_0:
called_computation_lowered:
.L_overlay_start_0:
0x88: {  	s2 =	sld [smem:$0x3FD9]  }
0x89: {  	s3 =	sld [smem:$0x3FFE];
	_ =	sdelay $0x1  }
0x8a: {  	s1 =	srdreg.scid  }
0x8b: {  	s0 =	sand.u32 $0x1, s1  }
0x8c: {  	s17 =	sshll.u32 s0, $0xA;
	s2 =	sadd.s32 s3, s2  }
0x8d: {  	s2 =	sadd.s32 s2, s17  }
0x8e: {  	[smem:$0x3FC5] =	sst s2  }
0x8f: {  	_ = 	snop  }
0x90: {  	s2 =	sld [smem:$0x3FD0];
	(tm) =	ssettm $0x1  }
0x91: {  	s18 =	sld [smem:$0x3FFB];
	_ =	sdelay $0x3  }
0x92: {  	_ =	strace s18  }
0x93: {  	s3 =	sld [smem:$0x3FFC];
	_ =	sdelay $0x3  }
0x94: {  	_ =	strace s3  }
0x95: {  	s3 =	sld [smem:$0x3FFD];
	_ =	sdelay $0x3  }
0x96: {  	_ =	strace s3  }
0x97: {  	_ =	strace $0x8FFFFFFF  }
0x98: {  	s19 =	sld [smem:$0x3FDB];
	_ =	sdelay $0x1  }
0x99: {  	s4 =	simm.s32 $_scs_section_size  }
0x9a: {  	s5 =	simm.s32 $_size__tile_overlayer_lowered;
	s6 =	simm.s32 $_tile_overlayer_lowered  }
0x9b: {  	s22 =	simm.s32 $0x1BFF;
	s21 =	sshll.u32 s6, $0x1;
	s3 =	sadd.s32 s4, s19  }
0x9c: {  	s7 =	simm.s32 $0x0;
	s20 =	sshll.u32 s5, $0x1;
	s5 =	sadd.s32 s21, s3  }
0x9d: {  	[timem:s7], [sflag:s22] =	dma.local [hbm:s5], s20  }
0x9e: {  	_ =	swait.ge [sflag:s22], s20  }
0x9f: {  	s4 =	ssub.s32 $0x0, s20;
	[sflag:s22] =	ssyncset.done $0x0  }
0xa0: {  	[sflag:s22] =	ssyncadd.s32 s4;
	_ =	sdelay $0x1  }
0xa1: {  	s23 =	simm.s32 $0x1B8B  }
0xa2: {  	_ =	swait.ge [sflag:s23], $0x1  }
0xa3: {  	[sflag:s23] =	ssyncset.done $0x0  }
0xa4: {  	s25 =	simm.s32 $0x1B8E;
	s24 =	sld [smem:$0x3FFE];
	[sflag:s23] =	ssyncadd.s32 $0xFFFFFFFF  }
0xa5: {  	s26 =	simm.s32 $execute0_lowered;
	[smem:$0x3FD2] =	sst s25  }
0xa6: {  	s5 =	sshll.u32 s26, $0x1;
	_ =	strace $0x80000046;
	[dreg:$0x1] =	wrdreg $0xFFFFFFFF  }
0xa7: {  	s28 =	simm.s32 $_size_execute0_lowered;
	s3 =	sadd.s32 s3, s5;
	[dreg:$0x0] =	wrdreg $0x0  }
0xa8: {  	s5 =	sshll.u32 s28, $0x1;
	[dreg:$0x2] =	wrdreg s3  }
0xa9: {  	[dreg:$0x3] =	wrdreg s5  }
0xaa: {  	[dreg:$0x4] =	wrdreg $0xC0  }
0xab: {  	_ =	task [dreg:s7], $0x5FFFF  }
0xac: {  	[dreg:$0x1] =	wrdreg $0xFFFFFFFF  }
0xad: {  	[dreg:$0x0] =	wrdreg $0x60  }
0xae: {  	[dreg:$0x2] =	wrdreg s24  }
0xaf: {  	[dreg:$0x3] =	wrdreg s2  }
0xb0: {  	[dreg:$0x4] =	wrdreg $0x9  }
0xb1: {  	_ =	task.clear_ibuf [dreg:s7], $0x5FFFF;
	_ =	strace $0x90000046  }
0xb2: {  	s29 =	simm.s32 $0x9;
	_ =	strace $0x80000048  }
0xb3: {  	_ =	swait.ge [sflag:s29], $0x1  }
0xb4: {  	[sflag:s29] =	ssyncadd.s32 $0xFFFFFFFF  }
0xb5: {  	_ =	strace $0x90000048  }
0xb6: {  	_ =	sfence  }
0xb7: {  	s30 =	sld [smem:$0x0];
	_ =	sdelay $0x2  }
0xb8: {  	s31 =	sshll.u32 s1, $0xD;
	s1 =	sshrl.u32 s1, $0x2  }
0xb9: {  	s3 =	sand.u32 $0x4000, s31;
	s1 =	sadd.s32 s1, s30  }
0xba: {  	s0 =	sor.u32 s3, s0;
	s1 =	sshll.u32 s1, $0x11  }
0xbb: {  	s0 =	sor.u32 s1, s0  }
0xbc: {  	s0 =	sadd.s32 $0x8F2B, s0  }
0xbd: {  	[sflag:s0] =	ssyncadd.remote.s32 $0x1  }
0xbe: {  	_ =	sfence.sel $0xFFFF  }
0xbf: {  	[dreg:$0x0] =	wrdreg $0xFFFFFFFF;
	(pc) =	sbr.abs _section_cstart, $3  }
0xc0: {  	[dreg:$0x1] =	wrdreg $0xFFFFFFFF  }
0xc1: {  	_ =	task.clear_ibuf [dreg:s7], $0x2FFFF;
	_ =	strace $0x9FFFFFFF  }
0xc2: {  	(tm) =	ssettm $0x7FFFFFFF  }
0xc3: {  	_ =	shalt  }
tec
execute0_lowered:
.L_overlay_start_1:
0x0: {  	(tag) =	ssettag $0x1  }
0x1: {  	s0 =	srdreg.scid;
	s1 =	stileid.u32  }
0x2: {  	s3 =	rddreg [dreg:$0x0];
	s0 =	sand.u32 $0x1, s0;
	s1 =	sshll.u32 s1, $0x1  }
0x3: {  	s6 =	rddreg [dreg:$0x1];
	s29 =	simm.s32 $0x0;
	s1 =	sor.u32 s0, s1  }
0x4: {  	[smem:$0x7FF] =	sst s29;
	s2 =	smul.u32 $0x32, s1  }
0x5: {  	s19 =	sadd.s32 $0xF4F400, s3;
	s0 =	ssub.s32 $0x2, s0;
	s21 =	smul.u32 $0x32000, s1  }
0x6: {  	_ =	strace $0x80000047;
	[dreg:$0x5] =	wrdreg s19;
	s20 =	sshrl.u32 s0, $0x1  }
0x7: {  	s0 =	ssub.s32 s0, s20;
	s4 =	sand.u32 $0x7F8, s2;
	[dreg:$0x8] =	wrdreg s21  }
0x8: {  	s28 =	sshrl.u32 s21, $0x3;
	s0 =	smax.u32 s0, $0x1;
	s5 =	smin.u32 s4, $0x600  }
0x9: {  	s31 =	sadd.s32 s6, s28;
	[dreg:$0xe] =	wrdreg s0;
	s2 =	ssub.s32 s2, s5  }
0xa: {  	s4 =	sshll.u32 s5, $0x4;
	s1 =	sadd.s32 $0x6000, s31;
	[dreg:$0x7] =	wrdreg s2  }
0xb: {  	s7 =	sadd.s32 s4, s3;
	s3 =	sadd.s32 $0xD000, s3;
	[dreg:$0xd] =	wrdreg s1  }
0xc: {  	s26 =	sadd.s32 $0x30, s2;
	[dreg:$0x6] =	wrdreg s3  }
0xd: {  	s22 =	sadd.s32 $0x800, s7;
	[dreg:$0x4] =	wrdreg s26  }
0xe: {  	s24 =	sshll.u32 s2, $0x9;
	s23 =	sadd.s32 $0x6C00, s7;
	[dreg:$0x9] =	wrdreg s22  }
0xf: {  	s25 =	sshra.s32 s24, $0x2;
	[dreg:$0xa] =	wrdreg s23  }
0x10: {  	[dreg:$0xb] =	wrdreg s25;
	s30 =	sor.u32 $0x80, s25  }
0x11: {  	s1 =	simm.s32 $0x0;
	[dreg:$0xc] =	wrdreg s30  }
.LBB2_1:
0x12: {  	[dreg:$0xf] =	wrdreg s1  }
0x13: {  	s0 =	rddreg [dreg:$0x6];
	s20 =	simm.s32 $0x18000  }
0x14: {  	[tilespmem:s20], [sflag:$0x5] =	stream.linear.gather [hbm4b:s0+s29], $0x3400, $0x38;
	[tilespmem:$0x1B400] =	vst v63  }
0x15: {  	s21 =	rddreg [dreg:$0x9];
	s22 =	simm.s32 $0x6  }
0x16: {  	[tilespmem:s29], [sflag:$0x6] =	stream.linear.gather [hbm4b:s21+s29], $0x2000, $0x38;
	[tilespmem:$0x1B400] =	vst v63  }
0x17: {  	_ =	swait.ge [sflag:s22], $0x2000  }
0x18: {  	[sflag:s22] =	ssyncset.done $0x0  }
0x19: {  	s2 =	simm.s32 $0x2000;
	s23 =	rddreg [dreg:$0xa];
	[sflag:s22] =	ssyncadd.s32 $0xFFFFE000  }
0x1a: {  	[tilespmem:s2], [sflag:$0x6] =	stream.linear.gather [hbm4b:s23+s29], $0x2000, $0x38;
	[tilespmem:$0x1B400] =	vst v63  }
0x1b: {  	_ =	swait.ge [sflag:s22], $0x2000  }
0x1c: {  	[sflag:s22] =	ssyncset.done $0x0  }
0x1d: {  	s24 =	simm.s32 $0x5;
	[sflag:s22] =	ssyncadd.s32 $0xFFFFE000  }
0x1e: {  	_ =	swait.ge [sflag:s24], $0x3400  }
0x1f: {  	s28 =	simm.s32 $0x80;
	[sflag:s24] =	ssyncset.done $0x0;
	s25 =	rddreg [dreg:$0x5]  }
0x20: {  	s3 =	simm.s32 $0x4000;
	s26 =	rddreg [dreg:$0xb];
	[sflag:s24] =	ssyncadd.s32 $0xFFFFCC00  }
0x21: {  	[tilespmem:s3], [sflag:$0x1] =	stream.indirect.gather [hbm4b:s25+s28], $0x80, s26, s28, $0xb8;
	[tilespmem:$0x1B400] =	vst v63  }
0x22: {  	s30 =	simm.s32 $0x8000;
	s31 =	simm.s32 $0x0;
	s29 =	rddreg [dreg:$0xc]  }
0x23: {  	[tilespmem:s30], [sflag:$0x1] =	stream.indirect.gather [hbm4b:s25+s28], $0x80, s29, s28, $0xb8;
	[tilespmem:$0x1B400] =	vst v63  }
.LBB2_2:
0x24: {  	s0 =	sshllo.u32 s31, $0x1;
	s4 =	rddreg [dreg:$0x7]  }
0x25: {  	[dreg:$0x10] =	wrdreg s0;
	s0 =	sshll.u32 s0, $0x1  }
0x26: {  	s0 =	sadd.s32 s4, s0  }
0x27: {  	s1 =	rddreg [dreg:$0x5];
	s2 =	sshll.u32 s0, $0x9  }
0x28: {  	s3 =	simm.s32 $0x80;
	s5 =	simm.s32 $0xC000;
	s2 =	sshra.s32 s2, $0x2  }
0x29: {  	[tilespmem:s5], [sflag:$0x2] =	stream.indirect.gather [hbm4b:s1+s3], $0x80, s2, s3, $0xb8;
	[tilespmem:$0x1B400] =	vst v63  }
0x2a: {  	s30 =	simm.s32 $0x10000;
	s2 =	sadd.s32 $0x80, s2;
	s5 =	simm.s32 $0x1  }
0x2b: {  	[tilespmem:s30], [sflag:$0x2] =	stream.indirect.gather [hbm4b:s1+s3], $0x80, s2, s3, $0xb8;
	[tilespmem:$0x1B400] =	vst v63  }
0x2c: {  	_ =	swait.ge [sflag:s5], $0x8000  }
0x2d: {  	p0 =	seq.s32 s31, $0x0;
	s6 =	sshll.u32 s31, $0x2;
	[sflag:s5] =	ssyncset.done $0x0  }
0x2e: {  	s2 =	simm.s32 @!p0 $0x3;
	s3 =	sadd.s32 s4, s6;
	[sflag:s5] =	ssyncadd.s32 $0xFFFF8000  }
0x2f: {  	_ =	swait.ge @!p0 [sflag:s2], $0x2000;
	[dreg:$0x3] =	wrdreg s3  }
0x30: {  	s3 =	rddreg [dreg:$0x3]  }
0x31: {  	s3 =	sadd.s32 $0x0, s3  }
0x32: {  	s14 =	simm.s32 $0x0;
	s3 =	sshll.u32 s3, $0x9  }
0x33: {  	s7 =	sand.u32 $0x70, s14;
	[sflag:s2] =	ssyncset.done @!p0 $0x0;
	s3 =	sshra.s32 s3, $0x2  }
0x34: {  	[sflag:s2] =	ssyncadd.s32 @!p0 $0xFFFFE000;
	s8 =	sor.u32 s7, s3  }
0x35: {  	v0 =	vld [tilespmem:s8+$0x2000];
	_ =	sdelay $0x4  }
0x36: {  	v2 =	vand.u32 $0xFF, v0  }
0x37: {  	v0 =	vshrl.u32 v0, $0x10;
	v3 =	vshll.u32 v2, $0x2  }
0x38: {  	s9 =	simm.s32 $0x0;
	v0 =	vshll.u32 v0, $0x7;
	(v2sf) =	vpush v2, $0x1;
	v1 =	vshrl.u32 v3, $0x2  }
0x39: {  	(v2sf) =	vpush v0, $0x0;
	v1 =	vadd.s32 s9, v1  }
0x3a: {  	(v2sf) =	vpush v1, $0x0;
	_ =	sdelay $0xc  }
0x3b: {  	s10 =	spop (v2sf)  }
0x3c: {  	(v2sf) =	vpush v2, $0x2;
	s11 =	spop (v2sf)  }
0x3d: {  	(v2sf) =	vpush v2, $0x3;
	v4 =	vld [tilespmem:s11+$0x18000];
	s12 =	spop (v2sf)  }
0x3e: {  	(v2sf) =	vpush v2, $0x5;
	v5 =	vld [tilespmem:s12+$0x4000]  }
0x3f: {  	(v2sf) =	vpush v2, $0x6  }
0x40: {  	(v2sf) =	vpush v0, $0x1;
	_ =	sdelay $0x2  }
0x41: {  	v4 =	vadd.f32 v4, v5  }
0x42: {  	s16 =	simm.s32 $0x14100  }
0x43: {  	[tilespmem:s16+$0xFFFFFF00] =	vst v4  }
0x44: {  	v4 =	vld [tilespmem:s12+$0x4010]  }
0x45: {  	v61 =	vld [tilespmem:s11+$0x18010];
	_ =	sdelay $0x2  }
0x46: {  	s13 =	sand.u32 $0x7F, s10;
	s15 =	sshll.u32 s10, $0x2  }
0x47: {  	s5 =	sand.u32 $0x200, s15;
	s3 =	sshll.u32 s13, $0x2;
	s8 =	spop (v2sf)  }
0x48: {  	s3 =	sor.u32 s3, s5;
	s15 =	spop (v2sf);
	v4 =	vadd.f32 v61, v4  }
0x49: {  	s3 =	sshrl.u32 s3, $0x2;
	s13 =	spop (v2sf)  }
0x4a: {  	s3 =	sadd.s32 $0x0, s3;
	(v2sf) =	vpush v2, $0x7;
	s12 =	spop (v2sf);
	[tilespmem:s16+$0xFFFFFF10] =	vst v4  }
0x4b: {  	(v2sf) =	vpush v2, $0x9;
	v4 =	vld [tilespmem:s3+$0x4080];
	s17 =	spop (v2sf)  }
0x4c: {  	(v2sf) =	vpush v2, $0xA;
	v62 =	vld [tilespmem:s17+$0x18000]  }
0x4d: {  	(v2sf) =	vpush v2, $0xB  }
0x4e: {  	s2 =	sadd.s32 $0x10, s10;
	(v2sf) =	vpush v0, $0x2  }
0x4f: {  	s18 =	sand.u32 $0x7F, s2;
	s2 =	sshll.u32 s2, $0x2  }
0x50: {  	s5 =	sshll.u32 s18, $0x2;
	s2 =	sand.u32 $0x600, s2  }
0x51: {  	s2 =	sor.u32 s5, s2;
	v4 =	vadd.f32 v62, v4  }
0x52: {  	s2 =	sshrl.u32 s2, $0x2  }
0x53: {  	s2 =	sadd.s32 $0x0, s2;
	[tilespmem:s16+$0xFFFFFF20] =	vst v4  }
0x54: {  	v4 =	vld [tilespmem:s2+$0x4080]  }
0x55: {  	v63 =	vld [tilespmem:s17+$0x18010];
	_ =	sdelay $0x3  }
0x56: {  	s11 =	spop (v2sf)  }
0x57: {  	s10 =	spop (v2sf);
	v4 =	vadd.f32 v63, v4  }
0x58: {  	s9 =	spop (v2sf)  }
0x59: {  	s19 =	sadd.s32 $0x0, s8;
	(v2sf) =	vpush v2, $0xD;
	s7 =	spop (v2sf);
	[tilespmem:s16+$0xFFFFFF30] =	vst v4  }
0x5a: {  	(v2sf) =	vpush v2, $0xE;
	s20 =	spop (v2sf);
	v4 =	vld [tilespmem:s19+$0x4100]  }
0x5b: {  	(v2sf) =	vpush v2, $0xF;
	v2 =	vld [tilespmem:s20+$0x18000]  }
0x5c: {  	(v2sf) =	vpush v3, $0xF  }
0x5d: {  	s21 =	sadd.s32 $0x10, s8;
	(v2sf) =	vpush v0, $0x3  }
0x5e: {  	s22 =	sand.u32 $0x7F, s21;
	s3 =	sshll.u32 s21, $0x2  }
0x5f: {  	s5 =	sshll.u32 s22, $0x2;
	s3 =	sand.u32 $0x600, s3  }
0x60: {  	s3 =	sor.u32 s5, s3;
	v2 =	vadd.f32 v2, v4  }
0x61: {  	s3 =	sshrl.u32 s3, $0x2  }
0x62: {  	s3 =	sadd.s32 $0x0, s3;
	[tilespmem:s16+$0xFFFFFF40] =	vst v2  }
0x63: {  	v2 =	vld [tilespmem:s3+$0x4100]  }
0x64: {  	v3 =	vld [tilespmem:s20+$0x18010];
	_ =	sdelay $0x2  }
0x65: {  	s23 =	sand.u32 $0x7F, s15;
	s24 =	sshll.u32 s15, $0x2  }
0x66: {  	s2 =	sshll.u32 s23, $0x2;
	s3 =	sand.u32 $0x200, s24;
	s5 =	spop (v2sf)  }
0x67: {  	s2 =	sor.u32 s2, s3;
	s3 =	spop (v2sf);
	v2 =	vadd.f32 v3, v2  }
0x68: {  	s25 =	sshrl.u32 s2, $0x2;
	s2 =	spop (v2sf)  }
0x69: {  	s17 =	sadd.s32 $0x0, s25;
	s8 =	spop (v2sf);
	[tilespmem:s16+$0xFFFFFF50] =	vst v2  }
0x6a: {  	s26 =	spop (v2sf);
	v2 =	vld [tilespmem:s17+$0x4180]  }
0x6b: {  	v3 =	vld [tilespmem:s26+$0x18000]  }
0x6c: {  	(v2sf) =	vpush v1, $0x4  }
0x6d: {  	s15 =	sadd.s32 $0x10, s15;
	(v2sf) =	vpush v0, $0x4  }
0x6e: {  	s19 =	sand.u32 $0x7F, s15;
	s15 =	sshll.u32 s15, $0x2  }
0x6f: {  	s19 =	sshll.u32 s19, $0x2;
	s15 =	sand.u32 $0x600, s15  }
0x70: {  	s15 =	sor.u32 s19, s15;
	v2 =	vadd.f32 v3, v2  }
0x71: {  	s15 =	sshrl.u32 s15, $0x2  }
0x72: {  	s15 =	sadd.s32 $0x0, s15;
	[tilespmem:s16+$0xFFFFFF60] =	vst v2  }
0x73: {  	v2 =	vld [tilespmem:s15+$0x4180]  }
0x74: {  	v3 =	vld [tilespmem:s26+$0x18010];
	_ =	sdelay $0x4  }
0x75: {  	v2 =	vadd.f32 v3, v2;
	_ =	sdelay $0x1  }
0x76: {  	s28 =	spop (v2sf);
	[tilespmem:s16+$0xFFFFFF70] =	vst v2  }
0x77: {  	s29 =	spop (v2sf);
	v2 =	vld [tilespmem:s28+$0x4200]  }
0x78: {  	v3 =	vld [tilespmem:s29+$0x18000];
	_ =	sdelay $0x1  }
0x79: {  	(v2sf) =	vpush v0, $0x5;
	_ =	sdelay $0x2  }
0x7a: {  	v2 =	vadd.f32 v3, v2;
	_ =	sdelay $0x1  }
0x7b: {  	[tilespmem:s16+$0xFFFFFF80] =	vst v2  }
0x7c: {  	v2 =	vld [tilespmem:s28+$0x4210]  }
0x7d: {  	v3 =	vld [tilespmem:s29+$0x18010];
	_ =	sdelay $0x2  }
0x7e: {  	s30 =	sand.u32 $0x7F, s13;
	s1 =	sshll.u32 s13, $0x2  }
0x7f: {  	s17 =	sand.u32 $0x200, s1;
	s15 =	sshll.u32 s30, $0x2  }
0x80: {  	s15 =	sor.u32 s15, s17;
	v2 =	vadd.f32 v3, v2  }
0x81: {  	s15 =	sshrl.u32 s15, $0x2  }
0x82: {  	s15 =	sadd.s32 $0x0, s15;
	[tilespmem:s16+$0xFFFFFF90] =	vst v2  }
0x83: {  	s4 =	spop (v2sf);
	v2 =	vld [tilespmem:s15+$0x4280]  }
0x84: {  	v3 =	vld [tilespmem:s4+$0x18000];
	_ =	sdelay $0x1  }
0x85: {  	s13 =	sadd.s32 $0x10, s13;
	(v2sf) =	vpush v0, $0x6  }
0x86: {  	s6 =	sand.u32 $0x7F, s13;
	s13 =	sshll.u32 s13, $0x2  }
0x87: {  	s13 =	sand.u32 $0x600, s13;
	s17 =	sshll.u32 s6, $0x2  }
0x88: {  	s13 =	sor.u32 s17, s13;
	v2 =	vadd.f32 v3, v2  }
0x89: {  	s13 =	sshrl.u32 s13, $0x2  }
0x8a: {  	s13 =	sadd.s32 $0x0, s13;
	[tilespmem:s16+$0xFFFFFFA0] =	vst v2  }
0x8b: {  	v2 =	vld [tilespmem:s13+$0x4280]  }
0x8c: {  	v3 =	vld [tilespmem:s4+$0x18010];
	_ =	sdelay $0x4  }
0x8d: {  	v2 =	vadd.f32 v3, v2;
	_ =	sdelay $0x1  }
0x8e: {  	s17 =	sadd.s32 $0x0, s12;
	[tilespmem:s16+$0xFFFFFFB0] =	vst v2  }
0x8f: {  	s18 =	spop (v2sf);
	v2 =	vld [tilespmem:s17+$0x4300]  }
0x90: {  	v3 =	vld [tilespmem:s18+$0x18000];
	_ =	sdelay $0x1  }
0x91: {  	s12 =	sadd.s32 $0x10, s12;
	(v2sf) =	vpush v0, $0x7  }
0x92: {  	s19 =	sand.u32 $0x7F, s12;
	s12 =	sshll.u32 s12, $0x2  }
0x93: {  	s12 =	sand.u32 $0x600, s12;
	s15 =	sshll.u32 s19, $0x2  }
0x94: {  	s12 =	sor.u32 s15, s12;
	v2 =	vadd.f32 v3, v2  }
0x95: {  	s12 =	sshrl.u32 s12, $0x2  }
0x96: {  	s12 =	sadd.s32 $0x0, s12;
	[tilespmem:s16+$0xFFFFFFC0] =	vst v2  }
0x97: {  	v2 =	vld [tilespmem:s12+$0x4300]  }
0x98: {  	v3 =	vld [tilespmem:s18+$0x18010];
	_ =	sdelay $0x2  }
0x99: {  	s21 =	sshll.u32 s11, $0x2;
	s20 =	sand.u32 $0x7F, s11  }
0x9a: {  	s13 =	sand.u32 $0x200, s21;
	s12 =	sshll.u32 s20, $0x2  }
0x9b: {  	s12 =	sor.u32 s12, s13;
	v2 =	vadd.f32 v3, v2  }
0x9c: {  	s12 =	sshrl.u32 s12, $0x2  }
0x9d: {  	s12 =	sadd.s32 $0x0, s12;
	[tilespmem:s16+$0xFFFFFFD0] =	vst v2  }
0x9e: {  	s22 =	spop (v2sf);
	v2 =	vld [tilespmem:s12+$0x4380]  }
0x9f: {  	v3 =	vld [tilespmem:s22+$0x18000]  }
0xa0: {  	(v2sf) =	vpush v1, $0x8  }
0xa1: {  	s11 =	sadd.s32 $0x10, s11;
	(v2sf) =	vpush v0, $0x8  }
0xa2: {  	s23 =	sand.u32 $0x7F, s11;
	s11 =	sshll.u32 s11, $0x2  }
0xa3: {  	s11 =	sand.u32 $0x600, s11;
	s13 =	sshll.u32 s23, $0x2  }
0xa4: {  	s11 =	sor.u32 s13, s11;
	v2 =	vadd.f32 v3, v2  }
0xa5: {  	s11 =	sshrl.u32 s11, $0x2  }
0xa6: {  	s11 =	sadd.s32 $0x0, s11;
	[tilespmem:s16+$0xFFFFFFE0] =	vst v2  }
0xa7: {  	v2 =	vld [tilespmem:s11+$0x4380]  }
0xa8: {  	v3 =	vld [tilespmem:s22+$0x18010];
	_ =	sdelay $0x4  }
0xa9: {  	v2 =	vadd.f32 v3, v2;
	_ =	sdelay $0x1  }
0xaa: {  	s24 =	spop (v2sf);
	[tilespmem:s16+$0xFFFFFFF0] =	vst v2  }
0xab: {  	s25 =	spop (v2sf);
	v2 =	vld [tilespmem:s24+$0x4400]  }
0xac: {  	v3 =	vld [tilespmem:s25+$0x18000];
	_ =	sdelay $0x1  }
0xad: {  	(v2sf) =	vpush v0, $0x9;
	_ =	sdelay $0x2  }
0xae: {  	v2 =	vadd.f32 v3, v2;
	_ =	sdelay $0x1  }
0xaf: {  	[tilespmem:s16+$0x0] =	vst v2  }
0xb0: {  	v2 =	vld [tilespmem:s24+$0x4410]  }
0xb1: {  	v3 =	vld [tilespmem:s25+$0x18010];
	_ =	sdelay $0x2  }
0xb2: {  	s26 =	sand.u32 $0x7F, s10;
	s28 =	sshll.u32 s10, $0x2  }
0xb3: {  	s12 =	sand.u32 $0x200, s28;
	s11 =	sshll.u32 s26, $0x2  }
0xb4: {  	s11 =	sor.u32 s11, s12;
	v2 =	vadd.f32 v3, v2  }
0xb5: {  	s11 =	sshrl.u32 s11, $0x2  }
0xb6: {  	s11 =	sadd.s32 $0x0, s11;
	[tilespmem:s16+$0x10] =	vst v2  }
0xb7: {  	s29 =	spop (v2sf);
	v2 =	vld [tilespmem:s11+$0x4480]  }
0xb8: {  	v3 =	vld [tilespmem:s29+$0x18000];
	_ =	sdelay $0x1  }
0xb9: {  	s10 =	sadd.s32 $0x10, s10;
	(v2sf) =	vpush v0, $0xA  }
0xba: {  	s30 =	sand.u32 $0x7F, s10;
	s10 =	sshll.u32 s10, $0x2  }
0xbb: {  	s10 =	sand.u32 $0x600, s10;
	s12 =	sshll.u32 s30, $0x2  }
0xbc: {  	s10 =	sor.u32 s12, s10;
	v2 =	vadd.f32 v3, v2  }
0xbd: {  	s10 =	sshrl.u32 s10, $0x2  }
0xbe: {  	s10 =	sadd.s32 $0x0, s10;
	[tilespmem:s16+$0x20] =	vst v2  }
0xbf: {  	v2 =	vld [tilespmem:s10+$0x4480]  }
0xc0: {  	v3 =	vld [tilespmem:s29+$0x18010];
	_ =	sdelay $0x4  }
0xc1: {  	v2 =	vadd.f32 v3, v2;
	_ =	sdelay $0x1  }
0xc2: {  	s1 =	sadd.s32 $0x0, s9;
	[tilespmem:s16+$0x30] =	vst v2  }
0xc3: {  	s4 =	spop (v2sf);
	v2 =	vld [tilespmem:s1+$0x4500]  }
0xc4: {  	v3 =	vld [tilespmem:s4+$0x18000];
	_ =	sdelay $0x1  }
0xc5: {  	s9 =	sadd.s32 $0x10, s9;
	(v2sf) =	vpush v0, $0xB  }
0xc6: {  	s6 =	sand.u32 $0x7F, s9;
	s9 =	sshll.u32 s9, $0x2  }
0xc7: {  	s9 =	sand.u32 $0x600, s9;
	s11 =	sshll.u32 s6, $0x2  }
0xc8: {  	s9 =	sor.u32 s11, s9;
	v2 =	vadd.f32 v3, v2  }
0xc9: {  	s9 =	sshrl.u32 s9, $0x2  }
0xca: {  	s9 =	sadd.s32 $0x0, s9;
	[tilespmem:s16+$0x40] =	vst v2  }
0xcb: {  	v2 =	vld [tilespmem:s9+$0x4500]  }
0xcc: {  	v3 =	vld [tilespmem:s4+$0x18010];
	_ =	sdelay $0x2  }
0xcd: {  	s12 =	sshll.u32 s7, $0x2;
	s11 =	sand.u32 $0x7F, s7  }
0xce: {  	s10 =	sand.u32 $0x200, s12;
	s9 =	sshll.u32 s11, $0x2  }
0xcf: {  	s9 =	sor.u32 s9, s10;
	v2 =	vadd.f32 v3, v2  }
0xd0: {  	s9 =	sshrl.u32 s9, $0x2  }
0xd1: {  	s9 =	sadd.s32 $0x0, s9;
	[tilespmem:s16+$0x50] =	vst v2  }
0xd2: {  	s13 =	spop (v2sf);
	v2 =	vld [tilespmem:s9+$0x4580]  }
0xd3: {  	v3 =	vld [tilespmem:s13+$0x18000]  }
0xd4: {  	(v2sf) =	vpush v1, $0xC  }
0xd5: {  	s7 =	sadd.s32 $0x10, s7;
	(v2sf) =	vpush v0, $0xC  }
0xd6: {  	s15 =	sand.u32 $0x7F, s7;
	s7 =	sshll.u32 s7, $0x2  }
0xd7: {  	s7 =	sand.u32 $0x600, s7;
	s10 =	sshll.u32 s15, $0x2  }
0xd8: {  	s7 =	sor.u32 s10, s7;
	v1 =	vadd.f32 v3, v2  }
0xd9: {  	s7 =	sshrl.u32 s7, $0x2  }
0xda: {  	s7 =	sadd.s32 $0x0, s7;
	[tilespmem:s16+$0x60] =	vst v1  }
0xdb: {  	v1 =	vld [tilespmem:s7+$0x4580]  }
0xdc: {  	v2 =	vld [tilespmem:s13+$0x18010];
	_ =	sdelay $0x4  }
0xdd: {  	v1 =	vadd.f32 v2, v1;
	_ =	sdelay $0x1  }
0xde: {  	s17 =	spop (v2sf);
	[tilespmem:s16+$0x70] =	vst v1  }
0xdf: {  	s18 =	spop (v2sf);
	v1 =	vld [tilespmem:s17+$0x4600]  }
0xe0: {  	v2 =	vld [tilespmem:s18+$0x18000];
	_ =	sdelay $0x1  }
0xe1: {  	(v2sf) =	vpush v0, $0xD;
	_ =	sdelay $0x2  }
0xe2: {  	v1 =	vadd.f32 v2, v1;
	_ =	sdelay $0x1  }
0xe3: {  	[tilespmem:s16+$0x80] =	vst v1  }
0xe4: {  	v1 =	vld [tilespmem:s17+$0x4610]  }
0xe5: {  	v2 =	vld [tilespmem:s18+$0x18010];
	_ =	sdelay $0x2  }
0xe6: {  	s19 =	sand.u32 $0x7F, s5;
	s20 =	sshll.u32 s5, $0x2  }
0xe7: {  	s9 =	sand.u32 $0x200, s20;
	s7 =	sshll.u32 s19, $0x2  }
0xe8: {  	s7 =	sor.u32 s7, s9;
	v1 =	vadd.f32 v2, v1  }
0xe9: {  	s7 =	sshrl.u32 s7, $0x2  }
0xea: {  	s7 =	sadd.s32 $0x0, s7;
	[tilespmem:s16+$0x90] =	vst v1  }
0xeb: {  	s21 =	spop (v2sf);
	v1 =	vld [tilespmem:s7+$0x4680]  }
0xec: {  	v2 =	vld [tilespmem:s21+$0x18000];
	_ =	sdelay $0x1  }
0xed: {  	s5 =	sadd.s32 $0x10, s5;
	(v2sf) =	vpush v0, $0xE  }
0xee: {  	s22 =	sand.u32 $0x7F, s5;
	s5 =	sshll.u32 s5, $0x2  }
0xef: {  	s5 =	sand.u32 $0x600, s5;
	s9 =	sshll.u32 s22, $0x2  }
0xf0: {  	s5 =	sor.u32 s9, s5;
	v1 =	vadd.f32 v2, v1  }
0xf1: {  	s5 =	sshrl.u32 s5, $0x2  }
0xf2: {  	s5 =	sadd.s32 $0x0, s5;
	[tilespmem:s16+$0xA0] =	vst v1  }
0xf3: {  	v1 =	vld [tilespmem:s5+$0x4680]  }
0xf4: {  	v2 =	vld [tilespmem:s21+$0x18010]  }
0xf5: {  	s8 =	sand.u32 $0x200, s8;
	s26 =	sand.u32 $0x7F, s2;
	s2 =	sadd.s32 $0x10, s2  }
0xf6: {  	s23 =	sadd.s32 $0x10, s3;
	s28 =	sand.u32 $0x7F, s2;
	s2 =	sshll.u32 s2, $0x2  }
0xf7: {  	s3 =	sadd.s32 $0x0, s3;
	s2 =	sand.u32 $0x600, s2;
	s29 =	sshll.u32 s28, $0x2  }
0xf8: {  	s24 =	sand.u32 $0x7F, s23;
	s2 =	sor.u32 s29, s2;
	s9 =	sshll.u32 s23, $0x2  }
0xf9: {  	s2 =	sshrl.u32 s2, $0x2;
	s25 =	sand.u32 $0x600, s9;
	s9 =	sshll.u32 s26, $0x2;
	v1 =	vadd.f32 v2, v1  }
0xfa: {  	s11 =	sadd.s32 $0x0, s2;
	s8 =	sor.u32 s9, s8;
	s5 =	sshll.u32 s24, $0x2  }
0xfb: {  	s9 =	simm.s32 $0x0;
	s30 =	sshrl.u32 s8, $0x2;
	s7 =	sor.u32 s5, s25;
	[tilespmem:s16+$0xB0] =	vst v1  }
0xfc: {  	s8 =	simm.s32 $0x14100;
	s7 =	sshrl.u32 s7, $0x2;
	v1 =	vld [tilespmem:s3+$0x4700];
	s3 =	spop (v2sf)  }
0xfd: {  	s13 =	sadd.s32 $0x0, s30;
	s5 =	simm.s32 $0x2000;
	s12 =	sadd.s32 $0x0, s7;
	(v2sf) =	vpush v0, $0xF;
	v2 =	vld [tilespmem:s3+$0x18000]  }
.LBB2_3:
0xfe: {  	_ =	sdelay $0x3  }
0xff: {  	v0 =	vadd.f32 v2, v1;
	_ =	sdelay $0x1  }
0x100: {  	[tilespmem:s8+$0xC0] =	vst v0  }
0x101: {  	v0 =	vld [tilespmem:s12+$0x4700]  }
0x102: {  	v1 =	vld [tilespmem:s3+$0x18010];
	_ =	sdelay $0x4  }
0x103: {  	v0 =	vadd.f32 v1, v0;
	_ =	sdelay $0x1  }
0x104: {  	[tilespmem:s8+$0xD0] =	vst v0  }
0x105: {  	s15 =	spop (v2sf);
	v0 =	vld [tilespmem:s13+$0x4780]  }
0x106: {  	v1 =	vld [tilespmem:s15+$0x18000];
	_ =	sdelay $0x4  }
0x107: {  	v0 =	vadd.f32 v1, v0;
	_ =	sdelay $0x1  }
0x108: {  	[tilespmem:s8+$0xE0] =	vst v0  }
0x109: {  	v0 =	vld [tilespmem:s11+$0x4780]  }
0x10a: {  	v1 =	vld [tilespmem:s15+$0x18010];
	_ =	sdelay $0x1  }
0x10b: {  	s14 =	sadd.s32 $0x1, s14  }
0x10c: {  	s17 =	rddreg [dreg:$0x3];
	s7 =	sshrl.u32 s14, $0x3  }
0x10d: {  	s3 =	sadd.s32 s17, s7  }
0x10e: {  	s9 =	sadd.s32 $0x10, s9;
	s3 =	sshll.u32 s3, $0x9;
	v0 =	vadd.f32 v1, v0  }
0x10f: {  	s18 =	sand.u32 $0x70, s9;
	s3 =	sshra.s32 s3, $0x2  }
0x110: {  	s3 =	sor.u32 s18, s3;
	[tilespmem:s8+$0xF0] =	vst v0  }
0x111: {  	v0 =	vld [tilespmem:s3+$0x2000];
	_ =	sdelay $0x4  }
0x112: {  	v3 =	vand.u32 $0xFF, v0  }
0x113: {  	s2 =	smov.u32 s5;
	v0 =	vshrl.u32 v0, $0x10;
	v2 =	vshll.u32 v3, $0x2  }
0x114: {  	s30 =	sshra.s32 s2, $0x2;
	v0 =	vshll.u32 v0, $0x7;
	(v2sf) =	vpush v3, $0x1;
	v1 =	vshrl.u32 v2, $0x2  }
0x115: {  	(v2sf) =	vpush v0, $0x0;
	v1 =	vadd.s32 s30, v1  }
0x116: {  	(v2sf) =	vpush v1, $0x0;
	_ =	sdelay $0x2  }
0x117: {  	(v2sf) =	vpush v3, $0x2;
	_ =	sdelay $0x1  }
0x118: {  	(v2sf) =	vpush v3, $0x3;
	_ =	sdelay $0x4  }
0x119: {  	(v2sf) =	vpush v3, $0x5;
	_ =	sdelay $0x2  }
0x11a: {  	s19 =	spop (v2sf)  }
0x11b: {  	s10 =	spop (v2sf)  }
0x11c: {  	v4 =	vld [tilespmem:s10+$0x18000];
	s23 =	spop (v2sf)  }
0x11d: {  	v5 =	vld [tilespmem:s23+$0x4000]  }
0x11e: {  	s16 =	sadd.s32 $0x200, s16;
	s20 =	sand.u32 $0x7F, s19;
	(v2sf) =	vpush v3, $0x6  }
0x11f: {  	s21 =	sshll.u32 s19, $0x2;
	s2 =	sadd.s32 $0x10, s19;
	s13 =	spop (v2sf);
	(v2sf) =	vpush v0, $0x1  }
0x120: {  	s7 =	sand.u32 $0x200, s21;
	s3 =	sshll.u32 s20, $0x2;
	s22 =	sand.u32 $0x7F, s2  }
0x121: {  	s2 =	sshll.u32 s2, $0x2;
	s3 =	sor.u32 s3, s7;
	s25 =	spop (v2sf);
	(v2sf) =	vpush v3, $0x7  }
0x122: {  	s7 =	sshll.u32 s22, $0x2;
	s2 =	sand.u32 $0x600, s2;
	s3 =	sshrl.u32 s3, $0x2;
	v4 =	vadd.f32 v4, v5  }
0x123: {  	s2 =	sor.u32 s7, s2;
	s24 =	sadd.s32 $0x10, s13;
	s3 =	sadd.s32 s30, s3  }
0x124: {  	s2 =	sshrl.u32 s2, $0x2;
	s13 =	sadd.s32 s30, s13;
	s15 =	sand.u32 $0x7F, s24;
	[tilespmem:s16+$0xFFFFFF00] =	vst v4  }
0x125: {  	s7 =	sshll.u32 s24, $0x2;
	s17 =	sand.u32 $0x7F, s25;
	s19 =	sshll.u32 s25, $0x2;
	v4 =	vld [tilespmem:s23+$0x4010]  }
0x126: {  	s28 =	sadd.s32 $0x10, s25;
	s6 =	spop (v2sf);
	(v2sf) =	vpush v3, $0x9;
	s2 =	sadd.s32 s30, s2;
	v61 =	vld [tilespmem:s10+$0x18010]  }
0x127: {  	s7 =	sand.u32 $0x600, s7;
	s15 =	sshll.u32 s15, $0x2;
	s26 =	sand.u32 $0x200, s19  }
0x128: {  	s17 =	sshll.u32 s17, $0x2;
	s1 =	sand.u32 $0x7F, s28;
	s4 =	sshll.u32 s28, $0x2  }
0x129: {  	s18 =	sand.u32 $0x7F, s6;
	s7 =	sor.u32 s15, s7;
	s15 =	sor.u32 s17, s26  }
0x12a: {  	s19 =	sshll.u32 s6, $0x2;
	(v2sf) =	vpush v3, $0xA;
	s7 =	sshrl.u32 s7, $0x2;
	s29 =	sshrl.u32 s15, $0x2  }
0x12b: {  	s15 =	sshll.u32 s1, $0x2;
	s12 =	sadd.s32 s30, s7;
	s7 =	sand.u32 $0x600, s4;
	v4 =	vadd.f32 v61, v4  }
0x12c: {  	s17 =	sand.u32 $0x200, s19;
	s11 =	sadd.s32 s30, s29;
	s7 =	sor.u32 s15, s7  }
0x12d: {  	s15 =	sshll.u32 s18, $0x2;
	s10 =	sadd.s32 $0x10, s6;
	s21 =	spop (v2sf);
	[tilespmem:s16+$0xFFFFFF10] =	vst v4  }
0x12e: {  	s20 =	sand.u32 $0x7F, s10;
	s10 =	sshll.u32 s10, $0x2;
	s28 =	spop (v2sf);
	v4 =	vld [tilespmem:s3+$0x4080]  }
0x12f: {  	s15 =	sor.u32 s15, s17;
	s10 =	sand.u32 $0x600, s10;
	s17 =	sshll.u32 s20, $0x2;
	v62 =	vld [tilespmem:s28+$0x18000]  }
0x130: {  	s15 =	sshrl.u32 s15, $0x2;
	s10 =	sor.u32 s17, s10;
	s29 =	spop (v2sf);
	(v2sf) =	vpush v3, $0xB  }
0x131: {  	s23 =	sadd.s32 s30, s15;
	s10 =	sshrl.u32 s10, $0x2;
	s15 =	sadd.s32 $0x10, s21;
	(v2sf) =	vpush v0, $0x2  }
0x132: {  	s25 =	sadd.s32 s30, s10;
	s22 =	sand.u32 $0x7F, s15;
	s26 =	sshll.u32 s15, $0x2  }
0x133: {  	s24 =	sadd.s32 s30, s21;
	s10 =	sshll.u32 s22, $0x2;
	s3 =	sand.u32 $0x600, s26  }
0x134: {  	s1 =	sand.u32 $0x7F, s29;
	s4 =	sshll.u32 s29, $0x2;
	s17 =	sadd.s32 $0x10, s29;
	v4 =	vadd.f32 v62, v4  }
0x135: {  	s18 =	spop (v2sf);
	s3 =	sor.u32 s10, s3;
	s19 =	sand.u32 $0x200, s4  }
0x136: {  	s10 =	sshll.u32 s1, $0x2;
	s6 =	sand.u32 $0x7F, s17;
	s17 =	sshll.u32 s17, $0x2;
	(v2sf) =	vpush v3, $0xD;
	[tilespmem:s16+$0xFFFFFF20] =	vst v4  }
0x137: {  	s20 =	sand.u32 $0x7F, s18;
	s21 =	sshll.u32 s18, $0x2;
	s26 =	sadd.s32 $0x10, s18;
	v4 =	vld [tilespmem:s2+$0x4080]  }
0x138: {  	s10 =	sor.u32 s10, s19;
	s17 =	sand.u32 $0x600, s17;
	s19 =	sshll.u32 s6, $0x2;
	v63 =	vld [tilespmem:s28+$0x18010]  }
0x139: {  	s20 =	sshll.u32 s20, $0x2;
	s22 =	sand.u32 $0x200, s21;
	s21 =	spop (v2sf)  }
0x13a: {  	s17 =	sor.u32 s19, s17;
	s15 =	sor.u32 s20, s22;
	s19 =	sand.u32 $0x7F, s26  }
0x13b: {  	(v2sf) =	vpush v3, $0xE;
	s29 =	sadd.s32 $0x10, s21;
	s17 =	sshrl.u32 s17, $0x2;
	s15 =	sshrl.u32 s15, $0x2  }
0x13c: {  	s19 =	sshll.u32 s19, $0x2;
	s2 =	sadd.s32 s30, s17;
	s17 =	sshll.u32 s26, $0x2  }
0x13d: {  	s22 =	sand.u32 $0x7F, s29;
	s20 =	sadd.s32 s30, s15;
	s17 =	sand.u32 $0x600, s17;
	v4 =	vadd.f32 v63, v4  }
0x13e: {  	s4 =	sshll.u32 s22, $0x2;
	s28 =	sor.u32 s19, s17;
	s17 =	sshll.u32 s29, $0x2  }
0x13f: {  	s15 =	sshrl.u32 s28, $0x2;
	s1 =	sand.u32 $0x600, s17;
	s6 =	spop (v2sf);
	(v2sf) =	vpush v3, $0xF;
	[tilespmem:s16+$0xFFFFFF30] =	vst v4  }
0x140: {  	s19 =	sadd.s32 s30, s15;
	s15 =	sor.u32 s4, s1;
	(v2sf) =	vpush v2, $0xF;
	v2 =	vld [tilespmem:s13+$0x4100];
	s29 =	spop (v2sf)  }
0x141: {  	s15 =	sshrl.u32 s15, $0x2;
	v3 =	vld [tilespmem:s29+$0x18000]  }
0x142: {  	s22 =	sadd.s32 s30, s21;
	s21 =	sadd.s32 s30, s15;
	s15 =	sshll.u32 s6, $0x2  }
0x143: {  	s26 =	sand.u32 $0x7F, s6;
	s17 =	sadd.s32 $0x10, s6;
	s13 =	sand.u32 $0x200, s15;
	(v2sf) =	vpush v0, $0x3  }
0x144: {  	s18 =	sshll.u32 s26, $0x2;
	s26 =	sand.u32 $0x7F, s17;
	s17 =	sshll.u32 s17, $0x2  }
0x145: {  	s1 =	spop (v2sf);
	s13 =	sor.u32 s18, s13;
	s17 =	sand.u32 $0x600, s17  }
0x146: {  	s15 =	sshll.u32 s26, $0x2;
	s4 =	sand.u32 $0x7F, s1;
	s6 =	sshll.u32 s1, $0x2;
	v2 =	vadd.f32 v3, v2  }
0x147: {  	s1 =	sadd.s32 $0x10, s1;
	s13 =	sshrl.u32 s13, $0x2;
	s28 =	sor.u32 s15, s17  }
0x148: {  	s6 =	sand.u32 $0x200, s6;
	s18 =	sshll.u32 s4, $0x2;
	s4 =	sand.u32 $0x7F, s1;
	[tilespmem:s16+$0xFFFFFF40] =	vst v2  }
0x149: {  	s26 =	sadd.s32 s30, s13;
	s13 =	sshrl.u32 s28, $0x2;
	s6 =	sor.u32 s18, s6;
	v2 =	vld [tilespmem:s12+$0x4100]  }
0x14a: {  	s18 =	spop (v2sf);
	s17 =	sshll.u32 s4, $0x2;
	s28 =	sadd.s32 s30, s13;
	v3 =	vld [tilespmem:s29+$0x18010]  }
0x14b: {  	s6 =	sshrl.u32 s6, $0x2;
	s13 =	sshll.u32 s1, $0x2;
	s1 =	sadd.s32 $0x10, s18  }
0x14c: {  	s15 =	sadd.s32 s30, s6;
	s13 =	sand.u32 $0x600, s13;
	s4 =	sand.u32 $0x7F, s1  }
0x14d: {  	s6 =	sor.u32 s17, s13;
	s17 =	sadd.s32 s30, s18;
	s12 =	sshll.u32 s1, $0x2  }
0x14e: {  	s18 =	sshll.u32 s4, $0x2;
	s6 =	sshrl.u32 s6, $0x2;
	s12 =	sand.u32 $0x600, s12  }
0x14f: {  	s29 =	sadd.s32 s30, s6;
	s6 =	sor.u32 s18, s12;
	s13 =	spop (v2sf);
	v2 =	vadd.f32 v3, v2  }
0x150: {  	s6 =	sshrl.u32 s6, $0x2;
	s18 =	sadd.s32 $0x10, s13  }
0x151: {  	s12 =	sadd.s32 s30, s6;
	s4 =	spop (v2sf);
	[tilespmem:s16+$0xFFFFFF50] =	vst v2;
	s6 =	sshll.u32 s18, $0x2  }
0x152: {  	v2 =	vld [tilespmem:s11+$0x4180];
	s11 =	sand.u32 $0x600, s6;
	s6 =	spop (v2sf)  }
0x153: {  	v3 =	vld [tilespmem:s6+$0x18000]  }
0x154: {  	s1 =	sand.u32 $0x7F, s13;
	(v2sf) =	vpush v1, $0x4  }
0x155: {  	s4 =	sand.u32 $0x200, s4;
	s1 =	sshll.u32 s1, $0x2;
	(v2sf) =	vpush v0, $0x4  }
0x156: {  	s4 =	sor.u32 s1, s4;
	s1 =	sand.u32 $0x7F, s18  }
0x157: {  	s4 =	sshrl.u32 s4, $0x2;
	s1 =	sshll.u32 s1, $0x2  }
0x158: {  	s13 =	sadd.s32 s30, s4;
	s4 =	sor.u32 s1, s11;
	v2 =	vadd.f32 v3, v2  }
0x159: {  	s7 =	sshrl.u32 s7, $0x2;
	s4 =	sshrl.u32 s4, $0x2  }
0x15a: {  	s11 =	sadd.s32 s30, s4;
	s4 =	sadd.s32 s30, s7;
	[tilespmem:s16+$0xFFFFFF60] =	vst v2  }
0x15b: {  	v2 =	vld [tilespmem:s4+$0x4180]  }
0x15c: {  	v3 =	vld [tilespmem:s6+$0x18010];
	_ =	sdelay $0x4  }
0x15d: {  	v2 =	vadd.f32 v3, v2;
	_ =	sdelay $0x1  }
0x15e: {  	s3 =	sshrl.u32 s3, $0x2;
	s10 =	sshrl.u32 s10, $0x2;
	s18 =	spop (v2sf);
	[tilespmem:s16+$0xFFFFFF70] =	vst v2  }
0x15f: {  	s3 =	sadd.s32 s30, s3;
	s10 =	sadd.s32 s30, s10;
	s30 =	spop (v2sf);
	v2 =	vld [tilespmem:s18+$0x4200]  }
0x160: {  	v3 =	vld [tilespmem:s30+$0x18000];
	_ =	sdelay $0x1  }
0x161: {  	(v2sf) =	vpush v0, $0x5;
	_ =	sdelay $0x2  }
0x162: {  	v2 =	vadd.f32 v3, v2;
	_ =	sdelay $0x1  }
0x163: {  	[tilespmem:s16+$0xFFFFFF80] =	vst v2  }
0x164: {  	v2 =	vld [tilespmem:s18+$0x4210]  }
0x165: {  	v3 =	vld [tilespmem:s30+$0x18010];
	_ =	sdelay $0x4  }
0x166: {  	v2 =	vadd.f32 v3, v2;
	_ =	sdelay $0x1  }
0x167: {  	[tilespmem:s16+$0xFFFFFF90] =	vst v2  }
0x168: {  	s1 =	spop (v2sf);
	v2 =	vld [tilespmem:s23+$0x4280]  }
0x169: {  	v3 =	vld [tilespmem:s1+$0x18000];
	_ =	sdelay $0x1  }
0x16a: {  	(v2sf) =	vpush v0, $0x6;
	_ =	sdelay $0x2  }
0x16b: {  	v2 =	vadd.f32 v3, v2;
	_ =	sdelay $0x1  }
0x16c: {  	[tilespmem:s16+$0xFFFFFFA0] =	vst v2  }
0x16d: {  	v2 =	vld [tilespmem:s25+$0x4280]  }
0x16e: {  	v3 =	vld [tilespmem:s1+$0x18010];
	_ =	sdelay $0x4  }
0x16f: {  	v2 =	vadd.f32 v3, v2;
	_ =	sdelay $0x1  }
0x170: {  	[tilespmem:s16+$0xFFFFFFB0] =	vst v2  }
0x171: {  	s6 =	spop (v2sf);
	v2 =	vld [tilespmem:s24+$0x4300]  }
0x172: {  	v3 =	vld [tilespmem:s6+$0x18000];
	_ =	sdelay $0x1  }
0x173: {  	(v2sf) =	vpush v0, $0x7;
	_ =	sdelay $0x2  }
0x174: {  	v2 =	vadd.f32 v3, v2;
	_ =	sdelay $0x1  }
0x175: {  	[tilespmem:s16+$0xFFFFFFC0] =	vst v2  }
0x176: {  	v2 =	vld [tilespmem:s3+$0x4300]  }
0x177: {  	v3 =	vld [tilespmem:s6+$0x18010];
	_ =	sdelay $0x4  }
0x178: {  	v2 =	vadd.f32 v3, v2;
	_ =	sdelay $0x1  }
0x179: {  	[tilespmem:s16+$0xFFFFFFD0] =	vst v2  }
0x17a: {  	s7 =	spop (v2sf);
	v2 =	vld [tilespmem:s10+$0x4380]  }
0x17b: {  	v3 =	vld [tilespmem:s7+$0x18000]  }
0x17c: {  	(v2sf) =	vpush v1, $0x8  }
0x17d: {  	(v2sf) =	vpush v0, $0x8;
	_ =	sdelay $0x2  }
0x17e: {  	v2 =	vadd.f32 v3, v2;
	_ =	sdelay $0x1  }
0x17f: {  	[tilespmem:s16+$0xFFFFFFE0] =	vst v2  }
0x180: {  	v2 =	vld [tilespmem:s2+$0x4380]  }
0x181: {  	v3 =	vld [tilespmem:s7+$0x18010];
	_ =	sdelay $0x4  }
0x182: {  	v2 =	vadd.f32 v3, v2;
	_ =	sdelay $0x1  }
0x183: {  	s10 =	spop (v2sf);
	[tilespmem:s16+$0xFFFFFFF0] =	vst v2  }
0x184: {  	s18 =	spop (v2sf);
	v2 =	vld [tilespmem:s10+$0x4400]  }
0x185: {  	v3 =	vld [tilespmem:s18+$0x18000];
	_ =	sdelay $0x1  }
0x186: {  	(v2sf) =	vpush v0, $0x9;
	_ =	sdelay $0x2  }
0x187: {  	v2 =	vadd.f32 v3, v2;
	_ =	sdelay $0x1  }
0x188: {  	[tilespmem:s16+$0x0] =	vst v2  }
0x189: {  	v2 =	vld [tilespmem:s10+$0x4410]  }
0x18a: {  	v3 =	vld [tilespmem:s18+$0x18010];
	_ =	sdelay $0x4  }
0x18b: {  	v2 =	vadd.f32 v3, v2;
	_ =	sdelay $0x1  }
0x18c: {  	[tilespmem:s16+$0x10] =	vst v2  }
0x18d: {  	s23 =	spop (v2sf);
	v2 =	vld [tilespmem:s20+$0x4480]  }
0x18e: {  	v3 =	vld [tilespmem:s23+$0x18000];
	_ =	sdelay $0x1  }
0x18f: {  	(v2sf) =	vpush v0, $0xA;
	_ =	sdelay $0x2  }
0x190: {  	v2 =	vadd.f32 v3, v2;
	_ =	sdelay $0x1  }
0x191: {  	[tilespmem:s16+$0x20] =	vst v2  }
0x192: {  	v2 =	vld [tilespmem:s19+$0x4480]  }
0x193: {  	v3 =	vld [tilespmem:s23+$0x18010];
	_ =	sdelay $0x4  }
0x194: {  	v2 =	vadd.f32 v3, v2;
	_ =	sdelay $0x1  }
0x195: {  	[tilespmem:s16+$0x30] =	vst v2  }
0x196: {  	s24 =	spop (v2sf);
	v2 =	vld [tilespmem:s22+$0x4500]  }
0x197: {  	v3 =	vld [tilespmem:s24+$0x18000];
	_ =	sdelay $0x1  }
0x198: {  	(v2sf) =	vpush v0, $0xB;
	_ =	sdelay $0x2  }
0x199: {  	v2 =	vadd.f32 v3, v2;
	_ =	sdelay $0x1  }
0x19a: {  	[tilespmem:s16+$0x40] =	vst v2  }
0x19b: {  	v2 =	vld [tilespmem:s21+$0x4500]  }
0x19c: {  	v3 =	vld [tilespmem:s24+$0x18010];
	_ =	sdelay $0x4  }
0x19d: {  	v2 =	vadd.f32 v3, v2;
	_ =	sdelay $0x1  }
0x19e: {  	[tilespmem:s16+$0x50] =	vst v2  }
0x19f: {  	s25 =	spop (v2sf);
	v2 =	vld [tilespmem:s26+$0x4580]  }
0x1a0: {  	v3 =	vld [tilespmem:s25+$0x18000]  }
0x1a1: {  	(v2sf) =	vpush v1, $0xC  }
0x1a2: {  	(v2sf) =	vpush v0, $0xC;
	_ =	sdelay $0x2  }
0x1a3: {  	v1 =	vadd.f32 v3, v2;
	_ =	sdelay $0x1  }
0x1a4: {  	[tilespmem:s16+$0x60] =	vst v1  }
0x1a5: {  	v1 =	vld [tilespmem:s28+$0x4580]  }
0x1a6: {  	v2 =	vld [tilespmem:s25+$0x18010];
	_ =	sdelay $0x4  }
0x1a7: {  	v1 =	vadd.f32 v2, v1;
	_ =	sdelay $0x1  }
0x1a8: {  	s26 =	spop (v2sf);
	[tilespmem:s16+$0x70] =	vst v1  }
0x1a9: {  	s28 =	spop (v2sf);
	v1 =	vld [tilespmem:s26+$0x4600]  }
0x1aa: {  	v2 =	vld [tilespmem:s28+$0x18000];
	_ =	sdelay $0x1  }
0x1ab: {  	(v2sf) =	vpush v0, $0xD;
	_ =	sdelay $0x2  }
0x1ac: {  	v1 =	vadd.f32 v2, v1;
	_ =	sdelay $0x1  }
0x1ad: {  	[tilespmem:s16+$0x80] =	vst v1  }
0x1ae: {  	v1 =	vld [tilespmem:s26+$0x4610]  }
0x1af: {  	v2 =	vld [tilespmem:s28+$0x18010];
	_ =	sdelay $0x4  }
0x1b0: {  	v1 =	vadd.f32 v2, v1;
	_ =	sdelay $0x1  }
0x1b1: {  	[tilespmem:s16+$0x90] =	vst v1  }
0x1b2: {  	s30 =	spop (v2sf);
	v1 =	vld [tilespmem:s15+$0x4680]  }
0x1b3: {  	v2 =	vld [tilespmem:s30+$0x18000];
	_ =	sdelay $0x1  }
0x1b4: {  	(v2sf) =	vpush v0, $0xE;
	_ =	sdelay $0x2  }
0x1b5: {  	v1 =	vadd.f32 v2, v1;
	_ =	sdelay $0x1  }
0x1b6: {  	[tilespmem:s16+$0xA0] =	vst v1  }
0x1b7: {  	v1 =	vld [tilespmem:s29+$0x4680]  }
0x1b8: {  	v2 =	vld [tilespmem:s30+$0x18010];
	_ =	sdelay $0x3  }
0x1b9: {  	p1 =	sne.s32 s5, $0x1E000  }
.Ltmp0:
0x1ba: {  	v1 =	vadd.f32 v2, v1;
	(pc) =	sbr.rel @p1 .LBB2_3-.Ltmp0, $4  }
0x1bb: {  	_ = 	snop  }
0x1bc: {  	[tilespmem:s16+$0xB0] =	vst v1  }
0x1bd: {  	s3 =	spop (v2sf);
	v1 =	vld [tilespmem:s17+$0x4700]  }
0x1be: {  	s5 =	sadd.s32 $0x2000, s5;
	s8 =	smov.u32 s16;
	(v2sf) =	vpush v0, $0xF;
	v2 =	vld [tilespmem:s3+$0x18000]  }
0x1bf: {  	_ =	sdelay $0x3  }
0x1c0: {  	v0 =	vadd.f32 v2, v1;
	_ =	sdelay $0x1  }
0x1c1: {  	[tilespmem:s8+$0xC0] =	vst v0  }
0x1c2: {  	v0 =	vld [tilespmem:s12+$0x4700]  }
0x1c3: {  	v1 =	vld [tilespmem:s3+$0x18010];
	_ =	sdelay $0x4  }
0x1c4: {  	v0 =	vadd.f32 v1, v0;
	_ =	sdelay $0x1  }
0x1c5: {  	[tilespmem:s8+$0xD0] =	vst v0  }
0x1c6: {  	s2 =	spop (v2sf);
	v0 =	vld [tilespmem:s13+$0x4780]  }
0x1c7: {  	v1 =	vld [tilespmem:s2+$0x18000];
	_ =	sdelay $0x4  }
0x1c8: {  	v0 =	vadd.f32 v1, v0;
	_ =	sdelay $0x1  }
0x1c9: {  	[tilespmem:s8+$0xE0] =	vst v0  }
0x1ca: {  	v0 =	vld [tilespmem:s11+$0x4780]  }
0x1cb: {  	v1 =	vld [tilespmem:s2+$0x18010];
	_ =	sdelay $0x3  }
0x1cc: {  	s1 =	rddreg [dreg:$0x8];
	s11 =	sshll.u32 s31, $0xE  }
0x1cd: {  	s2 =	sadd.s32 s1, s11;
	v0 =	vadd.f32 v1, v0  }
0x1ce: {  	s14 =	simm.s32 $0x14000;
	s12 =	rddreg [dreg:$0x1];
	s2 =	sshrl.u32 s2, $0x3  }
0x1cf: {  	s15 =	sshll.u32 s31, $0xB;
	s13 =	simm.s32 $0x0;
	s2 =	sadd.s32 s12, s2;
	[tilespmem:s8+$0xF0] =	vst v0  }
0x1d0: {  	[hbm4b:s2+s13] =	stream.linear.scatter [tilespmem:s14], [sflag:$0x3], $0x2000, $0x38;
	[tilespmem:$0x1B400] =	vst v63  }
0x1d1: {  	s16 =	rddreg [dreg:$0xb];
	s2 =	sshra.s32 s15, $0x2  }
0x1d2: {  	s18 =	rddreg [dreg:$0x5];
	s2 =	sadd.s32 s2, s16  }
0x1d3: {  	s4 =	simm.s32 $0x80;
	s5 =	simm.s32 $0x4000;
	s17 =	sadd.s32 $0x200, s2  }
0x1d4: {  	[tilespmem:s5], [sflag:$0x1] =	stream.indirect.gather [hbm4b:s18+s4], $0x80, s17, s4, $0xb8;
	[tilespmem:$0x1B400] =	vst v63  }
0x1d5: {  	s19 =	simm.s32 $0x8000;
	s20 =	simm.s32 $0x2;
	s2 =	sadd.s32 $0x280, s2  }
0x1d6: {  	[tilespmem:s19], [sflag:$0x1] =	stream.indirect.gather [hbm4b:s18+s4], $0x80, s2, s4, $0xb8;
	[tilespmem:$0x1B400] =	vst v63  }
0x1d7: {  	_ =	swait.ge [sflag:s20], $0x8000  }
0x1d8: {  	[sflag:s20] =	ssyncset.done $0x0  }
0x1d9: {  	s21 =	sadd.s32 $0x0, s0;
	s2 =	simm.s32 @!p0 $0x4;
	[sflag:s20] =	ssyncadd.s32 $0xFFFF8000  }
0x1da: {  	s3 =	sshll.u32 s21, $0x9;
	s14 =	simm.s32 $0x0;
	_ =	swait.ge @!p0 [sflag:s2], $0x2000  }
0x1db: {  	s3 =	sshra.s32 s3, $0x2;
	s22 =	sand.u32 $0x70, s14;
	[sflag:s2] =	ssyncset.done @!p0 $0x0  }
0x1dc: {  	s23 =	sor.u32 s22, s3;
	[sflag:s2] =	ssyncadd.s32 @!p0 $0xFFFFE000  }
0x1dd: {  	v0 =	vld [tilespmem:s23+$0x2000];
	_ =	sdelay $0x4  }
0x1de: {  	v2 =	vand.u32 $0xFF, v0  }
0x1df: {  	v0 =	vshrl.u32 v0, $0x10;
	v3 =	vshll.u32 v2, $0x2  }
0x1e0: {  	s5 =	simm.s32 $0x0;
	v0 =	vshll.u32 v0, $0x7;
	(v2sf) =	vpush v2, $0x1;
	v1 =	vshrl.u32 v3, $0x2  }
0x1e1: {  	(v2sf) =	vpush v0, $0x0;
	v1 =	vadd.s32 s5, v1  }
0x1e2: {  	(v2sf) =	vpush v1, $0x0;
	_ =	sdelay $0xc  }
0x1e3: {  	s24 =	spop (v2sf)  }
0x1e4: {  	(v2sf) =	vpush v2, $0x2;
	s25 =	spop (v2sf)  }
0x1e5: {  	(v2sf) =	vpush v2, $0x3;
	v4 =	vld [tilespmem:s25+$0x18000];
	s26 =	spop (v2sf)  }
0x1e6: {  	(v2sf) =	vpush v2, $0x5;
	v5 =	vld [tilespmem:s26+$0xC000]  }
0x1e7: {  	(v2sf) =	vpush v2, $0x6  }
0x1e8: {  	(v2sf) =	vpush v0, $0x1;
	_ =	sdelay $0x2  }
0x1e9: {  	v4 =	vadd.f32 v4, v5  }
0x1ea: {  	s16 =	simm.s32 $0x161F0  }
0x1eb: {  	[tilespmem:s16+$0xFFFFFE10] =	vst v4  }
0x1ec: {  	v4 =	vld [tilespmem:s26+$0xC010]  }
0x1ed: {  	v61 =	vld [tilespmem:s25+$0x18010];
	_ =	sdelay $0x2  }
0x1ee: {  	s28 =	sand.u32 $0x7F, s24;
	s29 =	sshll.u32 s24, $0x2  }
0x1ef: {  	s4 =	sand.u32 $0x200, s29;
	s3 =	sshll.u32 s28, $0x2;
	s6 =	spop (v2sf)  }
0x1f0: {  	s3 =	sor.u32 s3, s4;
	s17 =	spop (v2sf);
	v4 =	vadd.f32 v61, v4  }
0x1f1: {  	s3 =	sshrl.u32 s3, $0x2;
	s15 =	spop (v2sf)  }
0x1f2: {  	s3 =	sadd.s32 $0x0, s3;
	(v2sf) =	vpush v2, $0x7;
	s13 =	spop (v2sf);
	[tilespmem:s16+$0xFFFFFE20] =	vst v4  }
0x1f3: {  	(v2sf) =	vpush v2, $0x9;
	v4 =	vld [tilespmem:s3+$0xC080];
	s30 =	spop (v2sf)  }
0x1f4: {  	(v2sf) =	vpush v2, $0xA;
	v62 =	vld [tilespmem:s30+$0x18000]  }
0x1f5: {  	(v2sf) =	vpush v2, $0xB  }
0x1f6: {  	s2 =	sadd.s32 $0x10, s24;
	(v2sf) =	vpush v0, $0x2  }
0x1f7: {  	s1 =	sand.u32 $0x7F, s2;
	s2 =	sshll.u32 s2, $0x2  }
0x1f8: {  	s4 =	sshll.u32 s1, $0x2;
	s2 =	sand.u32 $0x600, s2  }
0x1f9: {  	s2 =	sor.u32 s4, s2;
	v4 =	vadd.f32 v62, v4  }
0x1fa: {  	s2 =	sshrl.u32 s2, $0x2  }
0x1fb: {  	s2 =	sadd.s32 $0x0, s2;
	[tilespmem:s16+$0xFFFFFE30] =	vst v4  }
0x1fc: {  	v4 =	vld [tilespmem:s2+$0xC080]  }
0x1fd: {  	v63 =	vld [tilespmem:s30+$0x18010];
	_ =	sdelay $0x3  }
0x1fe: {  	s12 =	spop (v2sf)  }
0x1ff: {  	s11 =	spop (v2sf);
	v4 =	vadd.f32 v63, v4  }
0x200: {  	s10 =	spop (v2sf)  }
0x201: {  	s7 =	sadd.s32 $0x0, s6;
	(v2sf) =	vpush v2, $0xD;
	s8 =	spop (v2sf);
	[tilespmem:s16+$0xFFFFFE40] =	vst v4  }
0x202: {  	(v2sf) =	vpush v2, $0xE;
	s9 =	spop (v2sf);
	v4 =	vld [tilespmem:s7+$0xC100]  }
0x203: {  	(v2sf) =	vpush v2, $0xF;
	v2 =	vld [tilespmem:s9+$0x18000]  }
0x204: {  	(v2sf) =	vpush v3, $0xF  }
0x205: {  	s18 =	sadd.s32 $0x10, s6;
	(v2sf) =	vpush v0, $0x3  }
0x206: {  	s19 =	sand.u32 $0x7F, s18;
	s3 =	sshll.u32 s18, $0x2  }
0x207: {  	s4 =	sshll.u32 s19, $0x2;
	s3 =	sand.u32 $0x600, s3  }
0x208: {  	s3 =	sor.u32 s4, s3;
	v2 =	vadd.f32 v2, v4  }
0x209: {  	s3 =	sshrl.u32 s3, $0x2  }
0x20a: {  	s3 =	sadd.s32 $0x0, s3;
	[tilespmem:s16+$0xFFFFFE50] =	vst v2  }
0x20b: {  	v2 =	vld [tilespmem:s3+$0xC100]  }
0x20c: {  	v3 =	vld [tilespmem:s9+$0x18010];
	_ =	sdelay $0x2  }
0x20d: {  	s20 =	sand.u32 $0x7F, s17;
	s21 =	sshll.u32 s17, $0x2  }
0x20e: {  	s2 =	sshll.u32 s20, $0x2;
	s7 =	spop (v2sf);
	s3 =	sand.u32 $0x200, s21  }
0x20f: {  	s2 =	sor.u32 s2, s3;
	s9 =	spop (v2sf);
	v2 =	vadd.f32 v3, v2  }
0x210: {  	s2 =	sshrl.u32 s2, $0x2;
	s3 =	spop (v2sf)  }
0x211: {  	s22 =	sadd.s32 $0x0, s2;
	s2 =	spop (v2sf);
	[tilespmem:s16+$0xFFFFFE60] =	vst v2  }
0x212: {  	s23 =	spop (v2sf);
	v2 =	vld [tilespmem:s22+$0xC180]  }
0x213: {  	v3 =	vld [tilespmem:s23+$0x18000]  }
0x214: {  	(v2sf) =	vpush v1, $0x4  }
0x215: {  	s24 =	sadd.s32 $0x10, s17;
	(v2sf) =	vpush v0, $0x4  }
0x216: {  	s17 =	sand.u32 $0x7F, s24;
	s6 =	sshll.u32 s24, $0x2  }
0x217: {  	s6 =	sand.u32 $0x600, s6;
	s17 =	sshll.u32 s17, $0x2  }
0x218: {  	s6 =	sor.u32 s17, s6;
	v2 =	vadd.f32 v3, v2  }
0x219: {  	s6 =	sshrl.u32 s6, $0x2  }
0x21a: {  	s6 =	sadd.s32 $0x0, s6;
	[tilespmem:s16+$0xFFFFFE70] =	vst v2  }
0x21b: {  	v2 =	vld [tilespmem:s6+$0xC180]  }
0x21c: {  	v3 =	vld [tilespmem:s23+$0x18010];
	_ =	sdelay $0x4  }
0x21d: {  	v2 =	vadd.f32 v3, v2;
	_ =	sdelay $0x1  }
0x21e: {  	s25 =	spop (v2sf);
	[tilespmem:s16+$0xFFFFFE80] =	vst v2  }
0x21f: {  	s26 =	spop (v2sf);
	v2 =	vld [tilespmem:s25+$0xC200]  }
0x220: {  	v3 =	vld [tilespmem:s26+$0x18000];
	_ =	sdelay $0x1  }
0x221: {  	(v2sf) =	vpush v0, $0x5;
	_ =	sdelay $0x2  }
0x222: {  	v2 =	vadd.f32 v3, v2;
	_ =	sdelay $0x1  }
0x223: {  	[tilespmem:s16+$0xFFFFFE90] =	vst v2  }
0x224: {  	v2 =	vld [tilespmem:s25+$0xC210]  }
0x225: {  	v3 =	vld [tilespmem:s26+$0x18010];
	_ =	sdelay $0x2  }
0x226: {  	s28 =	sand.u32 $0x7F, s15;
	s29 =	sshll.u32 s15, $0x2  }
0x227: {  	s4 =	sshll.u32 s28, $0x2;
	s6 =	sand.u32 $0x200, s29  }
0x228: {  	s4 =	sor.u32 s4, s6;
	v2 =	vadd.f32 v3, v2  }
0x229: {  	s4 =	sshrl.u32 s4, $0x2  }
0x22a: {  	s4 =	sadd.s32 $0x0, s4;
	[tilespmem:s16+$0xFFFFFEA0] =	vst v2  }
0x22b: {  	s30 =	spop (v2sf);
	v2 =	vld [tilespmem:s4+$0xC280]  }
0x22c: {  	v3 =	vld [tilespmem:s30+$0x18000];
	_ =	sdelay $0x1  }
0x22d: {  	s1 =	sadd.s32 $0x10, s15;
	(v2sf) =	vpush v0, $0x6  }
0x22e: {  	s15 =	sand.u32 $0x7F, s1;
	s6 =	sshll.u32 s1, $0x2  }
0x22f: {  	s15 =	sshll.u32 s15, $0x2;
	s6 =	sand.u32 $0x600, s6  }
0x230: {  	s6 =	sor.u32 s15, s6;
	v2 =	vadd.f32 v3, v2  }
0x231: {  	s6 =	sshrl.u32 s6, $0x2  }
0x232: {  	s6 =	sadd.s32 $0x0, s6;
	[tilespmem:s16+$0xFFFFFEB0] =	vst v2  }
0x233: {  	v2 =	vld [tilespmem:s6+$0xC280]  }
0x234: {  	v3 =	vld [tilespmem:s30+$0x18010];
	_ =	sdelay $0x4  }
0x235: {  	v2 =	vadd.f32 v3, v2;
	_ =	sdelay $0x1  }
0x236: {  	s6 =	sadd.s32 $0x0, s13;
	[tilespmem:s16+$0xFFFFFEC0] =	vst v2  }
0x237: {  	s15 =	spop (v2sf);
	v2 =	vld [tilespmem:s6+$0xC300]  }
0x238: {  	v3 =	vld [tilespmem:s15+$0x18000];
	_ =	sdelay $0x1  }
0x239: {  	s17 =	sadd.s32 $0x10, s13;
	(v2sf) =	vpush v0, $0x7  }
0x23a: {  	s13 =	sand.u32 $0x7F, s17;
	s6 =	sshll.u32 s17, $0x2  }
0x23b: {  	s13 =	sshll.u32 s13, $0x2;
	s6 =	sand.u32 $0x600, s6  }
0x23c: {  	s6 =	sor.u32 s13, s6;
	v2 =	vadd.f32 v3, v2  }
0x23d: {  	s6 =	sshrl.u32 s6, $0x2  }
0x23e: {  	s6 =	sadd.s32 $0x0, s6;
	[tilespmem:s16+$0xFFFFFED0] =	vst v2  }
0x23f: {  	v2 =	vld [tilespmem:s6+$0xC300]  }
0x240: {  	v3 =	vld [tilespmem:s15+$0x18010];
	_ =	sdelay $0x2  }
0x241: {  	s18 =	sand.u32 $0x7F, s12;
	s19 =	sshll.u32 s12, $0x2  }
0x242: {  	s4 =	sshll.u32 s18, $0x2;
	s6 =	sand.u32 $0x200, s19  }
0x243: {  	s4 =	sor.u32 s4, s6;
	v2 =	vadd.f32 v3, v2  }
0x244: {  	s4 =	sshrl.u32 s4, $0x2  }
0x245: {  	s4 =	sadd.s32 $0x0, s4;
	[tilespmem:s16+$0xFFFFFEE0] =	vst v2  }
0x246: {  	s20 =	spop (v2sf);
	v2 =	vld [tilespmem:s4+$0xC380]  }
0x247: {  	v3 =	vld [tilespmem:s20+$0x18000]  }
0x248: {  	(v2sf) =	vpush v1, $0x8  }
0x249: {  	s21 =	sadd.s32 $0x10, s12;
	(v2sf) =	vpush v0, $0x8  }
0x24a: {  	s12 =	sand.u32 $0x7F, s21;
	s6 =	sshll.u32 s21, $0x2  }
0x24b: {  	s12 =	sshll.u32 s12, $0x2;
	s6 =	sand.u32 $0x600, s6  }
0x24c: {  	s6 =	sor.u32 s12, s6;
	v2 =	vadd.f32 v3, v2  }
0x24d: {  	s6 =	sshrl.u32 s6, $0x2  }
0x24e: {  	s6 =	sadd.s32 $0x0, s6;
	[tilespmem:s16+$0xFFFFFEF0] =	vst v2  }
0x24f: {  	v2 =	vld [tilespmem:s6+$0xC380]  }
0x250: {  	v3 =	vld [tilespmem:s20+$0x18010];
	_ =	sdelay $0x4  }
0x251: {  	v2 =	vadd.f32 v3, v2;
	_ =	sdelay $0x1  }
0x252: {  	s22 =	spop (v2sf);
	[tilespmem:s16+$0xFFFFFF00] =	vst v2  }
0x253: {  	s23 =	spop (v2sf);
	v2 =	vld [tilespmem:s22+$0xC400]  }
0x254: {  	v3 =	vld [tilespmem:s23+$0x18000];
	_ =	sdelay $0x1  }
0x255: {  	(v2sf) =	vpush v0, $0x9;
	_ =	sdelay $0x2  }
0x256: {  	v2 =	vadd.f32 v3, v2;
	_ =	sdelay $0x1  }
0x257: {  	[tilespmem:s16+$0xFFFFFF10] =	vst v2  }
0x258: {  	v2 =	vld [tilespmem:s22+$0xC410]  }
0x259: {  	v3 =	vld [tilespmem:s23+$0x18010];
	_ =	sdelay $0x2  }
0x25a: {  	s24 =	sand.u32 $0x7F, s11;
	s25 =	sshll.u32 s11, $0x2  }
0x25b: {  	s4 =	sshll.u32 s24, $0x2;
	s6 =	sand.u32 $0x200, s25  }
0x25c: {  	s4 =	sor.u32 s4, s6;
	v2 =	vadd.f32 v3, v2  }
0x25d: {  	s4 =	sshrl.u32 s4, $0x2  }
0x25e: {  	s4 =	sadd.s32 $0x0, s4;
	[tilespmem:s16+$0xFFFFFF20] =	vst v2  }
0x25f: {  	s26 =	spop (v2sf);
	v2 =	vld [tilespmem:s4+$0xC480]  }
0x260: {  	v3 =	vld [tilespmem:s26+$0x18000];
	_ =	sdelay $0x1  }
0x261: {  	s28 =	sadd.s32 $0x10, s11;
	(v2sf) =	vpush v0, $0xA  }
0x262: {  	s11 =	sand.u32 $0x7F, s28;
	s6 =	sshll.u32 s28, $0x2  }
0x263: {  	s11 =	sshll.u32 s11, $0x2;
	s6 =	sand.u32 $0x600, s6  }
0x264: {  	s6 =	sor.u32 s11, s6;
	v2 =	vadd.f32 v3, v2  }
0x265: {  	s6 =	sshrl.u32 s6, $0x2  }
0x266: {  	s6 =	sadd.s32 $0x0, s6;
	[tilespmem:s16+$0xFFFFFF30] =	vst v2  }
0x267: {  	v2 =	vld [tilespmem:s6+$0xC480]  }
0x268: {  	v3 =	vld [tilespmem:s26+$0x18010];
	_ =	sdelay $0x4  }
0x269: {  	v2 =	vadd.f32 v3, v2;
	_ =	sdelay $0x1  }
0x26a: {  	s29 =	sadd.s32 $0x0, s10;
	[tilespmem:s16+$0xFFFFFF40] =	vst v2  }
0x26b: {  	s30 =	spop (v2sf);
	v2 =	vld [tilespmem:s29+$0xC500]  }
0x26c: {  	v3 =	vld [tilespmem:s30+$0x18000];
	_ =	sdelay $0x1  }
0x26d: {  	s1 =	sadd.s32 $0x10, s10;
	(v2sf) =	vpush v0, $0xB  }
0x26e: {  	s10 =	sand.u32 $0x7F, s1;
	s6 =	sshll.u32 s1, $0x2  }
0x26f: {  	s10 =	sshll.u32 s10, $0x2;
	s6 =	sand.u32 $0x600, s6  }
0x270: {  	s6 =	sor.u32 s10, s6;
	v2 =	vadd.f32 v3, v2  }
0x271: {  	s6 =	sshrl.u32 s6, $0x2  }
0x272: {  	s6 =	sadd.s32 $0x0, s6;
	[tilespmem:s16+$0xFFFFFF50] =	vst v2  }
0x273: {  	v2 =	vld [tilespmem:s6+$0xC500]  }
0x274: {  	v3 =	vld [tilespmem:s30+$0x18010];
	_ =	sdelay $0x2  }
0x275: {  	s12 =	sshll.u32 s8, $0x2;
	s11 =	sand.u32 $0x7F, s8  }
0x276: {  	s4 =	sshll.u32 s11, $0x2;
	s6 =	sand.u32 $0x200, s12  }
0x277: {  	s4 =	sor.u32 s4, s6;
	v2 =	vadd.f32 v3, v2  }
0x278: {  	s4 =	sshrl.u32 s4, $0x2  }
0x279: {  	s4 =	sadd.s32 $0x0, s4;
	[tilespmem:s16+$0xFFFFFF60] =	vst v2  }
0x27a: {  	s13 =	spop (v2sf);
	v2 =	vld [tilespmem:s4+$0xC580]  }
0x27b: {  	v3 =	vld [tilespmem:s13+$0x18000]  }
0x27c: {  	(v2sf) =	vpush v1, $0xC  }
0x27d: {  	s15 =	sadd.s32 $0x10, s8;
	(v2sf) =	vpush v0, $0xC  }
0x27e: {  	s8 =	sand.u32 $0x7F, s15;
	s6 =	sshll.u32 s15, $0x2  }
0x27f: {  	s8 =	sshll.u32 s8, $0x2;
	s6 =	sand.u32 $0x600, s6  }
0x280: {  	s6 =	sor.u32 s8, s6;
	v1 =	vadd.f32 v3, v2  }
0x281: {  	s6 =	sshrl.u32 s6, $0x2  }
0x282: {  	s6 =	sadd.s32 $0x0, s6;
	[tilespmem:s16+$0xFFFFFF70] =	vst v1  }
0x283: {  	v1 =	vld [tilespmem:s6+$0xC580]  }
0x284: {  	v2 =	vld [tilespmem:s13+$0x18010];
	_ =	sdelay $0x4  }
0x285: {  	v1 =	vadd.f32 v2, v1;
	_ =	sdelay $0x1  }
0x286: {  	s17 =	spop (v2sf);
	[tilespmem:s16+$0xFFFFFF80] =	vst v1  }
0x287: {  	s18 =	spop (v2sf);
	v1 =	vld [tilespmem:s17+$0xC600]  }
0x288: {  	v2 =	vld [tilespmem:s18+$0x18000];
	_ =	sdelay $0x1  }
0x289: {  	(v2sf) =	vpush v0, $0xD;
	_ =	sdelay $0x2  }
0x28a: {  	v1 =	vadd.f32 v2, v1;
	_ =	sdelay $0x1  }
0x28b: {  	[tilespmem:s16+$0xFFFFFF90] =	vst v1  }
0x28c: {  	v1 =	vld [tilespmem:s17+$0xC610]  }
0x28d: {  	v2 =	vld [tilespmem:s18+$0x18010];
	_ =	sdelay $0x2  }
0x28e: {  	s19 =	sand.u32 $0x7F, s7;
	s20 =	sshll.u32 s7, $0x2  }
0x28f: {  	s4 =	sshll.u32 s19, $0x2;
	s6 =	sand.u32 $0x200, s20  }
0x290: {  	s4 =	sor.u32 s4, s6;
	v1 =	vadd.f32 v2, v1  }
0x291: {  	s4 =	sshrl.u32 s4, $0x2  }
0x292: {  	s4 =	sadd.s32 $0x0, s4;
	[tilespmem:s16+$0xFFFFFFA0] =	vst v1  }
0x293: {  	s21 =	spop (v2sf);
	v1 =	vld [tilespmem:s4+$0xC680]  }
0x294: {  	v2 =	vld [tilespmem:s21+$0x18000];
	_ =	sdelay $0x1  }
0x295: {  	s22 =	sadd.s32 $0x10, s7;
	(v2sf) =	vpush v0, $0xE  }
0x296: {  	s7 =	sand.u32 $0x7F, s22;
	s6 =	sshll.u32 s22, $0x2  }
0x297: {  	s7 =	sshll.u32 s7, $0x2;
	s6 =	sand.u32 $0x600, s6  }
0x298: {  	s6 =	sor.u32 s7, s6;
	v1 =	vadd.f32 v2, v1  }
0x299: {  	s6 =	sshrl.u32 s6, $0x2  }
0x29a: {  	s6 =	sadd.s32 $0x0, s6;
	[tilespmem:s16+$0xFFFFFFB0] =	vst v1  }
0x29b: {  	v1 =	vld [tilespmem:s6+$0xC680]  }
0x29c: {  	v2 =	vld [tilespmem:s21+$0x18010];
	_ =	sdelay $0x2  }
0x29d: {  	s26 =	sand.u32 $0x7F, s3;
	s3 =	sadd.s32 $0x10, s3  }
0x29e: {  	s28 =	sshll.u32 s3, $0x2;
	s3 =	sand.u32 $0x7F, s3  }
0x29f: {  	s2 =	sand.u32 $0x200, s2;
	s3 =	sshll.u32 s3, $0x2;
	s29 =	sand.u32 $0x600, s28;
	v1 =	vadd.f32 v2, v1  }
0x2a0: {  	s25 =	sadd.s32 $0x0, s9;
	s23 =	sadd.s32 $0x10, s9;
	s3 =	sor.u32 s3, s29  }
0x2a1: {  	s24 =	sand.u32 $0x7F, s23;
	s30 =	sshrl.u32 s3, $0x2;
	s4 =	sshll.u32 s23, $0x2;
	[tilespmem:s16+$0xFFFFFFC0] =	vst v1  }
0x2a2: {  	s3 =	spop (v2sf);
	s4 =	sand.u32 $0x600, s4;
	s6 =	sshll.u32 s24, $0x2;
	v1 =	vld [tilespmem:s25+$0xC700]  }
0x2a3: {  	s9 =	simm.s32 $0x161F0;
	s11 =	simm.s32 $0x0;
	s4 =	sor.u32 s6, s4;
	v2 =	vld [tilespmem:s3+$0x18000]  }
0x2a4: {  	s12 =	sadd.s32 $0x0, s30;
	s6 =	sshll.u32 s26, $0x2;
	s4 =	sshrl.u32 s4, $0x2  }
0x2a5: {  	s8 =	simm.s32 $0x2000;
	(v2sf) =	vpush v0, $0xF;
	s17 =	sor.u32 s6, s2;
	s13 =	sadd.s32 $0x0, s4  }
.LBB2_5:
0x2a6: {  	s14 =	sadd.s32 $0x1, s14;
	s11 =	sadd.s32 $0x10, s11;
	s16 =	sadd.s32 $0x200, s16  }
0x2a7: {  	p0 =	sne.s32 s8, $0x1E000;
	s2 =	smov.u32 s8;
	s8 =	sadd.s32 $0x2000, s8  }
0x2a8: {  	v0 =	vadd.f32 v2, v1;
	_ =	sdelay $0x1  }
0x2a9: {  	[tilespmem:s9+$0xFFFFFFD0] =	vst v0  }
0x2aa: {  	v0 =	vld [tilespmem:s13+$0xC700]  }
0x2ab: {  	v1 =	vld [tilespmem:s3+$0x18010];
	_ =	sdelay $0x4  }
0x2ac: {  	v0 =	vadd.f32 v1, v0  }
0x2ad: {  	s3 =	sshrl.u32 s17, $0x2  }
0x2ae: {  	s3 =	sadd.s32 s5, s3;
	[tilespmem:s9+$0xFFFFFFE0] =	vst v0  }
0x2af: {  	v0 =	vld [tilespmem:s3+$0xC780];
	s3 =	spop (v2sf)  }
0x2b0: {  	v1 =	vld [tilespmem:s3+$0x18000];
	_ =	sdelay $0x4  }
0x2b1: {  	v0 =	vadd.f32 v1, v0;
	_ =	sdelay $0x1  }
0x2b2: {  	[tilespmem:s9+$0xFFFFFFF0] =	vst v0  }
0x2b3: {  	v0 =	vld [tilespmem:s12+$0xC780]  }
0x2b4: {  	v1 =	vld [tilespmem:s3+$0x18010];
	_ =	sdelay $0x2  }
0x2b5: {  	s3 =	sshrl.u32 s14, $0x3  }
0x2b6: {  	s3 =	sadd.s32 s0, s3  }
0x2b7: {  	s3 =	sshll.u32 s3, $0x9;
	v0 =	vadd.f32 v1, v0  }
0x2b8: {  	s4 =	sand.u32 $0x70, s11;
	s3 =	sshra.s32 s3, $0x2  }
0x2b9: {  	s3 =	sor.u32 s4, s3;
	[tilespmem:s9+$0x0] =	vst v0;
	s9 =	smov.u32 s16  }
0x2ba: {  	v0 =	vld [tilespmem:s3+$0x2000];
	_ =	sdelay $0x4  }
0x2bb: {  	v3 =	vand.u32 $0xFF, v0;
	v0 =	vshrl.u32 v0, $0x10  }
0x2bc: {  	v2 =	vshll.u32 v3, $0x2;
	v0 =	vshll.u32 v0, $0x7;
	(v2sf) =	vpush v3, $0x1  }
0x2bd: {  	s5 =	sshra.s32 s2, $0x2;
	v1 =	vshrl.u32 v2, $0x2  }
0x2be: {  	v1 =	vadd.s32 s5, v1;
	(v2sf) =	vpush v0, $0x0  }
0x2bf: {  	(v2sf) =	vpush v1, $0x0;
	_ =	sdelay $0x1  }
0x2c0: {  	(v2sf) =	vpush v3, $0x2  }
0x2c1: {  	(v2sf) =	vpush v3, $0x3;
	_ =	sdelay $0x6  }
0x2c2: {  	(v2sf) =	vpush v3, $0x5;
	_ =	sdelay $0x1  }
0x2c3: {  	s2 =	spop (v2sf)  }
0x2c4: {  	s3 =	sand.u32 $0x7F, s2;
	s4 =	sshll.u32 s2, $0x2;
	s2 =	sadd.s32 $0x10, s2;
	(v2sf) =	vpush v3, $0x6  }
0x2c5: {  	s4 =	sand.u32 $0x200, s4;
	s3 =	sshll.u32 s3, $0x2;
	s6 =	spop (v2sf)  }
0x2c6: {  	v4 =	vld [tilespmem:s6+$0x18000];
	s3 =	sor.u32 s3, s4;
	s4 =	sand.u32 $0x7F, s2;
	s7 =	spop (v2sf)  }
0x2c7: {  	s2 =	sshll.u32 s2, $0x2;
	v5 =	vld [tilespmem:s7+$0xC000];
	s3 =	sshrl.u32 s3, $0x2;
	s4 =	sshll.u32 s4, $0x2  }
0x2c8: {  	s2 =	sand.u32 $0x600, s2;
	s15 =	spop (v2sf)  }
0x2c9: {  	s2 =	sor.u32 s4, s2;
	s4 =	sadd.s32 $0x10, s15;
	(v2sf) =	vpush v0, $0x1;
	s10 =	spop (v2sf)  }
0x2ca: {  	s2 =	sshrl.u32 s2, $0x2;
	s12 =	sand.u32 $0x7F, s4;
	s4 =	sshll.u32 s4, $0x2;
	(v2sf) =	vpush v3, $0x7  }
0x2cb: {  	s13 =	sand.u32 $0x7F, s10;
	s4 =	sand.u32 $0x600, s4;
	s12 =	sshll.u32 s12, $0x2  }
0x2cc: {  	s17 =	sshll.u32 s13, $0x2;
	v4 =	vadd.f32 v4, v5;
	s4 =	sor.u32 s12, s4;
	s12 =	sshll.u32 s10, $0x2  }
0x2cd: {  	s10 =	sadd.s32 $0x10, s10;
	s13 =	sshrl.u32 s4, $0x2;
	s4 =	sand.u32 $0x200, s12  }
0x2ce: {  	s12 =	sand.u32 $0x7F, s10;
	s10 =	sshll.u32 s10, $0x2;
	[tilespmem:s16+$0xFFFFFE10] =	vst v4;
	s4 =	sor.u32 s17, s4  }
0x2cf: {  	v4 =	vld [tilespmem:s7+$0xC010];
	s4 =	sshrl.u32 s4, $0x2;
	s7 =	sand.u32 $0x600, s10;
	s10 =	sshll.u32 s12, $0x2  }
0x2d0: {  	v5 =	vld [tilespmem:s6+$0x18010];
	s12 =	sadd.s32 s5, s4;
	s4 =	sor.u32 s10, s7;
	s6 =	spop (v2sf);
	(v2sf) =	vpush v3, $0x9  }
0x2d1: {  	s4 =	sshrl.u32 s4, $0x2;
	s10 =	sand.u32 $0x7F, s6;
	s17 =	sshll.u32 s6, $0x2  }
0x2d2: {  	s7 =	sadd.s32 s5, s4;
	s4 =	sand.u32 $0x200, s17;
	s10 =	sshll.u32 s10, $0x2  }
0x2d3: {  	s6 =	sadd.s32 $0x10, s6;
	s4 =	sor.u32 s10, s4;
	s10 =	spop (v2sf)  }
0x2d4: {  	s17 =	sand.u32 $0x7F, s6;
	s6 =	sshll.u32 s6, $0x2;
	s4 =	sshrl.u32 s4, $0x2;
	(v2sf) =	vpush v3, $0xA  }
0x2d5: {  	v4 =	vadd.f32 v5, v4;
	s23 =	sadd.s32 s5, s4;
	s4 =	sand.u32 $0x600, s6;
	s6 =	sshll.u32 s17, $0x2  }
0x2d6: {  	s24 =	sadd.s32 s5, s10;
	s4 =	sor.u32 s6, s4;
	s6 =	sadd.s32 $0x10, s10  }
0x2d7: {  	s3 =	sadd.s32 s5, s3;
	[tilespmem:s16+$0xFFFFFE20] =	vst v4;
	s4 =	sshrl.u32 s4, $0x2;
	s10 =	sand.u32 $0x7F, s6;
	(v2sf) =	vpush v3, $0xB  }
0x2d8: {  	v4 =	vld [tilespmem:s3+$0xC080];
	s25 =	sadd.s32 s5, s4;
	s3 =	sshll.u32 s6, $0x2;
	s4 =	spop (v2sf)  }
0x2d9: {  	s6 =	sshll.u32 s10, $0x2;
	v5 =	vld [tilespmem:s4+$0x18000];
	s3 =	sand.u32 $0x600, s3;
	s17 =	spop (v2sf)  }
0x2da: {  	s3 =	sor.u32 s6, s3;
	s6 =	sand.u32 $0x7F, s17;
	s10 =	sshll.u32 s17, $0x2  }
0x2db: {  	s3 =	sshrl.u32 s3, $0x2;
	s18 =	sand.u32 $0x200, s10;
	s6 =	sshll.u32 s6, $0x2;
	(v2sf) =	vpush v0, $0x2  }
0x2dc: {  	s10 =	sadd.s32 s5, s3;
	s3 =	sor.u32 s6, s18;
	s6 =	sadd.s32 $0x10, s17  }
0x2dd: {  	s3 =	sshrl.u32 s3, $0x2;
	s17 =	sand.u32 $0x7F, s6;
	s6 =	sshll.u32 s6, $0x2  }
0x2de: {  	v4 =	vadd.f32 v5, v4;
	s3 =	sadd.s32 s5, s3;
	s6 =	sand.u32 $0x600, s6;
	s17 =	sshll.u32 s17, $0x2  }
0x2df: {  	s6 =	sor.u32 s17, s6;
	s17 =	spop (v2sf);
	(v2sf) =	vpush v3, $0xD  }
0x2e0: {  	s2 =	sadd.s32 s5, s2;
	[tilespmem:s16+$0xFFFFFE30] =	vst v4;
	s6 =	sshrl.u32 s6, $0x2;
	s18 =	sand.u32 $0x7F, s17  }
0x2e1: {  	v4 =	vld [tilespmem:s2+$0xC080];
	s2 =	sadd.s32 s5, s6;
	s6 =	sshll.u32 s17, $0x2;
	s17 =	sadd.s32 $0x10, s17  }
0x2e2: {  	v5 =	vld [tilespmem:s4+$0x18010];
	s4 =	sand.u32 $0x200, s6;
	s6 =	sshll.u32 s18, $0x2;
	s18 =	sand.u32 $0x7F, s17;
	(v2sf) =	vpush v3, $0xE  }
0x2e3: {  	s4 =	sor.u32 s6, s4;
	s6 =	sshll.u32 s17, $0x2;
	s17 =	spop (v2sf)  }
0x2e4: {  	s18 =	sshll.u32 s18, $0x2;
	s4 =	sshrl.u32 s4, $0x2;
	s6 =	sand.u32 $0x600, s6  }
0x2e5: {  	s30 =	sadd.s32 s5, s17;
	s20 =	sadd.s32 s5, s4;
	s4 =	sor.u32 s18, s6  }
0x2e6: {  	s6 =	sadd.s32 $0x10, s17;
	s4 =	sshrl.u32 s4, $0x2;
	s17 =	spop (v2sf)  }
0x2e7: {  	v4 =	vadd.f32 v5, v4;
	s19 =	sadd.s32 s5, s4;
	s4 =	sand.u32 $0x7F, s6;
	s6 =	sshll.u32 s6, $0x2;
	(v2sf) =	vpush v3, $0xF  }
0x2e8: {  	s18 =	sand.u32 $0x7F, s17;
	s6 =	sand.u32 $0x600, s6;
	s4 =	sshll.u32 s4, $0x2  }
0x2e9: {  	s15 =	sadd.s32 s5, s15;
	[tilespmem:s16+$0xFFFFFE40] =	vst v4;
	s4 =	sor.u32 s4, s6;
	s6 =	sshll.u32 s17, $0x2;
	(v2sf) =	vpush v2, $0xF  }
0x2ea: {  	v2 =	vld [tilespmem:s15+$0xC100];
	s4 =	sshrl.u32 s4, $0x2;
	s6 =	sand.u32 $0x200, s6;
	s15 =	spop (v2sf)  }
0x2eb: {  	s17 =	sadd.s32 $0x10, s17;
	v3 =	vld [tilespmem:s15+$0x18000];
	s22 =	sadd.s32 s5, s4;
	s4 =	sshll.u32 s18, $0x2  }
0x2ec: {  	s4 =	sor.u32 s4, s6;
	s6 =	sand.u32 $0x7F, s17;
	s17 =	sshll.u32 s17, $0x2  }
0x2ed: {  	s4 =	sshrl.u32 s4, $0x2;
	s17 =	sand.u32 $0x600, s17;
	s6 =	sshll.u32 s6, $0x2;
	(v2sf) =	vpush v0, $0x3  }
0x2ee: {  	s26 =	sadd.s32 s5, s4;
	s4 =	sor.u32 s6, s17;
	s6 =	spop (v2sf)  }
0x2ef: {  	s4 =	sshrl.u32 s4, $0x2;
	s17 =	sand.u32 $0x7F, s6;
	s18 =	sshll.u32 s6, $0x2  }
0x2f0: {  	v2 =	vadd.f32 v3, v2;
	s21 =	sadd.s32 s5, s4;
	s4 =	sand.u32 $0x200, s18;
	s17 =	sshll.u32 s17, $0x2  }
0x2f1: {  	s6 =	sadd.s32 $0x10, s6;
	s4 =	sor.u32 s17, s4;
	s17 =	spop (v2sf)  }
0x2f2: {  	s13 =	sadd.s32 s5, s13;
	s18 =	sand.u32 $0x7F, s6;
	[tilespmem:s16+$0xFFFFFE50] =	vst v2;
	s4 =	sshrl.u32 s4, $0x2  }
0x2f3: {  	v2 =	vld [tilespmem:s13+$0xC100];
	s28 =	sadd.s32 s5, s4;
	s4 =	sshll.u32 s6, $0x2;
	s6 =	sshll.u32 s18, $0x2  }
0x2f4: {  	s29 =	sadd.s32 s5, s17;
	s13 =	sadd.s32 $0x10, s17;
	v3 =	vld [tilespmem:s15+$0x18010];
	s4 =	sand.u32 $0x600, s4  }
0x2f5: {  	s15 =	sor.u32 s6, s4;
	s4 =	sand.u32 $0x7F, s13;
	s6 =	sshll.u32 s13, $0x2  }
0x2f6: {  	s6 =	sand.u32 $0x600, s6;
	s4 =	sshll.u32 s4, $0x2;
	s13 =	spop (v2sf)  }
0x2f7: {  	s4 =	sor.u32 s4, s6;
	s6 =	sand.u32 $0x7F, s13;
	s17 =	sadd.s32 $0x10, s13  }
0x2f8: {  	s4 =	sshrl.u32 s4, $0x2;
	s18 =	sshll.u32 s17, $0x2;
	s1 =	spop (v2sf)  }
0x2f9: {  	v2 =	vadd.f32 v3, v2;
	s13 =	sadd.s32 s5, s4;
	s4 =	sand.u32 $0x7F, s17;
	s18 =	sand.u32 $0x600, s18  }
0x2fa: {  	s6 =	sshll.u32 s6, $0x2;
	s1 =	sand.u32 $0x200, s1;
	s4 =	sshll.u32 s4, $0x2  }
0x2fb: {  	s17 =	sor.u32 s6, s1;
	[tilespmem:s16+$0xFFFFFE60] =	vst v2;
	s1 =	sor.u32 s4, s18  }
0x2fc: {  	v2 =	vld [tilespmem:s12+$0xC180];
	s1 =	sshrl.u32 s1, $0x2;
	s4 =	spop (v2sf)  }
0x2fd: {  	v3 =	vld [tilespmem:s4+$0x18000];
	s12 =	sadd.s32 s5, s1  }
0x2fe: {  	(v2sf) =	vpush v1, $0x4  }
0x2ff: {  	(v2sf) =	vpush v0, $0x4;
	_ =	sdelay $0x2  }
0x300: {  	v2 =	vadd.f32 v3, v2;
	_ =	sdelay $0x1  }
0x301: {  	[tilespmem:s16+$0xFFFFFE70] =	vst v2  }
0x302: {  	v2 =	vld [tilespmem:s7+$0xC180]  }
0x303: {  	v3 =	vld [tilespmem:s4+$0x18010];
	_ =	sdelay $0x4  }
0x304: {  	v2 =	vadd.f32 v3, v2;
	_ =	sdelay $0x1  }
0x305: {  	[tilespmem:s16+$0xFFFFFE80] =	vst v2;
	s1 =	spop (v2sf)  }
0x306: {  	v2 =	vld [tilespmem:s1+$0xC200];
	s4 =	spop (v2sf)  }
0x307: {  	v3 =	vld [tilespmem:s4+$0x18000];
	_ =	sdelay $0x1  }
0x308: {  	(v2sf) =	vpush v0, $0x5;
	_ =	sdelay $0x2  }
0x309: {  	v2 =	vadd.f32 v3, v2;
	_ =	sdelay $0x1  }
0x30a: {  	[tilespmem:s16+$0xFFFFFE90] =	vst v2  }
0x30b: {  	v2 =	vld [tilespmem:s1+$0xC210]  }
0x30c: {  	v3 =	vld [tilespmem:s4+$0x18010];
	_ =	sdelay $0x4  }
0x30d: {  	v2 =	vadd.f32 v3, v2;
	_ =	sdelay $0x1  }
0x30e: {  	[tilespmem:s16+$0xFFFFFEA0] =	vst v2  }
0x30f: {  	v2 =	vld [tilespmem:s23+$0xC280];
	s1 =	spop (v2sf)  }
0x310: {  	v3 =	vld [tilespmem:s1+$0x18000];
	_ =	sdelay $0x1  }
0x311: {  	(v2sf) =	vpush v0, $0x6;
	_ =	sdelay $0x2  }
0x312: {  	v2 =	vadd.f32 v3, v2;
	_ =	sdelay $0x1  }
0x313: {  	[tilespmem:s16+$0xFFFFFEB0] =	vst v2  }
0x314: {  	v2 =	vld [tilespmem:s25+$0xC280]  }
0x315: {  	v3 =	vld [tilespmem:s1+$0x18010];
	_ =	sdelay $0x4  }
0x316: {  	v2 =	vadd.f32 v3, v2;
	_ =	sdelay $0x1  }
0x317: {  	[tilespmem:s16+$0xFFFFFEC0] =	vst v2  }
0x318: {  	v2 =	vld [tilespmem:s24+$0xC300];
	s1 =	spop (v2sf)  }
0x319: {  	v3 =	vld [tilespmem:s1+$0x18000];
	_ =	sdelay $0x1  }
0x31a: {  	(v2sf) =	vpush v0, $0x7;
	_ =	sdelay $0x2  }
0x31b: {  	v2 =	vadd.f32 v3, v2;
	_ =	sdelay $0x1  }
0x31c: {  	[tilespmem:s16+$0xFFFFFED0] =	vst v2  }
0x31d: {  	v2 =	vld [tilespmem:s10+$0xC300]  }
0x31e: {  	v3 =	vld [tilespmem:s1+$0x18010];
	_ =	sdelay $0x4  }
0x31f: {  	v2 =	vadd.f32 v3, v2;
	_ =	sdelay $0x1  }
0x320: {  	[tilespmem:s16+$0xFFFFFEE0] =	vst v2  }
0x321: {  	v2 =	vld [tilespmem:s3+$0xC380];
	s1 =	spop (v2sf)  }
0x322: {  	v3 =	vld [tilespmem:s1+$0x18000]  }
0x323: {  	(v2sf) =	vpush v1, $0x8  }
0x324: {  	(v2sf) =	vpush v0, $0x8;
	_ =	sdelay $0x2  }
0x325: {  	v2 =	vadd.f32 v3, v2;
	_ =	sdelay $0x1  }
0x326: {  	[tilespmem:s16+$0xFFFFFEF0] =	vst v2  }
0x327: {  	v2 =	vld [tilespmem:s2+$0xC380]  }
0x328: {  	v3 =	vld [tilespmem:s1+$0x18010];
	_ =	sdelay $0x4  }
0x329: {  	v2 =	vadd.f32 v3, v2;
	_ =	sdelay $0x1  }
0x32a: {  	[tilespmem:s16+$0xFFFFFF00] =	vst v2;
	s1 =	spop (v2sf)  }
0x32b: {  	v2 =	vld [tilespmem:s1+$0xC400];
	s2 =	spop (v2sf)  }
0x32c: {  	v3 =	vld [tilespmem:s2+$0x18000];
	_ =	sdelay $0x1  }
0x32d: {  	(v2sf) =	vpush v0, $0x9;
	_ =	sdelay $0x2  }
0x32e: {  	v2 =	vadd.f32 v3, v2;
	_ =	sdelay $0x1  }
0x32f: {  	[tilespmem:s16+$0xFFFFFF10] =	vst v2  }
0x330: {  	v2 =	vld [tilespmem:s1+$0xC410]  }
0x331: {  	v3 =	vld [tilespmem:s2+$0x18010];
	_ =	sdelay $0x4  }
0x332: {  	v2 =	vadd.f32 v3, v2;
	_ =	sdelay $0x1  }
0x333: {  	[tilespmem:s16+$0xFFFFFF20] =	vst v2  }
0x334: {  	v2 =	vld [tilespmem:s20+$0xC480];
	s1 =	spop (v2sf)  }
0x335: {  	v3 =	vld [tilespmem:s1+$0x18000];
	_ =	sdelay $0x1  }
0x336: {  	(v2sf) =	vpush v0, $0xA;
	_ =	sdelay $0x2  }
0x337: {  	v2 =	vadd.f32 v3, v2;
	_ =	sdelay $0x1  }
0x338: {  	[tilespmem:s16+$0xFFFFFF30] =	vst v2  }
0x339: {  	v2 =	vld [tilespmem:s19+$0xC480]  }
0x33a: {  	v3 =	vld [tilespmem:s1+$0x18010];
	_ =	sdelay $0x4  }
0x33b: {  	v2 =	vadd.f32 v3, v2;
	_ =	sdelay $0x1  }
0x33c: {  	[tilespmem:s16+$0xFFFFFF40] =	vst v2  }
0x33d: {  	v2 =	vld [tilespmem:s30+$0xC500];
	s1 =	spop (v2sf)  }
0x33e: {  	v3 =	vld [tilespmem:s1+$0x18000];
	_ =	sdelay $0x1  }
0x33f: {  	(v2sf) =	vpush v0, $0xB;
	_ =	sdelay $0x2  }
0x340: {  	v2 =	vadd.f32 v3, v2;
	_ =	sdelay $0x1  }
0x341: {  	[tilespmem:s16+$0xFFFFFF50] =	vst v2  }
0x342: {  	v2 =	vld [tilespmem:s22+$0xC500]  }
0x343: {  	v3 =	vld [tilespmem:s1+$0x18010];
	_ =	sdelay $0x4  }
0x344: {  	v2 =	vadd.f32 v3, v2;
	_ =	sdelay $0x1  }
0x345: {  	[tilespmem:s16+$0xFFFFFF60] =	vst v2  }
0x346: {  	v2 =	vld [tilespmem:s26+$0xC580];
	s1 =	spop (v2sf)  }
0x347: {  	v3 =	vld [tilespmem:s1+$0x18000]  }
0x348: {  	(v2sf) =	vpush v1, $0xC  }
0x349: {  	(v2sf) =	vpush v0, $0xC;
	_ =	sdelay $0x2  }
0x34a: {  	v1 =	vadd.f32 v3, v2;
	_ =	sdelay $0x1  }
0x34b: {  	[tilespmem:s16+$0xFFFFFF70] =	vst v1  }
0x34c: {  	v1 =	vld [tilespmem:s21+$0xC580]  }
0x34d: {  	v2 =	vld [tilespmem:s1+$0x18010];
	_ =	sdelay $0x4  }
0x34e: {  	v1 =	vadd.f32 v2, v1;
	_ =	sdelay $0x1  }
0x34f: {  	[tilespmem:s16+$0xFFFFFF80] =	vst v1;
	s1 =	spop (v2sf)  }
0x350: {  	v1 =	vld [tilespmem:s1+$0xC600];
	s2 =	spop (v2sf)  }
0x351: {  	v2 =	vld [tilespmem:s2+$0x18000];
	_ =	sdelay $0x1  }
0x352: {  	(v2sf) =	vpush v0, $0xD;
	_ =	sdelay $0x2  }
0x353: {  	v1 =	vadd.f32 v2, v1;
	_ =	sdelay $0x1  }
0x354: {  	[tilespmem:s16+$0xFFFFFF90] =	vst v1  }
0x355: {  	v1 =	vld [tilespmem:s1+$0xC610]  }
0x356: {  	v2 =	vld [tilespmem:s2+$0x18010];
	_ =	sdelay $0x4  }
0x357: {  	v1 =	vadd.f32 v2, v1;
	_ =	sdelay $0x1  }
0x358: {  	[tilespmem:s16+$0xFFFFFFA0] =	vst v1  }
0x359: {  	v1 =	vld [tilespmem:s28+$0xC680];
	s1 =	spop (v2sf)  }
0x35a: {  	v2 =	vld [tilespmem:s1+$0x18000];
	_ =	sdelay $0x1  }
0x35b: {  	(v2sf) =	vpush v0, $0xE;
	_ =	sdelay $0x2  }
0x35c: {  	v1 =	vadd.f32 v2, v1  }
0x35d: {  	s2 =	sshrl.u32 s15, $0x2  }
0x35e: {  	s2 =	sadd.s32 s5, s2;
	[tilespmem:s16+$0xFFFFFFB0] =	vst v1  }
0x35f: {  	v1 =	vld [tilespmem:s2+$0xC680]  }
0x360: {  	v2 =	vld [tilespmem:s1+$0x18010];
	_ =	sdelay $0x4  }
0x361: {  	v1 =	vadd.f32 v2, v1;
	_ =	sdelay $0x1  }
.Ltmp1:
0x362: {  	[tilespmem:s16+$0xFFFFFFC0] =	vst v1;
	(pc) =	sbr.rel @p0 .LBB2_5-.Ltmp1, $3  }
0x363: {  	v1 =	vld [tilespmem:s29+$0xC700];
	s3 =	spop (v2sf)  }
0x364: {  	v2 =	vld [tilespmem:s3+$0x18000];
	_ =	sdelay $0x1  }
0x365: {  	(v2sf) =	vpush v0, $0xF  }
0x366: {  	_ =	sdelay $0x1  }
0x367: {  	v0 =	vadd.f32 v2, v1;
	_ =	sdelay $0x1  }
0x368: {  	[tilespmem:s9+$0xFFFFFFD0] =	vst v0  }
0x369: {  	v0 =	vld [tilespmem:s13+$0xC700]  }
0x36a: {  	v61 =	vld [tilespmem:s3+$0x18010];
	_ =	sdelay $0x4  }
0x36b: {  	v0 =	vadd.f32 v61, v0  }
0x36c: {  	s0 =	sshrl.u32 s17, $0x2  }
0x36d: {  	s0 =	sadd.s32 s5, s0;
	[tilespmem:s9+$0xFFFFFFE0] =	vst v0  }
0x36e: {  	v0 =	vld [tilespmem:s0+$0xC780];
	s25 =	spop (v2sf)  }
0x36f: {  	v62 =	vld [tilespmem:s25+$0x18000];
	_ =	sdelay $0x4  }
0x370: {  	v0 =	vadd.f32 v62, v0;
	_ =	sdelay $0x1  }
0x371: {  	[tilespmem:s9+$0xFFFFFFF0] =	vst v0  }
0x372: {  	v0 =	vld [tilespmem:s12+$0xC780]  }
0x373: {  	v63 =	vld [tilespmem:s25+$0x18010];
	_ =	sdelay $0x1  }
0x374: {  	s31 =	sadd.s32 $0x1, s31  }
0x375: {  	s26 =	rddreg [dreg:$0x10];
	p0 =	sne.s32 s31, $0xC  }
.Ltmp2:
0x376: {  	s1 =	rddreg [dreg:$0x8];
	s0 =	sshll.u32 s26, $0xD;
	(pc) =	sbr.rel @p0 .LBB2_2-.Ltmp2, $4  }
0x377: {  	s0 =	sadd.s32 s1, s0;
	v0 =	vadd.f32 v63, v0  }
0x378: {  	s28 =	rddreg [dreg:$0x1];
	s0 =	sshrl.u32 s0, $0x3  }
0x379: {  	s29 =	simm.s32 $0x0;
	s30 =	simm.s32 $0x16000;
	s0 =	sadd.s32 s28, s0;
	[tilespmem:s9+$0x0] =	vst v0  }
0x37a: {  	[hbm4b:s0+s29] =	stream.linear.scatter [tilespmem:s30], [sflag:$0x4], $0x2000, $0x38;
	[tilespmem:$0x1B400] =	vst v63  }
0x37b: {  	s0 =	simm.s32 $0x1  }
0x37c: {  	_ =	swait.ge [sflag:s0], $0x8000  }
0x37d: {  	[sflag:s0] =	ssyncset.done $0x0  }
0x37e: {  	s30 =	simm.s32 $0x3;
	[sflag:s0] =	ssyncadd.s32 $0xFFFF8000  }
0x37f: {  	_ =	swait.ge [sflag:s30], $0x2000  }
0x380: {  	s5 =	rddreg [dreg:$0x4]  }
0x381: {  	s1 =	sadd.s32 $0x0, s5  }
0x382: {  	s0 =	simm.s32 $0x0;
	s1 =	sshll.u32 s1, $0x9  }
0x383: {  	s2 =	sand.u32 $0x70, s0;
	[sflag:s30] =	ssyncset.done $0x0;
	s1 =	sshra.s32 s1, $0x2  }
0x384: {  	[sflag:s30] =	ssyncadd.s32 $0xFFFFE000;
	s1 =	sor.u32 s2, s1  }
0x385: {  	v0 =	vld [tilespmem:s1+$0x2000];
	_ =	sdelay $0x4  }
0x386: {  	v2 =	vand.u32 $0xFF, v0  }
0x387: {  	v0 =	vshrl.u32 v0, $0x10;
	v3 =	vshll.u32 v2, $0x2  }
0x388: {  	s6 =	simm.s32 $0x0;
	v0 =	vshll.u32 v0, $0x7;
	(v2sf) =	vpush v2, $0x1;
	v1 =	vshrl.u32 v3, $0x2  }
0x389: {  	(v2sf) =	vpush v0, $0x0;
	v1 =	vadd.s32 s6, v1  }
0x38a: {  	(v2sf) =	vpush v1, $0x0;
	_ =	sdelay $0xc  }
0x38b: {  	s7 =	spop (v2sf)  }
0x38c: {  	(v2sf) =	vpush v2, $0x2;
	s3 =	spop (v2sf)  }
0x38d: {  	(v2sf) =	vpush v2, $0x3;
	v4 =	vld [tilespmem:s3+$0x18000];
	s4 =	spop (v2sf)  }
0x38e: {  	(v2sf) =	vpush v2, $0x5;
	v5 =	vld [tilespmem:s4+$0x4000]  }
0x38f: {  	(v2sf) =	vpush v2, $0x6  }
0x390: {  	(v2sf) =	vpush v0, $0x1;
	_ =	sdelay $0x2  }
0x391: {  	v4 =	vadd.f32 v4, v5  }
0x392: {  	s1 =	simm.s32 $0x14100  }
0x393: {  	[tilespmem:s1+$0xFFFFFF00] =	vst v4  }
0x394: {  	v4 =	vld [tilespmem:s4+$0x4010]  }
0x395: {  	v61 =	vld [tilespmem:s3+$0x18010];
	_ =	sdelay $0x2  }
0x396: {  	s8 =	sand.u32 $0x7F, s7;
	s9 =	sshll.u32 s7, $0x2  }
0x397: {  	s4 =	sand.u32 $0x200, s9;
	s3 =	sshll.u32 s8, $0x2;
	s5 =	spop (v2sf)  }
0x398: {  	s3 =	sor.u32 s3, s4;
	s14 =	spop (v2sf);
	v4 =	vadd.f32 v61, v4  }
0x399: {  	s3 =	sshrl.u32 s3, $0x2;
	s13 =	spop (v2sf)  }
0x39a: {  	(v2sf) =	vpush v2, $0x7;
	s3 =	sadd.s32 $0x0, s3;
	s12 =	spop (v2sf);
	[tilespmem:s1+$0xFFFFFF10] =	vst v4  }
0x39b: {  	(v2sf) =	vpush v2, $0x9;
	v4 =	vld [tilespmem:s3+$0x4080];
	s10 =	spop (v2sf)  }
0x39c: {  	(v2sf) =	vpush v2, $0xA;
	v62 =	vld [tilespmem:s10+$0x18000]  }
0x39d: {  	(v2sf) =	vpush v2, $0xB  }
0x39e: {  	s2 =	sadd.s32 $0x10, s7;
	(v2sf) =	vpush v0, $0x2  }
0x39f: {  	s11 =	sand.u32 $0x7F, s2;
	s2 =	sshll.u32 s2, $0x2  }
0x3a0: {  	s2 =	sand.u32 $0x600, s2;
	s4 =	sshll.u32 s11, $0x2  }
0x3a1: {  	s2 =	sor.u32 s4, s2;
	v4 =	vadd.f32 v62, v4  }
0x3a2: {  	s2 =	sshrl.u32 s2, $0x2  }
0x3a3: {  	s2 =	sadd.s32 $0x0, s2;
	[tilespmem:s1+$0xFFFFFF20] =	vst v4  }
0x3a4: {  	v4 =	vld [tilespmem:s2+$0x4080]  }
0x3a5: {  	v63 =	vld [tilespmem:s10+$0x18010];
	_ =	sdelay $0x3  }
0x3a6: {  	s11 =	spop (v2sf)  }
0x3a7: {  	s10 =	spop (v2sf);
	v4 =	vadd.f32 v63, v4  }
0x3a8: {  	s9 =	spop (v2sf)  }
0x3a9: {  	s15 =	sadd.s32 $0x0, s5;
	(v2sf) =	vpush v2, $0xD;
	s7 =	spop (v2sf);
	[tilespmem:s1+$0xFFFFFF30] =	vst v4  }
0x3aa: {  	(v2sf) =	vpush v2, $0xE;
	s16 =	spop (v2sf);
	v4 =	vld [tilespmem:s15+$0x4100]  }
0x3ab: {  	(v2sf) =	vpush v2, $0xF;
	v2 =	vld [tilespmem:s16+$0x18000]  }
0x3ac: {  	(v2sf) =	vpush v3, $0xF  }
0x3ad: {  	s17 =	sadd.s32 $0x10, s5;
	(v2sf) =	vpush v0, $0x3  }
0x3ae: {  	s18 =	sand.u32 $0x7F, s17;
	s3 =	sshll.u32 s17, $0x2  }
0x3af: {  	s4 =	sshll.u32 s18, $0x2;
	s3 =	sand.u32 $0x600, s3  }
0x3b0: {  	s3 =	sor.u32 s4, s3;
	v2 =	vadd.f32 v2, v4  }
0x3b1: {  	s3 =	sshrl.u32 s3, $0x2  }
0x3b2: {  	s3 =	sadd.s32 $0x0, s3;
	[tilespmem:s1+$0xFFFFFF40] =	vst v2  }
0x3b3: {  	v2 =	vld [tilespmem:s3+$0x4100]  }
0x3b4: {  	v3 =	vld [tilespmem:s16+$0x18010];
	_ =	sdelay $0x2  }
0x3b5: {  	s19 =	sand.u32 $0x7F, s14;
	s20 =	sshll.u32 s14, $0x2  }
0x3b6: {  	s2 =	sshll.u32 s19, $0x2;
	s3 =	sand.u32 $0x200, s20;
	s5 =	spop (v2sf)  }
0x3b7: {  	s2 =	sor.u32 s2, s3;
	s3 =	spop (v2sf);
	v2 =	vadd.f32 v3, v2  }
0x3b8: {  	s21 =	sshrl.u32 s2, $0x2;
	s2 =	spop (v2sf)  }
0x3b9: {  	s4 =	sadd.s32 $0x0, s21;
	s8 =	spop (v2sf);
	[tilespmem:s1+$0xFFFFFF50] =	vst v2  }
0x3ba: {  	s22 =	spop (v2sf);
	v2 =	vld [tilespmem:s4+$0x4180]  }
0x3bb: {  	v3 =	vld [tilespmem:s22+$0x18000]  }
0x3bc: {  	(v2sf) =	vpush v1, $0x4  }
0x3bd: {  	s6 =	sadd.s32 $0x10, s14;
	(v2sf) =	vpush v0, $0x4  }
0x3be: {  	s14 =	sand.u32 $0x7F, s6;
	s6 =	sshll.u32 s6, $0x2  }
0x3bf: {  	s14 =	sshll.u32 s14, $0x2;
	s6 =	sand.u32 $0x600, s6  }
0x3c0: {  	s6 =	sor.u32 s14, s6;
	v2 =	vadd.f32 v3, v2  }
0x3c1: {  	s6 =	sshrl.u32 s6, $0x2  }
0x3c2: {  	s6 =	sadd.s32 $0x0, s6;
	[tilespmem:s1+$0xFFFFFF60] =	vst v2  }
0x3c3: {  	v2 =	vld [tilespmem:s6+$0x4180]  }
0x3c4: {  	v3 =	vld [tilespmem:s22+$0x18010];
	_ =	sdelay $0x4  }
0x3c5: {  	v2 =	vadd.f32 v3, v2;
	_ =	sdelay $0x1  }
0x3c6: {  	s23 =	spop (v2sf);
	[tilespmem:s1+$0xFFFFFF70] =	vst v2  }
0x3c7: {  	s24 =	spop (v2sf);
	v2 =	vld [tilespmem:s23+$0x4200]  }
0x3c8: {  	v3 =	vld [tilespmem:s24+$0x18000];
	_ =	sdelay $0x1  }
0x3c9: {  	(v2sf) =	vpush v0, $0x5;
	_ =	sdelay $0x2  }
0x3ca: {  	v2 =	vadd.f32 v3, v2;
	_ =	sdelay $0x1  }
0x3cb: {  	[tilespmem:s1+$0xFFFFFF80] =	vst v2  }
0x3cc: {  	v2 =	vld [tilespmem:s23+$0x4210]  }
0x3cd: {  	v3 =	vld [tilespmem:s24+$0x18010];
	_ =	sdelay $0x2  }
0x3ce: {  	s25 =	sand.u32 $0x7F, s13;
	s26 =	sshll.u32 s13, $0x2  }
0x3cf: {  	s4 =	sshll.u32 s25, $0x2;
	s6 =	sand.u32 $0x200, s26  }
0x3d0: {  	s4 =	sor.u32 s4, s6;
	v2 =	vadd.f32 v3, v2  }
0x3d1: {  	s4 =	sshrl.u32 s4, $0x2  }
0x3d2: {  	s4 =	sadd.s32 $0x0, s4;
	[tilespmem:s1+$0xFFFFFF90] =	vst v2  }
0x3d3: {  	s28 =	spop (v2sf);
	v2 =	vld [tilespmem:s4+$0x4280]  }
0x3d4: {  	v3 =	vld [tilespmem:s28+$0x18000];
	_ =	sdelay $0x1  }
0x3d5: {  	s31 =	sadd.s32 $0x10, s13;
	(v2sf) =	vpush v0, $0x6  }
0x3d6: {  	s13 =	sand.u32 $0x7F, s31;
	s6 =	sshll.u32 s31, $0x2  }
0x3d7: {  	s13 =	sshll.u32 s13, $0x2;
	s6 =	sand.u32 $0x600, s6  }
0x3d8: {  	s6 =	sor.u32 s13, s6;
	v2 =	vadd.f32 v3, v2  }
0x3d9: {  	s6 =	sshrl.u32 s6, $0x2  }
0x3da: {  	s6 =	sadd.s32 $0x0, s6;
	[tilespmem:s1+$0xFFFFFFA0] =	vst v2  }
0x3db: {  	v2 =	vld [tilespmem:s6+$0x4280]  }
0x3dc: {  	v3 =	vld [tilespmem:s28+$0x18010];
	_ =	sdelay $0x4  }
0x3dd: {  	v2 =	vadd.f32 v3, v2;
	_ =	sdelay $0x1  }
0x3de: {  	s14 =	sadd.s32 $0x0, s12;
	[tilespmem:s1+$0xFFFFFFB0] =	vst v2  }
0x3df: {  	s15 =	spop (v2sf);
	v2 =	vld [tilespmem:s14+$0x4300]  }
0x3e0: {  	v3 =	vld [tilespmem:s15+$0x18000];
	_ =	sdelay $0x1  }
0x3e1: {  	s16 =	sadd.s32 $0x10, s12;
	(v2sf) =	vpush v0, $0x7  }
0x3e2: {  	s12 =	sand.u32 $0x7F, s16;
	s6 =	sshll.u32 s16, $0x2  }
0x3e3: {  	s12 =	sshll.u32 s12, $0x2;
	s6 =	sand.u32 $0x600, s6  }
0x3e4: {  	s6 =	sor.u32 s12, s6;
	v2 =	vadd.f32 v3, v2  }
0x3e5: {  	s6 =	sshrl.u32 s6, $0x2  }
0x3e6: {  	s6 =	sadd.s32 $0x0, s6;
	[tilespmem:s1+$0xFFFFFFC0] =	vst v2  }
0x3e7: {  	v2 =	vld [tilespmem:s6+$0x4300]  }
0x3e8: {  	v3 =	vld [tilespmem:s15+$0x18010];
	_ =	sdelay $0x2  }
0x3e9: {  	s17 =	sand.u32 $0x7F, s11;
	s18 =	sshll.u32 s11, $0x2  }
0x3ea: {  	s4 =	sshll.u32 s17, $0x2;
	s6 =	sand.u32 $0x200, s18  }
0x3eb: {  	s4 =	sor.u32 s4, s6;
	v2 =	vadd.f32 v3, v2  }
0x3ec: {  	s4 =	sshrl.u32 s4, $0x2  }
0x3ed: {  	s4 =	sadd.s32 $0x0, s4;
	[tilespmem:s1+$0xFFFFFFD0] =	vst v2  }
0x3ee: {  	s19 =	spop (v2sf);
	v2 =	vld [tilespmem:s4+$0x4380]  }
0x3ef: {  	v3 =	vld [tilespmem:s19+$0x18000]  }
0x3f0: {  	(v2sf) =	vpush v1, $0x8  }
0x3f1: {  	s20 =	sadd.s32 $0x10, s11;
	(v2sf) =	vpush v0, $0x8  }
0x3f2: {  	s11 =	sand.u32 $0x7F, s20;
	s6 =	sshll.u32 s20, $0x2  }
0x3f3: {  	s11 =	sshll.u32 s11, $0x2;
	s6 =	sand.u32 $0x600, s6  }
0x3f4: {  	s6 =	sor.u32 s11, s6;
	v2 =	vadd.f32 v3, v2  }
0x3f5: {  	s6 =	sshrl.u32 s6, $0x2  }
0x3f6: {  	s6 =	sadd.s32 $0x0, s6;
	[tilespmem:s1+$0xFFFFFFE0] =	vst v2  }
0x3f7: {  	v2 =	vld [tilespmem:s6+$0x4380]  }
0x3f8: {  	v3 =	vld [tilespmem:s19+$0x18010];
	_ =	sdelay $0x4  }
0x3f9: {  	v2 =	vadd.f32 v3, v2;
	_ =	sdelay $0x1  }
0x3fa: {  	s21 =	spop (v2sf);
	[tilespmem:s1+$0xFFFFFFF0] =	vst v2  }
0x3fb: {  	s22 =	spop (v2sf);
	v2 =	vld [tilespmem:s21+$0x4400]  }
0x3fc: {  	v3 =	vld [tilespmem:s22+$0x18000];
	_ =	sdelay $0x1  }
0x3fd: {  	(v2sf) =	vpush v0, $0x9;
	_ =	sdelay $0x2  }
0x3fe: {  	v2 =	vadd.f32 v3, v2;
	_ =	sdelay $0x1  }
0x3ff: {  	[tilespmem:s1+$0x0] =	vst v2  }
0x400: {  	v2 =	vld [tilespmem:s21+$0x4410]  }
0x401: {  	v3 =	vld [tilespmem:s22+$0x18010];
	_ =	sdelay $0x2  }
0x402: {  	s23 =	sand.u32 $0x7F, s10;
	s24 =	sshll.u32 s10, $0x2  }
0x403: {  	s4 =	sshll.u32 s23, $0x2;
	s6 =	sand.u32 $0x200, s24  }
0x404: {  	s4 =	sor.u32 s4, s6;
	v2 =	vadd.f32 v3, v2  }
0x405: {  	s4 =	sshrl.u32 s4, $0x2  }
0x406: {  	s4 =	sadd.s32 $0x0, s4;
	[tilespmem:s1+$0x10] =	vst v2  }
0x407: {  	s25 =	spop (v2sf);
	v2 =	vld [tilespmem:s4+$0x4480]  }
0x408: {  	v3 =	vld [tilespmem:s25+$0x18000];
	_ =	sdelay $0x1  }
0x409: {  	s26 =	sadd.s32 $0x10, s10;
	(v2sf) =	vpush v0, $0xA  }
0x40a: {  	s10 =	sand.u32 $0x7F, s26;
	s6 =	sshll.u32 s26, $0x2  }
0x40b: {  	s10 =	sshll.u32 s10, $0x2;
	s6 =	sand.u32 $0x600, s6  }
0x40c: {  	s6 =	sor.u32 s10, s6;
	v2 =	vadd.f32 v3, v2  }
0x40d: {  	s6 =	sshrl.u32 s6, $0x2  }
0x40e: {  	s6 =	sadd.s32 $0x0, s6;
	[tilespmem:s1+$0x20] =	vst v2  }
0x40f: {  	v2 =	vld [tilespmem:s6+$0x4480]  }
0x410: {  	v3 =	vld [tilespmem:s25+$0x18010];
	_ =	sdelay $0x4  }
0x411: {  	v2 =	vadd.f32 v3, v2;
	_ =	sdelay $0x1  }
0x412: {  	s28 =	sadd.s32 $0x0, s9;
	[tilespmem:s1+$0x30] =	vst v2  }
0x413: {  	s31 =	spop (v2sf);
	v2 =	vld [tilespmem:s28+$0x4500]  }
0x414: {  	v3 =	vld [tilespmem:s31+$0x18000];
	_ =	sdelay $0x1  }
0x415: {  	s10 =	sadd.s32 $0x10, s9;
	(v2sf) =	vpush v0, $0xB  }
0x416: {  	s9 =	sand.u32 $0x7F, s10;
	s6 =	sshll.u32 s10, $0x2  }
0x417: {  	s9 =	sshll.u32 s9, $0x2;
	s6 =	sand.u32 $0x600, s6  }
0x418: {  	s6 =	sor.u32 s9, s6;
	v2 =	vadd.f32 v3, v2  }
0x419: {  	s6 =	sshrl.u32 s6, $0x2  }
0x41a: {  	s6 =	sadd.s32 $0x0, s6;
	[tilespmem:s1+$0x40] =	vst v2  }
0x41b: {  	v2 =	vld [tilespmem:s6+$0x4500]  }
0x41c: {  	v3 =	vld [tilespmem:s31+$0x18010];
	_ =	sdelay $0x2  }
0x41d: {  	s12 =	sshll.u32 s7, $0x2;
	s11 =	sand.u32 $0x7F, s7  }
0x41e: {  	s4 =	sshll.u32 s11, $0x2;
	s6 =	sand.u32 $0x200, s12  }
0x41f: {  	s4 =	sor.u32 s4, s6;
	v2 =	vadd.f32 v3, v2  }
0x420: {  	s4 =	sshrl.u32 s4, $0x2  }
0x421: {  	s4 =	sadd.s32 $0x0, s4;
	[tilespmem:s1+$0x50] =	vst v2  }
0x422: {  	s13 =	spop (v2sf);
	v2 =	vld [tilespmem:s4+$0x4580]  }
0x423: {  	v3 =	vld [tilespmem:s13+$0x18000]  }
0x424: {  	(v2sf) =	vpush v1, $0xC  }
0x425: {  	s14 =	sadd.s32 $0x10, s7;
	(v2sf) =	vpush v0, $0xC  }
0x426: {  	s7 =	sand.u32 $0x7F, s14;
	s6 =	sshll.u32 s14, $0x2  }
0x427: {  	s7 =	sshll.u32 s7, $0x2;
	s6 =	sand.u32 $0x600, s6  }
0x428: {  	s6 =	sor.u32 s7, s6;
	v1 =	vadd.f32 v3, v2  }
0x429: {  	s6 =	sshrl.u32 s6, $0x2  }
0x42a: {  	s6 =	sadd.s32 $0x0, s6;
	[tilespmem:s1+$0x60] =	vst v1  }
0x42b: {  	v1 =	vld [tilespmem:s6+$0x4580]  }
0x42c: {  	v2 =	vld [tilespmem:s13+$0x18010];
	_ =	sdelay $0x4  }
0x42d: {  	v1 =	vadd.f32 v2, v1;
	_ =	sdelay $0x1  }
0x42e: {  	s15 =	spop (v2sf);
	[tilespmem:s1+$0x70] =	vst v1  }
0x42f: {  	s16 =	spop (v2sf);
	v1 =	vld [tilespmem:s15+$0x4600]  }
0x430: {  	v2 =	vld [tilespmem:s16+$0x18000];
	_ =	sdelay $0x1  }
0x431: {  	(v2sf) =	vpush v0, $0xD;
	_ =	sdelay $0x2  }
0x432: {  	v1 =	vadd.f32 v2, v1;
	_ =	sdelay $0x1  }
0x433: {  	[tilespmem:s1+$0x80] =	vst v1  }
0x434: {  	v1 =	vld [tilespmem:s15+$0x4610]  }
0x435: {  	v2 =	vld [tilespmem:s16+$0x18010];
	_ =	sdelay $0x2  }
0x436: {  	s17 =	sand.u32 $0x7F, s5;
	s18 =	sshll.u32 s5, $0x2  }
0x437: {  	s4 =	sshll.u32 s17, $0x2;
	s6 =	sand.u32 $0x200, s18  }
0x438: {  	s4 =	sor.u32 s4, s6;
	v1 =	vadd.f32 v2, v1  }
0x439: {  	s4 =	sshrl.u32 s4, $0x2  }
0x43a: {  	s4 =	sadd.s32 $0x0, s4;
	[tilespmem:s1+$0x90] =	vst v1  }
0x43b: {  	s19 =	spop (v2sf);
	v1 =	vld [tilespmem:s4+$0x4680]  }
0x43c: {  	v2 =	vld [tilespmem:s19+$0x18000];
	_ =	sdelay $0x1  }
0x43d: {  	s5 =	sadd.s32 $0x10, s5;
	(v2sf) =	vpush v0, $0xE  }
0x43e: {  	s20 =	sand.u32 $0x7F, s5;
	s5 =	sshll.u32 s5, $0x2  }
0x43f: {  	s5 =	sand.u32 $0x600, s5;
	s6 =	sshll.u32 s20, $0x2  }
0x440: {  	s5 =	sor.u32 s6, s5;
	v1 =	vadd.f32 v2, v1  }
0x441: {  	s5 =	sshrl.u32 s5, $0x2  }
0x442: {  	s5 =	sadd.s32 $0x0, s5;
	[tilespmem:s1+$0xA0] =	vst v1  }
0x443: {  	v1 =	vld [tilespmem:s5+$0x4680]  }
0x444: {  	s24 =	sand.u32 $0x7F, s2;
	s2 =	sadd.s32 $0x10, s2;
	v2 =	vld [tilespmem:s19+$0x18010]  }
0x445: {  	s26 =	sand.u32 $0x7F, s2;
	s2 =	sshll.u32 s2, $0x2  }
0x446: {  	s2 =	sand.u32 $0x600, s2;
	s21 =	sadd.s32 $0x10, s3  }
0x447: {  	s3 =	sadd.s32 $0x0, s3;
	s22 =	sand.u32 $0x7F, s21;
	s28 =	sshll.u32 s26, $0x2  }
0x448: {  	s25 =	sand.u32 $0x200, s8;
	s8 =	simm.s32 $0x14100;
	s2 =	sor.u32 s28, s2  }
0x449: {  	s9 =	simm.s32 $0x0;
	s2 =	sshrl.u32 s2, $0x2;
	s6 =	sshll.u32 s21, $0x2;
	v1 =	vadd.f32 v2, v1  }
0x44a: {  	s23 =	sand.u32 $0x600, s6;
	s6 =	sshll.u32 s24, $0x2;
	s5 =	sshll.u32 s22, $0x2  }
0x44b: {  	s11 =	sadd.s32 $0x0, s2;
	s6 =	sor.u32 s6, s25;
	s4 =	sor.u32 s5, s23;
	[tilespmem:s1+$0xB0] =	vst v1  }
0x44c: {  	s31 =	sshrl.u32 s6, $0x2;
	s4 =	sshrl.u32 s4, $0x2;
	v1 =	vld [tilespmem:s3+$0x4700];
	s3 =	spop (v2sf)  }
0x44d: {  	s13 =	sadd.s32 $0x0, s31;
	s5 =	simm.s32 $0x2000;
	s12 =	sadd.s32 $0x0, s4;
	(v2sf) =	vpush v0, $0xF;
	v2 =	vld [tilespmem:s3+$0x18000]  }
.LBB2_8:
0x44e: {  	_ =	sdelay $0x3  }
0x44f: {  	v0 =	vadd.f32 v2, v1;
	_ =	sdelay $0x1  }
0x450: {  	[tilespmem:s8+$0xC0] =	vst v0  }
0x451: {  	v0 =	vld [tilespmem:s12+$0x4700]  }
0x452: {  	v1 =	vld [tilespmem:s3+$0x18010];
	_ =	sdelay $0x4  }
0x453: {  	v0 =	vadd.f32 v1, v0;
	_ =	sdelay $0x1  }
0x454: {  	[tilespmem:s8+$0xD0] =	vst v0  }
0x455: {  	s7 =	spop (v2sf);
	v0 =	vld [tilespmem:s13+$0x4780]  }
0x456: {  	v1 =	vld [tilespmem:s7+$0x18000];
	_ =	sdelay $0x4  }
0x457: {  	v0 =	vadd.f32 v1, v0;
	_ =	sdelay $0x1  }
0x458: {  	[tilespmem:s8+$0xE0] =	vst v0  }
0x459: {  	v0 =	vld [tilespmem:s11+$0x4780]  }
0x45a: {  	v1 =	vld [tilespmem:s7+$0x18010];
	_ =	sdelay $0x1  }
0x45b: {  	s0 =	sadd.s32 $0x1, s0  }
0x45c: {  	s10 =	rddreg [dreg:$0x4];
	s4 =	sshrl.u32 s0, $0x3  }
0x45d: {  	s3 =	sadd.s32 s10, s4  }
0x45e: {  	s9 =	sadd.s32 $0x10, s9;
	s3 =	sshll.u32 s3, $0x9;
	v0 =	vadd.f32 v1, v0  }
0x45f: {  	s3 =	sshra.s32 s3, $0x2;
	s11 =	sand.u32 $0x70, s9  }
0x460: {  	s3 =	sor.u32 s11, s3;
	[tilespmem:s8+$0xF0] =	vst v0  }
0x461: {  	v0 =	vld [tilespmem:s3+$0x2000];
	_ =	sdelay $0x4  }
0x462: {  	v3 =	vand.u32 $0xFF, v0  }
0x463: {  	s2 =	smov.u32 s5;
	v0 =	vshrl.u32 v0, $0x10;
	v2 =	vshll.u32 v3, $0x2  }
0x464: {  	s21 =	sshra.s32 s2, $0x2;
	v0 =	vshll.u32 v0, $0x7;
	(v2sf) =	vpush v3, $0x1;
	v1 =	vshrl.u32 v2, $0x2  }
0x465: {  	(v2sf) =	vpush v0, $0x0;
	v1 =	vadd.s32 s21, v1  }
0x466: {  	(v2sf) =	vpush v1, $0x0;
	_ =	sdelay $0x2  }
0x467: {  	(v2sf) =	vpush v3, $0x2;
	_ =	sdelay $0x1  }
0x468: {  	(v2sf) =	vpush v3, $0x3;
	_ =	sdelay $0x3  }
0x469: {  	(v2sf) =	vpush v3, $0x5;
	_ =	sdelay $0x3  }
0x46a: {  	s12 =	spop (v2sf)  }
0x46b: {  	s6 =	spop (v2sf)  }
0x46c: {  	v4 =	vld [tilespmem:s6+$0x18000];
	s7 =	spop (v2sf)  }
0x46d: {  	s1 =	sadd.s32 $0x200, s1;
	v5 =	vld [tilespmem:s7+$0x4000]  }
0x46e: {  	s13 =	sand.u32 $0x7F, s12;
	s14 =	sshll.u32 s12, $0x2;
	s2 =	sadd.s32 $0x10, s12;
	(v2sf) =	vpush v3, $0x6  }
0x46f: {  	s4 =	sand.u32 $0x200, s14;
	s3 =	sshll.u32 s13, $0x2;
	s13 =	spop (v2sf);
	(v2sf) =	vpush v0, $0x1  }
0x470: {  	s15 =	sand.u32 $0x7F, s2;
	s2 =	sshll.u32 s2, $0x2;
	s3 =	sor.u32 s3, s4  }
0x471: {  	s4 =	sshll.u32 s15, $0x2;
	s2 =	sand.u32 $0x600, s2;
	s10 =	spop (v2sf);
	(v2sf) =	vpush v3, $0x7  }
0x472: {  	s3 =	sshrl.u32 s3, $0x2;
	s2 =	sor.u32 s4, s2;
	s16 =	sadd.s32 $0x10, s13;
	v4 =	vadd.f32 v4, v5  }
0x473: {  	s3 =	sadd.s32 s21, s3;
	s17 =	sand.u32 $0x7F, s16;
	s4 =	sshll.u32 s16, $0x2  }
0x474: {  	s18 =	sand.u32 $0x7F, s10;
	s14 =	sshll.u32 s10, $0x2;
	s10 =	sadd.s32 $0x10, s10;
	[tilespmem:s1+$0xFFFFFF00] =	vst v4  }
0x475: {  	s25 =	spop (v2sf);
	(v2sf) =	vpush v3, $0x9;
	s4 =	sand.u32 $0x600, s4;
	s11 =	sshll.u32 s17, $0x2;
	v4 =	vld [tilespmem:s7+$0x4010]  }
0x476: {  	s19 =	sand.u32 $0x200, s14;
	s12 =	sshll.u32 s18, $0x2;
	s22 =	sand.u32 $0x7F, s10;
	v61 =	vld [tilespmem:s6+$0x18010]  }
0x477: {  	s23 =	sshll.u32 s10, $0x2;
	s26 =	sand.u32 $0x7F, s25;
	s4 =	sor.u32 s11, s4  }
0x478: {  	s28 =	sshll.u32 s25, $0x2;
	s11 =	sor.u32 s12, s19;
	s4 =	sshrl.u32 s4, $0x2  }
0x479: {  	s24 =	sshll.u32 s22, $0x2;
	s12 =	sadd.s32 s21, s4;
	s4 =	sand.u32 $0x600, s23  }
0x47a: {  	s10 =	sand.u32 $0x200, s28;
	s7 =	sor.u32 s24, s4;
	s6 =	sadd.s32 $0x10, s25  }
0x47b: {  	s4 =	sshll.u32 s26, $0x2;
	s31 =	sand.u32 $0x7F, s6;
	s6 =	sshll.u32 s6, $0x2;
	v4 =	vadd.f32 v61, v4  }
0x47c: {  	(v2sf) =	vpush v3, $0xA;
	s4 =	sor.u32 s4, s10;
	s6 =	sand.u32 $0x600, s6;
	s10 =	sshll.u32 s31, $0x2  }
0x47d: {  	s2 =	sshrl.u32 s2, $0x2;
	s6 =	sor.u32 s10, s6;
	s10 =	spop (v2sf);
	[tilespmem:s1+$0xFFFFFF10] =	vst v4  }
0x47e: {  	s13 =	sadd.s32 s21, s13;
	s4 =	sshrl.u32 s4, $0x2;
	s16 =	spop (v2sf);
	v4 =	vld [tilespmem:s3+$0x4080]  }
0x47f: {  	s2 =	sadd.s32 s21, s2;
	s20 =	sshrl.u32 s11, $0x2;
	s23 =	sadd.s32 s21, s4;
	v62 =	vld [tilespmem:s16+$0x18000]  }
0x480: {  	s4 =	sshrl.u32 s6, $0x2;
	s6 =	sadd.s32 $0x10, s10;
	s17 =	spop (v2sf);
	(v2sf) =	vpush v3, $0xB  }
0x481: {  	s11 =	sadd.s32 s21, s20;
	s25 =	sadd.s32 s21, s4;
	s14 =	sand.u32 $0x7F, s6;
	(v2sf) =	vpush v0, $0x2  }
0x482: {  	s24 =	sadd.s32 s21, s10;
	s15 =	sshll.u32 s6, $0x2;
	s4 =	sshll.u32 s14, $0x2  }
0x483: {  	s3 =	sand.u32 $0x600, s15;
	s18 =	sand.u32 $0x7F, s17;
	s19 =	sshll.u32 s17, $0x2  }
0x484: {  	s10 =	sadd.s32 $0x10, s17;
	s26 =	spop (v2sf);
	s3 =	sor.u32 s4, s3;
	v4 =	vadd.f32 v62, v4  }
0x485: {  	s14 =	sand.u32 $0x200, s19;
	s4 =	sshll.u32 s18, $0x2;
	s20 =	sand.u32 $0x7F, s10  }
0x486: {  	s15 =	sshll.u32 s10, $0x2;
	s28 =	sand.u32 $0x7F, s26;
	s4 =	sor.u32 s4, s14;
	[tilespmem:s1+$0xFFFFFF20] =	vst v4  }
0x487: {  	(v2sf) =	vpush v3, $0xD;
	s22 =	sand.u32 $0x600, s15;
	s14 =	sshll.u32 s20, $0x2;
	s4 =	sshrl.u32 s4, $0x2;
	v4 =	vld [tilespmem:s2+$0x4080]  }
0x488: {  	s10 =	sadd.s32 s21, s4;
	s4 =	sor.u32 s14, s22;
	s14 =	sadd.s32 $0x10, s26;
	v63 =	vld [tilespmem:s16+$0x18010]  }
0x489: {  	s31 =	sshll.u32 s26, $0x2;
	s15 =	sshll.u32 s28, $0x2;
	s6 =	sshll.u32 s14, $0x2  }
0x48a: {  	s4 =	sshrl.u32 s4, $0x2;
	s17 =	sand.u32 $0x7F, s14;
	s6 =	sand.u32 $0x600, s6  }
0x48b: {  	s2 =	sadd.s32 s21, s4;
	s4 =	sand.u32 $0x200, s31;
	s16 =	spop (v2sf);
	(v2sf) =	vpush v3, $0xE  }
0x48c: {  	s4 =	sor.u32 s15, s4;
	s15 =	sshll.u32 s17, $0x2;
	s19 =	sadd.s32 $0x10, s16  }
0x48d: {  	s4 =	sshrl.u32 s4, $0x2;
	s18 =	sor.u32 s15, s6;
	s22 =	sand.u32 $0x7F, s19;
	v4 =	vadd.f32 v63, v4  }
0x48e: {  	s6 =	sshll.u32 s19, $0x2;
	s20 =	sadd.s32 s21, s4;
	s4 =	sshrl.u32 s18, $0x2  }
0x48f: {  	s26 =	sand.u32 $0x600, s6;
	s28 =	sshll.u32 s22, $0x2;
	s31 =	spop (v2sf);
	(v2sf) =	vpush v3, $0xF;
	[tilespmem:s1+$0xFFFFFF30] =	vst v4  }
0x490: {  	s19 =	sadd.s32 s21, s4;
	s4 =	sor.u32 s28, s26;
	(v2sf) =	vpush v2, $0xF;
	v2 =	vld [tilespmem:s13+$0x4100];
	s13 =	spop (v2sf)  }
0x491: {  	s4 =	sshrl.u32 s4, $0x2;
	v3 =	vld [tilespmem:s13+$0x18000]  }
0x492: {  	s22 =	sadd.s32 s21, s16;
	s28 =	sadd.s32 s21, s4;
	s16 =	sshll.u32 s31, $0x2  }
0x493: {  	s15 =	sand.u32 $0x7F, s31;
	s6 =	sadd.s32 $0x10, s31;
	s4 =	sand.u32 $0x200, s16;
	(v2sf) =	vpush v0, $0x3  }
0x494: {  	s14 =	sshll.u32 s15, $0x2;
	s17 =	sand.u32 $0x7F, s6;
	s6 =	sshll.u32 s6, $0x2  }
0x495: {  	s4 =	sor.u32 s14, s4;
	s6 =	sand.u32 $0x600, s6;
	s14 =	sshll.u32 s17, $0x2  }
0x496: {  	s4 =	sshrl.u32 s4, $0x2;
	s18 =	sor.u32 s14, s6;
	s6 =	spop (v2sf);
	v2 =	vadd.f32 v3, v2  }
0x497: {  	s26 =	sadd.s32 s21, s4;
	s4 =	sshrl.u32 s18, $0x2;
	s31 =	sand.u32 $0x7F, s6  }
0x498: {  	s16 =	sshll.u32 s6, $0x2;
	s6 =	sadd.s32 $0x10, s6;
	s17 =	sadd.s32 s21, s4;
	[tilespmem:s1+$0xFFFFFF40] =	vst v2  }
0x499: {  	s18 =	sand.u32 $0x200, s16;
	s14 =	sshll.u32 s31, $0x2;
	s31 =	sand.u32 $0x7F, s6;
	v2 =	vld [tilespmem:s12+$0x4100]  }
0x49a: {  	s6 =	sshll.u32 s6, $0x2;
	s4 =	sor.u32 s14, s18;
	s16 =	spop (v2sf);
	v3 =	vld [tilespmem:s13+$0x18010]  }
0x49b: {  	s14 =	sshll.u32 s31, $0x2;
	s4 =	sshrl.u32 s4, $0x2;
	s18 =	sadd.s32 $0x10, s16  }
0x49c: {  	s15 =	sadd.s32 s21, s4;
	s12 =	sand.u32 $0x600, s6;
	s31 =	sand.u32 $0x7F, s18  }
0x49d: {  	s6 =	sshll.u32 s18, $0x2;
	s4 =	sor.u32 s14, s12;
	s14 =	sadd.s32 s21, s16  }
0x49e: {  	s13 =	sand.u32 $0x600, s6;
	s18 =	sshll.u32 s31, $0x2;
	s4 =	sshrl.u32 s4, $0x2  }
0x49f: {  	s16 =	sadd.s32 s21, s4;
	s4 =	sor.u32 s18, s13;
	s6 =	spop (v2sf);
	v2 =	vadd.f32 v3, v2  }
0x4a0: {  	s31 =	sand.u32 $0x7F, s6;
	s18 =	spop (v2sf);
	s6 =	sadd.s32 $0x10, s6  }
0x4a1: {  	s13 =	sshll.u32 s31, $0x2;
	[tilespmem:s1+$0xFFFFFF50] =	vst v2;
	s31 =	sand.u32 $0x7F, s6;
	s6 =	sshll.u32 s6, $0x2  }
0x4a2: {  	v2 =	vld [tilespmem:s11+$0x4180];
	s11 =	sand.u32 $0x600, s6;
	s6 =	spop (v2sf)  }
0x4a3: {  	v3 =	vld [tilespmem:s6+$0x18000]  }
0x4a4: {  	(v2sf) =	vpush v1, $0x4  }
0x4a5: {  	s4 =	sshrl.u32 s4, $0x2;
	s18 =	sand.u32 $0x200, s18;
	(v2sf) =	vpush v0, $0x4  }
0x4a6: {  	s12 =	sadd.s32 s21, s4;
	s4 =	sor.u32 s13, s18  }
0x4a7: {  	s31 =	sshll.u32 s31, $0x2;
	s4 =	sshrl.u32 s4, $0x2  }
0x4a8: {  	s13 =	sadd.s32 s21, s4;
	s4 =	sor.u32 s31, s11;
	v2 =	vadd.f32 v3, v2  }
0x4a9: {  	s18 =	sshrl.u32 s7, $0x2;
	s4 =	sshrl.u32 s4, $0x2  }
0x4aa: {  	s11 =	sadd.s32 s21, s4;
	s4 =	sadd.s32 s21, s18;
	[tilespmem:s1+$0xFFFFFF60] =	vst v2  }
0x4ab: {  	v2 =	vld [tilespmem:s4+$0x4180]  }
0x4ac: {  	v3 =	vld [tilespmem:s6+$0x18010];
	_ =	sdelay $0x4  }
0x4ad: {  	v2 =	vadd.f32 v3, v2  }
0x4ae: {  	s3 =	sshrl.u32 s3, $0x2  }
0x4af: {  	s3 =	sadd.s32 s21, s3;
	s21 =	spop (v2sf);
	[tilespmem:s1+$0xFFFFFF70] =	vst v2  }
0x4b0: {  	s31 =	spop (v2sf);
	v2 =	vld [tilespmem:s21+$0x4200]  }
0x4b1: {  	v3 =	vld [tilespmem:s31+$0x18000];
	_ =	sdelay $0x1  }
0x4b2: {  	(v2sf) =	vpush v0, $0x5;
	_ =	sdelay $0x2  }
0x4b3: {  	v2 =	vadd.f32 v3, v2;
	_ =	sdelay $0x1  }
0x4b4: {  	[tilespmem:s1+$0xFFFFFF80] =	vst v2  }
0x4b5: {  	v2 =	vld [tilespmem:s21+$0x4210]  }
0x4b6: {  	v3 =	vld [tilespmem:s31+$0x18010];
	_ =	sdelay $0x4  }
0x4b7: {  	v2 =	vadd.f32 v3, v2;
	_ =	sdelay $0x1  }
0x4b8: {  	[tilespmem:s1+$0xFFFFFF90] =	vst v2  }
0x4b9: {  	s6 =	spop (v2sf);
	v2 =	vld [tilespmem:s23+$0x4280]  }
0x4ba: {  	v3 =	vld [tilespmem:s6+$0x18000];
	_ =	sdelay $0x1  }
0x4bb: {  	(v2sf) =	vpush v0, $0x6;
	_ =	sdelay $0x2  }
0x4bc: {  	v2 =	vadd.f32 v3, v2;
	_ =	sdelay $0x1  }
0x4bd: {  	[tilespmem:s1+$0xFFFFFFA0] =	vst v2  }
0x4be: {  	v2 =	vld [tilespmem:s25+$0x4280]  }
0x4bf: {  	v3 =	vld [tilespmem:s6+$0x18010];
	_ =	sdelay $0x4  }
0x4c0: {  	v2 =	vadd.f32 v3, v2;
	_ =	sdelay $0x1  }
0x4c1: {  	[tilespmem:s1+$0xFFFFFFB0] =	vst v2  }
0x4c2: {  	s7 =	spop (v2sf);
	v2 =	vld [tilespmem:s24+$0x4300]  }
0x4c3: {  	v3 =	vld [tilespmem:s7+$0x18000];
	_ =	sdelay $0x1  }
0x4c4: {  	(v2sf) =	vpush v0, $0x7;
	_ =	sdelay $0x2  }
0x4c5: {  	v2 =	vadd.f32 v3, v2;
	_ =	sdelay $0x1  }
0x4c6: {  	[tilespmem:s1+$0xFFFFFFC0] =	vst v2  }
0x4c7: {  	v2 =	vld [tilespmem:s3+$0x4300]  }
0x4c8: {  	v3 =	vld [tilespmem:s7+$0x18010];
	_ =	sdelay $0x4  }
0x4c9: {  	v2 =	vadd.f32 v3, v2;
	_ =	sdelay $0x1  }
0x4ca: {  	[tilespmem:s1+$0xFFFFFFD0] =	vst v2  }
0x4cb: {  	v2 =	vld [tilespmem:s10+$0x4380];
	s10 =	spop (v2sf)  }
0x4cc: {  	v3 =	vld [tilespmem:s10+$0x18000]  }
0x4cd: {  	(v2sf) =	vpush v1, $0x8  }
0x4ce: {  	(v2sf) =	vpush v0, $0x8;
	_ =	sdelay $0x2  }
0x4cf: {  	v2 =	vadd.f32 v3, v2;
	_ =	sdelay $0x1  }
0x4d0: {  	[tilespmem:s1+$0xFFFFFFE0] =	vst v2  }
0x4d1: {  	v2 =	vld [tilespmem:s2+$0x4380]  }
0x4d2: {  	v3 =	vld [tilespmem:s10+$0x18010];
	_ =	sdelay $0x4  }
0x4d3: {  	v2 =	vadd.f32 v3, v2;
	_ =	sdelay $0x1  }
0x4d4: {  	s18 =	spop (v2sf);
	[tilespmem:s1+$0xFFFFFFF0] =	vst v2  }
0x4d5: {  	s21 =	spop (v2sf);
	v2 =	vld [tilespmem:s18+$0x4400]  }
0x4d6: {  	v3 =	vld [tilespmem:s21+$0x18000];
	_ =	sdelay $0x1  }
0x4d7: {  	(v2sf) =	vpush v0, $0x9;
	_ =	sdelay $0x2  }
0x4d8: {  	v2 =	vadd.f32 v3, v2;
	_ =	sdelay $0x1  }
0x4d9: {  	[tilespmem:s1+$0x0] =	vst v2  }
0x4da: {  	v2 =	vld [tilespmem:s18+$0x4410]  }
0x4db: {  	v3 =	vld [tilespmem:s21+$0x18010];
	_ =	sdelay $0x4  }
0x4dc: {  	v2 =	vadd.f32 v3, v2;
	_ =	sdelay $0x1  }
0x4dd: {  	[tilespmem:s1+$0x10] =	vst v2  }
0x4de: {  	s23 =	spop (v2sf);
	v2 =	vld [tilespmem:s20+$0x4480]  }
0x4df: {  	v3 =	vld [tilespmem:s23+$0x18000];
	_ =	sdelay $0x1  }
0x4e0: {  	(v2sf) =	vpush v0, $0xA;
	_ =	sdelay $0x2  }
0x4e1: {  	v2 =	vadd.f32 v3, v2;
	_ =	sdelay $0x1  }
0x4e2: {  	[tilespmem:s1+$0x20] =	vst v2  }
0x4e3: {  	v2 =	vld [tilespmem:s19+$0x4480]  }
0x4e4: {  	v3 =	vld [tilespmem:s23+$0x18010];
	_ =	sdelay $0x4  }
0x4e5: {  	v2 =	vadd.f32 v3, v2;
	_ =	sdelay $0x1  }
0x4e6: {  	[tilespmem:s1+$0x30] =	vst v2  }
0x4e7: {  	s24 =	spop (v2sf);
	v2 =	vld [tilespmem:s22+$0x4500]  }
0x4e8: {  	v3 =	vld [tilespmem:s24+$0x18000];
	_ =	sdelay $0x1  }
0x4e9: {  	(v2sf) =	vpush v0, $0xB;
	_ =	sdelay $0x2  }
0x4ea: {  	v2 =	vadd.f32 v3, v2;
	_ =	sdelay $0x1  }
0x4eb: {  	[tilespmem:s1+$0x40] =	vst v2  }
0x4ec: {  	v2 =	vld [tilespmem:s28+$0x4500]  }
0x4ed: {  	v3 =	vld [tilespmem:s24+$0x18010];
	_ =	sdelay $0x4  }
0x4ee: {  	v2 =	vadd.f32 v3, v2;
	_ =	sdelay $0x1  }
0x4ef: {  	[tilespmem:s1+$0x50] =	vst v2  }
0x4f0: {  	s25 =	spop (v2sf);
	v2 =	vld [tilespmem:s26+$0x4580]  }
0x4f1: {  	v3 =	vld [tilespmem:s25+$0x18000]  }
0x4f2: {  	(v2sf) =	vpush v1, $0xC  }
0x4f3: {  	(v2sf) =	vpush v0, $0xC;
	_ =	sdelay $0x2  }
0x4f4: {  	v1 =	vadd.f32 v3, v2;
	_ =	sdelay $0x1  }
0x4f5: {  	[tilespmem:s1+$0x60] =	vst v1  }
0x4f6: {  	v1 =	vld [tilespmem:s17+$0x4580]  }
0x4f7: {  	v2 =	vld [tilespmem:s25+$0x18010];
	_ =	sdelay $0x4  }
0x4f8: {  	v1 =	vadd.f32 v2, v1;
	_ =	sdelay $0x1  }
0x4f9: {  	s26 =	spop (v2sf);
	[tilespmem:s1+$0x70] =	vst v1  }
0x4fa: {  	s28 =	spop (v2sf);
	v1 =	vld [tilespmem:s26+$0x4600]  }
0x4fb: {  	v2 =	vld [tilespmem:s28+$0x18000];
	_ =	sdelay $0x1  }
0x4fc: {  	(v2sf) =	vpush v0, $0xD;
	_ =	sdelay $0x2  }
0x4fd: {  	v1 =	vadd.f32 v2, v1;
	_ =	sdelay $0x1  }
0x4fe: {  	[tilespmem:s1+$0x80] =	vst v1  }
0x4ff: {  	v1 =	vld [tilespmem:s26+$0x4610]  }
0x500: {  	v2 =	vld [tilespmem:s28+$0x18010];
	_ =	sdelay $0x4  }
0x501: {  	v1 =	vadd.f32 v2, v1;
	_ =	sdelay $0x1  }
0x502: {  	[tilespmem:s1+$0x90] =	vst v1  }
0x503: {  	s31 =	spop (v2sf);
	v1 =	vld [tilespmem:s15+$0x4680]  }
0x504: {  	v2 =	vld [tilespmem:s31+$0x18000];
	_ =	sdelay $0x1  }
0x505: {  	(v2sf) =	vpush v0, $0xE;
	_ =	sdelay $0x2  }
0x506: {  	v1 =	vadd.f32 v2, v1;
	_ =	sdelay $0x1  }
0x507: {  	[tilespmem:s1+$0xA0] =	vst v1  }
0x508: {  	v1 =	vld [tilespmem:s16+$0x4680]  }
0x509: {  	v2 =	vld [tilespmem:s31+$0x18010];
	_ =	sdelay $0x3  }
0x50a: {  	p0 =	sne.s32 s5, $0x1E000  }
.Ltmp3:
0x50b: {  	v1 =	vadd.f32 v2, v1;
	(pc) =	sbr.rel @p0 .LBB2_8-.Ltmp3, $4  }
0x50c: {  	_ = 	snop  }
0x50d: {  	[tilespmem:s1+$0xB0] =	vst v1  }
0x50e: {  	s3 =	spop (v2sf);
	v1 =	vld [tilespmem:s14+$0x4700]  }
0x50f: {  	s5 =	sadd.s32 $0x2000, s5;
	s8 =	smov.u32 s1;
	(v2sf) =	vpush v0, $0xF;
	v2 =	vld [tilespmem:s3+$0x18000]  }
0x510: {  	_ =	sdelay $0x3  }
0x511: {  	v0 =	vadd.f32 v2, v1;
	_ =	sdelay $0x1  }
0x512: {  	[tilespmem:s8+$0xC0] =	vst v0  }
0x513: {  	v0 =	vld [tilespmem:s12+$0x4700]  }
0x514: {  	v61 =	vld [tilespmem:s3+$0x18010];
	_ =	sdelay $0x4  }
0x515: {  	v0 =	vadd.f32 v61, v0;
	_ =	sdelay $0x1  }
0x516: {  	[tilespmem:s8+$0xD0] =	vst v0  }
0x517: {  	s0 =	spop (v2sf);
	v0 =	vld [tilespmem:s13+$0x4780]  }
0x518: {  	v62 =	vld [tilespmem:s0+$0x18000];
	_ =	sdelay $0x4  }
0x519: {  	v0 =	vadd.f32 v62, v0;
	_ =	sdelay $0x1  }
0x51a: {  	[tilespmem:s8+$0xE0] =	vst v0  }
0x51b: {  	v0 =	vld [tilespmem:s11+$0x4780]  }
0x51c: {  	v63 =	vld [tilespmem:s0+$0x18010];
	_ =	sdelay $0x4  }
0x51d: {  	v0 =	vadd.f32 v63, v0;
	_ =	sdelay $0x1  }
0x51e: {  	s25 =	rddreg [dreg:$0xd];
	s1 =	simm.s32 $0x14000;
	s26 =	simm.s32 $0x4;
	[tilespmem:s8+$0xF0] =	vst v0  }
0x51f: {  	[hbm4b:s25+s29] =	stream.linear.scatter [tilespmem:s1], [sflag:$0x3], $0x2000, $0x38;
	[tilespmem:$0x1B400] =	vst v63  }
0x520: {  	_ =	swait.ge [sflag:s26], $0x2000  }
0x521: {  	[sflag:s26] =	ssyncset.done $0x0  }
0x522: {  	[sflag:s26] =	ssyncadd.s32 $0xFFFFE000  }
0x523: {  	_ =	swait.ge [sflag:s30], $0x2000  }
0x524: {  	s28 =	rddreg [dreg:$0xf]  }
0x525: {  	s31 =	rddreg [dreg:$0xe];
	s1 =	sadd.s32 $0x1, s28  }
0x526: {  	p0 =	sne.s32 s1, s31  }
.Ltmp4:
0x527: {  	_ = 	snop;
	(pc) =	sbr.rel @p0 .LBB2_1-.Ltmp4, $3  }
0x528: {  	_ =	sdelay $0x1  }
0x529: {  	[sflag:s30] =	ssyncset.done $0x0  }
0x52a: {  	[sflag:s30] =	ssyncadd.s32 $0xFFFFE000  }
0x52b: {  	_ =	sfence.sel $0x180000  }
0x52c: {  	[bflag:$0x0] =	sbarrier.arrive $0xFFFF  }
0x52d: {  	_ =	strace $0x90000047  }
0x52e: {  	s0 =	stileid.u32;
	[bflag:$0x2] =	sbarrier.arrive $0xFFFF  }
0x52f: {  	p0 =	sne.s32 s0, $0x0;
	s0 =	rddreg [dreg:$0x2]  }
0x530: {  	s0 =	sadd.s32 @!p0 $0x100000, s0  }
0x531: {  	[sflag:s0] =	ssyncadd.tile.s32 @!p0 $0x1;
	_ =	shalt  }
.Lfunc_end2:
_tile_overlayer_lowered:
.L_overlay_start_2:
0x532: {  	(tag) =	ssettag $0x2  }
0x533: {  	s0 =	rddreg [dreg:$0x0];
	s2 =	stileid.u32  }
0x534: {  	s1 =	rddreg [dreg:$0x1];
	p0 =	sne.s32 s2, $0x0  }
0x535: {  	s3 =	rddreg [dreg:$0x2];
	[bflag:$0x3] =	sbarrier.arrive $0xFFFF;
	s2 =	simm.s32 @!p0 $0x1C06  }
0x536: {  	[timem:s3], [sflag:s2] =	dma.local @!p0 [hbm:s0], s1  }
0x537: {  	s0 =	simm.s32 @!p0 $0x6  }
0x538: {  	_ =	swait.ge @!p0 [sflag:s0], s1  }
0x539: {  	s1 =	ssub.s32 @!p0 $0x0, s1;
	[sflag:s0] =	ssyncset.done @!p0 $0x0  }
0x53a: {  	[sflag:s0] =	ssyncadd.s32 @!p0 s1  }
0x53b: {  	[bflag:$0x3] =	sbarrier.arrive $0xFFFF  }
0x53c: {  	_ =	shalt  }

</sc_bundles>
